<compile_context>
chip_gen: v7x
topology: tpu7x:2x2x1
jax: 0.10.2.dev20260603
libtpu: 0.0.44.dev20260713+nightly
codegen_flags: <defaults>
</compile_context>

<pallas_src>
import jax
import jax.numpy as jnp
from jax import lax
from jax.experimental import pallas as pl
from jax.experimental.pallas import tpu as pltpu
from jax.experimental.pallas import tpu_sc as plsc

N = 256
H = 256
A = 64
SPLIT = 192
BI = 16
NW = 32
ROWS = (N - SPLIT) // NW
HALF = N // 2
L = 16
HC = H // L


def _prep(t_ref, ts_ref, ss_ref, w1_ref, b1_ref, w2_ref, b2_ref,
          v_ref, bias_ref):
    tp2 = jax.lax.dot_general(
        t_ref[...], w2_ref[...], (((1,), (1,)), ((), ())),
        preferred_element_type=jnp.float32) + b2_ref[0, :][None, :]
    m = jnp.logical_and(ts_ref[0, :] == 1.0,
                        ss_ref[0, :] == 0.0).astype(jnp.float32)
    en = jnp.sum(m)
    scale = en * jax.lax.rsqrt(jnp.float32(A))
    v_ref[...] = jax.lax.dot_general(
        tp2, w1_ref[...], (((1,), (0,)), ((), ())),
        preferred_element_type=jnp.float32) * scale
    c = jnp.sum(tp2 * b1_ref[0, :][None, :], axis=1,
                keepdims=True) * scale
    rows = jax.lax.broadcasted_iota(jnp.int32, (N, N), 0)
    cols = jax.lax.broadcasted_iota(jnp.int32, (N, N), 1)
    allowed = ((rows != cols) & (m[:, None] > 0.0) & (m[None, :] > 0.0))
    bias_ref[...] = c + jnp.where(allowed, 0.0, -1e30)


def _attn_block(s_ref, v_ref, bias_ref, out_ref):
    s3 = s_ref[0]
    s2 = s3.reshape(BI * N, H)
    p = jax.lax.dot_general(
        s2, v_ref[...], (((1,), (1,)), ((), ())),
        preferred_element_type=jnp.float32)
    p3 = p.reshape(BI, N, BI)
    eye = (jax.lax.broadcasted_iota(jnp.int32, (BI, 1, BI), 0) ==
           jax.lax.broadcasted_iota(jnp.int32, (BI, 1, BI), 2)
           ).astype(jnp.float32)
    sm = jnp.sum(p3 * eye, axis=2)
    num = jnp.exp2((sm + bias_ref[...]) * 1.4426950408889634)
    den = jnp.sum(num, axis=1, keepdims=True)
    inv = 1.0 / jnp.where(den == 0.0, 1.0, den)
    score = num * inv
    out_ref[...] = jnp.sum(s3 * score[:, :, None], axis=1)


def _sc_body(s_hbm, v_hbm, bias_hbm, out_hbm,
             buf_a, buf_b, v_buf, bias_buf, out_buf, sem_a, sem_b):
    wid = lax.axis_index("s") * 2 + lax.axis_index("c")

    iota = lax.iota(jnp.int32, L)
    rots = [jnp.bitwise_and(iota + sh, L - 1) for sh in (8, 4, 2, 1)]
    gdn = lax.GatherDimensionNumbers(
        offset_dims=(), collapsed_slice_dims=(0,), start_index_map=(0,))

    def perm(x, idx):
        return lax.gather(x, idx[:, None], gdn, (1,),
                          mode=lax.GatherScatterMode.PROMISE_IN_BOUNDS)

    def splat_sum(x):
        for rot in rots:
            x = x + perm(x, rot)
        return x

    U = 4

    def compute_half(buf, j_base, carry):
        vs = [v_buf[pl.ds(k * L, L)] for k in range(HC)]

        def one_edge(jl):
            xs = [buf[jl, pl.ds(k * L, L)] for k in range(HC)]
            prods = [xs[k] * vs[k] for k in range(HC)]
            while len(prods) > 1:
                prods = [prods[2 * k] + prods[2 * k + 1]
                         for k in range(len(prods) // 2)]
            t = splat_sum(prods[0])
            b_j = plsc.load_gather(
                bias_buf, [jnp.broadcast_to(j_base + jl, (L,))])
            e = jnp.exp(t + b_j)
            return e, xs

        def body(g, carry):
            den = carry[0]
            accs = list(carry[1:])
            exs = [one_edge(g * U + u) for u in range(U)]
            for e, xs in exs:
                den = den + e
                accs = [accs[k] + e * xs[k] for k in range(HC)]
            return (den, *accs)

        return lax.fori_loop(0, HALF // U, body, carry)

    for r in range(ROWS):
        row_local = wid * ROWS + r
        row = SPLIT + row_local
        pltpu.sync_copy(v_hbm.at[row], v_buf)
        pltpu.sync_copy(bias_hbm.at[row], bias_buf)
        cp_a = pltpu.async_copy(s_hbm.at[0, row, pl.ds(0, HALF)],
                                buf_a, sem_a)
        cp_b = pltpu.async_copy(s_hbm.at[0, row, pl.ds(HALF, HALF)],
                                buf_b, sem_b)
        zero = jnp.zeros((L,), jnp.float32)
        carry = (zero,) * (HC + 1)
        cp_a.wait()
        carry = compute_half(buf_a, 0, carry)
        cp_b.wait()
        carry = compute_half(buf_b, HALF, carry)
        den = carry[0]
        inv = 1.0 / jnp.where(den == 0.0, 1.0, den)
        for k in range(HC):
            out_buf[pl.ds(k * L, L)] = carry[1 + k] * inv
        pltpu.sync_copy(out_buf, out_hbm.at[row_local])


@jax.jit
def _edge_to_node_attention(spatial_ht_list, temporal_ht_list, ts_mask,
                            same_scene_mask, W1_w, W1_b, W2_w, W2_b):
    v, bias = pl.pallas_call(
        _prep,
        out_shape=(
            jax.ShapeDtypeStruct((N, H), jnp.float32),
            jax.ShapeDtypeStruct((N, N), jnp.float32),
        ),
    )(temporal_ht_list, ts_mask, same_scene_mask, W1_w, W1_b, W2_w, W2_b)

    mesh = plsc.VectorSubcoreMesh(core_axis_name="c", subcore_axis_name="s")
    sc = pl.kernel(
        _sc_body,
        out_type=jax.ShapeDtypeStruct((N - SPLIT, H), jnp.float32),
        mesh=mesh,
        scratch_types=[
            pltpu.VMEM((HALF, H), jnp.float32),
            pltpu.VMEM((HALF, H), jnp.float32),
            pltpu.VMEM((H,), jnp.float32),
            pltpu.VMEM((N,), jnp.float32),
            pltpu.VMEM((H,), jnp.float32),
            pltpu.SemaphoreType.DMA,
            pltpu.SemaphoreType.DMA,
        ],
        compiler_params=pltpu.CompilerParams(needs_layout_passes=False),
    )
    out_sc = sc(spatial_ht_list, v, bias)

    out_tc = pl.pallas_call(
        _attn_block,
        grid=(SPLIT // BI,),
        in_specs=[
            pl.BlockSpec((1, BI, N, H), lambda i: (0, i, 0, 0)),
            pl.BlockSpec((BI, H), lambda i: (i, 0)),
            pl.BlockSpec((BI, N), lambda i: (i, 0)),
        ],
        out_specs=pl.BlockSpec((BI, H), lambda i: (i, 0)),
        out_shape=jax.ShapeDtypeStruct((SPLIT, H), jnp.float32),
    )(spatial_ht_list, v, bias)

    return jnp.concatenate([out_tc, out_sc], axis=0)


def kernel(spatial_ht_list, temporal_ht_list, ts_mask, same_scene_mask,
           W1_w, W1_b, W2_w, W2_b):
    return _edge_to_node_attention(
        spatial_ht_list, temporal_ht_list,
        ts_mask.reshape(1, N), same_scene_mask.reshape(1, N),
        W1_w, W1_b.reshape(1, A), W2_w, W2_b.reshape(1, A))

# --- scband reference (transcript-rebuilt; emitter-appended) ---
"""Pipeline reference for scband-edge-to-node-attention-28381143892380 (READ-ONLY COPY).

The authoritative reference and input builder live on the scoring server;
editing this copy changes nothing except your own understanding.
"""

import jax, jax.numpy as jnp
import numpy as np

ATT_DIM = 64
EDGE_H = 256
N_NODES = 256


def setup_inputs(seed: int = 0) -> dict:
    key = jax.random.key(seed)
    ks = jax.random.split(key, 6)
    N = N_NODES
    # scale inputs by 0.1 to keep exp() of attention logits in float32 range
    spatial_ht_list = jax.random.normal(ks[0], (1, N, N, EDGE_H), dtype=jnp.float32) * 0.1
    temporal_ht_list = jax.random.normal(ks[1], (N, EDGE_H), dtype=jnp.float32) * 0.1
    ts_mask = jnp.ones((N, 1), dtype=jnp.float32)
    same_scene_mask = jnp.zeros((N, 1), dtype=jnp.float32)
    lim = 1.0 / np.sqrt(EDGE_H)
    W1_w = jax.random.uniform(ks[2], (ATT_DIM, EDGE_H), minval=-lim, maxval=lim, dtype=jnp.float32)
    W1_b = jax.random.uniform(ks[3], (ATT_DIM,), minval=-lim, maxval=lim, dtype=jnp.float32)
    W2_w = jax.random.uniform(ks[4], (ATT_DIM, EDGE_H), minval=-lim, maxval=lim, dtype=jnp.float32)
    W2_b = jax.random.uniform(ks[5], (ATT_DIM,), minval=-lim, maxval=lim, dtype=jnp.float32)
    return {"spatial_ht_list": spatial_ht_list, "temporal_ht_list": temporal_ht_list,
            "ts_mask": ts_mask, "same_scene_mask": same_scene_mask,
            "W1_w": W1_w, "W1_b": W1_b, "W2_w": W2_w, "W2_b": W2_b}


def reference(spatial_ht_list, temporal_ht_list, ts_mask, same_scene_mask, W1_w, W1_b, W2_w, W2_b):
    N = temporal_ht_list.shape[0]
    H = temporal_ht_list.shape[-1]
    timestamp_mask = ts_mask[:, 0] == 1
    scene_mask = same_scene_mask[:, 0] == 0
    m = jnp.logical_and(timestamp_mask, scene_mask).astype(jnp.float32)
    En = jnp.sum(m)
    s_ht = spatial_ht_list[0]  # [N, N, H]
    t1 = jnp.broadcast_to(temporal_ht_list[:, None, :], (N, N, H))
    sp = (s_ht.reshape(N * N, -1) @ W1_w.T + W1_b).reshape(N, N, -1)
    tp = (t1.reshape(N * N, -1) @ W2_w.T + W2_b).reshape(N, N, -1)
    sm = jnp.sum(sp * tp, axis=2)
    sm = sm * En / jnp.sqrt(jnp.asarray(ATT_DIM, dtype=jnp.float32))
    pair_mask = m[:, None] * m[None, :]
    num = jnp.exp(sm) * (jnp.ones((N, N), dtype=jnp.float32) - jnp.eye(N, dtype=jnp.float32)) * pair_mask
    den = jnp.sum(num, axis=1).reshape(N, 1)
    safe_den = jnp.where(den == 0, jnp.float32(1.0), den)
    score = num / safe_den
    summary = jnp.sum(s_ht * score[:, :, None], axis=1)
    return jnp.concatenate([summary], axis=0)

if __name__ == "__main__":
    import jax
    _d = setup_inputs()
    print(jax.jit(kernel)(*tuple(_d.values())))

</pallas_src>

<mosaic_0001>
#map = affine_map<(d0, d1) -> (0, 0, 0, 0)>
#map1 = affine_map<(d0, d1) -> (0, 0)>
module attributes {stable_mosaic.version = 14 : i64} {
  func.func @_sc_body(%arg0: i32, %arg1: i32, %arg2: memref<1x256x256x256xf32, #tpu.memory_space<hbm>>, %arg3: memref<256x256xf32, #tpu.memory_space<hbm>>, %arg4: memref<256x256xf32, #tpu.memory_space<hbm>>, %arg5: memref<64x256xf32, #tpu.memory_space<hbm>>, %arg6: memref<128x256xf32, #tpu.memory_space<vmem>>, %arg7: memref<128x256xf32, #tpu.memory_space<vmem>>, %arg8: memref<256xf32, #tpu.memory_space<vmem>>, %arg9: memref<256xf32, #tpu.memory_space<vmem>>, %arg10: memref<256xf32, #tpu.memory_space<vmem>>, %arg11: memref<!tpu.dma_semaphore, #tpu.memory_space<semaphore_mem>>, %arg12: memref<!tpu.dma_semaphore, #tpu.memory_space<semaphore_mem>>) attributes {dimension_semantics = [#tpu.dimension_semantics<core_parallel>, #tpu.dimension_semantics<subcore_parallel>], iteration_bounds = array<i64: 2, 16>, scalar_prefetch = 0 : i64, scratch_operands = 7 : i64, tpu.core_type = #tpu.core_type<sc_vector_subcore>, window_params = [{transform_indices = #map}, {transform_indices = #map1}, {transform_indices = #map1}, {transform_indices = #map1}]} {
    %mul3A = arith.constant 2 : i32
    %mul3A_0 = arith.muli %arg1, %mul3A : i32
    %add3A = arith.addi %mul3A_0, %arg0 : i32
    %iota3A = tpu.iota {dimensions = array<i32: 0>} : vector<16xi32>
    %add3A_1 = arith.constant 8 : i32
    %add3A_2 = vector.broadcast %add3A_1 : i32 to vector<16xi32>
    %add3A_3 = arith.addi %iota3A, %add3A_2 : vector<16xi32>
    %and3A = arith.constant 15 : i32
    %and3A_4 = vector.broadcast %and3A : i32 to vector<16xi32>
    %and3A_5 = arith.andi %add3A_3, %and3A_4 : vector<16xi32>
    %add3A_6 = arith.constant 4 : i32
    %add3A_7 = vector.broadcast %add3A_6 : i32 to vector<16xi32>
    %add3A_8 = arith.addi %iota3A, %add3A_7 : vector<16xi32>
    %and3A_9 = arith.constant 15 : i32
    %and3A_10 = vector.broadcast %and3A_9 : i32 to vector<16xi32>
    %and3A_11 = arith.andi %add3A_8, %and3A_10 : vector<16xi32>
    %add3A_12 = arith.constant 2 : i32
    %add3A_13 = vector.broadcast %add3A_12 : i32 to vector<16xi32>
    %add3A_14 = arith.addi %iota3A, %add3A_13 : vector<16xi32>
    %and3A_15 = arith.constant 15 : i32
    %and3A_16 = vector.broadcast %and3A_15 : i32 to vector<16xi32>
    %and3A_17 = arith.andi %add3A_14, %and3A_16 : vector<16xi32>
    %add3A_18 = arith.constant 1 : i32
    %add3A_19 = vector.broadcast %add3A_18 : i32 to vector<16xi32>
    %add3A_20 = arith.addi %iota3A, %add3A_19 : vector<16xi32>
    %and3A_21 = arith.constant 15 : i32
    %and3A_22 = vector.broadcast %and3A_21 : i32 to vector<16xi32>
    %and3A_23 = arith.andi %add3A_20, %and3A_22 : vector<16xi32>
    %mul3A_24 = arith.constant 2 : i32
    %mul3A_25 = arith.muli %add3A, %mul3A_24 : i32
    %add3A_26 = arith.constant 0 : i32
    %add3A_27 = arith.addi %mul3A_25, %add3A_26 : i32
    %add3A_28 = arith.constant 192 : i32
    %add3A_29 = arith.addi %add3A_28, %add3A_27 : i32
    "tpu.region"() ({
      %run_scoped3A = tpu.sem_alloc : memref<!tpu.dma_semaphore, #tpu.memory_space<semaphore_mem>>
      %dma_start3A_368 = arith.constant 0 : i32
      %dma_start3A_369 = tpu.memref_slice %arg3[%add3A_29, %dma_start3A_368] : memref<256x256xf32, #tpu.memory_space<hbm>> -> memref<1x256xf32, #tpu.memory_space<hbm>>
      %dma_start3A_370 = tpu.memref_squeeze %dma_start3A_369 : memref<1x256xf32, #tpu.memory_space<hbm>> -> memref<256xf32, #tpu.memory_space<hbm>>
      %dma_start3A_371 = arith.constant 0 : i32
      %dma_start3A_372 = tpu.memref_slice %arg3[%add3A_29, %dma_start3A_371] : memref<256x256xf32, #tpu.memory_space<hbm>> -> memref<1x256xf32, #tpu.memory_space<hbm>>
      %dma_start3A_373 = tpu.memref_squeeze %dma_start3A_372 : memref<1x256xf32, #tpu.memory_space<hbm>> -> memref<256xf32, #tpu.memory_space<hbm>>
      tpu.enqueue_dma source(%dma_start3A_373 : memref<256xf32, #tpu.memory_space<hbm>>) target(%arg8 : memref<256xf32, #tpu.memory_space<vmem>>) target_semaphore(%run_scoped3A : memref<!tpu.dma_semaphore, #tpu.memory_space<semaphore_mem>>)
      %dma_wait3A_374 = arith.constant 0 : i32
      %dma_wait3A_375 = tpu.memref_slice %arg3[%add3A_29, %dma_wait3A_374] : memref<256x256xf32, #tpu.memory_space<hbm>> -> memref<1x256xf32, #tpu.memory_space<hbm>>
      %dma_wait3A_376 = tpu.memref_squeeze %dma_wait3A_375 : memref<1x256xf32, #tpu.memory_space<hbm>> -> memref<256xf32, #tpu.memory_space<hbm>>
      %dma_wait3A_377 = arith.constant 0 : i32
      %dma_wait3A_378 = tpu.memref_slice %arg3[%add3A_29, %dma_wait3A_377] : memref<256x256xf32, #tpu.memory_space<hbm>> -> memref<1x256xf32, #tpu.memory_space<hbm>>
      %dma_wait3A_379 = tpu.memref_squeeze %dma_wait3A_378 : memref<1x256xf32, #tpu.memory_space<hbm>> -> memref<256xf32, #tpu.memory_space<hbm>>
      tpu.wait_dma2 semaphore(%run_scoped3A : memref<!tpu.dma_semaphore, #tpu.memory_space<semaphore_mem>>) src(%dma_wait3A_379 : memref<256xf32, #tpu.memory_space<hbm>>) dst(%arg8 : memref<256xf32, #tpu.memory_space<vmem>>)
      tpu.yield
    }) : () -> ()
    "tpu.region"() ({
      %run_scoped3A = tpu.sem_alloc : memref<!tpu.dma_semaphore, #tpu.memory_space<semaphore_mem>>
      %dma_start3A_368 = arith.constant 0 : i32
      %dma_start3A_369 = tpu.memref_slice %arg4[%add3A_29, %dma_start3A_368] : memref<256x256xf32, #tpu.memory_space<hbm>> -> memref<1x256xf32, #tpu.memory_space<hbm>>
      %dma_start3A_370 = tpu.memref_squeeze %dma_start3A_369 : memref<1x256xf32, #tpu.memory_space<hbm>> -> memref<256xf32, #tpu.memory_space<hbm>>
      %dma_start3A_371 = arith.constant 0 : i32
      %dma_start3A_372 = tpu.memref_slice %arg4[%add3A_29, %dma_start3A_371] : memref<256x256xf32, #tpu.memory_space<hbm>> -> memref<1x256xf32, #tpu.memory_space<hbm>>
      %dma_start3A_373 = tpu.memref_squeeze %dma_start3A_372 : memref<1x256xf32, #tpu.memory_space<hbm>> -> memref<256xf32, #tpu.memory_space<hbm>>
      tpu.enqueue_dma source(%dma_start3A_373 : memref<256xf32, #tpu.memory_space<hbm>>) target(%arg9 : memref<256xf32, #tpu.memory_space<vmem>>) target_semaphore(%run_scoped3A : memref<!tpu.dma_semaphore, #tpu.memory_space<semaphore_mem>>)
      %dma_wait3A_374 = arith.constant 0 : i32
      %dma_wait3A_375 = tpu.memref_slice %arg4[%add3A_29, %dma_wait3A_374] : memref<256x256xf32, #tpu.memory_space<hbm>> -> memref<1x256xf32, #tpu.memory_space<hbm>>
      %dma_wait3A_376 = tpu.memref_squeeze %dma_wait3A_375 : memref<1x256xf32, #tpu.memory_space<hbm>> -> memref<256xf32, #tpu.memory_space<hbm>>
      %dma_wait3A_377 = arith.constant 0 : i32
      %dma_wait3A_378 = tpu.memref_slice %arg4[%add3A_29, %dma_wait3A_377] : memref<256x256xf32, #tpu.memory_space<hbm>> -> memref<1x256xf32, #tpu.memory_space<hbm>>
      %dma_wait3A_379 = tpu.memref_squeeze %dma_wait3A_378 : memref<1x256xf32, #tpu.memory_space<hbm>> -> memref<256xf32, #tpu.memory_space<hbm>>
      tpu.wait_dma2 semaphore(%run_scoped3A : memref<!tpu.dma_semaphore, #tpu.memory_space<semaphore_mem>>) src(%dma_wait3A_379 : memref<256xf32, #tpu.memory_space<hbm>>) dst(%arg9 : memref<256xf32, #tpu.memory_space<vmem>>)
      tpu.yield
    }) : () -> ()
    %dma_start3A = arith.constant 0 : i32
    %dma_start3A_30 = arith.constant 0 : i32
    %dma_start3A_31 = arith.constant 0 : i32
    %dma_start3A_32 = tpu.memref_slice %arg2[%dma_start3A, %add3A_29, %dma_start3A_30, %dma_start3A_31] : memref<1x256x256x256xf32, #tpu.memory_space<hbm>> -> memref<1x1x128x256xf32, #tpu.memory_space<hbm>>
    %dma_start3A_33 = tpu.memref_squeeze %dma_start3A_32 : memref<1x1x128x256xf32, #tpu.memory_space<hbm>> -> memref<128x256xf32, #tpu.memory_space<hbm>>
    %dma_start3A_34 = arith.constant 0 : i32
    %dma_start3A_35 = arith.constant 0 : i32
    %dma_start3A_36 = tpu.memref_slice %arg2[%dma_start3A, %add3A_29, %dma_start3A_34, %dma_start3A_35] : memref<1x256x256x256xf32, #tpu.memory_space<hbm>> -> memref<1x1x128x256xf32, #tpu.memory_space<hbm>>
    %dma_start3A_37 = tpu.memref_squeeze %dma_start3A_36 : memref<1x1x128x256xf32, #tpu.memory_space<hbm>> -> memref<128x256xf32, #tpu.memory_space<hbm>>
    tpu.enqueue_dma source(%dma_start3A_37 : memref<128x256xf32, #tpu.memory_space<hbm>>) target(%arg6 : memref<128x256xf32, #tpu.memory_space<vmem>>) target_semaphore(%arg11 : memref<!tpu.dma_semaphore, #tpu.memory_space<semaphore_mem>>)
    %dma_start3A_38 = arith.constant 0 : i32
    %dma_start3A_39 = arith.constant 128 : i32
    %dma_start3A_40 = arith.constant 0 : i32
    %dma_start3A_41 = tpu.memref_slice %arg2[%dma_start3A_38, %add3A_29, %dma_start3A_39, %dma_start3A_40] : memref<1x256x256x256xf32, #tpu.memory_space<hbm>> -> memref<1x1x128x256xf32, #tpu.memory_space<hbm>>
    %dma_start3A_42 = tpu.memref_squeeze %dma_start3A_41 : memref<1x1x128x256xf32, #tpu.memory_space<hbm>> -> memref<128x256xf32, #tpu.memory_space<hbm>>
    %dma_start3A_43 = arith.constant 128 : i32
    %dma_start3A_44 = arith.constant 0 : i32
    %dma_start3A_45 = tpu.memref_slice %arg2[%dma_start3A_38, %add3A_29, %dma_start3A_43, %dma_start3A_44] : memref<1x256x256x256xf32, #tpu.memory_space<hbm>> -> memref<1x1x128x256xf32, #tpu.memory_space<hbm>>
    %dma_start3A_46 = tpu.memref_squeeze %dma_start3A_45 : memref<1x1x128x256xf32, #tpu.memory_space<hbm>> -> memref<128x256xf32, #tpu.memory_space<hbm>>
    tpu.enqueue_dma source(%dma_start3A_46 : memref<128x256xf32, #tpu.memory_space<hbm>>) target(%arg7 : memref<128x256xf32, #tpu.memory_space<vmem>>) target_semaphore(%arg12 : memref<!tpu.dma_semaphore, #tpu.memory_space<semaphore_mem>>)
    %broadcast_in_dim3A = arith.constant 0.000000e+00 : f32
    %broadcast_in_dim3A_47 = vector.broadcast %broadcast_in_dim3A : f32 to vector<16xf32>
    %dma_wait3A = arith.constant 0 : i32
    %dma_wait3A_48 = arith.constant 0 : i32
    %dma_wait3A_49 = arith.constant 0 : i32
    %dma_wait3A_50 = tpu.memref_slice %arg2[%dma_wait3A, %add3A_29, %dma_wait3A_48, %dma_wait3A_49] : memref<1x256x256x256xf32, #tpu.memory_space<hbm>> -> memref<1x1x128x256xf32, #tpu.memory_space<hbm>>
    %dma_wait3A_51 = tpu.memref_squeeze %dma_wait3A_50 : memref<1x1x128x256xf32, #tpu.memory_space<hbm>> -> memref<128x256xf32, #tpu.memory_space<hbm>>
    %dma_wait3A_52 = arith.constant 0 : i32
    %dma_wait3A_53 = arith.constant 0 : i32
    %dma_wait3A_54 = tpu.memref_slice %arg2[%dma_wait3A, %add3A_29, %dma_wait3A_52, %dma_wait3A_53] : memref<1x256x256x256xf32, #tpu.memory_space<hbm>> -> memref<1x1x128x256xf32, #tpu.memory_space<hbm>>
    %dma_wait3A_55 = tpu.memref_squeeze %dma_wait3A_54 : memref<1x1x128x256xf32, #tpu.memory_space<hbm>> -> memref<128x256xf32, #tpu.memory_space<hbm>>
    tpu.wait_dma2 semaphore(%arg11 : memref<!tpu.dma_semaphore, #tpu.memory_space<semaphore_mem>>) src(%dma_wait3A_55 : memref<128x256xf32, #tpu.memory_space<hbm>>) dst(%arg6 : memref<128x256xf32, #tpu.memory_space<vmem>>)
    %get3A = arith.constant 0 : index
    %get3A_56 = tpu.vector_load %arg8[%get3A] {strides = array<i32>} : memref<256xf32, #tpu.memory_space<vmem>>, vector<16xf32>,
    %get3A_57 = arith.constant 16 : index
    %get3A_58 = tpu.vector_load %arg8[%get3A_57] {strides = array<i32>} : memref<256xf32, #tpu.memory_space<vmem>>, vector<16xf32>,
    %get3A_59 = arith.constant 32 : index
    %get3A_60 = tpu.vector_load %arg8[%get3A_59] {strides = array<i32>} : memref<256xf32, #tpu.memory_space<vmem>>, vector<16xf32>,
    %get3A_61 = arith.constant 48 : index
    %get3A_62 = tpu.vector_load %arg8[%get3A_61] {strides = array<i32>} : memref<256xf32, #tpu.memory_space<vmem>>, vector<16xf32>,
    %get3A_63 = arith.constant 64 : index
    %get3A_64 = tpu.vector_load %arg8[%get3A_63] {strides = array<i32>} : memref<256xf32, #tpu.memory_space<vmem>>, vector<16xf32>,
    %get3A_65 = arith.constant 80 : index
    %get3A_66 = tpu.vector_load %arg8[%get3A_65] {strides = array<i32>} : memref<256xf32, #tpu.memory_space<vmem>>, vector<16xf32>,
    %get3A_67 = arith.constant 96 : index
    %get3A_68 = tpu.vector_load %arg8[%get3A_67] {strides = array<i32>} : memref<256xf32, #tpu.memory_space<vmem>>, vector<16xf32>,
    %get3A_69 = arith.constant 112 : index
    %get3A_70 = tpu.vector_load %arg8[%get3A_69] {strides = array<i32>} : memref<256xf32, #tpu.memory_space<vmem>>, vector<16xf32>,
    %get3A_71 = arith.constant 128 : index
    %get3A_72 = tpu.vector_load %arg8[%get3A_71] {strides = array<i32>} : memref<256xf32, #tpu.memory_space<vmem>>, vector<16xf32>,
    %get3A_73 = arith.constant 144 : index
    %get3A_74 = tpu.vector_load %arg8[%get3A_73] {strides = array<i32>} : memref<256xf32, #tpu.memory_space<vmem>>, vector<16xf32>,
    %get3A_75 = arith.constant 160 : index
    %get3A_76 = tpu.vector_load %arg8[%get3A_75] {strides = array<i32>} : memref<256xf32, #tpu.memory_space<vmem>>, vector<16xf32>,
    %get3A_77 = arith.constant 176 : index
    %get3A_78 = tpu.vector_load %arg8[%get3A_77] {strides = array<i32>} : memref<256xf32, #tpu.memory_space<vmem>>, vector<16xf32>,
    %get3A_79 = arith.constant 192 : index
    %get3A_80 = tpu.vector_load %arg8[%get3A_79] {strides = array<i32>} : memref<256xf32, #tpu.memory_space<vmem>>, vector<16xf32>,
    %get3A_81 = arith.constant 208 : index
    %get3A_82 = tpu.vector_load %arg8[%get3A_81] {strides = array<i32>} : memref<256xf32, #tpu.memory_space<vmem>>, vector<16xf32>,
    %get3A_83 = arith.constant 224 : index
    %get3A_84 = tpu.vector_load %arg8[%get3A_83] {strides = array<i32>} : memref<256xf32, #tpu.memory_space<vmem>>, vector<16xf32>,
    %get3A_85 = arith.constant 240 : index
    %get3A_86 = tpu.vector_load %arg8[%get3A_85] {strides = array<i32>} : memref<256xf32, #tpu.memory_space<vmem>>, vector<16xf32>,
    %scan3A = arith.constant 0 : i32
    %scan3A_87 = arith.constant 32 : i32
    %scan3A_88 = arith.addi %scan3A, %scan3A_87 : i32
    %scan3A_89 = arith.constant 1 : i32
    %scan3A_90:17 = scf.for %scan3A_368 = %scan3A to %scan3A_88 step %scan3A_89 iter_args(%scan3A_369 = %broadcast_in_dim3A_47, %scan3A_370 = %broadcast_in_dim3A_47, %scan3A_371 = %broadcast_in_dim3A_47, %scan3A_372 = %broadcast_in_dim3A_47, %scan3A_373 = %broadcast_in_dim3A_47, %scan3A_374 = %broadcast_in_dim3A_47, %scan3A_375 = %broadcast_in_dim3A_47, %scan3A_376 = %broadcast_in_dim3A_47, %scan3A_377 = %broadcast_in_dim3A_47, %scan3A_378 = %broadcast_in_dim3A_47, %scan3A_379 = %broadcast_in_dim3A_47, %scan3A_380 = %broadcast_in_dim3A_47, %scan3A_381 = %broadcast_in_dim3A_47, %scan3A_382 = %broadcast_in_dim3A_47, %scan3A_383 = %broadcast_in_dim3A_47, %scan3A_384 = %broadcast_in_dim3A_47, %scan3A_385 = %broadcast_in_dim3A_47) -> (vector<16xf32>, vector<16xf32>, vector<16xf32>, vector<16xf32>, vector<16xf32>, vector<16xf32>, vector<16xf32>, vector<16xf32>, vector<16xf32>, vector<16xf32>, vector<16xf32>, vector<16xf32>, vector<16xf32>, vector<16xf32>, vector<16xf32>, vector<16xf32>, vector<16xf32>)  : i32 {
      %mul3A_386 = arith.constant 4 : i32
      %mul3A_387 = arith.muli %scan3A_368, %mul3A_386 : i32
      %add3A_388 = arith.constant 0 : i32
      %add3A_389 = arith.addi %mul3A_387, %add3A_388 : i32
      %get3A_390 = arith.index_cast %add3A_389 : i32 to index
      %get3A_391 = arith.constant 0 : index
      %get3A_392 = tpu.vector_load %arg6[%get3A_390, %get3A_391] {strides = array<i32>} : memref<128x256xf32, #tpu.memory_space<vmem>>, vector<16xf32>,
      %get3A_393 = arith.index_cast %add3A_389 : i32 to index
      %get3A_394 = arith.constant 16 : index
      %get3A_395 = tpu.vector_load %arg6[%get3A_393, %get3A_394] {strides = array<i32>} : memref<128x256xf32, #tpu.memory_space<vmem>>, vector<16xf32>,
      %get3A_396 = arith.index_cast %add3A_389 : i32 to index
      %get3A_397 = arith.constant 32 : index
      %get3A_398 = tpu.vector_load %arg6[%get3A_396, %get3A_397] {strides = array<i32>} : memref<128x256xf32, #tpu.memory_space<vmem>>, vector<16xf32>,
      %get3A_399 = arith.index_cast %add3A_389 : i32 to index
      %get3A_400 = arith.constant 48 : index
      %get3A_401 = tpu.vector_load %arg6[%get3A_399, %get3A_400] {strides = array<i32>} : memref<128x256xf32, #tpu.memory_space<vmem>>, vector<16xf32>,
      %get3A_402 = arith.index_cast %add3A_389 : i32 to index
      %get3A_403 = arith.constant 64 : index
      %get3A_404 = tpu.vector_load %arg6[%get3A_402, %get3A_403] {strides = array<i32>} : memref<128x256xf32, #tpu.memory_space<vmem>>, vector<16xf32>,
      %get3A_405 = arith.index_cast %add3A_389 : i32 to index
      %get3A_406 = arith.constant 80 : index
      %get3A_407 = tpu.vector_load %arg6[%get3A_405, %get3A_406] {strides = array<i32>} : memref<128x256xf32, #tpu.memory_space<vmem>>, vector<16xf32>,
      %get3A_408 = arith.index_cast %add3A_389 : i32 to index
      %get3A_409 = arith.constant 96 : index
      %get3A_410 = tpu.vector_load %arg6[%get3A_408, %get3A_409] {strides = array<i32>} : memref<128x256xf32, #tpu.memory_space<vmem>>, vector<16xf32>,
      %get3A_411 = arith.index_cast %add3A_389 : i32 to index
      %get3A_412 = arith.constant 112 : index
      %get3A_413 = tpu.vector_load %arg6[%get3A_411, %get3A_412] {strides = array<i32>} : memref<128x256xf32, #tpu.memory_space<vmem>>, vector<16xf32>,
      %get3A_414 = arith.index_cast %add3A_389 : i32 to index
      %get3A_415 = arith.constant 128 : index
      %get3A_416 = tpu.vector_load %arg6[%get3A_414, %get3A_415] {strides = array<i32>} : memref<128x256xf32, #tpu.memory_space<vmem>>, vector<16xf32>,
      %get3A_417 = arith.index_cast %add3A_389 : i32 to index
      %get3A_418 = arith.constant 144 : index
      %get3A_419 = tpu.vector_load %arg6[%get3A_417, %get3A_418] {strides = array<i32>} : memref<128x256xf32, #tpu.memory_space<vmem>>, vector<16xf32>,
      %get3A_420 = arith.index_cast %add3A_389 : i32 to index
      %get3A_421 = arith.constant 160 : index
      %get3A_422 = tpu.vector_load %arg6[%get3A_420, %get3A_421] {strides = array<i32>} : memref<128x256xf32, #tpu.memory_space<vmem>>, vector<16xf32>,
      %get3A_423 = arith.index_cast %add3A_389 : i32 to index
      %get3A_424 = arith.constant 176 : index
      %get3A_425 = tpu.vector_load %arg6[%get3A_423, %get3A_424] {strides = array<i32>} : memref<128x256xf32, #tpu.memory_space<vmem>>, vector<16xf32>,
      %get3A_426 = arith.index_cast %add3A_389 : i32 to index
      %get3A_427 = arith.constant 192 : index
      %get3A_428 = tpu.vector_load %arg6[%get3A_426, %get3A_427] {strides = array<i32>} : memref<128x256xf32, #tpu.memory_space<vmem>>, vector<16xf32>,
      %get3A_429 = arith.index_cast %add3A_389 : i32 to index
      %get3A_430 = arith.constant 208 : index
      %get3A_431 = tpu.vector_load %arg6[%get3A_429, %get3A_430] {strides = array<i32>} : memref<128x256xf32, #tpu.memory_space<vmem>>, vector<16xf32>,
      %get3A_432 = arith.index_cast %add3A_389 : i32 to index
      %get3A_433 = arith.constant 224 : index
      %get3A_434 = tpu.vector_load %arg6[%get3A_432, %get3A_433] {strides = array<i32>} : memref<128x256xf32, #tpu.memory_space<vmem>>, vector<16xf32>,
      %get3A_435 = arith.index_cast %add3A_389 : i32 to index
      %get3A_436 = arith.constant 240 : index
      %get3A_437 = tpu.vector_load %arg6[%get3A_435, %get3A_436] {strides = array<i32>} : memref<128x256xf32, #tpu.memory_space<vmem>>, vector<16xf32>,
      %mul3A_438 = arith.mulf %get3A_392, %get3A_56 : vector<16xf32>
      %mul3A_439 = arith.mulf %get3A_395, %get3A_58 : vector<16xf32>
      %mul3A_440 = arith.mulf %get3A_398, %get3A_60 : vector<16xf32>
      %mul3A_441 = arith.mulf %get3A_401, %get3A_62 : vector<16xf32>
      %mul3A_442 = arith.mulf %get3A_404, %get3A_64 : vector<16xf32>
      %mul3A_443 = arith.mulf %get3A_407, %get3A_66 : vector<16xf32>
      %mul3A_444 = arith.mulf %get3A_410, %get3A_68 : vector<16xf32>
      %mul3A_445 = arith.mulf %get3A_413, %get3A_70 : vector<16xf32>
      %mul3A_446 = arith.mulf %get3A_416, %get3A_72 : vector<16xf32>
      %mul3A_447 = arith.mulf %get3A_419, %get3A_74 : vector<16xf32>
      %mul3A_448 = arith.mulf %get3A_422, %get3A_76 : vector<16xf32>
      %mul3A_449 = arith.mulf %get3A_425, %get3A_78 : vector<16xf32>
      %mul3A_450 = arith.mulf %get3A_428, %get3A_80 : vector<16xf32>
      %mul3A_451 = arith.mulf %get3A_431, %get3A_82 : vector<16xf32>
      %mul3A_452 = arith.mulf %get3A_434, %get3A_84 : vector<16xf32>
      %mul3A_453 = arith.mulf %get3A_437, %get3A_86 : vector<16xf32>
      %add3A_454 = arith.addf %mul3A_438, %mul3A_439 : vector<16xf32>
      %add3A_455 = arith.addf %mul3A_440, %mul3A_441 : vector<16xf32>
      %add3A_456 = arith.addf %mul3A_442, %mul3A_443 : vector<16xf32>
      %add3A_457 = arith.addf %mul3A_444, %mul3A_445 : vector<16xf32>
      %add3A_458 = arith.addf %mul3A_446, %mul3A_447 : vector<16xf32>
      %add3A_459 = arith.addf %mul3A_448, %mul3A_449 : vector<16xf32>
      %add3A_460 = arith.addf %mul3A_450, %mul3A_451 : vector<16xf32>
      %add3A_461 = arith.addf %mul3A_452, %mul3A_453 : vector<16xf32>
      %add3A_462 = arith.addf %add3A_454, %add3A_455 : vector<16xf32>
      %add3A_463 = arith.addf %add3A_456, %add3A_457 : vector<16xf32>
      %add3A_464 = arith.addf %add3A_458, %add3A_459 : vector<16xf32>
      %add3A_465 = arith.addf %add3A_460, %add3A_461 : vector<16xf32>
      %add3A_466 = arith.addf %add3A_462, %add3A_463 : vector<16xf32>
      %add3A_467 = arith.addf %add3A_464, %add3A_465 : vector<16xf32>
      %add3A_468 = arith.addf %add3A_466, %add3A_467 : vector<16xf32>
      %broadcast_in_dim3A_469 = vector.shape_cast %and3A_5 : vector<16xi32> to vector<16x1xi32>
      %gather3A = vector.shape_cast %broadcast_in_dim3A_469 : vector<16x1xi32> to vector<16xi32>
      %gather3A_470 = tpu.dynamic_gather %add3A_468[%gather3A] in [0] : vector<16xf32>, vector<16xi32> -> vector<16xf32>
      %add3A_471 = arith.addf %add3A_468, %gather3A_470 : vector<16xf32>
      %broadcast_in_dim3A_472 = vector.shape_cast %and3A_11 : vector<16xi32> to vector<16x1xi32>
      %gather3A_473 = vector.shape_cast %broadcast_in_dim3A_472 : vector<16x1xi32> to vector<16xi32>
      %gather3A_474 = tpu.dynamic_gather %add3A_471[%gather3A_473] in [0] : vector<16xf32>, vector<16xi32> -> vector<16xf32>
      %add3A_475 = arith.addf %add3A_471, %gather3A_474 : vector<16xf32>
      %broadcast_in_dim3A_476 = vector.shape_cast %and3A_17 : vector<16xi32> to vector<16x1xi32>
      %gather3A_477 = vector.shape_cast %broadcast_in_dim3A_476 : vector<16x1xi32> to vector<16xi32>
      %gather3A_478 = tpu.dynamic_gather %add3A_475[%gather3A_477] in [0] : vector<16xf32>, vector<16xi32> -> vector<16xf32>
      %add3A_479 = arith.addf %add3A_475, %gather3A_478 : vector<16xf32>
      %broadcast_in_dim3A_480 = vector.shape_cast %and3A_23 : vector<16xi32> to vector<16x1xi32>
      %gather3A_481 = vector.shape_cast %broadcast_in_dim3A_480 : vector<16x1xi32> to vector<16xi32>
      %gather3A_482 = tpu.dynamic_gather %add3A_479[%gather3A_481] in [0] : vector<16xf32>, vector<16xi32> -> vector<16xf32>
      %add3A_483 = arith.addf %add3A_479, %gather3A_482 : vector<16xf32>
      %add3A_484 = arith.constant 0 : i32
      %add3A_485 = arith.addi %add3A_484, %add3A_389 : i32
      %broadcast_in_dim3A_486 = vector.broadcast %add3A_485 : i32 to vector<16xi32>
      %gather3A_487 = tpu.vector_load_idx %arg9[%broadcast_in_dim3A_486] : memref<256xf32, #tpu.memory_space<vmem>>[vector<16xi32>], vector<16xf32>,
      %add3A_488 = arith.addf %add3A_483, %gather3A_487 : vector<16xf32>
      %exp3A = math.exp %add3A_488 : vector<16xf32>
      %mul3A_489 = arith.constant 4 : i32
      %mul3A_490 = arith.muli %scan3A_368, %mul3A_489 : i32
      %add3A_491 = arith.constant 1 : i32
      %add3A_492 = arith.addi %mul3A_490, %add3A_491 : i32
      %get3A_493 = arith.index_cast %add3A_492 : i32 to index
      %get3A_494 = arith.constant 0 : index
      %get3A_495 = tpu.vector_load %arg6[%get3A_493, %get3A_494] {strides = array<i32>} : memref<128x256xf32, #tpu.memory_space<vmem>>, vector<16xf32>,
      %get3A_496 = arith.index_cast %add3A_492 : i32 to index
      %get3A_497 = arith.constant 16 : index
      %get3A_498 = tpu.vector_load %arg6[%get3A_496, %get3A_497] {strides = array<i32>} : memref<128x256xf32, #tpu.memory_space<vmem>>, vector<16xf32>,
      %get3A_499 = arith.index_cast %add3A_492 : i32 to index
      %get3A_500 = arith.constant 32 : index
      %get3A_501 = tpu.vector_load %arg6[%get3A_499, %get3A_500] {strides = array<i32>} : memref<128x256xf32, #tpu.memory_space<vmem>>, vector<16xf32>,
      %get3A_502 = arith.index_cast %add3A_492 : i32 to index
      %get3A_503 = arith.constant 48 : index
      %get3A_504 = tpu.vector_load %arg6[%get3A_502, %get3A_503] {strides = array<i32>} : memref<128x256xf32, #tpu.memory_space<vmem>>, vector<16xf32>,
      %get3A_505 = arith.index_cast %add3A_492 : i32 to index
      %get3A_506 = arith.constant 64 : index
      %get3A_507 = tpu.vector_load %arg6[%get3A_505, %get3A_506] {strides = array<i32>} : memref<128x256xf32, #tpu.memory_space<vmem>>, vector<16xf32>,
      %get3A_508 = arith.index_cast %add3A_492 : i32 to index
      %get3A_509 = arith.constant 80 : index
      %get3A_510 = tpu.vector_load %arg6[%get3A_508, %get3A_509] {strides = array<i32>} : memref<128x256xf32, #tpu.memory_space<vmem>>, vector<16xf32>,
      %get3A_511 = arith.index_cast %add3A_492 : i32 to index
      %get3A_512 = arith.constant 96 : index
      %get3A_513 = tpu.vector_load %arg6[%get3A_511, %get3A_512] {strides = array<i32>} : memref<128x256xf32, #tpu.memory_space<vmem>>, vector<16xf32>,
      %get3A_514 = arith.index_cast %add3A_492 : i32 to index
      %get3A_515 = arith.constant 112 : index
      %get3A_516 = tpu.vector_load %arg6[%get3A_514, %get3A_515] {strides = array<i32>} : memref<128x256xf32, #tpu.memory_space<vmem>>, vector<16xf32>,
      %get3A_517 = arith.index_cast %add3A_492 : i32 to index
      %get3A_518 = arith.constant 128 : index
      %get3A_519 = tpu.vector_load %arg6[%get3A_517, %get3A_518] {strides = array<i32>} : memref<128x256xf32, #tpu.memory_space<vmem>>, vector<16xf32>,
      %get3A_520 = arith.index_cast %add3A_492 : i32 to index
      %get3A_521 = arith.constant 144 : index
      %get3A_522 = tpu.vector_load %arg6[%get3A_520, %get3A_521] {strides = array<i32>} : memref<128x256xf32, #tpu.memory_space<vmem>>, vector<16xf32>,
      %get3A_523 = arith.index_cast %add3A_492 : i32 to index
      %get3A_524 = arith.constant 160 : index
      %get3A_525 = tpu.vector_load %arg6[%get3A_523, %get3A_524] {strides = array<i32>} : memref<128x256xf32, #tpu.memory_space<vmem>>, vector<16xf32>,
      %get3A_526 = arith.index_cast %add3A_492 : i32 to index
      %get3A_527 = arith.constant 176 : index
      %get3A_528 = tpu.vector_load %arg6[%get3A_526, %get3A_527] {strides = array<i32>} : memref<128x256xf32, #tpu.memory_space<vmem>>, vector<16xf32>,
      %get3A_529 = arith.index_cast %add3A_492 : i32 to index
      %get3A_530 = arith.constant 192 : index
      %get3A_531 = tpu.vector_load %arg6[%get3A_529, %get3A_530] {strides = array<i32>} : memref<128x256xf32, #tpu.memory_space<vmem>>, vector<16xf32>,
      %get3A_532 = arith.index_cast %add3A_492 : i32 to index
      %get3A_533 = arith.constant 208 : index
      %get3A_534 = tpu.vector_load %arg6[%get3A_532, %get3A_533] {strides = array<i32>} : memref<128x256xf32, #tpu.memory_space<vmem>>, vector<16xf32>,
      %get3A_535 = arith.index_cast %add3A_492 : i32 to index
      %get3A_536 = arith.constant 224 : index
      %get3A_537 = tpu.vector_load %arg6[%get3A_535, %get3A_536] {strides = array<i32>} : memref<128x256xf32, #tpu.memory_space<vmem>>, vector<16xf32>,
      %get3A_538 = arith.index_cast %add3A_492 : i32 to index
      %get3A_539 = arith.constant 240 : index
      %get3A_540 = tpu.vector_load %arg6[%get3A_538, %get3A_539] {strides = array<i32>} : memref<128x256xf32, #tpu.memory_space<vmem>>, vector<16xf32>,
      %mul3A_541 = arith.mulf %get3A_495, %get3A_56 : vector<16xf32>
      %mul3A_542 = arith.mulf %get3A_498, %get3A_58 : vector<16xf32>
      %mul3A_543 = arith.mulf %get3A_501, %get3A_60 : vector<16xf32>
      %mul3A_544 = arith.mulf %get3A_504, %get3A_62 : vector<16xf32>
      %mul3A_545 = arith.mulf %get3A_507, %get3A_64 : vector<16xf32>
      %mul3A_546 = arith.mulf %get3A_510, %get3A_66 : vector<16xf32>
      %mul3A_547 = arith.mulf %get3A_513, %get3A_68 : vector<16xf32>
      %mul3A_548 = arith.mulf %get3A_516, %get3A_70 : vector<16xf32>
      %mul3A_549 = arith.mulf %get3A_519, %get3A_72 : vector<16xf32>
      %mul3A_550 = arith.mulf %get3A_522, %get3A_74 : vector<16xf32>
      %mul3A_551 = arith.mulf %get3A_525, %get3A_76 : vector<16xf32>
      %mul3A_552 = arith.mulf %get3A_528, %get3A_78 : vector<16xf32>
      %mul3A_553 = arith.mulf %get3A_531, %get3A_80 : vector<16xf32>
      %mul3A_554 = arith.mulf %get3A_534, %get3A_82 : vector<16xf32>
      %mul3A_555 = arith.mulf %get3A_537, %get3A_84 : vector<16xf32>
      %mul3A_556 = arith.mulf %get3A_540, %get3A_86 : vector<16xf32>
      %add3A_557 = arith.addf %mul3A_541, %mul3A_542 : vector<16xf32>
      %add3A_558 = arith.addf %mul3A_543, %mul3A_544 : vector<16xf32>
      %add3A_559 = arith.addf %mul3A_545, %mul3A_546 : vector<16xf32>
      %add3A_560 = arith.addf %mul3A_547, %mul3A_548 : vector<16xf32>
      %add3A_561 = arith.addf %mul3A_549, %mul3A_550 : vector<16xf32>
      %add3A_562 = arith.addf %mul3A_551, %mul3A_552 : vector<16xf32>
      %add3A_563 = arith.addf %mul3A_553, %mul3A_554 : vector<16xf32>
      %add3A_564 = arith.addf %mul3A_555, %mul3A_556 : vector<16xf32>
      %add3A_565 = arith.addf %add3A_557, %add3A_558 : vector<16xf32>
      %add3A_566 = arith.addf %add3A_559, %add3A_560 : vector<16xf32>
      %add3A_567 = arith.addf %add3A_561, %add3A_562 : vector<16xf32>
      %add3A_568 = arith.addf %add3A_563, %add3A_564 : vector<16xf32>
      %add3A_569 = arith.addf %add3A_565, %add3A_566 : vector<16xf32>
      %add3A_570 = arith.addf %add3A_567, %add3A_568 : vector<16xf32>
      %add3A_571 = arith.addf %add3A_569, %add3A_570 : vector<16xf32>
      %broadcast_in_dim3A_572 = vector.shape_cast %and3A_5 : vector<16xi32> to vector<16x1xi32>
      %gather3A_573 = vector.shape_cast %broadcast_in_dim3A_572 : vector<16x1xi32> to vector<16xi32>
      %gather3A_574 = tpu.dynamic_gather %add3A_571[%gather3A_573] in [0] : vector<16xf32>, vector<16xi32> -> vector<16xf32>
      %add3A_575 = arith.addf %add3A_571, %gather3A_574 : vector<16xf32>
      %broadcast_in_dim3A_576 = vector.shape_cast %and3A_11 : vector<16xi32> to vector<16x1xi32>
      %gather3A_577 = vector.shape_cast %broadcast_in_dim3A_576 : vector<16x1xi32> to vector<16xi32>
      %gather3A_578 = tpu.dynamic_gather %add3A_575[%gather3A_577] in [0] : vector<16xf32>, vector<16xi32> -> vector<16xf32>
      %add3A_579 = arith.addf %add3A_575, %gather3A_578 : vector<16xf32>
      %broadcast_in_dim3A_580 = vector.shape_cast %and3A_17 : vector<16xi32> to vector<16x1xi32>
      %gather3A_581 = vector.shape_cast %broadcast_in_dim3A_580 : vector<16x1xi32> to vector<16xi32>
      %gather3A_582 = tpu.dynamic_gather %add3A_579[%gather3A_581] in [0] : vector<16xf32>, vector<16xi32> -> vector<16xf32>
      %add3A_583 = arith.addf %add3A_579, %gather3A_582 : vector<16xf32>
      %broadcast_in_dim3A_584 = vector.shape_cast %and3A_23 : vector<16xi32> to vector<16x1xi32>
      %gather3A_585 = vector.shape_cast %broadcast_in_dim3A_584 : vector<16x1xi32> to vector<16xi32>
      %gather3A_586 = tpu.dynamic_gather %add3A_583[%gather3A_585] in [0] : vector<16xf32>, vector<16xi32> -> vector<16xf32>
      %add3A_587 = arith.addf %add3A_583, %gather3A_586 : vector<16xf32>
      %add3A_588 = arith.constant 0 : i32
      %add3A_589 = arith.addi %add3A_588, %add3A_492 : i32
      %broadcast_in_dim3A_590 = vector.broadcast %add3A_589 : i32 to vector<16xi32>
      %gather3A_591 = tpu.vector_load_idx %arg9[%broadcast_in_dim3A_590] : memref<256xf32, #tpu.memory_space<vmem>>[vector<16xi32>], vector<16xf32>,
      %add3A_592 = arith.addf %add3A_587, %gather3A_591 : vector<16xf32>
      %exp3A_593 = math.exp %add3A_592 : vector<16xf32>
      %mul3A_594 = arith.constant 4 : i32
      %mul3A_595 = arith.muli %scan3A_368, %mul3A_594 : i32
      %add3A_596 = arith.constant 2 : i32
      %add3A_597 = arith.addi %mul3A_595, %add3A_596 : i32
      %get3A_598 = arith.index_cast %add3A_597 : i32 to index
      %get3A_599 = arith.constant 0 : index
      %get3A_600 = tpu.vector_load %arg6[%get3A_598, %get3A_599] {strides = array<i32>} : memref<128x256xf32, #tpu.memory_space<vmem>>, vector<16xf32>,
      %get3A_601 = arith.index_cast %add3A_597 : i32 to index
      %get3A_602 = arith.constant 16 : index
      %get3A_603 = tpu.vector_load %arg6[%get3A_601, %get3A_602] {strides = array<i32>} : memref<128x256xf32, #tpu.memory_space<vmem>>, vector<16xf32>,
      %get3A_604 = arith.index_cast %add3A_597 : i32 to index
      %get3A_605 = arith.constant 32 : index
      %get3A_606 = tpu.vector_load %arg6[%get3A_604, %get3A_605] {strides = array<i32>} : memref<128x256xf32, #tpu.memory_space<vmem>>, vector<16xf32>,
      %get3A_607 = arith.index_cast %add3A_597 : i32 to index
      %get3A_608 = arith.constant 48 : index
      %get3A_609 = tpu.vector_load %arg6[%get3A_607, %get3A_608] {strides = array<i32>} : memref<128x256xf32, #tpu.memory_space<vmem>>, vector<16xf32>,
      %get3A_610 = arith.index_cast %add3A_597 : i32 to index
      %get3A_611 = arith.constant 64 : index
      %get3A_612 = tpu.vector_load %arg6[%get3A_610, %get3A_611] {strides = array<i32>} : memref<128x256xf32, #tpu.memory_space<vmem>>, vector<16xf32>,
      %get3A_613 = arith.index_cast %add3A_597 : i32 to index
      %get3A_614 = arith.constant 80 : index
      %get3A_615 = tpu.vector_load %arg6[%get3A_613, %get3A_614] {strides = array<i32>} : memref<128x256xf32, #tpu.memory_space<vmem>>, vector<16xf32>,
      %get3A_616 = arith.index_cast %add3A_597 : i32 to index
      %get3A_617 = arith.constant 96 : index
      %get3A_618 = tpu.vector_load %arg6[%get3A_616, %get3A_617] {strides = array<i32>} : memref<128x256xf32, #tpu.memory_space<vmem>>, vector<16xf32>,
      %get3A_619 = arith.index_cast %add3A_597 : i32 to index
      %get3A_620 = arith.constant 112 : index
      %get3A_621 = tpu.vector_load %arg6[%get3A_619, %get3A_620] {strides = array<i32>} : memref<128x256xf32, #tpu.memory_space<vmem>>, vector<16xf32>,
      %get3A_622 = arith.index_cast %add3A_597 : i32 to index
      %get3A_623 = arith.constant 128 : index
      %get3A_624 = tpu.vector_load %arg6[%get3A_622, %get3A_623] {strides = array<i32>} : memref<128x256xf32, #tpu.memory_space<vmem>>, vector<16xf32>,
      %get3A_625 = arith.index_cast %add3A_597 : i32 to index
      %get3A_626 = arith.constant 144 : index
      %get3A_627 = tpu.vector_load %arg6[%get3A_625, %get3A_626] {strides = array<i32>} : memref<128x256xf32, #tpu.memory_space<vmem>>, vector<16xf32>,
      %get3A_628 = arith.index_cast %add3A_597 : i32 to index
      %get3A_629 = arith.constant 160 : index
      %get3A_630 = tpu.vector_load %arg6[%get3A_628, %get3A_629] {strides = array<i32>} : memref<128x256xf32, #tpu.memory_space<vmem>>, vector<16xf32>,
      %get3A_631 = arith.index_cast %add3A_597 : i32 to index
      %get3A_632 = arith.constant 176 : index
      %get3A_633 = tpu.vector_load %arg6[%get3A_631, %get3A_632] {strides = array<i32>} : memref<128x256xf32, #tpu.memory_space<vmem>>, vector<16xf32>,
      %get3A_634 = arith.index_cast %add3A_597 : i32 to index
      %get3A_635 = arith.constant 192 : index
      %get3A_636 = tpu.vector_load %arg6[%get3A_634, %get3A_635] {strides = array<i32>} : memref<128x256xf32, #tpu.memory_space<vmem>>, vector<16xf32>,
      %get3A_637 = arith.index_cast %add3A_597 : i32 to index
      %get3A_638 = arith.constant 208 : index
      %get3A_639 = tpu.vector_load %arg6[%get3A_637, %get3A_638] {strides = array<i32>} : memref<128x256xf32, #tpu.memory_space<vmem>>, vector<16xf32>,
      %get3A_640 = arith.index_cast %add3A_597 : i32 to index
      %get3A_641 = arith.constant 224 : index
      %get3A_642 = tpu.vector_load %arg6[%get3A_640, %get3A_641] {strides = array<i32>} : memref<128x256xf32, #tpu.memory_space<vmem>>, vector<16xf32>,
      %get3A_643 = arith.index_cast %add3A_597 : i32 to index
      %get3A_644 = arith.constant 240 : index
      %get3A_645 = tpu.vector_load %arg6[%get3A_643, %get3A_644] {strides = array<i32>} : memref<128x256xf32, #tpu.memory_space<vmem>>, vector<16xf32>,
      %mul3A_646 = arith.mulf %get3A_600, %get3A_56 : vector<16xf32>
      %mul3A_647 = arith.mulf %get3A_603, %get3A_58 : vector<16xf32>
      %mul3A_648 = arith.mulf %get3A_606, %get3A_60 : vector<16xf32>
      %mul3A_649 = arith.mulf %get3A_609, %get3A_62 : vector<16xf32>
      %mul3A_650 = arith.mulf %get3A_612, %get3A_64 : vector<16xf32>
      %mul3A_651 = arith.mulf %get3A_615, %get3A_66 : vector<16xf32>
      %mul3A_652 = arith.mulf %get3A_618, %get3A_68 : vector<16xf32>
      %mul3A_653 = arith.mulf %get3A_621, %get3A_70 : vector<16xf32>
      %mul3A_654 = arith.mulf %get3A_624, %get3A_72 : vector<16xf32>
      %mul3A_655 = arith.mulf %get3A_627, %get3A_74 : vector<16xf32>
      %mul3A_656 = arith.mulf %get3A_630, %get3A_76 : vector<16xf32>
      %mul3A_657 = arith.mulf %get3A_633, %get3A_78 : vector<16xf32>
      %mul3A_658 = arith.mulf %get3A_636, %get3A_80 : vector<16xf32>
      %mul3A_659 = arith.mulf %get3A_639, %get3A_82 : vector<16xf32>
      %mul3A_660 = arith.mulf %get3A_642, %get3A_84 : vector<16xf32>
      %mul3A_661 = arith.mulf %get3A_645, %get3A_86 : vector<16xf32>
      %add3A_662 = arith.addf %mul3A_646, %mul3A_647 : vector<16xf32>
      %add3A_663 = arith.addf %mul3A_648, %mul3A_649 : vector<16xf32>
      %add3A_664 = arith.addf %mul3A_650, %mul3A_651 : vector<16xf32>
      %add3A_665 = arith.addf %mul3A_652, %mul3A_653 : vector<16xf32>
      %add3A_666 = arith.addf %mul3A_654, %mul3A_655 : vector<16xf32>
      %add3A_667 = arith.addf %mul3A_656, %mul3A_657 : vector<16xf32>
      %add3A_668 = arith.addf %mul3A_658, %mul3A_659 : vector<16xf32>
      %add3A_669 = arith.addf %mul3A_660, %mul3A_661 : vector<16xf32>
      %add3A_670 = arith.addf %add3A_662, %add3A_663 : vector<16xf32>
      %add3A_671 = arith.addf %add3A_664, %add3A_665 : vector<16xf32>
      %add3A_672 = arith.addf %add3A_666, %add3A_667 : vector<16xf32>
      %add3A_673 = arith.addf %add3A_668, %add3A_669 : vector<16xf32>
      %add3A_674 = arith.addf %add3A_670, %add3A_671 : vector<16xf32>
      %add3A_675 = arith.addf %add3A_672, %add3A_673 : vector<16xf32>
      %add3A_676 = arith.addf %add3A_674, %add3A_675 : vector<16xf32>
      %broadcast_in_dim3A_677 = vector.shape_cast %and3A_5 : vector<16xi32> to vector<16x1xi32>
      %gather3A_678 = vector.shape_cast %broadcast_in_dim3A_677 : vector<16x1xi32> to vector<16xi32>
      %gather3A_679 = tpu.dynamic_gather %add3A_676[%gather3A_678] in [0] : vector<16xf32>, vector<16xi32> -> vector<16xf32>
      %add3A_680 = arith.addf %add3A_676, %gather3A_679 : vector<16xf32>
      %broadcast_in_dim3A_681 = vector.shape_cast %and3A_11 : vector<16xi32> to vector<16x1xi32>
      %gather3A_682 = vector.shape_cast %broadcast_in_dim3A_681 : vector<16x1xi32> to vector<16xi32>
      %gather3A_683 = tpu.dynamic_gather %add3A_680[%gather3A_682] in [0] : vector<16xf32>, vector<16xi32> -> vector<16xf32>
      %add3A_684 = arith.addf %add3A_680, %gather3A_683 : vector<16xf32>
      %broadcast_in_dim3A_685 = vector.shape_cast %and3A_17 : vector<16xi32> to vector<16x1xi32>
      %gather3A_686 = vector.shape_cast %broadcast_in_dim3A_685 : vector<16x1xi32> to vector<16xi32>
      %gather3A_687 = tpu.dynamic_gather %add3A_684[%gather3A_686] in [0] : vector<16xf32>, vector<16xi32> -> vector<16xf32>
      %add3A_688 = arith.addf %add3A_684, %gather3A_687 : vector<16xf32>
      %broadcast_in_dim3A_689 = vector.shape_cast %and3A_23 : vector<16xi32> to vector<16x1xi32>
      %gather3A_690 = vector.shape_cast %broadcast_in_dim3A_689 : vector<16x1xi32> to vector<16xi32>
      %gather3A_691 = tpu.dynamic_gather %add3A_688[%gather3A_690] in [0] : vector<16xf32>, vector<16xi32> -> vector<16xf32>
      %add3A_692 = arith.addf %add3A_688, %gather3A_691 : vector<16xf32>
      %add3A_693 = arith.constant 0 : i32
      %add3A_694 = arith.addi %add3A_693, %add3A_597 : i32
      %broadcast_in_dim3A_695 = vector.broadcast %add3A_694 : i32 to vector<16xi32>
      %gather3A_696 = tpu.vector_load_idx %arg9[%broadcast_in_dim3A_695] : memref<256xf32, #tpu.memory_space<vmem>>[vector<16xi32>], vector<16xf32>,
      %add3A_697 = arith.addf %add3A_692, %gather3A_696 : vector<16xf32>
      %exp3A_698 = math.exp %add3A_697 : vector<16xf32>
      %mul3A_699 = arith.constant 4 : i32
      %mul3A_700 = arith.muli %scan3A_368, %mul3A_699 : i32
      %add3A_701 = arith.constant 3 : i32
      %add3A_702 = arith.addi %mul3A_700, %add3A_701 : i32
      %get3A_703 = arith.index_cast %add3A_702 : i32 to index
      %get3A_704 = arith.constant 0 : index
      %get3A_705 = tpu.vector_load %arg6[%get3A_703, %get3A_704] {strides = array<i32>} : memref<128x256xf32, #tpu.memory_space<vmem>>, vector<16xf32>,
      %get3A_706 = arith.index_cast %add3A_702 : i32 to index
      %get3A_707 = arith.constant 16 : index
      %get3A_708 = tpu.vector_load %arg6[%get3A_706, %get3A_707] {strides = array<i32>} : memref<128x256xf32, #tpu.memory_space<vmem>>, vector<16xf32>,
      %get3A_709 = arith.index_cast %add3A_702 : i32 to index
      %get3A_710 = arith.constant 32 : index
      %get3A_711 = tpu.vector_load %arg6[%get3A_709, %get3A_710] {strides = array<i32>} : memref<128x256xf32, #tpu.memory_space<vmem>>, vector<16xf32>,
      %get3A_712 = arith.index_cast %add3A_702 : i32 to index
      %get3A_713 = arith.constant 48 : index
      %get3A_714 = tpu.vector_load %arg6[%get3A_712, %get3A_713] {strides = array<i32>} : memref<128x256xf32, #tpu.memory_space<vmem>>, vector<16xf32>,
      %get3A_715 = arith.index_cast %add3A_702 : i32 to index
      %get3A_716 = arith.constant 64 : index
      %get3A_717 = tpu.vector_load %arg6[%get3A_715, %get3A_716] {strides = array<i32>} : memref<128x256xf32, #tpu.memory_space<vmem>>, vector<16xf32>,
      %get3A_718 = arith.index_cast %add3A_702 : i32 to index
      %get3A_719 = arith.constant 80 : index
      %get3A_720 = tpu.vector_load %arg6[%get3A_718, %get3A_719] {strides = array<i32>} : memref<128x256xf32, #tpu.memory_space<vmem>>, vector<16xf32>,
      %get3A_721 = arith.index_cast %add3A_702 : i32 to index
      %get3A_722 = arith.constant 96 : index
      %get3A_723 = tpu.vector_load %arg6[%get3A_721, %get3A_722] {strides = array<i32>} : memref<128x256xf32, #tpu.memory_space<vmem>>, vector<16xf32>,
      %get3A_724 = arith.index_cast %add3A_702 : i32 to index
      %get3A_725 = arith.constant 112 : index
      %get3A_726 = tpu.vector_load %arg6[%get3A_724, %get3A_725] {strides = array<i32>} : memref<128x256xf32, #tpu.memory_space<vmem>>, vector<16xf32>,
      %get3A_727 = arith.index_cast %add3A_702 : i32 to index
      %get3A_728 = arith.constant 128 : index
      %get3A_729 = tpu.vector_load %arg6[%get3A_727, %get3A_728] {strides = array<i32>} : memref<128x256xf32, #tpu.memory_space<vmem>>, vector<16xf32>,
      %get3A_730 = arith.index_cast %add3A_702 : i32 to index
      %get3A_731 = arith.constant 144 : index
      %get3A_732 = tpu.vector_load %arg6[%get3A_730, %get3A_731] {strides = array<i32>} : memref<128x256xf32, #tpu.memory_space<vmem>>, vector<16xf32>,
      %get3A_733 = arith.index_cast %add3A_702 : i32 to index
      %get3A_734 = arith.constant 160 : index
      %get3A_735 = tpu.vector_load %arg6[%get3A_733, %get3A_734] {strides = array<i32>} : memref<128x256xf32, #tpu.memory_space<vmem>>, vector<16xf32>,
      %get3A_736 = arith.index_cast %add3A_702 : i32 to index
      %get3A_737 = arith.constant 176 : index
      %get3A_738 = tpu.vector_load %arg6[%get3A_736, %get3A_737] {strides = array<i32>} : memref<128x256xf32, #tpu.memory_space<vmem>>, vector<16xf32>,
      %get3A_739 = arith.index_cast %add3A_702 : i32 to index
      %get3A_740 = arith.constant 192 : index
      %get3A_741 = tpu.vector_load %arg6[%get3A_739, %get3A_740] {strides = array<i32>} : memref<128x256xf32, #tpu.memory_space<vmem>>, vector<16xf32>,
      %get3A_742 = arith.index_cast %add3A_702 : i32 to index
      %get3A_743 = arith.constant 208 : index
      %get3A_744 = tpu.vector_load %arg6[%get3A_742, %get3A_743] {strides = array<i32>} : memref<128x256xf32, #tpu.memory_space<vmem>>, vector<16xf32>,
      %get3A_745 = arith.index_cast %add3A_702 : i32 to index
      %get3A_746 = arith.constant 224 : index
      %get3A_747 = tpu.vector_load %arg6[%get3A_745, %get3A_746] {strides = array<i32>} : memref<128x256xf32, #tpu.memory_space<vmem>>, vector<16xf32>,
      %get3A_748 = arith.index_cast %add3A_702 : i32 to index
      %get3A_749 = arith.constant 240 : index
      %get3A_750 = tpu.vector_load %arg6[%get3A_748, %get3A_749] {strides = array<i32>} : memref<128x256xf32, #tpu.memory_space<vmem>>, vector<16xf32>,
      %mul3A_751 = arith.mulf %get3A_705, %get3A_56 : vector<16xf32>
      %mul3A_752 = arith.mulf %get3A_708, %get3A_58 : vector<16xf32>
      %mul3A_753 = arith.mulf %get3A_711, %get3A_60 : vector<16xf32>
      %mul3A_754 = arith.mulf %get3A_714, %get3A_62 : vector<16xf32>
      %mul3A_755 = arith.mulf %get3A_717, %get3A_64 : vector<16xf32>
      %mul3A_756 = arith.mulf %get3A_720, %get3A_66 : vector<16xf32>
      %mul3A_757 = arith.mulf %get3A_723, %get3A_68 : vector<16xf32>
      %mul3A_758 = arith.mulf %get3A_726, %get3A_70 : vector<16xf32>
      %mul3A_759 = arith.mulf %get3A_729, %get3A_72 : vector<16xf32>
      %mul3A_760 = arith.mulf %get3A_732, %get3A_74 : vector<16xf32>
      %mul3A_761 = arith.mulf %get3A_735, %get3A_76 : vector<16xf32>
      %mul3A_762 = arith.mulf %get3A_738, %get3A_78 : vector<16xf32>
      %mul3A_763 = arith.mulf %get3A_741, %get3A_80 : vector<16xf32>
      %mul3A_764 = arith.mulf %get3A_744, %get3A_82 : vector<16xf32>
      %mul3A_765 = arith.mulf %get3A_747, %get3A_84 : vector<16xf32>
      %mul3A_766 = arith.mulf %get3A_750, %get3A_86 : vector<16xf32>
      %add3A_767 = arith.addf %mul3A_751, %mul3A_752 : vector<16xf32>
      %add3A_768 = arith.addf %mul3A_753, %mul3A_754 : vector<16xf32>
      %add3A_769 = arith.addf %mul3A_755, %mul3A_756 : vector<16xf32>
      %add3A_770 = arith.addf %mul3A_757, %mul3A_758 : vector<16xf32>
      %add3A_771 = arith.addf %mul3A_759, %mul3A_760 : vector<16xf32>
      %add3A_772 = arith.addf %mul3A_761, %mul3A_762 : vector<16xf32>
      %add3A_773 = arith.addf %mul3A_763, %mul3A_764 : vector<16xf32>
      %add3A_774 = arith.addf %mul3A_765, %mul3A_766 : vector<16xf32>
      %add3A_775 = arith.addf %add3A_767, %add3A_768 : vector<16xf32>
      %add3A_776 = arith.addf %add3A_769, %add3A_770 : vector<16xf32>
      %add3A_777 = arith.addf %add3A_771, %add3A_772 : vector<16xf32>
      %add3A_778 = arith.addf %add3A_773, %add3A_774 : vector<16xf32>
      %add3A_779 = arith.addf %add3A_775, %add3A_776 : vector<16xf32>
      %add3A_780 = arith.addf %add3A_777, %add3A_778 : vector<16xf32>
      %add3A_781 = arith.addf %add3A_779, %add3A_780 : vector<16xf32>
      %broadcast_in_dim3A_782 = vector.shape_cast %and3A_5 : vector<16xi32> to vector<16x1xi32>
      %gather3A_783 = vector.shape_cast %broadcast_in_dim3A_782 : vector<16x1xi32> to vector<16xi32>
      %gather3A_784 = tpu.dynamic_gather %add3A_781[%gather3A_783] in [0] : vector<16xf32>, vector<16xi32> -> vector<16xf32>
      %add3A_785 = arith.addf %add3A_781, %gather3A_784 : vector<16xf32>
      %broadcast_in_dim3A_786 = vector.shape_cast %and3A_11 : vector<16xi32> to vector<16x1xi32>
      %gather3A_787 = vector.shape_cast %broadcast_in_dim3A_786 : vector<16x1xi32> to vector<16xi32>
      %gather3A_788 = tpu.dynamic_gather %add3A_785[%gather3A_787] in [0] : vector<16xf32>, vector<16xi32> -> vector<16xf32>
      %add3A_789 = arith.addf %add3A_785, %gather3A_788 : vector<16xf32>
      %broadcast_in_dim3A_790 = vector.shape_cast %and3A_17 : vector<16xi32> to vector<16x1xi32>
      %gather3A_791 = vector.shape_cast %broadcast_in_dim3A_790 : vector<16x1xi32> to vector<16xi32>
      %gather3A_792 = tpu.dynamic_gather %add3A_789[%gather3A_791] in [0] : vector<16xf32>, vector<16xi32> -> vector<16xf32>
      %add3A_793 = arith.addf %add3A_789, %gather3A_792 : vector<16xf32>
      %broadcast_in_dim3A_794 = vector.shape_cast %and3A_23 : vector<16xi32> to vector<16x1xi32>
      %gather3A_795 = vector.shape_cast %broadcast_in_dim3A_794 : vector<16x1xi32> to vector<16xi32>
      %gather3A_796 = tpu.dynamic_gather %add3A_793[%gather3A_795] in [0] : vector<16xf32>, vector<16xi32> -> vector<16xf32>
      %add3A_797 = arith.addf %add3A_793, %gather3A_796 : vector<16xf32>
      %add3A_798 = arith.constant 0 : i32
      %add3A_799 = arith.addi %add3A_798, %add3A_702 : i32
      %broadcast_in_dim3A_800 = vector.broadcast %add3A_799 : i32 to vector<16xi32>
      %gather3A_801 = tpu.vector_load_idx %arg9[%broadcast_in_dim3A_800] : memref<256xf32, #tpu.memory_space<vmem>>[vector<16xi32>], vector<16xf32>,
      %add3A_802 = arith.addf %add3A_797, %gather3A_801 : vector<16xf32>
      %exp3A_803 = math.exp %add3A_802 : vector<16xf32>
      %add3A_804 = arith.addf %scan3A_369, %exp3A : vector<16xf32>
      %mul3A_805 = arith.mulf %exp3A, %get3A_392 : vector<16xf32>
      %add3A_806 = arith.addf %scan3A_370, %mul3A_805 : vector<16xf32>
      %mul3A_807 = arith.mulf %exp3A, %get3A_395 : vector<16xf32>
      %add3A_808 = arith.addf %scan3A_371, %mul3A_807 : vector<16xf32>
      %mul3A_809 = arith.mulf %exp3A, %get3A_398 : vector<16xf32>
      %add3A_810 = arith.addf %scan3A_372, %mul3A_809 : vector<16xf32>
      %mul3A_811 = arith.mulf %exp3A, %get3A_401 : vector<16xf32>
      %add3A_812 = arith.addf %scan3A_373, %mul3A_811 : vector<16xf32>
      %mul3A_813 = arith.mulf %exp3A, %get3A_404 : vector<16xf32>
      %add3A_814 = arith.addf %scan3A_374, %mul3A_813 : vector<16xf32>
      %mul3A_815 = arith.mulf %exp3A, %get3A_407 : vector<16xf32>
      %add3A_816 = arith.addf %scan3A_375, %mul3A_815 : vector<16xf32>
      %mul3A_817 = arith.mulf %exp3A, %get3A_410 : vector<16xf32>
      %add3A_818 = arith.addf %scan3A_376, %mul3A_817 : vector<16xf32>
      %mul3A_819 = arith.mulf %exp3A, %get3A_413 : vector<16xf32>
      %add3A_820 = arith.addf %scan3A_377, %mul3A_819 : vector<16xf32>
      %mul3A_821 = arith.mulf %exp3A, %get3A_416 : vector<16xf32>
      %add3A_822 = arith.addf %scan3A_378, %mul3A_821 : vector<16xf32>
      %mul3A_823 = arith.mulf %exp3A, %get3A_419 : vector<16xf32>
      %add3A_824 = arith.addf %scan3A_379, %mul3A_823 : vector<16xf32>
      %mul3A_825 = arith.mulf %exp3A, %get3A_422 : vector<16xf32>
      %add3A_826 = arith.addf %scan3A_380, %mul3A_825 : vector<16xf32>
      %mul3A_827 = arith.mulf %exp3A, %get3A_425 : vector<16xf32>
      %add3A_828 = arith.addf %scan3A_381, %mul3A_827 : vector<16xf32>
      %mul3A_829 = arith.mulf %exp3A, %get3A_428 : vector<16xf32>
      %add3A_830 = arith.addf %scan3A_382, %mul3A_829 : vector<16xf32>
      %mul3A_831 = arith.mulf %exp3A, %get3A_431 : vector<16xf32>
      %add3A_832 = arith.addf %scan3A_383, %mul3A_831 : vector<16xf32>
      %mul3A_833 = arith.mulf %exp3A, %get3A_434 : vector<16xf32>
      %add3A_834 = arith.addf %scan3A_384, %mul3A_833 : vector<16xf32>
      %mul3A_835 = arith.mulf %exp3A, %get3A_437 : vector<16xf32>
      %add3A_836 = arith.addf %scan3A_385, %mul3A_835 : vector<16xf32>
      %add3A_837 = arith.addf %add3A_804, %exp3A_593 : vector<16xf32>
      %mul3A_838 = arith.mulf %exp3A_593, %get3A_495 : vector<16xf32>
      %add3A_839 = arith.addf %add3A_806, %mul3A_838 : vector<16xf32>
      %mul3A_840 = arith.mulf %exp3A_593, %get3A_498 : vector<16xf32>
      %add3A_841 = arith.addf %add3A_808, %mul3A_840 : vector<16xf32>
      %mul3A_842 = arith.mulf %exp3A_593, %get3A_501 : vector<16xf32>
      %add3A_843 = arith.addf %add3A_810, %mul3A_842 : vector<16xf32>
      %mul3A_844 = arith.mulf %exp3A_593, %get3A_504 : vector<16xf32>
      %add3A_845 = arith.addf %add3A_812, %mul3A_844 : vector<16xf32>
      %mul3A_846 = arith.mulf %exp3A_593, %get3A_507 : vector<16xf32>
      %add3A_847 = arith.addf %add3A_814, %mul3A_846 : vector<16xf32>
      %mul3A_848 = arith.mulf %exp3A_593, %get3A_510 : vector<16xf32>
      %add3A_849 = arith.addf %add3A_816, %mul3A_848 : vector<16xf32>
      %mul3A_850 = arith.mulf %exp3A_593, %get3A_513 : vector<16xf32>
      %add3A_851 = arith.addf %add3A_818, %mul3A_850 : vector<16xf32>
      %mul3A_852 = arith.mulf %exp3A_593, %get3A_516 : vector<16xf32>
      %add3A_853 = arith.addf %add3A_820, %mul3A_852 : vector<16xf32>
      %mul3A_854 = arith.mulf %exp3A_593, %get3A_519 : vector<16xf32>
      %add3A_855 = arith.addf %add3A_822, %mul3A_854 : vector<16xf32>
      %mul3A_856 = arith.mulf %exp3A_593, %get3A_522 : vector<16xf32>
      %add3A_857 = arith.addf %add3A_824, %mul3A_856 : vector<16xf32>
      %mul3A_858 = arith.mulf %exp3A_593, %get3A_525 : vector<16xf32>
      %add3A_859 = arith.addf %add3A_826, %mul3A_858 : vector<16xf32>
      %mul3A_860 = arith.mulf %exp3A_593, %get3A_528 : vector<16xf32>
      %add3A_861 = arith.addf %add3A_828, %mul3A_860 : vector<16xf32>
      %mul3A_862 = arith.mulf %exp3A_593, %get3A_531 : vector<16xf32>
      %add3A_863 = arith.addf %add3A_830, %mul3A_862 : vector<16xf32>
      %mul3A_864 = arith.mulf %exp3A_593, %get3A_534 : vector<16xf32>
      %add3A_865 = arith.addf %add3A_832, %mul3A_864 : vector<16xf32>
      %mul3A_866 = arith.mulf %exp3A_593, %get3A_537 : vector<16xf32>
      %add3A_867 = arith.addf %add3A_834, %mul3A_866 : vector<16xf32>
      %mul3A_868 = arith.mulf %exp3A_593, %get3A_540 : vector<16xf32>
      %add3A_869 = arith.addf %add3A_836, %mul3A_868 : vector<16xf32>
      %add3A_870 = arith.addf %add3A_837, %exp3A_698 : vector<16xf32>
      %mul3A_871 = arith.mulf %exp3A_698, %get3A_600 : vector<16xf32>
      %add3A_872 = arith.addf %add3A_839, %mul3A_871 : vector<16xf32>
      %mul3A_873 = arith.mulf %exp3A_698, %get3A_603 : vector<16xf32>
      %add3A_874 = arith.addf %add3A_841, %mul3A_873 : vector<16xf32>
      %mul3A_875 = arith.mulf %exp3A_698, %get3A_606 : vector<16xf32>
      %add3A_876 = arith.addf %add3A_843, %mul3A_875 : vector<16xf32>
      %mul3A_877 = arith.mulf %exp3A_698, %get3A_609 : vector<16xf32>
      %add3A_878 = arith.addf %add3A_845, %mul3A_877 : vector<16xf32>
      %mul3A_879 = arith.mulf %exp3A_698, %get3A_612 : vector<16xf32>
      %add3A_880 = arith.addf %add3A_847, %mul3A_879 : vector<16xf32>
      %mul3A_881 = arith.mulf %exp3A_698, %get3A_615 : vector<16xf32>
      %add3A_882 = arith.addf %add3A_849, %mul3A_881 : vector<16xf32>
      %mul3A_883 = arith.mulf %exp3A_698, %get3A_618 : vector<16xf32>
      %add3A_884 = arith.addf %add3A_851, %mul3A_883 : vector<16xf32>
      %mul3A_885 = arith.mulf %exp3A_698, %get3A_621 : vector<16xf32>
      %add3A_886 = arith.addf %add3A_853, %mul3A_885 : vector<16xf32>
      %mul3A_887 = arith.mulf %exp3A_698, %get3A_624 : vector<16xf32>
      %add3A_888 = arith.addf %add3A_855, %mul3A_887 : vector<16xf32>
      %mul3A_889 = arith.mulf %exp3A_698, %get3A_627 : vector<16xf32>
      %add3A_890 = arith.addf %add3A_857, %mul3A_889 : vector<16xf32>
      %mul3A_891 = arith.mulf %exp3A_698, %get3A_630 : vector<16xf32>
      %add3A_892 = arith.addf %add3A_859, %mul3A_891 : vector<16xf32>
      %mul3A_893 = arith.mulf %exp3A_698, %get3A_633 : vector<16xf32>
      %add3A_894 = arith.addf %add3A_861, %mul3A_893 : vector<16xf32>
      %mul3A_895 = arith.mulf %exp3A_698, %get3A_636 : vector<16xf32>
      %add3A_896 = arith.addf %add3A_863, %mul3A_895 : vector<16xf32>
      %mul3A_897 = arith.mulf %exp3A_698, %get3A_639 : vector<16xf32>
      %add3A_898 = arith.addf %add3A_865, %mul3A_897 : vector<16xf32>
      %mul3A_899 = arith.mulf %exp3A_698, %get3A_642 : vector<16xf32>
      %add3A_900 = arith.addf %add3A_867, %mul3A_899 : vector<16xf32>
      %mul3A_901 = arith.mulf %exp3A_698, %get3A_645 : vector<16xf32>
      %add3A_902 = arith.addf %add3A_869, %mul3A_901 : vector<16xf32>
      %add3A_903 = arith.addf %add3A_870, %exp3A_803 : vector<16xf32>
      %mul3A_904 = arith.mulf %exp3A_803, %get3A_705 : vector<16xf32>
      %add3A_905 = arith.addf %add3A_872, %mul3A_904 : vector<16xf32>
      %mul3A_906 = arith.mulf %exp3A_803, %get3A_708 : vector<16xf32>
      %add3A_907 = arith.addf %add3A_874, %mul3A_906 : vector<16xf32>
      %mul3A_908 = arith.mulf %exp3A_803, %get3A_711 : vector<16xf32>
      %add3A_909 = arith.addf %add3A_876, %mul3A_908 : vector<16xf32>
      %mul3A_910 = arith.mulf %exp3A_803, %get3A_714 : vector<16xf32>
      %add3A_911 = arith.addf %add3A_878, %mul3A_910 : vector<16xf32>
      %mul3A_912 = arith.mulf %exp3A_803, %get3A_717 : vector<16xf32>
      %add3A_913 = arith.addf %add3A_880, %mul3A_912 : vector<16xf32>
      %mul3A_914 = arith.mulf %exp3A_803, %get3A_720 : vector<16xf32>
      %add3A_915 = arith.addf %add3A_882, %mul3A_914 : vector<16xf32>
      %mul3A_916 = arith.mulf %exp3A_803, %get3A_723 : vector<16xf32>
      %add3A_917 = arith.addf %add3A_884, %mul3A_916 : vector<16xf32>
      %mul3A_918 = arith.mulf %exp3A_803, %get3A_726 : vector<16xf32>
      %add3A_919 = arith.addf %add3A_886, %mul3A_918 : vector<16xf32>
      %mul3A_920 = arith.mulf %exp3A_803, %get3A_729 : vector<16xf32>
      %add3A_921 = arith.addf %add3A_888, %mul3A_920 : vector<16xf32>
      %mul3A_922 = arith.mulf %exp3A_803, %get3A_732 : vector<16xf32>
      %add3A_923 = arith.addf %add3A_890, %mul3A_922 : vector<16xf32>
      %mul3A_924 = arith.mulf %exp3A_803, %get3A_735 : vector<16xf32>
      %add3A_925 = arith.addf %add3A_892, %mul3A_924 : vector<16xf32>
      %mul3A_926 = arith.mulf %exp3A_803, %get3A_738 : vector<16xf32>
      %add3A_927 = arith.addf %add3A_894, %mul3A_926 : vector<16xf32>
      %mul3A_928 = arith.mulf %exp3A_803, %get3A_741 : vector<16xf32>
      %add3A_929 = arith.addf %add3A_896, %mul3A_928 : vector<16xf32>
      %mul3A_930 = arith.mulf %exp3A_803, %get3A_744 : vector<16xf32>
      %add3A_931 = arith.addf %add3A_898, %mul3A_930 : vector<16xf32>
      %mul3A_932 = arith.mulf %exp3A_803, %get3A_747 : vector<16xf32>
      %add3A_933 = arith.addf %add3A_900, %mul3A_932 : vector<16xf32>
      %mul3A_934 = arith.mulf %exp3A_803, %get3A_750 : vector<16xf32>
      %add3A_935 = arith.addf %add3A_902, %mul3A_934 : vector<16xf32>
      scf.yield %add3A_903, %add3A_905, %add3A_907, %add3A_909, %add3A_911, %add3A_913, %add3A_915, %add3A_917, %add3A_919, %add3A_921, %add3A_923, %add3A_925, %add3A_927, %add3A_929, %add3A_931, %add3A_933, %add3A_935 : vector<16xf32>, vector<16xf32>, vector<16xf32>, vector<16xf32>, vector<16xf32>, vector<16xf32>, vector<16xf32>, vector<16xf32>, vector<16xf32>, vector<16xf32>, vector<16xf32>, vector<16xf32>, vector<16xf32>, vector<16xf32>, vector<16xf32>, vector<16xf32>, vector<16xf32>
    }
    %scan3A_91 = arith.constant 32 : i32
    %dma_wait3A_92 = arith.constant 0 : i32
    %dma_wait3A_93 = arith.constant 128 : i32
    %dma_wait3A_94 = arith.constant 0 : i32
    %dma_wait3A_95 = tpu.memref_slice %arg2[%dma_wait3A_92, %add3A_29, %dma_wait3A_93, %dma_wait3A_94] : memref<1x256x256x256xf32, #tpu.memory_space<hbm>> -> memref<1x1x128x256xf32, #tpu.memory_space<hbm>>
    %dma_wait3A_96 = tpu.memref_squeeze %dma_wait3A_95 : memref<1x1x128x256xf32, #tpu.memory_space<hbm>> -> memref<128x256xf32, #tpu.memory_space<hbm>>
    %dma_wait3A_97 = arith.constant 128 : i32
    %dma_wait3A_98 = arith.constant 0 : i32
    %dma_wait3A_99 = tpu.memref_slice %arg2[%dma_wait3A_92, %add3A_29, %dma_wait3A_97, %dma_wait3A_98] : memref<1x256x256x256xf32, #tpu.memory_space<hbm>> -> memref<1x1x128x256xf32, #tpu.memory_space<hbm>>
    %dma_wait3A_100 = tpu.memref_squeeze %dma_wait3A_99 : memref<1x1x128x256xf32, #tpu.memory_space<hbm>> -> memref<128x256xf32, #tpu.memory_space<hbm>>
    tpu.wait_dma2 semaphore(%arg12 : memref<!tpu.dma_semaphore, #tpu.memory_space<semaphore_mem>>) src(%dma_wait3A_100 : memref<128x256xf32, #tpu.memory_space<hbm>>) dst(%arg7 : memref<128x256xf32, #tpu.memory_space<vmem>>)
    %get3A_101 = arith.constant 0 : index
    %get3A_102 = tpu.vector_load %arg8[%get3A_101] {strides = array<i32>} : memref<256xf32, #tpu.memory_space<vmem>>, vector<16xf32>,
    %get3A_103 = arith.constant 16 : index
    %get3A_104 = tpu.vector_load %arg8[%get3A_103] {strides = array<i32>} : memref<256xf32, #tpu.memory_space<vmem>>, vector<16xf32>,
    %get3A_105 = arith.constant 32 : index
    %get3A_106 = tpu.vector_load %arg8[%get3A_105] {strides = array<i32>} : memref<256xf32, #tpu.memory_space<vmem>>, vector<16xf32>,
    %get3A_107 = arith.constant 48 : index
    %get3A_108 = tpu.vector_load %arg8[%get3A_107] {strides = array<i32>} : memref<256xf32, #tpu.memory_space<vmem>>, vector<16xf32>,
    %get3A_109 = arith.constant 64 : index
    %get3A_110 = tpu.vector_load %arg8[%get3A_109] {strides = array<i32>} : memref<256xf32, #tpu.memory_space<vmem>>, vector<16xf32>,
    %get3A_111 = arith.constant 80 : index
    %get3A_112 = tpu.vector_load %arg8[%get3A_111] {strides = array<i32>} : memref<256xf32, #tpu.memory_space<vmem>>, vector<16xf32>,
    %get3A_113 = arith.constant 96 : index
    %get3A_114 = tpu.vector_load %arg8[%get3A_113] {strides = array<i32>} : memref<256xf32, #tpu.memory_space<vmem>>, vector<16xf32>,
    %get3A_115 = arith.constant 112 : index
    %get3A_116 = tpu.vector_load %arg8[%get3A_115] {strides = array<i32>} : memref<256xf32, #tpu.memory_space<vmem>>, vector<16xf32>,
    %get3A_117 = arith.constant 128 : index
    %get3A_118 = tpu.vector_load %arg8[%get3A_117] {strides = array<i32>} : memref<256xf32, #tpu.memory_space<vmem>>, vector<16xf32>,
    %get3A_119 = arith.constant 144 : index
    %get3A_120 = tpu.vector_load %arg8[%get3A_119] {strides = array<i32>} : memref<256xf32, #tpu.memory_space<vmem>>, vector<16xf32>,
    %get3A_121 = arith.constant 160 : index
    %get3A_122 = tpu.vector_load %arg8[%get3A_121] {strides = array<i32>} : memref<256xf32, #tpu.memory_space<vmem>>, vector<16xf32>,
    %get3A_123 = arith.constant 176 : index
    %get3A_124 = tpu.vector_load %arg8[%get3A_123] {strides = array<i32>} : memref<256xf32, #tpu.memory_space<vmem>>, vector<16xf32>,
    %get3A_125 = arith.constant 192 : index
    %get3A_126 = tpu.vector_load %arg8[%get3A_125] {strides = array<i32>} : memref<256xf32, #tpu.memory_space<vmem>>, vector<16xf32>,
    %get3A_127 = arith.constant 208 : index
    %get3A_128 = tpu.vector_load %arg8[%get3A_127] {strides = array<i32>} : memref<256xf32, #tpu.memory_space<vmem>>, vector<16xf32>,
    %get3A_129 = arith.constant 224 : index
    %get3A_130 = tpu.vector_load %arg8[%get3A_129] {strides = array<i32>} : memref<256xf32, #tpu.memory_space<vmem>>, vector<16xf32>,
    %get3A_131 = arith.constant 240 : index
    %get3A_132 = tpu.vector_load %arg8[%get3A_131] {strides = array<i32>} : memref<256xf32, #tpu.memory_space<vmem>>, vector<16xf32>,
    %scan3A_133 = arith.constant 0 : i32
    %scan3A_134 = arith.constant 32 : i32
    %scan3A_135 = arith.addi %scan3A_133, %scan3A_134 : i32
    %scan3A_136 = arith.constant 1 : i32
    %scan3A_137:17 = scf.for %scan3A_368 = %scan3A_133 to %scan3A_135 step %scan3A_136 iter_args(%scan3A_369 = %scan3A_90#0, %scan3A_370 = %scan3A_90#1, %scan3A_371 = %scan3A_90#2, %scan3A_372 = %scan3A_90#3, %scan3A_373 = %scan3A_90#4, %scan3A_374 = %scan3A_90#5, %scan3A_375 = %scan3A_90#6, %scan3A_376 = %scan3A_90#7, %scan3A_377 = %scan3A_90#8, %scan3A_378 = %scan3A_90#9, %scan3A_379 = %scan3A_90#10, %scan3A_380 = %scan3A_90#11, %scan3A_381 = %scan3A_90#12, %scan3A_382 = %scan3A_90#13, %scan3A_383 = %scan3A_90#14, %scan3A_384 = %scan3A_90#15, %scan3A_385 = %scan3A_90#16) -> (vector<16xf32>, vector<16xf32>, vector<16xf32>, vector<16xf32>, vector<16xf32>, vector<16xf32>, vector<16xf32>, vector<16xf32>, vector<16xf32>, vector<16xf32>, vector<16xf32>, vector<16xf32>, vector<16xf32>, vector<16xf32>, vector<16xf32>, vector<16xf32>, vector<16xf32>)  : i32 {
      %mul3A_386 = arith.constant 4 : i32
      %mul3A_387 = arith.muli %scan3A_368, %mul3A_386 : i32
      %add3A_388 = arith.constant 0 : i32
      %add3A_389 = arith.addi %mul3A_387, %add3A_388 : i32
      %get3A_390 = arith.index_cast %add3A_389 : i32 to index
      %get3A_391 = arith.constant 0 : index
      %get3A_392 = tpu.vector_load %arg7[%get3A_390, %get3A_391] {strides = array<i32>} : memref<128x256xf32, #tpu.memory_space<vmem>>, vector<16xf32>,
      %get3A_393 = arith.index_cast %add3A_389 : i32 to index
      %get3A_394 = arith.constant 16 : index
      %get3A_395 = tpu.vector_load %arg7[%get3A_393, %get3A_394] {strides = array<i32>} : memref<128x256xf32, #tpu.memory_space<vmem>>, vector<16xf32>,
      %get3A_396 = arith.index_cast %add3A_389 : i32 to index
      %get3A_397 = arith.constant 32 : index
      %get3A_398 = tpu.vector_load %arg7[%get3A_396, %get3A_397] {strides = array<i32>} : memref<128x256xf32, #tpu.memory_space<vmem>>, vector<16xf32>,
      %get3A_399 = arith.index_cast %add3A_389 : i32 to index
      %get3A_400 = arith.constant 48 : index
      %get3A_401 = tpu.vector_load %arg7[%get3A_399, %get3A_400] {strides = array<i32>} : memref<128x256xf32, #tpu.memory_space<vmem>>, vector<16xf32>,
      %get3A_402 = arith.index_cast %add3A_389 : i32 to index
      %get3A_403 = arith.constant 64 : index
      %get3A_404 = tpu.vector_load %arg7[%get3A_402, %get3A_403] {strides = array<i32>} : memref<128x256xf32, #tpu.memory_space<vmem>>, vector<16xf32>,
      %get3A_405 = arith.index_cast %add3A_389 : i32 to index
      %get3A_406 = arith.constant 80 : index
      %get3A_407 = tpu.vector_load %arg7[%get3A_405, %get3A_406] {strides = array<i32>} : memref<128x256xf32, #tpu.memory_space<vmem>>, vector<16xf32>,
      %get3A_408 = arith.index_cast %add3A_389 : i32 to index
      %get3A_409 = arith.constant 96 : index
      %get3A_410 = tpu.vector_load %arg7[%get3A_408, %get3A_409] {strides = array<i32>} : memref<128x256xf32, #tpu.memory_space<vmem>>, vector<16xf32>,
      %get3A_411 = arith.index_cast %add3A_389 : i32 to index
      %get3A_412 = arith.constant 112 : index
      %get3A_413 = tpu.vector_load %arg7[%get3A_411, %get3A_412] {strides = array<i32>} : memref<128x256xf32, #tpu.memory_space<vmem>>, vector<16xf32>,
      %get3A_414 = arith.index_cast %add3A_389 : i32 to index
      %get3A_415 = arith.constant 128 : index
      %get3A_416 = tpu.vector_load %arg7[%get3A_414, %get3A_415] {strides = array<i32>} : memref<128x256xf32, #tpu.memory_space<vmem>>, vector<16xf32>,
      %get3A_417 = arith.index_cast %add3A_389 : i32 to index
      %get3A_418 = arith.constant 144 : index
      %get3A_419 = tpu.vector_load %arg7[%get3A_417, %get3A_418] {strides = array<i32>} : memref<128x256xf32, #tpu.memory_space<vmem>>, vector<16xf32>,
      %get3A_420 = arith.index_cast %add3A_389 : i32 to index
      %get3A_421 = arith.constant 160 : index
      %get3A_422 = tpu.vector_load %arg7[%get3A_420, %get3A_421] {strides = array<i32>} : memref<128x256xf32, #tpu.memory_space<vmem>>, vector<16xf32>,
      %get3A_423 = arith.index_cast %add3A_389 : i32 to index
      %get3A_424 = arith.constant 176 : index
      %get3A_425 = tpu.vector_load %arg7[%get3A_423, %get3A_424] {strides = array<i32>} : memref<128x256xf32, #tpu.memory_space<vmem>>, vector<16xf32>,
      %get3A_426 = arith.index_cast %add3A_389 : i32 to index
      %get3A_427 = arith.constant 192 : index
      %get3A_428 = tpu.vector_load %arg7[%get3A_426, %get3A_427] {strides = array<i32>} : memref<128x256xf32, #tpu.memory_space<vmem>>, vector<16xf32>,
      %get3A_429 = arith.index_cast %add3A_389 : i32 to index
      %get3A_430 = arith.constant 208 : index
      %get3A_431 = tpu.vector_load %arg7[%get3A_429, %get3A_430] {strides = array<i32>} : memref<128x256xf32, #tpu.memory_space<vmem>>, vector<16xf32>,
      %get3A_432 = arith.index_cast %add3A_389 : i32 to index
      %get3A_433 = arith.constant 224 : index
      %get3A_434 = tpu.vector_load %arg7[%get3A_432, %get3A_433] {strides = array<i32>} : memref<128x256xf32, #tpu.memory_space<vmem>>, vector<16xf32>,
      %get3A_435 = arith.index_cast %add3A_389 : i32 to index
      %get3A_436 = arith.constant 240 : index
      %get3A_437 = tpu.vector_load %arg7[%get3A_435, %get3A_436] {strides = array<i32>} : memref<128x256xf32, #tpu.memory_space<vmem>>, vector<16xf32>,
      %mul3A_438 = arith.mulf %get3A_392, %get3A_102 : vector<16xf32>
      %mul3A_439 = arith.mulf %get3A_395, %get3A_104 : vector<16xf32>
      %mul3A_440 = arith.mulf %get3A_398, %get3A_106 : vector<16xf32>
      %mul3A_441 = arith.mulf %get3A_401, %get3A_108 : vector<16xf32>
      %mul3A_442 = arith.mulf %get3A_404, %get3A_110 : vector<16xf32>
      %mul3A_443 = arith.mulf %get3A_407, %get3A_112 : vector<16xf32>
      %mul3A_444 = arith.mulf %get3A_410, %get3A_114 : vector<16xf32>
      %mul3A_445 = arith.mulf %get3A_413, %get3A_116 : vector<16xf32>
      %mul3A_446 = arith.mulf %get3A_416, %get3A_118 : vector<16xf32>
      %mul3A_447 = arith.mulf %get3A_419, %get3A_120 : vector<16xf32>
      %mul3A_448 = arith.mulf %get3A_422, %get3A_122 : vector<16xf32>
      %mul3A_449 = arith.mulf %get3A_425, %get3A_124 : vector<16xf32>
      %mul3A_450 = arith.mulf %get3A_428, %get3A_126 : vector<16xf32>
      %mul3A_451 = arith.mulf %get3A_431, %get3A_128 : vector<16xf32>
      %mul3A_452 = arith.mulf %get3A_434, %get3A_130 : vector<16xf32>
      %mul3A_453 = arith.mulf %get3A_437, %get3A_132 : vector<16xf32>
      %add3A_454 = arith.addf %mul3A_438, %mul3A_439 : vector<16xf32>
      %add3A_455 = arith.addf %mul3A_440, %mul3A_441 : vector<16xf32>
      %add3A_456 = arith.addf %mul3A_442, %mul3A_443 : vector<16xf32>
      %add3A_457 = arith.addf %mul3A_444, %mul3A_445 : vector<16xf32>
      %add3A_458 = arith.addf %mul3A_446, %mul3A_447 : vector<16xf32>
      %add3A_459 = arith.addf %mul3A_448, %mul3A_449 : vector<16xf32>
      %add3A_460 = arith.addf %mul3A_450, %mul3A_451 : vector<16xf32>
      %add3A_461 = arith.addf %mul3A_452, %mul3A_453 : vector<16xf32>
      %add3A_462 = arith.addf %add3A_454, %add3A_455 : vector<16xf32>
      %add3A_463 = arith.addf %add3A_456, %add3A_457 : vector<16xf32>
      %add3A_464 = arith.addf %add3A_458, %add3A_459 : vector<16xf32>
      %add3A_465 = arith.addf %add3A_460, %add3A_461 : vector<16xf32>
      %add3A_466 = arith.addf %add3A_462, %add3A_463 : vector<16xf32>
      %add3A_467 = arith.addf %add3A_464, %add3A_465 : vector<16xf32>
      %add3A_468 = arith.addf %add3A_466, %add3A_467 : vector<16xf32>
      %broadcast_in_dim3A_469 = vector.shape_cast %and3A_5 : vector<16xi32> to vector<16x1xi32>
      %gather3A = vector.shape_cast %broadcast_in_dim3A_469 : vector<16x1xi32> to vector<16xi32>
      %gather3A_470 = tpu.dynamic_gather %add3A_468[%gather3A] in [0] : vector<16xf32>, vector<16xi32> -> vector<16xf32>
      %add3A_471 = arith.addf %add3A_468, %gather3A_470 : vector<16xf32>
      %broadcast_in_dim3A_472 = vector.shape_cast %and3A_11 : vector<16xi32> to vector<16x1xi32>
      %gather3A_473 = vector.shape_cast %broadcast_in_dim3A_472 : vector<16x1xi32> to vector<16xi32>
      %gather3A_474 = tpu.dynamic_gather %add3A_471[%gather3A_473] in [0] : vector<16xf32>, vector<16xi32> -> vector<16xf32>
      %add3A_475 = arith.addf %add3A_471, %gather3A_474 : vector<16xf32>
      %broadcast_in_dim3A_476 = vector.shape_cast %and3A_17 : vector<16xi32> to vector<16x1xi32>
      %gather3A_477 = vector.shape_cast %broadcast_in_dim3A_476 : vector<16x1xi32> to vector<16xi32>
      %gather3A_478 = tpu.dynamic_gather %add3A_475[%gather3A_477] in [0] : vector<16xf32>, vector<16xi32> -> vector<16xf32>
      %add3A_479 = arith.addf %add3A_475, %gather3A_478 : vector<16xf32>
      %broadcast_in_dim3A_480 = vector.shape_cast %and3A_23 : vector<16xi32> to vector<16x1xi32>
      %gather3A_481 = vector.shape_cast %broadcast_in_dim3A_480 : vector<16x1xi32> to vector<16xi32>
      %gather3A_482 = tpu.dynamic_gather %add3A_479[%gather3A_481] in [0] : vector<16xf32>, vector<16xi32> -> vector<16xf32>
      %add3A_483 = arith.addf %add3A_479, %gather3A_482 : vector<16xf32>
      %add3A_484 = arith.constant 128 : i32
      %add3A_485 = arith.addi %add3A_484, %add3A_389 : i32
      %broadcast_in_dim3A_486 = vector.broadcast %add3A_485 : i32 to vector<16xi32>
      %gather3A_487 = tpu.vector_load_idx %arg9[%broadcast_in_dim3A_486] : memref<256xf32, #tpu.memory_space<vmem>>[vector<16xi32>], vector<16xf32>,
      %add3A_488 = arith.addf %add3A_483, %gather3A_487 : vector<16xf32>
      %exp3A = math.exp %add3A_488 : vector<16xf32>
      %mul3A_489 = arith.constant 4 : i32
      %mul3A_490 = arith.muli %scan3A_368, %mul3A_489 : i32
      %add3A_491 = arith.constant 1 : i32
      %add3A_492 = arith.addi %mul3A_490, %add3A_491 : i32
      %get3A_493 = arith.index_cast %add3A_492 : i32 to index
      %get3A_494 = arith.constant 0 : index
      %get3A_495 = tpu.vector_load %arg7[%get3A_493, %get3A_494] {strides = array<i32>} : memref<128x256xf32, #tpu.memory_space<vmem>>, vector<16xf32>,
      %get3A_496 = arith.index_cast %add3A_492 : i32 to index
      %get3A_497 = arith.constant 16 : index
      %get3A_498 = tpu.vector_load %arg7[%get3A_496, %get3A_497] {strides = array<i32>} : memref<128x256xf32, #tpu.memory_space<vmem>>, vector<16xf32>,
      %get3A_499 = arith.index_cast %add3A_492 : i32 to index
      %get3A_500 = arith.constant 32 : index
      %get3A_501 = tpu.vector_load %arg7[%get3A_499, %get3A_500] {strides = array<i32>} : memref<128x256xf32, #tpu.memory_space<vmem>>, vector<16xf32>,
      %get3A_502 = arith.index_cast %add3A_492 : i32 to index
      %get3A_503 = arith.constant 48 : index
      %get3A_504 = tpu.vector_load %arg7[%get3A_502, %get3A_503] {strides = array<i32>} : memref<128x256xf32, #tpu.memory_space<vmem>>, vector<16xf32>,
      %get3A_505 = arith.index_cast %add3A_492 : i32 to index
      %get3A_506 = arith.constant 64 : index
      %get3A_507 = tpu.vector_load %arg7[%get3A_505, %get3A_506] {strides = array<i32>} : memref<128x256xf32, #tpu.memory_space<vmem>>, vector<16xf32>,
      %get3A_508 = arith.index_cast %add3A_492 : i32 to index
      %get3A_509 = arith.constant 80 : index
      %get3A_510 = tpu.vector_load %arg7[%get3A_508, %get3A_509] {strides = array<i32>} : memref<128x256xf32, #tpu.memory_space<vmem>>, vector<16xf32>,
      %get3A_511 = arith.index_cast %add3A_492 : i32 to index
      %get3A_512 = arith.constant 96 : index
      %get3A_513 = tpu.vector_load %arg7[%get3A_511, %get3A_512] {strides = array<i32>} : memref<128x256xf32, #tpu.memory_space<vmem>>, vector<16xf32>,
      %get3A_514 = arith.index_cast %add3A_492 : i32 to index
      %get3A_515 = arith.constant 112 : index
      %get3A_516 = tpu.vector_load %arg7[%get3A_514, %get3A_515] {strides = array<i32>} : memref<128x256xf32, #tpu.memory_space<vmem>>, vector<16xf32>,
      %get3A_517 = arith.index_cast %add3A_492 : i32 to index
      %get3A_518 = arith.constant 128 : index
      %get3A_519 = tpu.vector_load %arg7[%get3A_517, %get3A_518] {strides = array<i32>} : memref<128x256xf32, #tpu.memory_space<vmem>>, vector<16xf32>,
      %get3A_520 = arith.index_cast %add3A_492 : i32 to index
      %get3A_521 = arith.constant 144 : index
      %get3A_522 = tpu.vector_load %arg7[%get3A_520, %get3A_521] {strides = array<i32>} : memref<128x256xf32, #tpu.memory_space<vmem>>, vector<16xf32>,
      %get3A_523 = arith.index_cast %add3A_492 : i32 to index
      %get3A_524 = arith.constant 160 : index
      %get3A_525 = tpu.vector_load %arg7[%get3A_523, %get3A_524] {strides = array<i32>} : memref<128x256xf32, #tpu.memory_space<vmem>>, vector<16xf32>,
      %get3A_526 = arith.index_cast %add3A_492 : i32 to index
      %get3A_527 = arith.constant 176 : index
      %get3A_528 = tpu.vector_load %arg7[%get3A_526, %get3A_527] {strides = array<i32>} : memref<128x256xf32, #tpu.memory_space<vmem>>, vector<16xf32>,
      %get3A_529 = arith.index_cast %add3A_492 : i32 to index
      %get3A_530 = arith.constant 192 : index
      %get3A_531 = tpu.vector_load %arg7[%get3A_529, %get3A_530] {strides = array<i32>} : memref<128x256xf32, #tpu.memory_space<vmem>>, vector<16xf32>,
      %get3A_532 = arith.index_cast %add3A_492 : i32 to index
      %get3A_533 = arith.constant 208 : index
      %get3A_534 = tpu.vector_load %arg7[%get3A_532, %get3A_533] {strides = array<i32>} : memref<128x256xf32, #tpu.memory_space<vmem>>, vector<16xf32>,
      %get3A_535 = arith.index_cast %add3A_492 : i32 to index
      %get3A_536 = arith.constant 224 : index
      %get3A_537 = tpu.vector_load %arg7[%get3A_535, %get3A_536] {strides = array<i32>} : memref<128x256xf32, #tpu.memory_space<vmem>>, vector<16xf32>,
      %get3A_538 = arith.index_cast %add3A_492 : i32 to index
      %get3A_539 = arith.constant 240 : index
      %get3A_540 = tpu.vector_load %arg7[%get3A_538, %get3A_539] {strides = array<i32>} : memref<128x256xf32, #tpu.memory_space<vmem>>, vector<16xf32>,
      %mul3A_541 = arith.mulf %get3A_495, %get3A_102 : vector<16xf32>
      %mul3A_542 = arith.mulf %get3A_498, %get3A_104 : vector<16xf32>
      %mul3A_543 = arith.mulf %get3A_501, %get3A_106 : vector<16xf32>
      %mul3A_544 = arith.mulf %get3A_504, %get3A_108 : vector<16xf32>
      %mul3A_545 = arith.mulf %get3A_507, %get3A_110 : vector<16xf32>
      %mul3A_546 = arith.mulf %get3A_510, %get3A_112 : vector<16xf32>
      %mul3A_547 = arith.mulf %get3A_513, %get3A_114 : vector<16xf32>
      %mul3A_548 = arith.mulf %get3A_516, %get3A_116 : vector<16xf32>
      %mul3A_549 = arith.mulf %get3A_519, %get3A_118 : vector<16xf32>
      %mul3A_550 = arith.mulf %get3A_522, %get3A_120 : vector<16xf32>
      %mul3A_551 = arith.mulf %get3A_525, %get3A_122 : vector<16xf32>
      %mul3A_552 = arith.mulf %get3A_528, %get3A_124 : vector<16xf32>
      %mul3A_553 = arith.mulf %get3A_531, %get3A_126 : vector<16xf32>
      %mul3A_554 = arith.mulf %get3A_534, %get3A_128 : vector<16xf32>
      %mul3A_555 = arith.mulf %get3A_537, %get3A_130 : vector<16xf32>
      %mul3A_556 = arith.mulf %get3A_540, %get3A_132 : vector<16xf32>
      %add3A_557 = arith.addf %mul3A_541, %mul3A_542 : vector<16xf32>
      %add3A_558 = arith.addf %mul3A_543, %mul3A_544 : vector<16xf32>
      %add3A_559 = arith.addf %mul3A_545, %mul3A_546 : vector<16xf32>
      %add3A_560 = arith.addf %mul3A_547, %mul3A_548 : vector<16xf32>
      %add3A_561 = arith.addf %mul3A_549, %mul3A_550 : vector<16xf32>
      %add3A_562 = arith.addf %mul3A_551, %mul3A_552 : vector<16xf32>
      %add3A_563 = arith.addf %mul3A_553, %mul3A_554 : vector<16xf32>
      %add3A_564 = arith.addf %mul3A_555, %mul3A_556 : vector<16xf32>
      %add3A_565 = arith.addf %add3A_557, %add3A_558 : vector<16xf32>
      %add3A_566 = arith.addf %add3A_559, %add3A_560 : vector<16xf32>
      %add3A_567 = arith.addf %add3A_561, %add3A_562 : vector<16xf32>
      %add3A_568 = arith.addf %add3A_563, %add3A_564 : vector<16xf32>
      %add3A_569 = arith.addf %add3A_565, %add3A_566 : vector<16xf32>
      %add3A_570 = arith.addf %add3A_567, %add3A_568 : vector<16xf32>
      %add3A_571 = arith.addf %add3A_569, %add3A_570 : vector<16xf32>
      %broadcast_in_dim3A_572 = vector.shape_cast %and3A_5 : vector<16xi32> to vector<16x1xi32>
      %gather3A_573 = vector.shape_cast %broadcast_in_dim3A_572 : vector<16x1xi32> to vector<16xi32>
      %gather3A_574 = tpu.dynamic_gather %add3A_571[%gather3A_573] in [0] : vector<16xf32>, vector<16xi32> -> vector<16xf32>
      %add3A_575 = arith.addf %add3A_571, %gather3A_574 : vector<16xf32>
      %broadcast_in_dim3A_576 = vector.shape_cast %and3A_11 : vector<16xi32> to vector<16x1xi32>
      %gather3A_577 = vector.shape_cast %broadcast_in_dim3A_576 : vector<16x1xi32> to vector<16xi32>
      %gather3A_578 = tpu.dynamic_gather %add3A_575[%gather3A_577] in [0] : vector<16xf32>, vector<16xi32> -> vector<16xf32>
      %add3A_579 = arith.addf %add3A_575, %gather3A_578 : vector<16xf32>
      %broadcast_in_dim3A_580 = vector.shape_cast %and3A_17 : vector<16xi32> to vector<16x1xi32>
      %gather3A_581 = vector.shape_cast %broadcast_in_dim3A_580 : vector<16x1xi32> to vector<16xi32>
      %gather3A_582 = tpu.dynamic_gather %add3A_579[%gather3A_581] in [0] : vector<16xf32>, vector<16xi32> -> vector<16xf32>
      %add3A_583 = arith.addf %add3A_579, %gather3A_582 : vector<16xf32>
      %broadcast_in_dim3A_584 = vector.shape_cast %and3A_23 : vector<16xi32> to vector<16x1xi32>
      %gather3A_585 = vector.shape_cast %broadcast_in_dim3A_584 : vector<16x1xi32> to vector<16xi32>
      %gather3A_586 = tpu.dynamic_gather %add3A_583[%gather3A_585] in [0] : vector<16xf32>, vector<16xi32> -> vector<16xf32>
      %add3A_587 = arith.addf %add3A_583, %gather3A_586 : vector<16xf32>
      %add3A_588 = arith.constant 128 : i32
      %add3A_589 = arith.addi %add3A_588, %add3A_492 : i32
      %broadcast_in_dim3A_590 = vector.broadcast %add3A_589 : i32 to vector<16xi32>
      %gather3A_591 = tpu.vector_load_idx %arg9[%broadcast_in_dim3A_590] : memref<256xf32, #tpu.memory_space<vmem>>[vector<16xi32>], vector<16xf32>,
      %add3A_592 = arith.addf %add3A_587, %gather3A_591 : vector<16xf32>
      %exp3A_593 = math.exp %add3A_592 : vector<16xf32>
      %mul3A_594 = arith.constant 4 : i32
      %mul3A_595 = arith.muli %scan3A_368, %mul3A_594 : i32
      %add3A_596 = arith.constant 2 : i32
      %add3A_597 = arith.addi %mul3A_595, %add3A_596 : i32
      %get3A_598 = arith.index_cast %add3A_597 : i32 to index
      %get3A_599 = arith.constant 0 : index
      %get3A_600 = tpu.vector_load %arg7[%get3A_598, %get3A_599] {strides = array<i32>} : memref<128x256xf32, #tpu.memory_space<vmem>>, vector<16xf32>,
      %get3A_601 = arith.index_cast %add3A_597 : i32 to index
      %get3A_602 = arith.constant 16 : index
      %get3A_603 = tpu.vector_load %arg7[%get3A_601, %get3A_602] {strides = array<i32>} : memref<128x256xf32, #tpu.memory_space<vmem>>, vector<16xf32>,
      %get3A_604 = arith.index_cast %add3A_597 : i32 to index
      %get3A_605 = arith.constant 32 : index
      %get3A_606 = tpu.vector_load %arg7[%get3A_604, %get3A_605] {strides = array<i32>} : memref<128x256xf32, #tpu.memory_space<vmem>>, vector<16xf32>,
      %get3A_607 = arith.index_cast %add3A_597 : i32 to index
      %get3A_608 = arith.constant 48 : index
      %get3A_609 = tpu.vector_load %arg7[%get3A_607, %get3A_608] {strides = array<i32>} : memref<128x256xf32, #tpu.memory_space<vmem>>, vector<16xf32>,
      %get3A_610 = arith.index_cast %add3A_597 : i32 to index
      %get3A_611 = arith.constant 64 : index
      %get3A_612 = tpu.vector_load %arg7[%get3A_610, %get3A_611] {strides = array<i32>} : memref<128x256xf32, #tpu.memory_space<vmem>>, vector<16xf32>,
      %get3A_613 = arith.index_cast %add3A_597 : i32 to index
      %get3A_614 = arith.constant 80 : index
      %get3A_615 = tpu.vector_load %arg7[%get3A_613, %get3A_614] {strides = array<i32>} : memref<128x256xf32, #tpu.memory_space<vmem>>, vector<16xf32>,
      %get3A_616 = arith.index_cast %add3A_597 : i32 to index
      %get3A_617 = arith.constant 96 : index
      %get3A_618 = tpu.vector_load %arg7[%get3A_616, %get3A_617] {strides = array<i32>} : memref<128x256xf32, #tpu.memory_space<vmem>>, vector<16xf32>,
      %get3A_619 = arith.index_cast %add3A_597 : i32 to index
      %get3A_620 = arith.constant 112 : index
      %get3A_621 = tpu.vector_load %arg7[%get3A_619, %get3A_620] {strides = array<i32>} : memref<128x256xf32, #tpu.memory_space<vmem>>, vector<16xf32>,
      %get3A_622 = arith.index_cast %add3A_597 : i32 to index
      %get3A_623 = arith.constant 128 : index
      %get3A_624 = tpu.vector_load %arg7[%get3A_622, %get3A_623] {strides = array<i32>} : memref<128x256xf32, #tpu.memory_space<vmem>>, vector<16xf32>,
      %get3A_625 = arith.index_cast %add3A_597 : i32 to index
      %get3A_626 = arith.constant 144 : index
      %get3A_627 = tpu.vector_load %arg7[%get3A_625, %get3A_626] {strides = array<i32>} : memref<128x256xf32, #tpu.memory_space<vmem>>, vector<16xf32>,
      %get3A_628 = arith.index_cast %add3A_597 : i32 to index
      %get3A_629 = arith.constant 160 : index
      %get3A_630 = tpu.vector_load %arg7[%get3A_628, %get3A_629] {strides = array<i32>} : memref<128x256xf32, #tpu.memory_space<vmem>>, vector<16xf32>,
      %get3A_631 = arith.index_cast %add3A_597 : i32 to index
      %get3A_632 = arith.constant 176 : index
      %get3A_633 = tpu.vector_load %arg7[%get3A_631, %get3A_632] {strides = array<i32>} : memref<128x256xf32, #tpu.memory_space<vmem>>, vector<16xf32>,
      %get3A_634 = arith.index_cast %add3A_597 : i32 to index
      %get3A_635 = arith.constant 192 : index
      %get3A_636 = tpu.vector_load %arg7[%get3A_634, %get3A_635] {strides = array<i32>} : memref<128x256xf32, #tpu.memory_space<vmem>>, vector<16xf32>,
      %get3A_637 = arith.index_cast %add3A_597 : i32 to index
      %get3A_638 = arith.constant 208 : index
      %get3A_639 = tpu.vector_load %arg7[%get3A_637, %get3A_638] {strides = array<i32>} : memref<128x256xf32, #tpu.memory_space<vmem>>, vector<16xf32>,
      %get3A_640 = arith.index_cast %add3A_597 : i32 to index
      %get3A_641 = arith.constant 224 : index
      %get3A_642 = tpu.vector_load %arg7[%get3A_640, %get3A_641] {strides = array<i32>} : memref<128x256xf32, #tpu.memory_space<vmem>>, vector<16xf32>,
      %get3A_643 = arith.index_cast %add3A_597 : i32 to index
      %get3A_644 = arith.constant 240 : index
      %get3A_645 = tpu.vector_load %arg7[%get3A_643, %get3A_644] {strides = array<i32>} : memref<128x256xf32, #tpu.memory_space<vmem>>, vector<16xf32>,
      %mul3A_646 = arith.mulf %get3A_600, %get3A_102 : vector<16xf32>
      %mul3A_647 = arith.mulf %get3A_603, %get3A_104 : vector<16xf32>
      %mul3A_648 = arith.mulf %get3A_606, %get3A_106 : vector<16xf32>
      %mul3A_649 = arith.mulf %get3A_609, %get3A_108 : vector<16xf32>
      %mul3A_650 = arith.mulf %get3A_612, %get3A_110 : vector<16xf32>
      %mul3A_651 = arith.mulf %get3A_615, %get3A_112 : vector<16xf32>
      %mul3A_652 = arith.mulf %get3A_618, %get3A_114 : vector<16xf32>
      %mul3A_653 = arith.mulf %get3A_621, %get3A_116 : vector<16xf32>
      %mul3A_654 = arith.mulf %get3A_624, %get3A_118 : vector<16xf32>
      %mul3A_655 = arith.mulf %get3A_627, %get3A_120 : vector<16xf32>
      %mul3A_656 = arith.mulf %get3A_630, %get3A_122 : vector<16xf32>
      %mul3A_657 = arith.mulf %get3A_633, %get3A_124 : vector<16xf32>
      %mul3A_658 = arith.mulf %get3A_636, %get3A_126 : vector<16xf32>
      %mul3A_659 = arith.mulf %get3A_639, %get3A_128 : vector<16xf32>
      %mul3A_660 = arith.mulf %get3A_642, %get3A_130 : vector<16xf32>
      %mul3A_661 = arith.mulf %get3A_645, %get3A_132 : vector<16xf32>
      %add3A_662 = arith.addf %mul3A_646, %mul3A_647 : vector<16xf32>
      %add3A_663 = arith.addf %mul3A_648, %mul3A_649 : vector<16xf32>
      %add3A_664 = arith.addf %mul3A_650, %mul3A_651 : vector<16xf32>
      %add3A_665 = arith.addf %mul3A_652, %mul3A_653 : vector<16xf32>
      %add3A_666 = arith.addf %mul3A_654, %mul3A_655 : vector<16xf32>
      %add3A_667 = arith.addf %mul3A_656, %mul3A_657 : vector<16xf32>
      %add3A_668 = arith.addf %mul3A_658, %mul3A_659 : vector<16xf32>
      %add3A_669 = arith.addf %mul3A_660, %mul3A_661 : vector<16xf32>
      %add3A_670 = arith.addf %add3A_662, %add3A_663 : vector<16xf32>
      %add3A_671 = arith.addf %add3A_664, %add3A_665 : vector<16xf32>
      %add3A_672 = arith.addf %add3A_666, %add3A_667 : vector<16xf32>
      %add3A_673 = arith.addf %add3A_668, %add3A_669 : vector<16xf32>
      %add3A_674 = arith.addf %add3A_670, %add3A_671 : vector<16xf32>
      %add3A_675 = arith.addf %add3A_672, %add3A_673 : vector<16xf32>
      %add3A_676 = arith.addf %add3A_674, %add3A_675 : vector<16xf32>
      %broadcast_in_dim3A_677 = vector.shape_cast %and3A_5 : vector<16xi32> to vector<16x1xi32>
      %gather3A_678 = vector.shape_cast %broadcast_in_dim3A_677 : vector<16x1xi32> to vector<16xi32>
      %gather3A_679 = tpu.dynamic_gather %add3A_676[%gather3A_678] in [0] : vector<16xf32>, vector<16xi32> -> vector<16xf32>
      %add3A_680 = arith.addf %add3A_676, %gather3A_679 : vector<16xf32>
      %broadcast_in_dim3A_681 = vector.shape_cast %and3A_11 : vector<16xi32> to vector<16x1xi32>
      %gather3A_682 = vector.shape_cast %broadcast_in_dim3A_681 : vector<16x1xi32> to vector<16xi32>
      %gather3A_683 = tpu.dynamic_gather %add3A_680[%gather3A_682] in [0] : vector<16xf32>, vector<16xi32> -> vector<16xf32>
      %add3A_684 = arith.addf %add3A_680, %gather3A_683 : vector<16xf32>
      %broadcast_in_dim3A_685 = vector.shape_cast %and3A_17 : vector<16xi32> to vector<16x1xi32>
      %gather3A_686 = vector.shape_cast %broadcast_in_dim3A_685 : vector<16x1xi32> to vector<16xi32>
      %gather3A_687 = tpu.dynamic_gather %add3A_684[%gather3A_686] in [0] : vector<16xf32>, vector<16xi32> -> vector<16xf32>
      %add3A_688 = arith.addf %add3A_684, %gather3A_687 : vector<16xf32>
      %broadcast_in_dim3A_689 = vector.shape_cast %and3A_23 : vector<16xi32> to vector<16x1xi32>
      %gather3A_690 = vector.shape_cast %broadcast_in_dim3A_689 : vector<16x1xi32> to vector<16xi32>
      %gather3A_691 = tpu.dynamic_gather %add3A_688[%gather3A_690] in [0] : vector<16xf32>, vector<16xi32> -> vector<16xf32>
      %add3A_692 = arith.addf %add3A_688, %gather3A_691 : vector<16xf32>
      %add3A_693 = arith.constant 128 : i32
      %add3A_694 = arith.addi %add3A_693, %add3A_597 : i32
      %broadcast_in_dim3A_695 = vector.broadcast %add3A_694 : i32 to vector<16xi32>
      %gather3A_696 = tpu.vector_load_idx %arg9[%broadcast_in_dim3A_695] : memref<256xf32, #tpu.memory_space<vmem>>[vector<16xi32>], vector<16xf32>,
      %add3A_697 = arith.addf %add3A_692, %gather3A_696 : vector<16xf32>
      %exp3A_698 = math.exp %add3A_697 : vector<16xf32>
      %mul3A_699 = arith.constant 4 : i32
      %mul3A_700 = arith.muli %scan3A_368, %mul3A_699 : i32
      %add3A_701 = arith.constant 3 : i32
      %add3A_702 = arith.addi %mul3A_700, %add3A_701 : i32
      %get3A_703 = arith.index_cast %add3A_702 : i32 to index
      %get3A_704 = arith.constant 0 : index
      %get3A_705 = tpu.vector_load %arg7[%get3A_703, %get3A_704] {strides = array<i32>} : memref<128x256xf32, #tpu.memory_space<vmem>>, vector<16xf32>,
      %get3A_706 = arith.index_cast %add3A_702 : i32 to index
      %get3A_707 = arith.constant 16 : index
      %get3A_708 = tpu.vector_load %arg7[%get3A_706, %get3A_707] {strides = array<i32>} : memref<128x256xf32, #tpu.memory_space<vmem>>, vector<16xf32>,
      %get3A_709 = arith.index_cast %add3A_702 : i32 to index
      %get3A_710 = arith.constant 32 : index
      %get3A_711 = tpu.vector_load %arg7[%get3A_709, %get3A_710] {strides = array<i32>} : memref<128x256xf32, #tpu.memory_space<vmem>>, vector<16xf32>,
      %get3A_712 = arith.index_cast %add3A_702 : i32 to index
      %get3A_713 = arith.constant 48 : index
      %get3A_714 = tpu.vector_load %arg7[%get3A_712, %get3A_713] {strides = array<i32>} : memref<128x256xf32, #tpu.memory_space<vmem>>, vector<16xf32>,
      %get3A_715 = arith.index_cast %add3A_702 : i32 to index
      %get3A_716 = arith.constant 64 : index
      %get3A_717 = tpu.vector_load %arg7[%get3A_715, %get3A_716] {strides = array<i32>} : memref<128x256xf32, #tpu.memory_space<vmem>>, vector<16xf32>,
      %get3A_718 = arith.index_cast %add3A_702 : i32 to index
      %get3A_719 = arith.constant 80 : index
      %get3A_720 = tpu.vector_load %arg7[%get3A_718, %get3A_719] {strides = array<i32>} : memref<128x256xf32, #tpu.memory_space<vmem>>, vector<16xf32>,
      %get3A_721 = arith.index_cast %add3A_702 : i32 to index
      %get3A_722 = arith.constant 96 : index
      %get3A_723 = tpu.vector_load %arg7[%get3A_721, %get3A_722] {strides = array<i32>} : memref<128x256xf32, #tpu.memory_space<vmem>>, vector<16xf32>,
      %get3A_724 = arith.index_cast %add3A_702 : i32 to index
      %get3A_725 = arith.constant 112 : index
      %get3A_726 = tpu.vector_load %arg7[%get3A_724, %get3A_725] {strides = array<i32>} : memref<128x256xf32, #tpu.memory_space<vmem>>, vector<16xf32>,
      %get3A_727 = arith.index_cast %add3A_702 : i32 to index
      %get3A_728 = arith.constant 128 : index
      %get3A_729 = tpu.vector_load %arg7[%get3A_727, %get3A_728] {strides = array<i32>} : memref<128x256xf32, #tpu.memory_space<vmem>>, vector<16xf32>,
      %get3A_730 = arith.index_cast %add3A_702 : i32 to index
      %get3A_731 = arith.constant 144 : index
      %get3A_732 = tpu.vector_load %arg7[%get3A_730, %get3A_731] {strides = array<i32>} : memref<128x256xf32, #tpu.memory_space<vmem>>, vector<16xf32>,
      %get3A_733 = arith.index_cast %add3A_702 : i32 to index
      %get3A_734 = arith.constant 160 : index
      %get3A_735 = tpu.vector_load %arg7[%get3A_733, %get3A_734] {strides = array<i32>} : memref<128x256xf32, #tpu.memory_space<vmem>>, vector<16xf32>,
      %get3A_736 = arith.index_cast %add3A_702 : i32 to index
      %get3A_737 = arith.constant 176 : index
      %get3A_738 = tpu.vector_load %arg7[%get3A_736, %get3A_737] {strides = array<i32>} : memref<128x256xf32, #tpu.memory_space<vmem>>, vector<16xf32>,
      %get3A_739 = arith.index_cast %add3A_702 : i32 to index
      %get3A_740 = arith.constant 192 : index
      %get3A_741 = tpu.vector_load %arg7[%get3A_739, %get3A_740] {strides = array<i32>} : memref<128x256xf32, #tpu.memory_space<vmem>>, vector<16xf32>,
      %get3A_742 = arith.index_cast %add3A_702 : i32 to index
      %get3A_743 = arith.constant 208 : index
      %get3A_744 = tpu.vector_load %arg7[%get3A_742, %get3A_743] {strides = array<i32>} : memref<128x256xf32, #tpu.memory_space<vmem>>, vector<16xf32>,
      %get3A_745 = arith.index_cast %add3A_702 : i32 to index
      %get3A_746 = arith.constant 224 : index
      %get3A_747 = tpu.vector_load %arg7[%get3A_745, %get3A_746] {strides = array<i32>} : memref<128x256xf32, #tpu.memory_space<vmem>>, vector<16xf32>,
      %get3A_748 = arith.index_cast %add3A_702 : i32 to index
      %get3A_749 = arith.constant 240 : index
      %get3A_750 = tpu.vector_load %arg7[%get3A_748, %get3A_749] {strides = array<i32>} : memref<128x256xf32, #tpu.memory_space<vmem>>, vector<16xf32>,
      %mul3A_751 = arith.mulf %get3A_705, %get3A_102 : vector<16xf32>
      %mul3A_752 = arith.mulf %get3A_708, %get3A_104 : vector<16xf32>
      %mul3A_753 = arith.mulf %get3A_711, %get3A_106 : vector<16xf32>
      %mul3A_754 = arith.mulf %get3A_714, %get3A_108 : vector<16xf32>
      %mul3A_755 = arith.mulf %get3A_717, %get3A_110 : vector<16xf32>
      %mul3A_756 = arith.mulf %get3A_720, %get3A_112 : vector<16xf32>
      %mul3A_757 = arith.mulf %get3A_723, %get3A_114 : vector<16xf32>
      %mul3A_758 = arith.mulf %get3A_726, %get3A_116 : vector<16xf32>
      %mul3A_759 = arith.mulf %get3A_729, %get3A_118 : vector<16xf32>
      %mul3A_760 = arith.mulf %get3A_732, %get3A_120 : vector<16xf32>
      %mul3A_761 = arith.mulf %get3A_735, %get3A_122 : vector<16xf32>
      %mul3A_762 = arith.mulf %get3A_738, %get3A_124 : vector<16xf32>
      %mul3A_763 = arith.mulf %get3A_741, %get3A_126 : vector<16xf32>
      %mul3A_764 = arith.mulf %get3A_744, %get3A_128 : vector<16xf32>
      %mul3A_765 = arith.mulf %get3A_747, %get3A_130 : vector<16xf32>
      %mul3A_766 = arith.mulf %get3A_750, %get3A_132 : vector<16xf32>
      %add3A_767 = arith.addf %mul3A_751, %mul3A_752 : vector<16xf32>
      %add3A_768 = arith.addf %mul3A_753, %mul3A_754 : vector<16xf32>
      %add3A_769 = arith.addf %mul3A_755, %mul3A_756 : vector<16xf32>
      %add3A_770 = arith.addf %mul3A_757, %mul3A_758 : vector<16xf32>
      %add3A_771 = arith.addf %mul3A_759, %mul3A_760 : vector<16xf32>
      %add3A_772 = arith.addf %mul3A_761, %mul3A_762 : vector<16xf32>
      %add3A_773 = arith.addf %mul3A_763, %mul3A_764 : vector<16xf32>
      %add3A_774 = arith.addf %mul3A_765, %mul3A_766 : vector<16xf32>
      %add3A_775 = arith.addf %add3A_767, %add3A_768 : vector<16xf32>
      %add3A_776 = arith.addf %add3A_769, %add3A_770 : vector<16xf32>
      %add3A_777 = arith.addf %add3A_771, %add3A_772 : vector<16xf32>
      %add3A_778 = arith.addf %add3A_773, %add3A_774 : vector<16xf32>
      %add3A_779 = arith.addf %add3A_775, %add3A_776 : vector<16xf32>
      %add3A_780 = arith.addf %add3A_777, %add3A_778 : vector<16xf32>
      %add3A_781 = arith.addf %add3A_779, %add3A_780 : vector<16xf32>
      %broadcast_in_dim3A_782 = vector.shape_cast %and3A_5 : vector<16xi32> to vector<16x1xi32>
      %gather3A_783 = vector.shape_cast %broadcast_in_dim3A_782 : vector<16x1xi32> to vector<16xi32>
      %gather3A_784 = tpu.dynamic_gather %add3A_781[%gather3A_783] in [0] : vector<16xf32>, vector<16xi32> -> vector<16xf32>
      %add3A_785 = arith.addf %add3A_781, %gather3A_784 : vector<16xf32>
      %broadcast_in_dim3A_786 = vector.shape_cast %and3A_11 : vector<16xi32> to vector<16x1xi32>
      %gather3A_787 = vector.shape_cast %broadcast_in_dim3A_786 : vector<16x1xi32> to vector<16xi32>
      %gather3A_788 = tpu.dynamic_gather %add3A_785[%gather3A_787] in [0] : vector<16xf32>, vector<16xi32> -> vector<16xf32>
      %add3A_789 = arith.addf %add3A_785, %gather3A_788 : vector<16xf32>
      %broadcast_in_dim3A_790 = vector.shape_cast %and3A_17 : vector<16xi32> to vector<16x1xi32>
      %gather3A_791 = vector.shape_cast %broadcast_in_dim3A_790 : vector<16x1xi32> to vector<16xi32>
      %gather3A_792 = tpu.dynamic_gather %add3A_789[%gather3A_791] in [0] : vector<16xf32>, vector<16xi32> -> vector<16xf32>
      %add3A_793 = arith.addf %add3A_789, %gather3A_792 : vector<16xf32>
      %broadcast_in_dim3A_794 = vector.shape_cast %and3A_23 : vector<16xi32> to vector<16x1xi32>
      %gather3A_795 = vector.shape_cast %broadcast_in_dim3A_794 : vector<16x1xi32> to vector<16xi32>
      %gather3A_796 = tpu.dynamic_gather %add3A_793[%gather3A_795] in [0] : vector<16xf32>, vector<16xi32> -> vector<16xf32>
      %add3A_797 = arith.addf %add3A_793, %gather3A_796 : vector<16xf32>
      %add3A_798 = arith.constant 128 : i32
      %add3A_799 = arith.addi %add3A_798, %add3A_702 : i32
      %broadcast_in_dim3A_800 = vector.broadcast %add3A_799 : i32 to vector<16xi32>
      %gather3A_801 = tpu.vector_load_idx %arg9[%broadcast_in_dim3A_800] : memref<256xf32, #tpu.memory_space<vmem>>[vector<16xi32>], vector<16xf32>,
      %add3A_802 = arith.addf %add3A_797, %gather3A_801 : vector<16xf32>
      %exp3A_803 = math.exp %add3A_802 : vector<16xf32>
      %add3A_804 = arith.addf %scan3A_369, %exp3A : vector<16xf32>
      %mul3A_805 = arith.mulf %exp3A, %get3A_392 : vector<16xf32>
      %add3A_806 = arith.addf %scan3A_370, %mul3A_805 : vector<16xf32>
      %mul3A_807 = arith.mulf %exp3A, %get3A_395 : vector<16xf32>
      %add3A_808 = arith.addf %scan3A_371, %mul3A_807 : vector<16xf32>
      %mul3A_809 = arith.mulf %exp3A, %get3A_398 : vector<16xf32>
      %add3A_810 = arith.addf %scan3A_372, %mul3A_809 : vector<16xf32>
      %mul3A_811 = arith.mulf %exp3A, %get3A_401 : vector<16xf32>
      %add3A_812 = arith.addf %scan3A_373, %mul3A_811 : vector<16xf32>
      %mul3A_813 = arith.mulf %exp3A, %get3A_404 : vector<16xf32>
      %add3A_814 = arith.addf %scan3A_374, %mul3A_813 : vector<16xf32>
      %mul3A_815 = arith.mulf %exp3A, %get3A_407 : vector<16xf32>
      %add3A_816 = arith.addf %scan3A_375, %mul3A_815 : vector<16xf32>
      %mul3A_817 = arith.mulf %exp3A, %get3A_410 : vector<16xf32>
      %add3A_818 = arith.addf %scan3A_376, %mul3A_817 : vector<16xf32>
      %mul3A_819 = arith.mulf %exp3A, %get3A_413 : vector<16xf32>
      %add3A_820 = arith.addf %scan3A_377, %mul3A_819 : vector<16xf32>
      %mul3A_821 = arith.mulf %exp3A, %get3A_416 : vector<16xf32>
      %add3A_822 = arith.addf %scan3A_378, %mul3A_821 : vector<16xf32>
      %mul3A_823 = arith.mulf %exp3A, %get3A_419 : vector<16xf32>
      %add3A_824 = arith.addf %scan3A_379, %mul3A_823 : vector<16xf32>
      %mul3A_825 = arith.mulf %exp3A, %get3A_422 : vector<16xf32>
      %add3A_826 = arith.addf %scan3A_380, %mul3A_825 : vector<16xf32>
      %mul3A_827 = arith.mulf %exp3A, %get3A_425 : vector<16xf32>
      %add3A_828 = arith.addf %scan3A_381, %mul3A_827 : vector<16xf32>
      %mul3A_829 = arith.mulf %exp3A, %get3A_428 : vector<16xf32>
      %add3A_830 = arith.addf %scan3A_382, %mul3A_829 : vector<16xf32>
      %mul3A_831 = arith.mulf %exp3A, %get3A_431 : vector<16xf32>
      %add3A_832 = arith.addf %scan3A_383, %mul3A_831 : vector<16xf32>
      %mul3A_833 = arith.mulf %exp3A, %get3A_434 : vector<16xf32>
      %add3A_834 = arith.addf %scan3A_384, %mul3A_833 : vector<16xf32>
      %mul3A_835 = arith.mulf %exp3A, %get3A_437 : vector<16xf32>
      %add3A_836 = arith.addf %scan3A_385, %mul3A_835 : vector<16xf32>
      %add3A_837 = arith.addf %add3A_804, %exp3A_593 : vector<16xf32>
      %mul3A_838 = arith.mulf %exp3A_593, %get3A_495 : vector<16xf32>
      %add3A_839 = arith.addf %add3A_806, %mul3A_838 : vector<16xf32>
      %mul3A_840 = arith.mulf %exp3A_593, %get3A_498 : vector<16xf32>
      %add3A_841 = arith.addf %add3A_808, %mul3A_840 : vector<16xf32>
      %mul3A_842 = arith.mulf %exp3A_593, %get3A_501 : vector<16xf32>
      %add3A_843 = arith.addf %add3A_810, %mul3A_842 : vector<16xf32>
      %mul3A_844 = arith.mulf %exp3A_593, %get3A_504 : vector<16xf32>
      %add3A_845 = arith.addf %add3A_812, %mul3A_844 : vector<16xf32>
      %mul3A_846 = arith.mulf %exp3A_593, %get3A_507 : vector<16xf32>
      %add3A_847 = arith.addf %add3A_814, %mul3A_846 : vector<16xf32>
      %mul3A_848 = arith.mulf %exp3A_593, %get3A_510 : vector<16xf32>
      %add3A_849 = arith.addf %add3A_816, %mul3A_848 : vector<16xf32>
      %mul3A_850 = arith.mulf %exp3A_593, %get3A_513 : vector<16xf32>
      %add3A_851 = arith.addf %add3A_818, %mul3A_850 : vector<16xf32>
      %mul3A_852 = arith.mulf %exp3A_593, %get3A_516 : vector<16xf32>
      %add3A_853 = arith.addf %add3A_820, %mul3A_852 : vector<16xf32>
      %mul3A_854 = arith.mulf %exp3A_593, %get3A_519 : vector<16xf32>
      %add3A_855 = arith.addf %add3A_822, %mul3A_854 : vector<16xf32>
      %mul3A_856 = arith.mulf %exp3A_593, %get3A_522 : vector<16xf32>
      %add3A_857 = arith.addf %add3A_824, %mul3A_856 : vector<16xf32>
      %mul3A_858 = arith.mulf %exp3A_593, %get3A_525 : vector<16xf32>
      %add3A_859 = arith.addf %add3A_826, %mul3A_858 : vector<16xf32>
      %mul3A_860 = arith.mulf %exp3A_593, %get3A_528 : vector<16xf32>
      %add3A_861 = arith.addf %add3A_828, %mul3A_860 : vector<16xf32>
      %mul3A_862 = arith.mulf %exp3A_593, %get3A_531 : vector<16xf32>
      %add3A_863 = arith.addf %add3A_830, %mul3A_862 : vector<16xf32>
      %mul3A_864 = arith.mulf %exp3A_593, %get3A_534 : vector<16xf32>
      %add3A_865 = arith.addf %add3A_832, %mul3A_864 : vector<16xf32>
      %mul3A_866 = arith.mulf %exp3A_593, %get3A_537 : vector<16xf32>
      %add3A_867 = arith.addf %add3A_834, %mul3A_866 : vector<16xf32>
      %mul3A_868 = arith.mulf %exp3A_593, %get3A_540 : vector<16xf32>
      %add3A_869 = arith.addf %add3A_836, %mul3A_868 : vector<16xf32>
      %add3A_870 = arith.addf %add3A_837, %exp3A_698 : vector<16xf32>
      %mul3A_871 = arith.mulf %exp3A_698, %get3A_600 : vector<16xf32>
      %add3A_872 = arith.addf %add3A_839, %mul3A_871 : vector<16xf32>
      %mul3A_873 = arith.mulf %exp3A_698, %get3A_603 : vector<16xf32>
      %add3A_874 = arith.addf %add3A_841, %mul3A_873 : vector<16xf32>
      %mul3A_875 = arith.mulf %exp3A_698, %get3A_606 : vector<16xf32>
      %add3A_876 = arith.addf %add3A_843, %mul3A_875 : vector<16xf32>
      %mul3A_877 = arith.mulf %exp3A_698, %get3A_609 : vector<16xf32>
      %add3A_878 = arith.addf %add3A_845, %mul3A_877 : vector<16xf32>
      %mul3A_879 = arith.mulf %exp3A_698, %get3A_612 : vector<16xf32>
      %add3A_880 = arith.addf %add3A_847, %mul3A_879 : vector<16xf32>
      %mul3A_881 = arith.mulf %exp3A_698, %get3A_615 : vector<16xf32>
      %add3A_882 = arith.addf %add3A_849, %mul3A_881 : vector<16xf32>
      %mul3A_883 = arith.mulf %exp3A_698, %get3A_618 : vector<16xf32>
      %add3A_884 = arith.addf %add3A_851, %mul3A_883 : vector<16xf32>
      %mul3A_885 = arith.mulf %exp3A_698, %get3A_621 : vector<16xf32>
      %add3A_886 = arith.addf %add3A_853, %mul3A_885 : vector<16xf32>
      %mul3A_887 = arith.mulf %exp3A_698, %get3A_624 : vector<16xf32>
      %add3A_888 = arith.addf %add3A_855, %mul3A_887 : vector<16xf32>
      %mul3A_889 = arith.mulf %exp3A_698, %get3A_627 : vector<16xf32>
      %add3A_890 = arith.addf %add3A_857, %mul3A_889 : vector<16xf32>
      %mul3A_891 = arith.mulf %exp3A_698, %get3A_630 : vector<16xf32>
      %add3A_892 = arith.addf %add3A_859, %mul3A_891 : vector<16xf32>
      %mul3A_893 = arith.mulf %exp3A_698, %get3A_633 : vector<16xf32>
      %add3A_894 = arith.addf %add3A_861, %mul3A_893 : vector<16xf32>
      %mul3A_895 = arith.mulf %exp3A_698, %get3A_636 : vector<16xf32>
      %add3A_896 = arith.addf %add3A_863, %mul3A_895 : vector<16xf32>
      %mul3A_897 = arith.mulf %exp3A_698, %get3A_639 : vector<16xf32>
      %add3A_898 = arith.addf %add3A_865, %mul3A_897 : vector<16xf32>
      %mul3A_899 = arith.mulf %exp3A_698, %get3A_642 : vector<16xf32>
      %add3A_900 = arith.addf %add3A_867, %mul3A_899 : vector<16xf32>
      %mul3A_901 = arith.mulf %exp3A_698, %get3A_645 : vector<16xf32>
      %add3A_902 = arith.addf %add3A_869, %mul3A_901 : vector<16xf32>
      %add3A_903 = arith.addf %add3A_870, %exp3A_803 : vector<16xf32>
      %mul3A_904 = arith.mulf %exp3A_803, %get3A_705 : vector<16xf32>
      %add3A_905 = arith.addf %add3A_872, %mul3A_904 : vector<16xf32>
      %mul3A_906 = arith.mulf %exp3A_803, %get3A_708 : vector<16xf32>
      %add3A_907 = arith.addf %add3A_874, %mul3A_906 : vector<16xf32>
      %mul3A_908 = arith.mulf %exp3A_803, %get3A_711 : vector<16xf32>
      %add3A_909 = arith.addf %add3A_876, %mul3A_908 : vector<16xf32>
      %mul3A_910 = arith.mulf %exp3A_803, %get3A_714 : vector<16xf32>
      %add3A_911 = arith.addf %add3A_878, %mul3A_910 : vector<16xf32>
      %mul3A_912 = arith.mulf %exp3A_803, %get3A_717 : vector<16xf32>
      %add3A_913 = arith.addf %add3A_880, %mul3A_912 : vector<16xf32>
      %mul3A_914 = arith.mulf %exp3A_803, %get3A_720 : vector<16xf32>
      %add3A_915 = arith.addf %add3A_882, %mul3A_914 : vector<16xf32>
      %mul3A_916 = arith.mulf %exp3A_803, %get3A_723 : vector<16xf32>
      %add3A_917 = arith.addf %add3A_884, %mul3A_916 : vector<16xf32>
      %mul3A_918 = arith.mulf %exp3A_803, %get3A_726 : vector<16xf32>
      %add3A_919 = arith.addf %add3A_886, %mul3A_918 : vector<16xf32>
      %mul3A_920 = arith.mulf %exp3A_803, %get3A_729 : vector<16xf32>
      %add3A_921 = arith.addf %add3A_888, %mul3A_920 : vector<16xf32>
      %mul3A_922 = arith.mulf %exp3A_803, %get3A_732 : vector<16xf32>
      %add3A_923 = arith.addf %add3A_890, %mul3A_922 : vector<16xf32>
      %mul3A_924 = arith.mulf %exp3A_803, %get3A_735 : vector<16xf32>
      %add3A_925 = arith.addf %add3A_892, %mul3A_924 : vector<16xf32>
      %mul3A_926 = arith.mulf %exp3A_803, %get3A_738 : vector<16xf32>
      %add3A_927 = arith.addf %add3A_894, %mul3A_926 : vector<16xf32>
      %mul3A_928 = arith.mulf %exp3A_803, %get3A_741 : vector<16xf32>
      %add3A_929 = arith.addf %add3A_896, %mul3A_928 : vector<16xf32>
      %mul3A_930 = arith.mulf %exp3A_803, %get3A_744 : vector<16xf32>
      %add3A_931 = arith.addf %add3A_898, %mul3A_930 : vector<16xf32>
      %mul3A_932 = arith.mulf %exp3A_803, %get3A_747 : vector<16xf32>
      %add3A_933 = arith.addf %add3A_900, %mul3A_932 : vector<16xf32>
      %mul3A_934 = arith.mulf %exp3A_803, %get3A_750 : vector<16xf32>
      %add3A_935 = arith.addf %add3A_902, %mul3A_934 : vector<16xf32>
      scf.yield %add3A_903, %add3A_905, %add3A_907, %add3A_909, %add3A_911, %add3A_913, %add3A_915, %add3A_917, %add3A_919, %add3A_921, %add3A_923, %add3A_925, %add3A_927, %add3A_929, %add3A_931, %add3A_933, %add3A_935 : vector<16xf32>, vector<16xf32>, vector<16xf32>, vector<16xf32>, vector<16xf32>, vector<16xf32>, vector<16xf32>, vector<16xf32>, vector<16xf32>, vector<16xf32>, vector<16xf32>, vector<16xf32>, vector<16xf32>, vector<16xf32>, vector<16xf32>, vector<16xf32>, vector<16xf32>
    }
    %scan3A_138 = arith.constant 32 : i32
    %eq3A = arith.constant 0.000000e+00 : f32
    %eq3A_139 = vector.broadcast %eq3A : f32 to vector<16xf32>
    %eq3A_140 = arith.cmpf oeq, %scan3A_137#0, %eq3A_139 : vector<16xf32>
    %jit3A = arith.constant 1.000000e+00 : f32
    %broadcast_in_dim3A_141 = vector.broadcast %jit3A : f32 to vector<16xf32>
    %select_n3A = arith.select %eq3A_140, %broadcast_in_dim3A_141, %scan3A_137#0 : vector<16xi1>, vector<16xf32>
    %div3A = arith.constant 1.000000e+00 : f32
    %div3A_142 = vector.broadcast %div3A : f32 to vector<16xf32>
    %div3A_143 = arith.divf %div3A_142, %select_n3A : vector<16xf32>
    %mul3A_144 = arith.mulf %scan3A_137#1, %div3A_143 : vector<16xf32>
    %swap3A = arith.constant 0 : index
    %swap3A_145 = tpu.vector_load %arg10[%swap3A] {strides = array<i32>} : memref<256xf32, #tpu.memory_space<vmem>>, vector<16xf32>,
    tpu.vector_store %arg10[%swap3A], %mul3A_144 {strides = array<i32>} : memref<256xf32, #tpu.memory_space<vmem>>, vector<16xf32>,
    %mul3A_146 = arith.mulf %scan3A_137#2, %div3A_143 : vector<16xf32>
    %swap3A_147 = arith.constant 16 : index
    %swap3A_148 = tpu.vector_load %arg10[%swap3A_147] {strides = array<i32>} : memref<256xf32, #tpu.memory_space<vmem>>, vector<16xf32>,
    tpu.vector_store %arg10[%swap3A_147], %mul3A_146 {strides = array<i32>} : memref<256xf32, #tpu.memory_space<vmem>>, vector<16xf32>,
    %mul3A_149 = arith.mulf %scan3A_137#3, %div3A_143 : vector<16xf32>
    %swap3A_150 = arith.constant 32 : index
    %swap3A_151 = tpu.vector_load %arg10[%swap3A_150] {strides = array<i32>} : memref<256xf32, #tpu.memory_space<vmem>>, vector<16xf32>,
    tpu.vector_store %arg10[%swap3A_150], %mul3A_149 {strides = array<i32>} : memref<256xf32, #tpu.memory_space<vmem>>, vector<16xf32>,
    %mul3A_152 = arith.mulf %scan3A_137#4, %div3A_143 : vector<16xf32>
    %swap3A_153 = arith.constant 48 : index
    %swap3A_154 = tpu.vector_load %arg10[%swap3A_153] {strides = array<i32>} : memref<256xf32, #tpu.memory_space<vmem>>, vector<16xf32>,
    tpu.vector_store %arg10[%swap3A_153], %mul3A_152 {strides = array<i32>} : memref<256xf32, #tpu.memory_space<vmem>>, vector<16xf32>,
    %mul3A_155 = arith.mulf %scan3A_137#5, %div3A_143 : vector<16xf32>
    %swap3A_156 = arith.constant 64 : index
    %swap3A_157 = tpu.vector_load %arg10[%swap3A_156] {strides = array<i32>} : memref<256xf32, #tpu.memory_space<vmem>>, vector<16xf32>,
    tpu.vector_store %arg10[%swap3A_156], %mul3A_155 {strides = array<i32>} : memref<256xf32, #tpu.memory_space<vmem>>, vector<16xf32>,
    %mul3A_158 = arith.mulf %scan3A_137#6, %div3A_143 : vector<16xf32>
    %swap3A_159 = arith.constant 80 : index
    %swap3A_160 = tpu.vector_load %arg10[%swap3A_159] {strides = array<i32>} : memref<256xf32, #tpu.memory_space<vmem>>, vector<16xf32>,
    tpu.vector_store %arg10[%swap3A_159], %mul3A_158 {strides = array<i32>} : memref<256xf32, #tpu.memory_space<vmem>>, vector<16xf32>,
    %mul3A_161 = arith.mulf %scan3A_137#7, %div3A_143 : vector<16xf32>
    %swap3A_162 = arith.constant 96 : index
    %swap3A_163 = tpu.vector_load %arg10[%swap3A_162] {strides = array<i32>} : memref<256xf32, #tpu.memory_space<vmem>>, vector<16xf32>,
    tpu.vector_store %arg10[%swap3A_162], %mul3A_161 {strides = array<i32>} : memref<256xf32, #tpu.memory_space<vmem>>, vector<16xf32>,
    %mul3A_164 = arith.mulf %scan3A_137#8, %div3A_143 : vector<16xf32>
    %swap3A_165 = arith.constant 112 : index
    %swap3A_166 = tpu.vector_load %arg10[%swap3A_165] {strides = array<i32>} : memref<256xf32, #tpu.memory_space<vmem>>, vector<16xf32>,
    tpu.vector_store %arg10[%swap3A_165], %mul3A_164 {strides = array<i32>} : memref<256xf32, #tpu.memory_space<vmem>>, vector<16xf32>,
    %mul3A_167 = arith.mulf %scan3A_137#9, %div3A_143 : vector<16xf32>
    %swap3A_168 = arith.constant 128 : index
    %swap3A_169 = tpu.vector_load %arg10[%swap3A_168] {strides = array<i32>} : memref<256xf32, #tpu.memory_space<vmem>>, vector<16xf32>,
    tpu.vector_store %arg10[%swap3A_168], %mul3A_167 {strides = array<i32>} : memref<256xf32, #tpu.memory_space<vmem>>, vector<16xf32>,
    %mul3A_170 = arith.mulf %scan3A_137#10, %div3A_143 : vector<16xf32>
    %swap3A_171 = arith.constant 144 : index
    %swap3A_172 = tpu.vector_load %arg10[%swap3A_171] {strides = array<i32>} : memref<256xf32, #tpu.memory_space<vmem>>, vector<16xf32>,
    tpu.vector_store %arg10[%swap3A_171], %mul3A_170 {strides = array<i32>} : memref<256xf32, #tpu.memory_space<vmem>>, vector<16xf32>,
    %mul3A_173 = arith.mulf %scan3A_137#11, %div3A_143 : vector<16xf32>
    %swap3A_174 = arith.constant 160 : index
    %swap3A_175 = tpu.vector_load %arg10[%swap3A_174] {strides = array<i32>} : memref<256xf32, #tpu.memory_space<vmem>>, vector<16xf32>,
    tpu.vector_store %arg10[%swap3A_174], %mul3A_173 {strides = array<i32>} : memref<256xf32, #tpu.memory_space<vmem>>, vector<16xf32>,
    %mul3A_176 = arith.mulf %scan3A_137#12, %div3A_143 : vector<16xf32>
    %swap3A_177 = arith.constant 176 : index
    %swap3A_178 = tpu.vector_load %arg10[%swap3A_177] {strides = array<i32>} : memref<256xf32, #tpu.memory_space<vmem>>, vector<16xf32>,
    tpu.vector_store %arg10[%swap3A_177], %mul3A_176 {strides = array<i32>} : memref<256xf32, #tpu.memory_space<vmem>>, vector<16xf32>,
    %mul3A_179 = arith.mulf %scan3A_137#13, %div3A_143 : vector<16xf32>
    %swap3A_180 = arith.constant 192 : index
    %swap3A_181 = tpu.vector_load %arg10[%swap3A_180] {strides = array<i32>} : memref<256xf32, #tpu.memory_space<vmem>>, vector<16xf32>,
    tpu.vector_store %arg10[%swap3A_180], %mul3A_179 {strides = array<i32>} : memref<256xf32, #tpu.memory_space<vmem>>, vector<16xf32>,
    %mul3A_182 = arith.mulf %scan3A_137#14, %div3A_143 : vector<16xf32>
    %swap3A_183 = arith.constant 208 : index
    %swap3A_184 = tpu.vector_load %arg10[%swap3A_183] {strides = array<i32>} : memref<256xf32, #tpu.memory_space<vmem>>, vector<16xf32>,
    tpu.vector_store %arg10[%swap3A_183], %mul3A_182 {strides = array<i32>} : memref<256xf32, #tpu.memory_space<vmem>>, vector<16xf32>,
    %mul3A_185 = arith.mulf %scan3A_137#15, %div3A_143 : vector<16xf32>
    %swap3A_186 = arith.constant 224 : index
    %swap3A_187 = tpu.vector_load %arg10[%swap3A_186] {strides = array<i32>} : memref<256xf32, #tpu.memory_space<vmem>>, vector<16xf32>,
    tpu.vector_store %arg10[%swap3A_186], %mul3A_185 {strides = array<i32>} : memref<256xf32, #tpu.memory_space<vmem>>, vector<16xf32>,
    %mul3A_188 = arith.mulf %scan3A_137#16, %div3A_143 : vector<16xf32>
    %swap3A_189 = arith.constant 240 : index
    %swap3A_190 = tpu.vector_load %arg10[%swap3A_189] {strides = array<i32>} : memref<256xf32, #tpu.memory_space<vmem>>, vector<16xf32>,
    tpu.vector_store %arg10[%swap3A_189], %mul3A_188 {strides = array<i32>} : memref<256xf32, #tpu.memory_space<vmem>>, vector<16xf32>,
    "tpu.region"() ({
      %run_scoped3A = tpu.sem_alloc : memref<!tpu.dma_semaphore, #tpu.memory_space<semaphore_mem>>
      %dma_start3A_368 = arith.constant 0 : i32
      %dma_start3A_369 = tpu.memref_slice %arg5[%add3A_27, %dma_start3A_368] : memref<64x256xf32, #tpu.memory_space<hbm>> -> memref<1x256xf32, #tpu.memory_space<hbm>>
      %dma_start3A_370 = tpu.memref_squeeze %dma_start3A_369 : memref<1x256xf32, #tpu.memory_space<hbm>> -> memref<256xf32, #tpu.memory_space<hbm>>
      %dma_start3A_371 = arith.constant 0 : i32
      %dma_start3A_372 = tpu.memref_slice %arg5[%add3A_27, %dma_start3A_371] : memref<64x256xf32, #tpu.memory_space<hbm>> -> memref<1x256xf32, #tpu.memory_space<hbm>>
      %dma_start3A_373 = tpu.memref_squeeze %dma_start3A_372 : memref<1x256xf32, #tpu.memory_space<hbm>> -> memref<256xf32, #tpu.memory_space<hbm>>
      tpu.enqueue_dma source(%arg10 : memref<256xf32, #tpu.memory_space<vmem>>) target(%dma_start3A_373 : memref<256xf32, #tpu.memory_space<hbm>>) target_semaphore(%run_scoped3A : memref<!tpu.dma_semaphore, #tpu.memory_space<semaphore_mem>>)
      %dma_wait3A_374 = arith.constant 0 : i32
      %dma_wait3A_375 = tpu.memref_slice %arg5[%add3A_27, %dma_wait3A_374] : memref<64x256xf32, #tpu.memory_space<hbm>> -> memref<1x256xf32, #tpu.memory_space<hbm>>
      %dma_wait3A_376 = tpu.memref_squeeze %dma_wait3A_375 : memref<1x256xf32, #tpu.memory_space<hbm>> -> memref<256xf32, #tpu.memory_space<hbm>>
      %dma_wait3A_377 = arith.constant 0 : i32
      %dma_wait3A_378 = tpu.memref_slice %arg5[%add3A_27, %dma_wait3A_377] : memref<64x256xf32, #tpu.memory_space<hbm>> -> memref<1x256xf32, #tpu.memory_space<hbm>>
      %dma_wait3A_379 = tpu.memref_squeeze %dma_wait3A_378 : memref<1x256xf32, #tpu.memory_space<hbm>> -> memref<256xf32, #tpu.memory_space<hbm>>
      tpu.wait_dma2 semaphore(%run_scoped3A : memref<!tpu.dma_semaphore, #tpu.memory_space<semaphore_mem>>) src(%arg10 : memref<256xf32, #tpu.memory_space<vmem>>) dst(%dma_wait3A_379 : memref<256xf32, #tpu.memory_space<hbm>>)
      tpu.yield
    }) : () -> ()
    %mul3A_191 = arith.constant 2 : i32
    %mul3A_192 = arith.muli %add3A, %mul3A_191 : i32
    %add3A_193 = arith.constant 1 : i32
    %add3A_194 = arith.addi %mul3A_192, %add3A_193 : i32
    %add3A_195 = arith.constant 192 : i32
    %add3A_196 = arith.addi %add3A_195, %add3A_194 : i32
    "tpu.region"() ({
      %run_scoped3A = tpu.sem_alloc : memref<!tpu.dma_semaphore, #tpu.memory_space<semaphore_mem>>
      %dma_start3A_368 = arith.constant 0 : i32
      %dma_start3A_369 = tpu.memref_slice %arg3[%add3A_196, %dma_start3A_368] : memref<256x256xf32, #tpu.memory_space<hbm>> -> memref<1x256xf32, #tpu.memory_space<hbm>>
      %dma_start3A_370 = tpu.memref_squeeze %dma_start3A_369 : memref<1x256xf32, #tpu.memory_space<hbm>> -> memref<256xf32, #tpu.memory_space<hbm>>
      %dma_start3A_371 = arith.constant 0 : i32
      %dma_start3A_372 = tpu.memref_slice %arg3[%add3A_196, %dma_start3A_371] : memref<256x256xf32, #tpu.memory_space<hbm>> -> memref<1x256xf32, #tpu.memory_space<hbm>>
      %dma_start3A_373 = tpu.memref_squeeze %dma_start3A_372 : memref<1x256xf32, #tpu.memory_space<hbm>> -> memref<256xf32, #tpu.memory_space<hbm>>
      tpu.enqueue_dma source(%dma_start3A_373 : memref<256xf32, #tpu.memory_space<hbm>>) target(%arg8 : memref<256xf32, #tpu.memory_space<vmem>>) target_semaphore(%run_scoped3A : memref<!tpu.dma_semaphore, #tpu.memory_space<semaphore_mem>>)
      %dma_wait3A_374 = arith.constant 0 : i32
      %dma_wait3A_375 = tpu.memref_slice %arg3[%add3A_196, %dma_wait3A_374] : memref<256x256xf32, #tpu.memory_space<hbm>> -> memref<1x256xf32, #tpu.memory_space<hbm>>
      %dma_wait3A_376 = tpu.memref_squeeze %dma_wait3A_375 : memref<1x256xf32, #tpu.memory_space<hbm>> -> memref<256xf32, #tpu.memory_space<hbm>>
      %dma_wait3A_377 = arith.constant 0 : i32
      %dma_wait3A_378 = tpu.memref_slice %arg3[%add3A_196, %dma_wait3A_377] : memref<256x256xf32, #tpu.memory_space<hbm>> -> memref<1x256xf32, #tpu.memory_space<hbm>>
      %dma_wait3A_379 = tpu.memref_squeeze %dma_wait3A_378 : memref<1x256xf32, #tpu.memory_space<hbm>> -> memref<256xf32, #tpu.memory_space<hbm>>
      tpu.wait_dma2 semaphore(%run_scoped3A : memref<!tpu.dma_semaphore, #tpu.memory_space<semaphore_mem>>) src(%dma_wait3A_379 : memref<256xf32, #tpu.memory_space<hbm>>) dst(%arg8 : memref<256xf32, #tpu.memory_space<vmem>>)
      tpu.yield
    }) : () -> ()
    "tpu.region"() ({
      %run_scoped3A = tpu.sem_alloc : memref<!tpu.dma_semaphore, #tpu.memory_space<semaphore_mem>>
      %dma_start3A_368 = arith.constant 0 : i32
      %dma_start3A_369 = tpu.memref_slice %arg4[%add3A_196, %dma_start3A_368] : memref<256x256xf32, #tpu.memory_space<hbm>> -> memref<1x256xf32, #tpu.memory_space<hbm>>
      %dma_start3A_370 = tpu.memref_squeeze %dma_start3A_369 : memref<1x256xf32, #tpu.memory_space<hbm>> -> memref<256xf32, #tpu.memory_space<hbm>>
      %dma_start3A_371 = arith.constant 0 : i32
      %dma_start3A_372 = tpu.memref_slice %arg4[%add3A_196, %dma_start3A_371] : memref<256x256xf32, #tpu.memory_space<hbm>> -> memref<1x256xf32, #tpu.memory_space<hbm>>
      %dma_start3A_373 = tpu.memref_squeeze %dma_start3A_372 : memref<1x256xf32, #tpu.memory_space<hbm>> -> memref<256xf32, #tpu.memory_space<hbm>>
      tpu.enqueue_dma source(%dma_start3A_373 : memref<256xf32, #tpu.memory_space<hbm>>) target(%arg9 : memref<256xf32, #tpu.memory_space<vmem>>) target_semaphore(%run_scoped3A : memref<!tpu.dma_semaphore, #tpu.memory_space<semaphore_mem>>)
      %dma_wait3A_374 = arith.constant 0 : i32
      %dma_wait3A_375 = tpu.memref_slice %arg4[%add3A_196, %dma_wait3A_374] : memref<256x256xf32, #tpu.memory_space<hbm>> -> memref<1x256xf32, #tpu.memory_space<hbm>>
      %dma_wait3A_376 = tpu.memref_squeeze %dma_wait3A_375 : memref<1x256xf32, #tpu.memory_space<hbm>> -> memref<256xf32, #tpu.memory_space<hbm>>
      %dma_wait3A_377 = arith.constant 0 : i32
      %dma_wait3A_378 = tpu.memref_slice %arg4[%add3A_196, %dma_wait3A_377] : memref<256x256xf32, #tpu.memory_space<hbm>> -> memref<1x256xf32, #tpu.memory_space<hbm>>
      %dma_wait3A_379 = tpu.memref_squeeze %dma_wait3A_378 : memref<1x256xf32, #tpu.memory_space<hbm>> -> memref<256xf32, #tpu.memory_space<hbm>>
      tpu.wait_dma2 semaphore(%run_scoped3A : memref<!tpu.dma_semaphore, #tpu.memory_space<semaphore_mem>>) src(%dma_wait3A_379 : memref<256xf32, #tpu.memory_space<hbm>>) dst(%arg9 : memref<256xf32, #tpu.memory_space<vmem>>)
      tpu.yield
    }) : () -> ()
    %dma_start3A_197 = arith.constant 0 : i32
    %dma_start3A_198 = arith.constant 0 : i32
    %dma_start3A_199 = arith.constant 0 : i32
    %dma_start3A_200 = tpu.memref_slice %arg2[%dma_start3A_197, %add3A_196, %dma_start3A_198, %dma_start3A_199] : memref<1x256x256x256xf32, #tpu.memory_space<hbm>> -> memref<1x1x128x256xf32, #tpu.memory_space<hbm>>
    %dma_start3A_201 = tpu.memref_squeeze %dma_start3A_200 : memref<1x1x128x256xf32, #tpu.memory_space<hbm>> -> memref<128x256xf32, #tpu.memory_space<hbm>>
    %dma_start3A_202 = arith.constant 0 : i32
    %dma_start3A_203 = arith.constant 0 : i32
    %dma_start3A_204 = tpu.memref_slice %arg2[%dma_start3A_197, %add3A_196, %dma_start3A_202, %dma_start3A_203] : memref<1x256x256x256xf32, #tpu.memory_space<hbm>> -> memref<1x1x128x256xf32, #tpu.memory_space<hbm>>
    %dma_start3A_205 = tpu.memref_squeeze %dma_start3A_204 : memref<1x1x128x256xf32, #tpu.memory_space<hbm>> -> memref<128x256xf32, #tpu.memory_space<hbm>>
    tpu.enqueue_dma source(%dma_start3A_205 : memref<128x256xf32, #tpu.memory_space<hbm>>) target(%arg6 : memref<128x256xf32, #tpu.memory_space<vmem>>) target_semaphore(%arg11 : memref<!tpu.dma_semaphore, #tpu.memory_space<semaphore_mem>>)
    %dma_start3A_206 = arith.constant 0 : i32
    %dma_start3A_207 = arith.constant 128 : i32
    %dma_start3A_208 = arith.constant 0 : i32
    %dma_start3A_209 = tpu.memref_slice %arg2[%dma_start3A_206, %add3A_196, %dma_start3A_207, %dma_start3A_208] : memref<1x256x256x256xf32, #tpu.memory_space<hbm>> -> memref<1x1x128x256xf32, #tpu.memory_space<hbm>>
    %dma_start3A_210 = tpu.memref_squeeze %dma_start3A_209 : memref<1x1x128x256xf32, #tpu.memory_space<hbm>> -> memref<128x256xf32, #tpu.memory_space<hbm>>
    %dma_start3A_211 = arith.constant 128 : i32
    %dma_start3A_212 = arith.constant 0 : i32
    %dma_start3A_213 = tpu.memref_slice %arg2[%dma_start3A_206, %add3A_196, %dma_start3A_211, %dma_start3A_212] : memref<1x256x256x256xf32, #tpu.memory_space<hbm>> -> memref<1x1x128x256xf32, #tpu.memory_space<hbm>>
    %dma_start3A_214 = tpu.memref_squeeze %dma_start3A_213 : memref<1x1x128x256xf32, #tpu.memory_space<hbm>> -> memref<128x256xf32, #tpu.memory_space<hbm>>
    tpu.enqueue_dma source(%dma_start3A_214 : memref<128x256xf32, #tpu.memory_space<hbm>>) target(%arg7 : memref<128x256xf32, #tpu.memory_space<vmem>>) target_semaphore(%arg12 : memref<!tpu.dma_semaphore, #tpu.memory_space<semaphore_mem>>)
    %broadcast_in_dim3A_215 = arith.constant 0.000000e+00 : f32
    %broadcast_in_dim3A_216 = vector.broadcast %broadcast_in_dim3A_215 : f32 to vector<16xf32>
    %dma_wait3A_217 = arith.constant 0 : i32
    %dma_wait3A_218 = arith.constant 0 : i32
    %dma_wait3A_219 = arith.constant 0 : i32
    %dma_wait3A_220 = tpu.memref_slice %arg2[%dma_wait3A_217, %add3A_196, %dma_wait3A_218, %dma_wait3A_219] : memref<1x256x256x256xf32, #tpu.memory_space<hbm>> -> memref<1x1x128x256xf32, #tpu.memory_space<hbm>>
    %dma_wait3A_221 = tpu.memref_squeeze %dma_wait3A_220 : memref<1x1x128x256xf32, #tpu.memory_space<hbm>> -> memref<128x256xf32, #tpu.memory_space<hbm>>
    %dma_wait3A_222 = arith.constant 0 : i32
    %dma_wait3A_223 = arith.constant 0 : i32
    %dma_wait3A_224 = tpu.memref_slice %arg2[%dma_wait3A_217, %add3A_196, %dma_wait3A_222, %dma_wait3A_223] : memref<1x256x256x256xf32, #tpu.memory_space<hbm>> -> memref<1x1x128x256xf32, #tpu.memory_space<hbm>>
    %dma_wait3A_225 = tpu.memref_squeeze %dma_wait3A_224 : memref<1x1x128x256xf32, #tpu.memory_space<hbm>> -> memref<128x256xf32, #tpu.memory_space<hbm>>
    tpu.wait_dma2 semaphore(%arg11 : memref<!tpu.dma_semaphore, #tpu.memory_space<semaphore_mem>>) src(%dma_wait3A_225 : memref<128x256xf32, #tpu.memory_space<hbm>>) dst(%arg6 : memref<128x256xf32, #tpu.memory_space<vmem>>)
    %get3A_226 = arith.constant 0 : index
    %get3A_227 = tpu.vector_load %arg8[%get3A_226] {strides = array<i32>} : memref<256xf32, #tpu.memory_space<vmem>>, vector<16xf32>,
    %get3A_228 = arith.constant 16 : index
    %get3A_229 = tpu.vector_load %arg8[%get3A_228] {strides = array<i32>} : memref<256xf32, #tpu.memory_space<vmem>>, vector<16xf32>,
    %get3A_230 = arith.constant 32 : index
    %get3A_231 = tpu.vector_load %arg8[%get3A_230] {strides = array<i32>} : memref<256xf32, #tpu.memory_space<vmem>>, vector<16xf32>,
    %get3A_232 = arith.constant 48 : index
    %get3A_233 = tpu.vector_load %arg8[%get3A_232] {strides = array<i32>} : memref<256xf32, #tpu.memory_space<vmem>>, vector<16xf32>,
    %get3A_234 = arith.constant 64 : index
    %get3A_235 = tpu.vector_load %arg8[%get3A_234] {strides = array<i32>} : memref<256xf32, #tpu.memory_space<vmem>>, vector<16xf32>,
    %get3A_236 = arith.constant 80 : index
    %get3A_237 = tpu.vector_load %arg8[%get3A_236] {strides = array<i32>} : memref<256xf32, #tpu.memory_space<vmem>>, vector<16xf32>,
    %get3A_238 = arith.constant 96 : index
    %get3A_239 = tpu.vector_load %arg8[%get3A_238] {strides = array<i32>} : memref<256xf32, #tpu.memory_space<vmem>>, vector<16xf32>,
    %get3A_240 = arith.constant 112 : index
    %get3A_241 = tpu.vector_load %arg8[%get3A_240] {strides = array<i32>} : memref<256xf32, #tpu.memory_space<vmem>>, vector<16xf32>,
    %get3A_242 = arith.constant 128 : index
    %get3A_243 = tpu.vector_load %arg8[%get3A_242] {strides = array<i32>} : memref<256xf32, #tpu.memory_space<vmem>>, vector<16xf32>,
    %get3A_244 = arith.constant 144 : index
    %get3A_245 = tpu.vector_load %arg8[%get3A_244] {strides = array<i32>} : memref<256xf32, #tpu.memory_space<vmem>>, vector<16xf32>,
    %get3A_246 = arith.constant 160 : index
    %get3A_247 = tpu.vector_load %arg8[%get3A_246] {strides = array<i32>} : memref<256xf32, #tpu.memory_space<vmem>>, vector<16xf32>,
    %get3A_248 = arith.constant 176 : index
    %get3A_249 = tpu.vector_load %arg8[%get3A_248] {strides = array<i32>} : memref<256xf32, #tpu.memory_space<vmem>>, vector<16xf32>,
    %get3A_250 = arith.constant 192 : index
    %get3A_251 = tpu.vector_load %arg8[%get3A_250] {strides = array<i32>} : memref<256xf32, #tpu.memory_space<vmem>>, vector<16xf32>,
    %get3A_252 = arith.constant 208 : index
    %get3A_253 = tpu.vector_load %arg8[%get3A_252] {strides = array<i32>} : memref<256xf32, #tpu.memory_space<vmem>>, vector<16xf32>,
    %get3A_254 = arith.constant 224 : index
    %get3A_255 = tpu.vector_load %arg8[%get3A_254] {strides = array<i32>} : memref<256xf32, #tpu.memory_space<vmem>>, vector<16xf32>,
    %get3A_256 = arith.constant 240 : index
    %get3A_257 = tpu.vector_load %arg8[%get3A_256] {strides = array<i32>} : memref<256xf32, #tpu.memory_space<vmem>>, vector<16xf32>,
    %scan3A_258 = arith.constant 0 : i32
    %scan3A_259 = arith.constant 32 : i32
    %scan3A_260 = arith.addi %scan3A_258, %scan3A_259 : i32
    %scan3A_261 = arith.constant 1 : i32
    %scan3A_262:17 = scf.for %scan3A_368 = %scan3A_258 to %scan3A_260 step %scan3A_261 iter_args(%scan3A_369 = %broadcast_in_dim3A_216, %scan3A_370 = %broadcast_in_dim3A_216, %scan3A_371 = %broadcast_in_dim3A_216, %scan3A_372 = %broadcast_in_dim3A_216, %scan3A_373 = %broadcast_in_dim3A_216, %scan3A_374 = %broadcast_in_dim3A_216, %scan3A_375 = %broadcast_in_dim3A_216, %scan3A_376 = %broadcast_in_dim3A_216, %scan3A_377 = %broadcast_in_dim3A_216, %scan3A_378 = %broadcast_in_dim3A_216, %scan3A_379 = %broadcast_in_dim3A_216, %scan3A_380 = %broadcast_in_dim3A_216, %scan3A_381 = %broadcast_in_dim3A_216, %scan3A_382 = %broadcast_in_dim3A_216, %scan3A_383 = %broadcast_in_dim3A_216, %scan3A_384 = %broadcast_in_dim3A_216, %scan3A_385 = %broadcast_in_dim3A_216) -> (vector<16xf32>, vector<16xf32>, vector<16xf32>, vector<16xf32>, vector<16xf32>, vector<16xf32>, vector<16xf32>, vector<16xf32>, vector<16xf32>, vector<16xf32>, vector<16xf32>, vector<16xf32>, vector<16xf32>, vector<16xf32>, vector<16xf32>, vector<16xf32>, vector<16xf32>)  : i32 {
      %mul3A_386 = arith.constant 4 : i32
      %mul3A_387 = arith.muli %scan3A_368, %mul3A_386 : i32
      %add3A_388 = arith.constant 0 : i32
      %add3A_389 = arith.addi %mul3A_387, %add3A_388 : i32
      %get3A_390 = arith.index_cast %add3A_389 : i32 to index
      %get3A_391 = arith.constant 0 : index
      %get3A_392 = tpu.vector_load %arg6[%get3A_390, %get3A_391] {strides = array<i32>} : memref<128x256xf32, #tpu.memory_space<vmem>>, vector<16xf32>,
      %get3A_393 = arith.index_cast %add3A_389 : i32 to index
      %get3A_394 = arith.constant 16 : index
      %get3A_395 = tpu.vector_load %arg6[%get3A_393, %get3A_394] {strides = array<i32>} : memref<128x256xf32, #tpu.memory_space<vmem>>, vector<16xf32>,
      %get3A_396 = arith.index_cast %add3A_389 : i32 to index
      %get3A_397 = arith.constant 32 : index
      %get3A_398 = tpu.vector_load %arg6[%get3A_396, %get3A_397] {strides = array<i32>} : memref<128x256xf32, #tpu.memory_space<vmem>>, vector<16xf32>,
      %get3A_399 = arith.index_cast %add3A_389 : i32 to index
      %get3A_400 = arith.constant 48 : index
      %get3A_401 = tpu.vector_load %arg6[%get3A_399, %get3A_400] {strides = array<i32>} : memref<128x256xf32, #tpu.memory_space<vmem>>, vector<16xf32>,
      %get3A_402 = arith.index_cast %add3A_389 : i32 to index
      %get3A_403 = arith.constant 64 : index
      %get3A_404 = tpu.vector_load %arg6[%get3A_402, %get3A_403] {strides = array<i32>} : memref<128x256xf32, #tpu.memory_space<vmem>>, vector<16xf32>,
      %get3A_405 = arith.index_cast %add3A_389 : i32 to index
      %get3A_406 = arith.constant 80 : index
      %get3A_407 = tpu.vector_load %arg6[%get3A_405, %get3A_406] {strides = array<i32>} : memref<128x256xf32, #tpu.memory_space<vmem>>, vector<16xf32>,
      %get3A_408 = arith.index_cast %add3A_389 : i32 to index
      %get3A_409 = arith.constant 96 : index
      %get3A_410 = tpu.vector_load %arg6[%get3A_408, %get3A_409] {strides = array<i32>} : memref<128x256xf32, #tpu.memory_space<vmem>>, vector<16xf32>,
      %get3A_411 = arith.index_cast %add3A_389 : i32 to index
      %get3A_412 = arith.constant 112 : index
      %get3A_413 = tpu.vector_load %arg6[%get3A_411, %get3A_412] {strides = array<i32>} : memref<128x256xf32, #tpu.memory_space<vmem>>, vector<16xf32>,
      %get3A_414 = arith.index_cast %add3A_389 : i32 to index
      %get3A_415 = arith.constant 128 : index
      %get3A_416 = tpu.vector_load %arg6[%get3A_414, %get3A_415] {strides = array<i32>} : memref<128x256xf32, #tpu.memory_space<vmem>>, vector<16xf32>,
      %get3A_417 = arith.index_cast %add3A_389 : i32 to index
      %get3A_418 = arith.constant 144 : index
      %get3A_419 = tpu.vector_load %arg6[%get3A_417, %get3A_418] {strides = array<i32>} : memref<128x256xf32, #tpu.memory_space<vmem>>, vector<16xf32>,
      %get3A_420 = arith.index_cast %add3A_389 : i32 to index
      %get3A_421 = arith.constant 160 : index
      %get3A_422 = tpu.vector_load %arg6[%get3A_420, %get3A_421] {strides = array<i32>} : memref<128x256xf32, #tpu.memory_space<vmem>>, vector<16xf32>,
      %get3A_423 = arith.index_cast %add3A_389 : i32 to index
      %get3A_424 = arith.constant 176 : index
      %get3A_425 = tpu.vector_load %arg6[%get3A_423, %get3A_424] {strides = array<i32>} : memref<128x256xf32, #tpu.memory_space<vmem>>, vector<16xf32>,
      %get3A_426 = arith.index_cast %add3A_389 : i32 to index
      %get3A_427 = arith.constant 192 : index
      %get3A_428 = tpu.vector_load %arg6[%get3A_426, %get3A_427] {strides = array<i32>} : memref<128x256xf32, #tpu.memory_space<vmem>>, vector<16xf32>,
      %get3A_429 = arith.index_cast %add3A_389 : i32 to index
      %get3A_430 = arith.constant 208 : index
      %get3A_431 = tpu.vector_load %arg6[%get3A_429, %get3A_430] {strides = array<i32>} : memref<128x256xf32, #tpu.memory_space<vmem>>, vector<16xf32>,
      %get3A_432 = arith.index_cast %add3A_389 : i32 to index
      %get3A_433 = arith.constant 224 : index
      %get3A_434 = tpu.vector_load %arg6[%get3A_432, %get3A_433] {strides = array<i32>} : memref<128x256xf32, #tpu.memory_space<vmem>>, vector<16xf32>,
      %get3A_435 = arith.index_cast %add3A_389 : i32 to index
      %get3A_436 = arith.constant 240 : index
      %get3A_437 = tpu.vector_load %arg6[%get3A_435, %get3A_436] {strides = array<i32>} : memref<128x256xf32, #tpu.memory_space<vmem>>, vector<16xf32>,
      %mul3A_438 = arith.mulf %get3A_392, %get3A_227 : vector<16xf32>
      %mul3A_439 = arith.mulf %get3A_395, %get3A_229 : vector<16xf32>
      %mul3A_440 = arith.mulf %get3A_398, %get3A_231 : vector<16xf32>
      %mul3A_441 = arith.mulf %get3A_401, %get3A_233 : vector<16xf32>
      %mul3A_442 = arith.mulf %get3A_404, %get3A_235 : vector<16xf32>
      %mul3A_443 = arith.mulf %get3A_407, %get3A_237 : vector<16xf32>
      %mul3A_444 = arith.mulf %get3A_410, %get3A_239 : vector<16xf32>
      %mul3A_445 = arith.mulf %get3A_413, %get3A_241 : vector<16xf32>
      %mul3A_446 = arith.mulf %get3A_416, %get3A_243 : vector<16xf32>
      %mul3A_447 = arith.mulf %get3A_419, %get3A_245 : vector<16xf32>
      %mul3A_448 = arith.mulf %get3A_422, %get3A_247 : vector<16xf32>
      %mul3A_449 = arith.mulf %get3A_425, %get3A_249 : vector<16xf32>
      %mul3A_450 = arith.mulf %get3A_428, %get3A_251 : vector<16xf32>
      %mul3A_451 = arith.mulf %get3A_431, %get3A_253 : vector<16xf32>
      %mul3A_452 = arith.mulf %get3A_434, %get3A_255 : vector<16xf32>
      %mul3A_453 = arith.mulf %get3A_437, %get3A_257 : vector<16xf32>
      %add3A_454 = arith.addf %mul3A_438, %mul3A_439 : vector<16xf32>
      %add3A_455 = arith.addf %mul3A_440, %mul3A_441 : vector<16xf32>
      %add3A_456 = arith.addf %mul3A_442, %mul3A_443 : vector<16xf32>
      %add3A_457 = arith.addf %mul3A_444, %mul3A_445 : vector<16xf32>
      %add3A_458 = arith.addf %mul3A_446, %mul3A_447 : vector<16xf32>
      %add3A_459 = arith.addf %mul3A_448, %mul3A_449 : vector<16xf32>
      %add3A_460 = arith.addf %mul3A_450, %mul3A_451 : vector<16xf32>
      %add3A_461 = arith.addf %mul3A_452, %mul3A_453 : vector<16xf32>
      %add3A_462 = arith.addf %add3A_454, %add3A_455 : vector<16xf32>
      %add3A_463 = arith.addf %add3A_456, %add3A_457 : vector<16xf32>
      %add3A_464 = arith.addf %add3A_458, %add3A_459 : vector<16xf32>
      %add3A_465 = arith.addf %add3A_460, %add3A_461 : vector<16xf32>
      %add3A_466 = arith.addf %add3A_462, %add3A_463 : vector<16xf32>
      %add3A_467 = arith.addf %add3A_464, %add3A_465 : vector<16xf32>
      %add3A_468 = arith.addf %add3A_466, %add3A_467 : vector<16xf32>
      %broadcast_in_dim3A_469 = vector.shape_cast %and3A_5 : vector<16xi32> to vector<16x1xi32>
      %gather3A = vector.shape_cast %broadcast_in_dim3A_469 : vector<16x1xi32> to vector<16xi32>
      %gather3A_470 = tpu.dynamic_gather %add3A_468[%gather3A] in [0] : vector<16xf32>, vector<16xi32> -> vector<16xf32>
      %add3A_471 = arith.addf %add3A_468, %gather3A_470 : vector<16xf32>
      %broadcast_in_dim3A_472 = vector.shape_cast %and3A_11 : vector<16xi32> to vector<16x1xi32>
      %gather3A_473 = vector.shape_cast %broadcast_in_dim3A_472 : vector<16x1xi32> to vector<16xi32>
      %gather3A_474 = tpu.dynamic_gather %add3A_471[%gather3A_473] in [0] : vector<16xf32>, vector<16xi32> -> vector<16xf32>
      %add3A_475 = arith.addf %add3A_471, %gather3A_474 : vector<16xf32>
      %broadcast_in_dim3A_476 = vector.shape_cast %and3A_17 : vector<16xi32> to vector<16x1xi32>
      %gather3A_477 = vector.shape_cast %broadcast_in_dim3A_476 : vector<16x1xi32> to vector<16xi32>
      %gather3A_478 = tpu.dynamic_gather %add3A_475[%gather3A_477] in [0] : vector<16xf32>, vector<16xi32> -> vector<16xf32>
      %add3A_479 = arith.addf %add3A_475, %gather3A_478 : vector<16xf32>
      %broadcast_in_dim3A_480 = vector.shape_cast %and3A_23 : vector<16xi32> to vector<16x1xi32>
      %gather3A_481 = vector.shape_cast %broadcast_in_dim3A_480 : vector<16x1xi32> to vector<16xi32>
      %gather3A_482 = tpu.dynamic_gather %add3A_479[%gather3A_481] in [0] : vector<16xf32>, vector<16xi32> -> vector<16xf32>
      %add3A_483 = arith.addf %add3A_479, %gather3A_482 : vector<16xf32>
      %add3A_484 = arith.constant 0 : i32
      %add3A_485 = arith.addi %add3A_484, %add3A_389 : i32
      %broadcast_in_dim3A_486 = vector.broadcast %add3A_485 : i32 to vector<16xi32>
      %gather3A_487 = tpu.vector_load_idx %arg9[%broadcast_in_dim3A_486] : memref<256xf32, #tpu.memory_space<vmem>>[vector<16xi32>], vector<16xf32>,
      %add3A_488 = arith.addf %add3A_483, %gather3A_487 : vector<16xf32>
      %exp3A = math.exp %add3A_488 : vector<16xf32>
      %mul3A_489 = arith.constant 4 : i32
      %mul3A_490 = arith.muli %scan3A_368, %mul3A_489 : i32
      %add3A_491 = arith.constant 1 : i32
      %add3A_492 = arith.addi %mul3A_490, %add3A_491 : i32
      %get3A_493 = arith.index_cast %add3A_492 : i32 to index
      %get3A_494 = arith.constant 0 : index
      %get3A_495 = tpu.vector_load %arg6[%get3A_493, %get3A_494] {strides = array<i32>} : memref<128x256xf32, #tpu.memory_space<vmem>>, vector<16xf32>,
      %get3A_496 = arith.index_cast %add3A_492 : i32 to index
      %get3A_497 = arith.constant 16 : index
      %get3A_498 = tpu.vector_load %arg6[%get3A_496, %get3A_497] {strides = array<i32>} : memref<128x256xf32, #tpu.memory_space<vmem>>, vector<16xf32>,
      %get3A_499 = arith.index_cast %add3A_492 : i32 to index
      %get3A_500 = arith.constant 32 : index
      %get3A_501 = tpu.vector_load %arg6[%get3A_499, %get3A_500] {strides = array<i32>} : memref<128x256xf32, #tpu.memory_space<vmem>>, vector<16xf32>,
      %get3A_502 = arith.index_cast %add3A_492 : i32 to index
      %get3A_503 = arith.constant 48 : index
      %get3A_504 = tpu.vector_load %arg6[%get3A_502, %get3A_503] {strides = array<i32>} : memref<128x256xf32, #tpu.memory_space<vmem>>, vector<16xf32>,
      %get3A_505 = arith.index_cast %add3A_492 : i32 to index
      %get3A_506 = arith.constant 64 : index
      %get3A_507 = tpu.vector_load %arg6[%get3A_505, %get3A_506] {strides = array<i32>} : memref<128x256xf32, #tpu.memory_space<vmem>>, vector<16xf32>,
      %get3A_508 = arith.index_cast %add3A_492 : i32 to index
      %get3A_509 = arith.constant 80 : index
      %get3A_510 = tpu.vector_load %arg6[%get3A_508, %get3A_509] {strides = array<i32>} : memref<128x256xf32, #tpu.memory_space<vmem>>, vector<16xf32>,
      %get3A_511 = arith.index_cast %add3A_492 : i32 to index
      %get3A_512 = arith.constant 96 : index
      %get3A_513 = tpu.vector_load %arg6[%get3A_511, %get3A_512] {strides = array<i32>} : memref<128x256xf32, #tpu.memory_space<vmem>>, vector<16xf32>,
      %get3A_514 = arith.index_cast %add3A_492 : i32 to index
      %get3A_515 = arith.constant 112 : index
      %get3A_516 = tpu.vector_load %arg6[%get3A_514, %get3A_515] {strides = array<i32>} : memref<128x256xf32, #tpu.memory_space<vmem>>, vector<16xf32>,
      %get3A_517 = arith.index_cast %add3A_492 : i32 to index
      %get3A_518 = arith.constant 128 : index
      %get3A_519 = tpu.vector_load %arg6[%get3A_517, %get3A_518] {strides = array<i32>} : memref<128x256xf32, #tpu.memory_space<vmem>>, vector<16xf32>,
      %get3A_520 = arith.index_cast %add3A_492 : i32 to index
      %get3A_521 = arith.constant 144 : index
      %get3A_522 = tpu.vector_load %arg6[%get3A_520, %get3A_521] {strides = array<i32>} : memref<128x256xf32, #tpu.memory_space<vmem>>, vector<16xf32>,
      %get3A_523 = arith.index_cast %add3A_492 : i32 to index
      %get3A_524 = arith.constant 160 : index
      %get3A_525 = tpu.vector_load %arg6[%get3A_523, %get3A_524] {strides = array<i32>} : memref<128x256xf32, #tpu.memory_space<vmem>>, vector<16xf32>,
      %get3A_526 = arith.index_cast %add3A_492 : i32 to index
      %get3A_527 = arith.constant 176 : index
      %get3A_528 = tpu.vector_load %arg6[%get3A_526, %get3A_527] {strides = array<i32>} : memref<128x256xf32, #tpu.memory_space<vmem>>, vector<16xf32>,
      %get3A_529 = arith.index_cast %add3A_492 : i32 to index
      %get3A_530 = arith.constant 192 : index
      %get3A_531 = tpu.vector_load %arg6[%get3A_529, %get3A_530] {strides = array<i32>} : memref<128x256xf32, #tpu.memory_space<vmem>>, vector<16xf32>,
      %get3A_532 = arith.index_cast %add3A_492 : i32 to index
      %get3A_533 = arith.constant 208 : index
      %get3A_534 = tpu.vector_load %arg6[%get3A_532, %get3A_533] {strides = array<i32>} : memref<128x256xf32, #tpu.memory_space<vmem>>, vector<16xf32>,
      %get3A_535 = arith.index_cast %add3A_492 : i32 to index
      %get3A_536 = arith.constant 224 : index
      %get3A_537 = tpu.vector_load %arg6[%get3A_535, %get3A_536] {strides = array<i32>} : memref<128x256xf32, #tpu.memory_space<vmem>>, vector<16xf32>,
      %get3A_538 = arith.index_cast %add3A_492 : i32 to index
      %get3A_539 = arith.constant 240 : index
      %get3A_540 = tpu.vector_load %arg6[%get3A_538, %get3A_539] {strides = array<i32>} : memref<128x256xf32, #tpu.memory_space<vmem>>, vector<16xf32>,
      %mul3A_541 = arith.mulf %get3A_495, %get3A_227 : vector<16xf32>
      %mul3A_542 = arith.mulf %get3A_498, %get3A_229 : vector<16xf32>
      %mul3A_543 = arith.mulf %get3A_501, %get3A_231 : vector<16xf32>
      %mul3A_544 = arith.mulf %get3A_504, %get3A_233 : vector<16xf32>
      %mul3A_545 = arith.mulf %get3A_507, %get3A_235 : vector<16xf32>
      %mul3A_546 = arith.mulf %get3A_510, %get3A_237 : vector<16xf32>
      %mul3A_547 = arith.mulf %get3A_513, %get3A_239 : vector<16xf32>
      %mul3A_548 = arith.mulf %get3A_516, %get3A_241 : vector<16xf32>
      %mul3A_549 = arith.mulf %get3A_519, %get3A_243 : vector<16xf32>
      %mul3A_550 = arith.mulf %get3A_522, %get3A_245 : vector<16xf32>
      %mul3A_551 = arith.mulf %get3A_525, %get3A_247 : vector<16xf32>
      %mul3A_552 = arith.mulf %get3A_528, %get3A_249 : vector<16xf32>
      %mul3A_553 = arith.mulf %get3A_531, %get3A_251 : vector<16xf32>
      %mul3A_554 = arith.mulf %get3A_534, %get3A_253 : vector<16xf32>
      %mul3A_555 = arith.mulf %get3A_537, %get3A_255 : vector<16xf32>
      %mul3A_556 = arith.mulf %get3A_540, %get3A_257 : vector<16xf32>
      %add3A_557 = arith.addf %mul3A_541, %mul3A_542 : vector<16xf32>
      %add3A_558 = arith.addf %mul3A_543, %mul3A_544 : vector<16xf32>
      %add3A_559 = arith.addf %mul3A_545, %mul3A_546 : vector<16xf32>
      %add3A_560 = arith.addf %mul3A_547, %mul3A_548 : vector<16xf32>
      %add3A_561 = arith.addf %mul3A_549, %mul3A_550 : vector<16xf32>
      %add3A_562 = arith.addf %mul3A_551, %mul3A_552 : vector<16xf32>
      %add3A_563 = arith.addf %mul3A_553, %mul3A_554 : vector<16xf32>
      %add3A_564 = arith.addf %mul3A_555, %mul3A_556 : vector<16xf32>
      %add3A_565 = arith.addf %add3A_557, %add3A_558 : vector<16xf32>
      %add3A_566 = arith.addf %add3A_559, %add3A_560 : vector<16xf32>
      %add3A_567 = arith.addf %add3A_561, %add3A_562 : vector<16xf32>
      %add3A_568 = arith.addf %add3A_563, %add3A_564 : vector<16xf32>
      %add3A_569 = arith.addf %add3A_565, %add3A_566 : vector<16xf32>
      %add3A_570 = arith.addf %add3A_567, %add3A_568 : vector<16xf32>
      %add3A_571 = arith.addf %add3A_569, %add3A_570 : vector<16xf32>
      %broadcast_in_dim3A_572 = vector.shape_cast %and3A_5 : vector<16xi32> to vector<16x1xi32>
      %gather3A_573 = vector.shape_cast %broadcast_in_dim3A_572 : vector<16x1xi32> to vector<16xi32>
      %gather3A_574 = tpu.dynamic_gather %add3A_571[%gather3A_573] in [0] : vector<16xf32>, vector<16xi32> -> vector<16xf32>
      %add3A_575 = arith.addf %add3A_571, %gather3A_574 : vector<16xf32>
      %broadcast_in_dim3A_576 = vector.shape_cast %and3A_11 : vector<16xi32> to vector<16x1xi32>
      %gather3A_577 = vector.shape_cast %broadcast_in_dim3A_576 : vector<16x1xi32> to vector<16xi32>
      %gather3A_578 = tpu.dynamic_gather %add3A_575[%gather3A_577] in [0] : vector<16xf32>, vector<16xi32> -> vector<16xf32>
      %add3A_579 = arith.addf %add3A_575, %gather3A_578 : vector<16xf32>
      %broadcast_in_dim3A_580 = vector.shape_cast %and3A_17 : vector<16xi32> to vector<16x1xi32>
      %gather3A_581 = vector.shape_cast %broadcast_in_dim3A_580 : vector<16x1xi32> to vector<16xi32>
      %gather3A_582 = tpu.dynamic_gather %add3A_579[%gather3A_581] in [0] : vector<16xf32>, vector<16xi32> -> vector<16xf32>
      %add3A_583 = arith.addf %add3A_579, %gather3A_582 : vector<16xf32>
      %broadcast_in_dim3A_584 = vector.shape_cast %and3A_23 : vector<16xi32> to vector<16x1xi32>
      %gather3A_585 = vector.shape_cast %broadcast_in_dim3A_584 : vector<16x1xi32> to vector<16xi32>
      %gather3A_586 = tpu.dynamic_gather %add3A_583[%gather3A_585] in [0] : vector<16xf32>, vector<16xi32> -> vector<16xf32>
      %add3A_587 = arith.addf %add3A_583, %gather3A_586 : vector<16xf32>
      %add3A_588 = arith.constant 0 : i32
      %add3A_589 = arith.addi %add3A_588, %add3A_492 : i32
      %broadcast_in_dim3A_590 = vector.broadcast %add3A_589 : i32 to vector<16xi32>
      %gather3A_591 = tpu.vector_load_idx %arg9[%broadcast_in_dim3A_590] : memref<256xf32, #tpu.memory_space<vmem>>[vector<16xi32>], vector<16xf32>,
      %add3A_592 = arith.addf %add3A_587, %gather3A_591 : vector<16xf32>
      %exp3A_593 = math.exp %add3A_592 : vector<16xf32>
      %mul3A_594 = arith.constant 4 : i32
      %mul3A_595 = arith.muli %scan3A_368, %mul3A_594 : i32
      %add3A_596 = arith.constant 2 : i32
      %add3A_597 = arith.addi %mul3A_595, %add3A_596 : i32
      %get3A_598 = arith.index_cast %add3A_597 : i32 to index
      %get3A_599 = arith.constant 0 : index
      %get3A_600 = tpu.vector_load %arg6[%get3A_598, %get3A_599] {strides = array<i32>} : memref<128x256xf32, #tpu.memory_space<vmem>>, vector<16xf32>,
      %get3A_601 = arith.index_cast %add3A_597 : i32 to index
      %get3A_602 = arith.constant 16 : index
      %get3A_603 = tpu.vector_load %arg6[%get3A_601, %get3A_602] {strides = array<i32>} : memref<128x256xf32, #tpu.memory_space<vmem>>, vector<16xf32>,
      %get3A_604 = arith.index_cast %add3A_597 : i32 to index
      %get3A_605 = arith.constant 32 : index
      %get3A_606 = tpu.vector_load %arg6[%get3A_604, %get3A_605] {strides = array<i32>} : memref<128x256xf32, #tpu.memory_space<vmem>>, vector<16xf32>,
      %get3A_607 = arith.index_cast %add3A_597 : i32 to index
      %get3A_608 = arith.constant 48 : index
      %get3A_609 = tpu.vector_load %arg6[%get3A_607, %get3A_608] {strides = array<i32>} : memref<128x256xf32, #tpu.memory_space<vmem>>, vector<16xf32>,
      %get3A_610 = arith.index_cast %add3A_597 : i32 to index
      %get3A_611 = arith.constant 64 : index
      %get3A_612 = tpu.vector_load %arg6[%get3A_610, %get3A_611] {strides = array<i32>} : memref<128x256xf32, #tpu.memory_space<vmem>>, vector<16xf32>,
      %get3A_613 = arith.index_cast %add3A_597 : i32 to index
      %get3A_614 = arith.constant 80 : index
      %get3A_615 = tpu.vector_load %arg6[%get3A_613, %get3A_614] {strides = array<i32>} : memref<128x256xf32, #tpu.memory_space<vmem>>, vector<16xf32>,
      %get3A_616 = arith.index_cast %add3A_597 : i32 to index
      %get3A_617 = arith.constant 96 : index
      %get3A_618 = tpu.vector_load %arg6[%get3A_616, %get3A_617] {strides = array<i32>} : memref<128x256xf32, #tpu.memory_space<vmem>>, vector<16xf32>,
      %get3A_619 = arith.index_cast %add3A_597 : i32 to index
      %get3A_620 = arith.constant 112 : index
      %get3A_621 = tpu.vector_load %arg6[%get3A_619, %get3A_620] {strides = array<i32>} : memref<128x256xf32, #tpu.memory_space<vmem>>, vector<16xf32>,
      %get3A_622 = arith.index_cast %add3A_597 : i32 to index
      %get3A_623 = arith.constant 128 : index
      %get3A_624 = tpu.vector_load %arg6[%get3A_622, %get3A_623] {strides = array<i32>} : memref<128x256xf32, #tpu.memory_space<vmem>>, vector<16xf32>,
      %get3A_625 = arith.index_cast %add3A_597 : i32 to index
      %get3A_626 = arith.constant 144 : index
      %get3A_627 = tpu.vector_load %arg6[%get3A_625, %get3A_626] {strides = array<i32>} : memref<128x256xf32, #tpu.memory_space<vmem>>, vector<16xf32>,
      %get3A_628 = arith.index_cast %add3A_597 : i32 to index
      %get3A_629 = arith.constant 160 : index
      %get3A_630 = tpu.vector_load %arg6[%get3A_628, %get3A_629] {strides = array<i32>} : memref<128x256xf32, #tpu.memory_space<vmem>>, vector<16xf32>,
      %get3A_631 = arith.index_cast %add3A_597 : i32 to index
      %get3A_632 = arith.constant 176 : index
      %get3A_633 = tpu.vector_load %arg6[%get3A_631, %get3A_632] {strides = array<i32>} : memref<128x256xf32, #tpu.memory_space<vmem>>, vector<16xf32>,
      %get3A_634 = arith.index_cast %add3A_597 : i32 to index
      %get3A_635 = arith.constant 192 : index
      %get3A_636 = tpu.vector_load %arg6[%get3A_634, %get3A_635] {strides = array<i32>} : memref<128x256xf32, #tpu.memory_space<vmem>>, vector<16xf32>,
      %get3A_637 = arith.index_cast %add3A_597 : i32 to index
      %get3A_638 = arith.constant 208 : index
      %get3A_639 = tpu.vector_load %arg6[%get3A_637, %get3A_638] {strides = array<i32>} : memref<128x256xf32, #tpu.memory_space<vmem>>, vector<16xf32>,
      %get3A_640 = arith.index_cast %add3A_597 : i32 to index
      %get3A_641 = arith.constant 224 : index
      %get3A_642 = tpu.vector_load %arg6[%get3A_640, %get3A_641] {strides = array<i32>} : memref<128x256xf32, #tpu.memory_space<vmem>>, vector<16xf32>,
      %get3A_643 = arith.index_cast %add3A_597 : i32 to index
      %get3A_644 = arith.constant 240 : index
      %get3A_645 = tpu.vector_load %arg6[%get3A_643, %get3A_644] {strides = array<i32>} : memref<128x256xf32, #tpu.memory_space<vmem>>, vector<16xf32>,
      %mul3A_646 = arith.mulf %get3A_600, %get3A_227 : vector<16xf32>
      %mul3A_647 = arith.mulf %get3A_603, %get3A_229 : vector<16xf32>
      %mul3A_648 = arith.mulf %get3A_606, %get3A_231 : vector<16xf32>
      %mul3A_649 = arith.mulf %get3A_609, %get3A_233 : vector<16xf32>
      %mul3A_650 = arith.mulf %get3A_612, %get3A_235 : vector<16xf32>
      %mul3A_651 = arith.mulf %get3A_615, %get3A_237 : vector<16xf32>
      %mul3A_652 = arith.mulf %get3A_618, %get3A_239 : vector<16xf32>
      %mul3A_653 = arith.mulf %get3A_621, %get3A_241 : vector<16xf32>
      %mul3A_654 = arith.mulf %get3A_624, %get3A_243 : vector<16xf32>
      %mul3A_655 = arith.mulf %get3A_627, %get3A_245 : vector<16xf32>
      %mul3A_656 = arith.mulf %get3A_630, %get3A_247 : vector<16xf32>
      %mul3A_657 = arith.mulf %get3A_633, %get3A_249 : vector<16xf32>
      %mul3A_658 = arith.mulf %get3A_636, %get3A_251 : vector<16xf32>
      %mul3A_659 = arith.mulf %get3A_639, %get3A_253 : vector<16xf32>
      %mul3A_660 = arith.mulf %get3A_642, %get3A_255 : vector<16xf32>
      %mul3A_661 = arith.mulf %get3A_645, %get3A_257 : vector<16xf32>
      %add3A_662 = arith.addf %mul3A_646, %mul3A_647 : vector<16xf32>
      %add3A_663 = arith.addf %mul3A_648, %mul3A_649 : vector<16xf32>
      %add3A_664 = arith.addf %mul3A_650, %mul3A_651 : vector<16xf32>
      %add3A_665 = arith.addf %mul3A_652, %mul3A_653 : vector<16xf32>
      %add3A_666 = arith.addf %mul3A_654, %mul3A_655 : vector<16xf32>
      %add3A_667 = arith.addf %mul3A_656, %mul3A_657 : vector<16xf32>
      %add3A_668 = arith.addf %mul3A_658, %mul3A_659 : vector<16xf32>
      %add3A_669 = arith.addf %mul3A_660, %mul3A_661 : vector<16xf32>
      %add3A_670 = arith.addf %add3A_662, %add3A_663 : vector<16xf32>
      %add3A_671 = arith.addf %add3A_664, %add3A_665 : vector<16xf32>
      %add3A_672 = arith.addf %add3A_666, %add3A_667 : vector<16xf32>
      %add3A_673 = arith.addf %add3A_668, %add3A_669 : vector<16xf32>
      %add3A_674 = arith.addf %add3A_670, %add3A_671 : vector<16xf32>
      %add3A_675 = arith.addf %add3A_672, %add3A_673 : vector<16xf32>
      %add3A_676 = arith.addf %add3A_674, %add3A_675 : vector<16xf32>
      %broadcast_in_dim3A_677 = vector.shape_cast %and3A_5 : vector<16xi32> to vector<16x1xi32>
      %gather3A_678 = vector.shape_cast %broadcast_in_dim3A_677 : vector<16x1xi32> to vector<16xi32>
      %gather3A_679 = tpu.dynamic_gather %add3A_676[%gather3A_678] in [0] : vector<16xf32>, vector<16xi32> -> vector<16xf32>
      %add3A_680 = arith.addf %add3A_676, %gather3A_679 : vector<16xf32>
      %broadcast_in_dim3A_681 = vector.shape_cast %and3A_11 : vector<16xi32> to vector<16x1xi32>
      %gather3A_682 = vector.shape_cast %broadcast_in_dim3A_681 : vector<16x1xi32> to vector<16xi32>
      %gather3A_683 = tpu.dynamic_gather %add3A_680[%gather3A_682] in [0] : vector<16xf32>, vector<16xi32> -> vector<16xf32>
      %add3A_684 = arith.addf %add3A_680, %gather3A_683 : vector<16xf32>
      %broadcast_in_dim3A_685 = vector.shape_cast %and3A_17 : vector<16xi32> to vector<16x1xi32>
      %gather3A_686 = vector.shape_cast %broadcast_in_dim3A_685 : vector<16x1xi32> to vector<16xi32>
      %gather3A_687 = tpu.dynamic_gather %add3A_684[%gather3A_686] in [0] : vector<16xf32>, vector<16xi32> -> vector<16xf32>
      %add3A_688 = arith.addf %add3A_684, %gather3A_687 : vector<16xf32>
      %broadcast_in_dim3A_689 = vector.shape_cast %and3A_23 : vector<16xi32> to vector<16x1xi32>
      %gather3A_690 = vector.shape_cast %broadcast_in_dim3A_689 : vector<16x1xi32> to vector<16xi32>
      %gather3A_691 = tpu.dynamic_gather %add3A_688[%gather3A_690] in [0] : vector<16xf32>, vector<16xi32> -> vector<16xf32>
      %add3A_692 = arith.addf %add3A_688, %gather3A_691 : vector<16xf32>
      %add3A_693 = arith.constant 0 : i32
      %add3A_694 = arith.addi %add3A_693, %add3A_597 : i32
      %broadcast_in_dim3A_695 = vector.broadcast %add3A_694 : i32 to vector<16xi32>
      %gather3A_696 = tpu.vector_load_idx %arg9[%broadcast_in_dim3A_695] : memref<256xf32, #tpu.memory_space<vmem>>[vector<16xi32>], vector<16xf32>,
      %add3A_697 = arith.addf %add3A_692, %gather3A_696 : vector<16xf32>
      %exp3A_698 = math.exp %add3A_697 : vector<16xf32>
      %mul3A_699 = arith.constant 4 : i32
      %mul3A_700 = arith.muli %scan3A_368, %mul3A_699 : i32
      %add3A_701 = arith.constant 3 : i32
      %add3A_702 = arith.addi %mul3A_700, %add3A_701 : i32
      %get3A_703 = arith.index_cast %add3A_702 : i32 to index
      %get3A_704 = arith.constant 0 : index
      %get3A_705 = tpu.vector_load %arg6[%get3A_703, %get3A_704] {strides = array<i32>} : memref<128x256xf32, #tpu.memory_space<vmem>>, vector<16xf32>,
      %get3A_706 = arith.index_cast %add3A_702 : i32 to index
      %get3A_707 = arith.constant 16 : index
      %get3A_708 = tpu.vector_load %arg6[%get3A_706, %get3A_707] {strides = array<i32>} : memref<128x256xf32, #tpu.memory_space<vmem>>, vector<16xf32>,
      %get3A_709 = arith.index_cast %add3A_702 : i32 to index
      %get3A_710 = arith.constant 32 : index
      %get3A_711 = tpu.vector_load %arg6[%get3A_709, %get3A_710] {strides = array<i32>} : memref<128x256xf32, #tpu.memory_space<vmem>>, vector<16xf32>,
      %get3A_712 = arith.index_cast %add3A_702 : i32 to index
      %get3A_713 = arith.constant 48 : index
      %get3A_714 = tpu.vector_load %arg6[%get3A_712, %get3A_713] {strides = array<i32>} : memref<128x256xf32, #tpu.memory_space<vmem>>, vector<16xf32>,
      %get3A_715 = arith.index_cast %add3A_702 : i32 to index
      %get3A_716 = arith.constant 64 : index
      %get3A_717 = tpu.vector_load %arg6[%get3A_715, %get3A_716] {strides = array<i32>} : memref<128x256xf32, #tpu.memory_space<vmem>>, vector<16xf32>,
      %get3A_718 = arith.index_cast %add3A_702 : i32 to index
      %get3A_719 = arith.constant 80 : index
      %get3A_720 = tpu.vector_load %arg6[%get3A_718, %get3A_719] {strides = array<i32>} : memref<128x256xf32, #tpu.memory_space<vmem>>, vector<16xf32>,
      %get3A_721 = arith.index_cast %add3A_702 : i32 to index
      %get3A_722 = arith.constant 96 : index
      %get3A_723 = tpu.vector_load %arg6[%get3A_721, %get3A_722] {strides = array<i32>} : memref<128x256xf32, #tpu.memory_space<vmem>>, vector<16xf32>,
      %get3A_724 = arith.index_cast %add3A_702 : i32 to index
      %get3A_725 = arith.constant 112 : index
      %get3A_726 = tpu.vector_load %arg6[%get3A_724, %get3A_725] {strides = array<i32>} : memref<128x256xf32, #tpu.memory_space<vmem>>, vector<16xf32>,
      %get3A_727 = arith.index_cast %add3A_702 : i32 to index
      %get3A_728 = arith.constant 128 : index
      %get3A_729 = tpu.vector_load %arg6[%get3A_727, %get3A_728] {strides = array<i32>} : memref<128x256xf32, #tpu.memory_space<vmem>>, vector<16xf32>,
      %get3A_730 = arith.index_cast %add3A_702 : i32 to index
      %get3A_731 = arith.constant 144 : index
      %get3A_732 = tpu.vector_load %arg6[%get3A_730, %get3A_731] {strides = array<i32>} : memref<128x256xf32, #tpu.memory_space<vmem>>, vector<16xf32>,
      %get3A_733 = arith.index_cast %add3A_702 : i32 to index
      %get3A_734 = arith.constant 160 : index
      %get3A_735 = tpu.vector_load %arg6[%get3A_733, %get3A_734] {strides = array<i32>} : memref<128x256xf32, #tpu.memory_space<vmem>>, vector<16xf32>,
      %get3A_736 = arith.index_cast %add3A_702 : i32 to index
      %get3A_737 = arith.constant 176 : index
      %get3A_738 = tpu.vector_load %arg6[%get3A_736, %get3A_737] {strides = array<i32>} : memref<128x256xf32, #tpu.memory_space<vmem>>, vector<16xf32>,
      %get3A_739 = arith.index_cast %add3A_702 : i32 to index
      %get3A_740 = arith.constant 192 : index
      %get3A_741 = tpu.vector_load %arg6[%get3A_739, %get3A_740] {strides = array<i32>} : memref<128x256xf32, #tpu.memory_space<vmem>>, vector<16xf32>,
      %get3A_742 = arith.index_cast %add3A_702 : i32 to index
      %get3A_743 = arith.constant 208 : index
      %get3A_744 = tpu.vector_load %arg6[%get3A_742, %get3A_743] {strides = array<i32>} : memref<128x256xf32, #tpu.memory_space<vmem>>, vector<16xf32>,
      %get3A_745 = arith.index_cast %add3A_702 : i32 to index
      %get3A_746 = arith.constant 224 : index
      %get3A_747 = tpu.vector_load %arg6[%get3A_745, %get3A_746] {strides = array<i32>} : memref<128x256xf32, #tpu.memory_space<vmem>>, vector<16xf32>,
      %get3A_748 = arith.index_cast %add3A_702 : i32 to index
      %get3A_749 = arith.constant 240 : index
      %get3A_750 = tpu.vector_load %arg6[%get3A_748, %get3A_749] {strides = array<i32>} : memref<128x256xf32, #tpu.memory_space<vmem>>, vector<16xf32>,
      %mul3A_751 = arith.mulf %get3A_705, %get3A_227 : vector<16xf32>
      %mul3A_752 = arith.mulf %get3A_708, %get3A_229 : vector<16xf32>
      %mul3A_753 = arith.mulf %get3A_711, %get3A_231 : vector<16xf32>
      %mul3A_754 = arith.mulf %get3A_714, %get3A_233 : vector<16xf32>
      %mul3A_755 = arith.mulf %get3A_717, %get3A_235 : vector<16xf32>
      %mul3A_756 = arith.mulf %get3A_720, %get3A_237 : vector<16xf32>
      %mul3A_757 = arith.mulf %get3A_723, %get3A_239 : vector<16xf32>
      %mul3A_758 = arith.mulf %get3A_726, %get3A_241 : vector<16xf32>
      %mul3A_759 = arith.mulf %get3A_729, %get3A_243 : vector<16xf32>
      %mul3A_760 = arith.mulf %get3A_732, %get3A_245 : vector<16xf32>
      %mul3A_761 = arith.mulf %get3A_735, %get3A_247 : vector<16xf32>
      %mul3A_762 = arith.mulf %get3A_738, %get3A_249 : vector<16xf32>
      %mul3A_763 = arith.mulf %get3A_741, %get3A_251 : vector<16xf32>
      %mul3A_764 = arith.mulf %get3A_744, %get3A_253 : vector<16xf32>
      %mul3A_765 = arith.mulf %get3A_747, %get3A_255 : vector<16xf32>
      %mul3A_766 = arith.mulf %get3A_750, %get3A_257 : vector<16xf32>
      %add3A_767 = arith.addf %mul3A_751, %mul3A_752 : vector<16xf32>
      %add3A_768 = arith.addf %mul3A_753, %mul3A_754 : vector<16xf32>
      %add3A_769 = arith.addf %mul3A_755, %mul3A_756 : vector<16xf32>
      %add3A_770 = arith.addf %mul3A_757, %mul3A_758 : vector<16xf32>
      %add3A_771 = arith.addf %mul3A_759, %mul3A_760 : vector<16xf32>
      %add3A_772 = arith.addf %mul3A_761, %mul3A_762 : vector<16xf32>
      %add3A_773 = arith.addf %mul3A_763, %mul3A_764 : vector<16xf32>
      %add3A_774 = arith.addf %mul3A_765, %mul3A_766 : vector<16xf32>
      %add3A_775 = arith.addf %add3A_767, %add3A_768 : vector<16xf32>
      %add3A_776 = arith.addf %add3A_769, %add3A_770 : vector<16xf32>
      %add3A_777 = arith.addf %add3A_771, %add3A_772 : vector<16xf32>
      %add3A_778 = arith.addf %add3A_773, %add3A_774 : vector<16xf32>
      %add3A_779 = arith.addf %add3A_775, %add3A_776 : vector<16xf32>
      %add3A_780 = arith.addf %add3A_777, %add3A_778 : vector<16xf32>
      %add3A_781 = arith.addf %add3A_779, %add3A_780 : vector<16xf32>
      %broadcast_in_dim3A_782 = vector.shape_cast %and3A_5 : vector<16xi32> to vector<16x1xi32>
      %gather3A_783 = vector.shape_cast %broadcast_in_dim3A_782 : vector<16x1xi32> to vector<16xi32>
      %gather3A_784 = tpu.dynamic_gather %add3A_781[%gather3A_783] in [0] : vector<16xf32>, vector<16xi32> -> vector<16xf32>
      %add3A_785 = arith.addf %add3A_781, %gather3A_784 : vector<16xf32>
      %broadcast_in_dim3A_786 = vector.shape_cast %and3A_11 : vector<16xi32> to vector<16x1xi32>
      %gather3A_787 = vector.shape_cast %broadcast_in_dim3A_786 : vector<16x1xi32> to vector<16xi32>
      %gather3A_788 = tpu.dynamic_gather %add3A_785[%gather3A_787] in [0] : vector<16xf32>, vector<16xi32> -> vector<16xf32>
      %add3A_789 = arith.addf %add3A_785, %gather3A_788 : vector<16xf32>
      %broadcast_in_dim3A_790 = vector.shape_cast %and3A_17 : vector<16xi32> to vector<16x1xi32>
      %gather3A_791 = vector.shape_cast %broadcast_in_dim3A_790 : vector<16x1xi32> to vector<16xi32>
      %gather3A_792 = tpu.dynamic_gather %add3A_789[%gather3A_791] in [0] : vector<16xf32>, vector<16xi32> -> vector<16xf32>
      %add3A_793 = arith.addf %add3A_789, %gather3A_792 : vector<16xf32>
      %broadcast_in_dim3A_794 = vector.shape_cast %and3A_23 : vector<16xi32> to vector<16x1xi32>
      %gather3A_795 = vector.shape_cast %broadcast_in_dim3A_794 : vector<16x1xi32> to vector<16xi32>
      %gather3A_796 = tpu.dynamic_gather %add3A_793[%gather3A_795] in [0] : vector<16xf32>, vector<16xi32> -> vector<16xf32>
      %add3A_797 = arith.addf %add3A_793, %gather3A_796 : vector<16xf32>
      %add3A_798 = arith.constant 0 : i32
      %add3A_799 = arith.addi %add3A_798, %add3A_702 : i32
      %broadcast_in_dim3A_800 = vector.broadcast %add3A_799 : i32 to vector<16xi32>
      %gather3A_801 = tpu.vector_load_idx %arg9[%broadcast_in_dim3A_800] : memref<256xf32, #tpu.memory_space<vmem>>[vector<16xi32>], vector<16xf32>,
      %add3A_802 = arith.addf %add3A_797, %gather3A_801 : vector<16xf32>
      %exp3A_803 = math.exp %add3A_802 : vector<16xf32>
      %add3A_804 = arith.addf %scan3A_369, %exp3A : vector<16xf32>
      %mul3A_805 = arith.mulf %exp3A, %get3A_392 : vector<16xf32>
      %add3A_806 = arith.addf %scan3A_370, %mul3A_805 : vector<16xf32>
      %mul3A_807 = arith.mulf %exp3A, %get3A_395 : vector<16xf32>
      %add3A_808 = arith.addf %scan3A_371, %mul3A_807 : vector<16xf32>
      %mul3A_809 = arith.mulf %exp3A, %get3A_398 : vector<16xf32>
      %add3A_810 = arith.addf %scan3A_372, %mul3A_809 : vector<16xf32>
      %mul3A_811 = arith.mulf %exp3A, %get3A_401 : vector<16xf32>
      %add3A_812 = arith.addf %scan3A_373, %mul3A_811 : vector<16xf32>
      %mul3A_813 = arith.mulf %exp3A, %get3A_404 : vector<16xf32>
      %add3A_814 = arith.addf %scan3A_374, %mul3A_813 : vector<16xf32>
      %mul3A_815 = arith.mulf %exp3A, %get3A_407 : vector<16xf32>
      %add3A_816 = arith.addf %scan3A_375, %mul3A_815 : vector<16xf32>
      %mul3A_817 = arith.mulf %exp3A, %get3A_410 : vector<16xf32>
      %add3A_818 = arith.addf %scan3A_376, %mul3A_817 : vector<16xf32>
      %mul3A_819 = arith.mulf %exp3A, %get3A_413 : vector<16xf32>
      %add3A_820 = arith.addf %scan3A_377, %mul3A_819 : vector<16xf32>
      %mul3A_821 = arith.mulf %exp3A, %get3A_416 : vector<16xf32>
      %add3A_822 = arith.addf %scan3A_378, %mul3A_821 : vector<16xf32>
      %mul3A_823 = arith.mulf %exp3A, %get3A_419 : vector<16xf32>
      %add3A_824 = arith.addf %scan3A_379, %mul3A_823 : vector<16xf32>
      %mul3A_825 = arith.mulf %exp3A, %get3A_422 : vector<16xf32>
      %add3A_826 = arith.addf %scan3A_380, %mul3A_825 : vector<16xf32>
      %mul3A_827 = arith.mulf %exp3A, %get3A_425 : vector<16xf32>
      %add3A_828 = arith.addf %scan3A_381, %mul3A_827 : vector<16xf32>
      %mul3A_829 = arith.mulf %exp3A, %get3A_428 : vector<16xf32>
      %add3A_830 = arith.addf %scan3A_382, %mul3A_829 : vector<16xf32>
      %mul3A_831 = arith.mulf %exp3A, %get3A_431 : vector<16xf32>
      %add3A_832 = arith.addf %scan3A_383, %mul3A_831 : vector<16xf32>
      %mul3A_833 = arith.mulf %exp3A, %get3A_434 : vector<16xf32>
      %add3A_834 = arith.addf %scan3A_384, %mul3A_833 : vector<16xf32>
      %mul3A_835 = arith.mulf %exp3A, %get3A_437 : vector<16xf32>
      %add3A_836 = arith.addf %scan3A_385, %mul3A_835 : vector<16xf32>
      %add3A_837 = arith.addf %add3A_804, %exp3A_593 : vector<16xf32>
      %mul3A_838 = arith.mulf %exp3A_593, %get3A_495 : vector<16xf32>
      %add3A_839 = arith.addf %add3A_806, %mul3A_838 : vector<16xf32>
      %mul3A_840 = arith.mulf %exp3A_593, %get3A_498 : vector<16xf32>
      %add3A_841 = arith.addf %add3A_808, %mul3A_840 : vector<16xf32>
      %mul3A_842 = arith.mulf %exp3A_593, %get3A_501 : vector<16xf32>
      %add3A_843 = arith.addf %add3A_810, %mul3A_842 : vector<16xf32>
      %mul3A_844 = arith.mulf %exp3A_593, %get3A_504 : vector<16xf32>
      %add3A_845 = arith.addf %add3A_812, %mul3A_844 : vector<16xf32>
      %mul3A_846 = arith.mulf %exp3A_593, %get3A_507 : vector<16xf32>
      %add3A_847 = arith.addf %add3A_814, %mul3A_846 : vector<16xf32>
      %mul3A_848 = arith.mulf %exp3A_593, %get3A_510 : vector<16xf32>
      %add3A_849 = arith.addf %add3A_816, %mul3A_848 : vector<16xf32>
      %mul3A_850 = arith.mulf %exp3A_593, %get3A_513 : vector<16xf32>
      %add3A_851 = arith.addf %add3A_818, %mul3A_850 : vector<16xf32>
      %mul3A_852 = arith.mulf %exp3A_593, %get3A_516 : vector<16xf32>
      %add3A_853 = arith.addf %add3A_820, %mul3A_852 : vector<16xf32>
      %mul3A_854 = arith.mulf %exp3A_593, %get3A_519 : vector<16xf32>
      %add3A_855 = arith.addf %add3A_822, %mul3A_854 : vector<16xf32>
      %mul3A_856 = arith.mulf %exp3A_593, %get3A_522 : vector<16xf32>
      %add3A_857 = arith.addf %add3A_824, %mul3A_856 : vector<16xf32>
      %mul3A_858 = arith.mulf %exp3A_593, %get3A_525 : vector<16xf32>
      %add3A_859 = arith.addf %add3A_826, %mul3A_858 : vector<16xf32>
      %mul3A_860 = arith.mulf %exp3A_593, %get3A_528 : vector<16xf32>
      %add3A_861 = arith.addf %add3A_828, %mul3A_860 : vector<16xf32>
      %mul3A_862 = arith.mulf %exp3A_593, %get3A_531 : vector<16xf32>
      %add3A_863 = arith.addf %add3A_830, %mul3A_862 : vector<16xf32>
      %mul3A_864 = arith.mulf %exp3A_593, %get3A_534 : vector<16xf32>
      %add3A_865 = arith.addf %add3A_832, %mul3A_864 : vector<16xf32>
      %mul3A_866 = arith.mulf %exp3A_593, %get3A_537 : vector<16xf32>
      %add3A_867 = arith.addf %add3A_834, %mul3A_866 : vector<16xf32>
      %mul3A_868 = arith.mulf %exp3A_593, %get3A_540 : vector<16xf32>
      %add3A_869 = arith.addf %add3A_836, %mul3A_868 : vector<16xf32>
      %add3A_870 = arith.addf %add3A_837, %exp3A_698 : vector<16xf32>
      %mul3A_871 = arith.mulf %exp3A_698, %get3A_600 : vector<16xf32>
      %add3A_872 = arith.addf %add3A_839, %mul3A_871 : vector<16xf32>
      %mul3A_873 = arith.mulf %exp3A_698, %get3A_603 : vector<16xf32>
      %add3A_874 = arith.addf %add3A_841, %mul3A_873 : vector<16xf32>
      %mul3A_875 = arith.mulf %exp3A_698, %get3A_606 : vector<16xf32>
      %add3A_876 = arith.addf %add3A_843, %mul3A_875 : vector<16xf32>
      %mul3A_877 = arith.mulf %exp3A_698, %get3A_609 : vector<16xf32>
      %add3A_878 = arith.addf %add3A_845, %mul3A_877 : vector<16xf32>
      %mul3A_879 = arith.mulf %exp3A_698, %get3A_612 : vector<16xf32>
      %add3A_880 = arith.addf %add3A_847, %mul3A_879 : vector<16xf32>
      %mul3A_881 = arith.mulf %exp3A_698, %get3A_615 : vector<16xf32>
      %add3A_882 = arith.addf %add3A_849, %mul3A_881 : vector<16xf32>
      %mul3A_883 = arith.mulf %exp3A_698, %get3A_618 : vector<16xf32>
      %add3A_884 = arith.addf %add3A_851, %mul3A_883 : vector<16xf32>
      %mul3A_885 = arith.mulf %exp3A_698, %get3A_621 : vector<16xf32>
      %add3A_886 = arith.addf %add3A_853, %mul3A_885 : vector<16xf32>
      %mul3A_887 = arith.mulf %exp3A_698, %get3A_624 : vector<16xf32>
      %add3A_888 = arith.addf %add3A_855, %mul3A_887 : vector<16xf32>
      %mul3A_889 = arith.mulf %exp3A_698, %get3A_627 : vector<16xf32>
      %add3A_890 = arith.addf %add3A_857, %mul3A_889 : vector<16xf32>
      %mul3A_891 = arith.mulf %exp3A_698, %get3A_630 : vector<16xf32>
      %add3A_892 = arith.addf %add3A_859, %mul3A_891 : vector<16xf32>
      %mul3A_893 = arith.mulf %exp3A_698, %get3A_633 : vector<16xf32>
      %add3A_894 = arith.addf %add3A_861, %mul3A_893 : vector<16xf32>
      %mul3A_895 = arith.mulf %exp3A_698, %get3A_636 : vector<16xf32>
      %add3A_896 = arith.addf %add3A_863, %mul3A_895 : vector<16xf32>
      %mul3A_897 = arith.mulf %exp3A_698, %get3A_639 : vector<16xf32>
      %add3A_898 = arith.addf %add3A_865, %mul3A_897 : vector<16xf32>
      %mul3A_899 = arith.mulf %exp3A_698, %get3A_642 : vector<16xf32>
      %add3A_900 = arith.addf %add3A_867, %mul3A_899 : vector<16xf32>
      %mul3A_901 = arith.mulf %exp3A_698, %get3A_645 : vector<16xf32>
      %add3A_902 = arith.addf %add3A_869, %mul3A_901 : vector<16xf32>
      %add3A_903 = arith.addf %add3A_870, %exp3A_803 : vector<16xf32>
      %mul3A_904 = arith.mulf %exp3A_803, %get3A_705 : vector<16xf32>
      %add3A_905 = arith.addf %add3A_872, %mul3A_904 : vector<16xf32>
      %mul3A_906 = arith.mulf %exp3A_803, %get3A_708 : vector<16xf32>
      %add3A_907 = arith.addf %add3A_874, %mul3A_906 : vector<16xf32>
      %mul3A_908 = arith.mulf %exp3A_803, %get3A_711 : vector<16xf32>
      %add3A_909 = arith.addf %add3A_876, %mul3A_908 : vector<16xf32>
      %mul3A_910 = arith.mulf %exp3A_803, %get3A_714 : vector<16xf32>
      %add3A_911 = arith.addf %add3A_878, %mul3A_910 : vector<16xf32>
      %mul3A_912 = arith.mulf %exp3A_803, %get3A_717 : vector<16xf32>
      %add3A_913 = arith.addf %add3A_880, %mul3A_912 : vector<16xf32>
      %mul3A_914 = arith.mulf %exp3A_803, %get3A_720 : vector<16xf32>
      %add3A_915 = arith.addf %add3A_882, %mul3A_914 : vector<16xf32>
      %mul3A_916 = arith.mulf %exp3A_803, %get3A_723 : vector<16xf32>
      %add3A_917 = arith.addf %add3A_884, %mul3A_916 : vector<16xf32>
      %mul3A_918 = arith.mulf %exp3A_803, %get3A_726 : vector<16xf32>
      %add3A_919 = arith.addf %add3A_886, %mul3A_918 : vector<16xf32>
      %mul3A_920 = arith.mulf %exp3A_803, %get3A_729 : vector<16xf32>
      %add3A_921 = arith.addf %add3A_888, %mul3A_920 : vector<16xf32>
      %mul3A_922 = arith.mulf %exp3A_803, %get3A_732 : vector<16xf32>
      %add3A_923 = arith.addf %add3A_890, %mul3A_922 : vector<16xf32>
      %mul3A_924 = arith.mulf %exp3A_803, %get3A_735 : vector<16xf32>
      %add3A_925 = arith.addf %add3A_892, %mul3A_924 : vector<16xf32>
      %mul3A_926 = arith.mulf %exp3A_803, %get3A_738 : vector<16xf32>
      %add3A_927 = arith.addf %add3A_894, %mul3A_926 : vector<16xf32>
      %mul3A_928 = arith.mulf %exp3A_803, %get3A_741 : vector<16xf32>
      %add3A_929 = arith.addf %add3A_896, %mul3A_928 : vector<16xf32>
      %mul3A_930 = arith.mulf %exp3A_803, %get3A_744 : vector<16xf32>
      %add3A_931 = arith.addf %add3A_898, %mul3A_930 : vector<16xf32>
      %mul3A_932 = arith.mulf %exp3A_803, %get3A_747 : vector<16xf32>
      %add3A_933 = arith.addf %add3A_900, %mul3A_932 : vector<16xf32>
      %mul3A_934 = arith.mulf %exp3A_803, %get3A_750 : vector<16xf32>
      %add3A_935 = arith.addf %add3A_902, %mul3A_934 : vector<16xf32>
      scf.yield %add3A_903, %add3A_905, %add3A_907, %add3A_909, %add3A_911, %add3A_913, %add3A_915, %add3A_917, %add3A_919, %add3A_921, %add3A_923, %add3A_925, %add3A_927, %add3A_929, %add3A_931, %add3A_933, %add3A_935 : vector<16xf32>, vector<16xf32>, vector<16xf32>, vector<16xf32>, vector<16xf32>, vector<16xf32>, vector<16xf32>, vector<16xf32>, vector<16xf32>, vector<16xf32>, vector<16xf32>, vector<16xf32>, vector<16xf32>, vector<16xf32>, vector<16xf32>, vector<16xf32>, vector<16xf32>
    }
    %scan3A_263 = arith.constant 32 : i32
    %dma_wait3A_264 = arith.constant 0 : i32
    %dma_wait3A_265 = arith.constant 128 : i32
    %dma_wait3A_266 = arith.constant 0 : i32
    %dma_wait3A_267 = tpu.memref_slice %arg2[%dma_wait3A_264, %add3A_196, %dma_wait3A_265, %dma_wait3A_266] : memref<1x256x256x256xf32, #tpu.memory_space<hbm>> -> memref<1x1x128x256xf32, #tpu.memory_space<hbm>>
    %dma_wait3A_268 = tpu.memref_squeeze %dma_wait3A_267 : memref<1x1x128x256xf32, #tpu.memory_space<hbm>> -> memref<128x256xf32, #tpu.memory_space<hbm>>
    %dma_wait3A_269 = arith.constant 128 : i32
    %dma_wait3A_270 = arith.constant 0 : i32
    %dma_wait3A_271 = tpu.memref_slice %arg2[%dma_wait3A_264, %add3A_196, %dma_wait3A_269, %dma_wait3A_270] : memref<1x256x256x256xf32, #tpu.memory_space<hbm>> -> memref<1x1x128x256xf32, #tpu.memory_space<hbm>>
    %dma_wait3A_272 = tpu.memref_squeeze %dma_wait3A_271 : memref<1x1x128x256xf32, #tpu.memory_space<hbm>> -> memref<128x256xf32, #tpu.memory_space<hbm>>
    tpu.wait_dma2 semaphore(%arg12 : memref<!tpu.dma_semaphore, #tpu.memory_space<semaphore_mem>>) src(%dma_wait3A_272 : memref<128x256xf32, #tpu.memory_space<hbm>>) dst(%arg7 : memref<128x256xf32, #tpu.memory_space<vmem>>)
    %get3A_273 = arith.constant 0 : index
    %get3A_274 = tpu.vector_load %arg8[%get3A_273] {strides = array<i32>} : memref<256xf32, #tpu.memory_space<vmem>>, vector<16xf32>,
    %get3A_275 = arith.constant 16 : index
    %get3A_276 = tpu.vector_load %arg8[%get3A_275] {strides = array<i32>} : memref<256xf32, #tpu.memory_space<vmem>>, vector<16xf32>,
    %get3A_277 = arith.constant 32 : index
    %get3A_278 = tpu.vector_load %arg8[%get3A_277] {strides = array<i32>} : memref<256xf32, #tpu.memory_space<vmem>>, vector<16xf32>,
    %get3A_279 = arith.constant 48 : index
    %get3A_280 = tpu.vector_load %arg8[%get3A_279] {strides = array<i32>} : memref<256xf32, #tpu.memory_space<vmem>>, vector<16xf32>,
    %get3A_281 = arith.constant 64 : index
    %get3A_282 = tpu.vector_load %arg8[%get3A_281] {strides = array<i32>} : memref<256xf32, #tpu.memory_space<vmem>>, vector<16xf32>,
    %get3A_283 = arith.constant 80 : index
    %get3A_284 = tpu.vector_load %arg8[%get3A_283] {strides = array<i32>} : memref<256xf32, #tpu.memory_space<vmem>>, vector<16xf32>,
    %get3A_285 = arith.constant 96 : index
    %get3A_286 = tpu.vector_load %arg8[%get3A_285] {strides = array<i32>} : memref<256xf32, #tpu.memory_space<vmem>>, vector<16xf32>,
    %get3A_287 = arith.constant 112 : index
    %get3A_288 = tpu.vector_load %arg8[%get3A_287] {strides = array<i32>} : memref<256xf32, #tpu.memory_space<vmem>>, vector<16xf32>,
    %get3A_289 = arith.constant 128 : index
    %get3A_290 = tpu.vector_load %arg8[%get3A_289] {strides = array<i32>} : memref<256xf32, #tpu.memory_space<vmem>>, vector<16xf32>,
    %get3A_291 = arith.constant 144 : index
    %get3A_292 = tpu.vector_load %arg8[%get3A_291] {strides = array<i32>} : memref<256xf32, #tpu.memory_space<vmem>>, vector<16xf32>,
    %get3A_293 = arith.constant 160 : index
    %get3A_294 = tpu.vector_load %arg8[%get3A_293] {strides = array<i32>} : memref<256xf32, #tpu.memory_space<vmem>>, vector<16xf32>,
    %get3A_295 = arith.constant 176 : index
    %get3A_296 = tpu.vector_load %arg8[%get3A_295] {strides = array<i32>} : memref<256xf32, #tpu.memory_space<vmem>>, vector<16xf32>,
    %get3A_297 = arith.constant 192 : index
    %get3A_298 = tpu.vector_load %arg8[%get3A_297] {strides = array<i32>} : memref<256xf32, #tpu.memory_space<vmem>>, vector<16xf32>,
    %get3A_299 = arith.constant 208 : index
    %get3A_300 = tpu.vector_load %arg8[%get3A_299] {strides = array<i32>} : memref<256xf32, #tpu.memory_space<vmem>>, vector<16xf32>,
    %get3A_301 = arith.constant 224 : index
    %get3A_302 = tpu.vector_load %arg8[%get3A_301] {strides = array<i32>} : memref<256xf32, #tpu.memory_space<vmem>>, vector<16xf32>,
    %get3A_303 = arith.constant 240 : index
    %get3A_304 = tpu.vector_load %arg8[%get3A_303] {strides = array<i32>} : memref<256xf32, #tpu.memory_space<vmem>>, vector<16xf32>,
    %scan3A_305 = arith.constant 0 : i32
    %scan3A_306 = arith.constant 32 : i32
    %scan3A_307 = arith.addi %scan3A_305, %scan3A_306 : i32
    %scan3A_308 = arith.constant 1 : i32
    %scan3A_309:17 = scf.for %scan3A_368 = %scan3A_305 to %scan3A_307 step %scan3A_308 iter_args(%scan3A_369 = %scan3A_262#0, %scan3A_370 = %scan3A_262#1, %scan3A_371 = %scan3A_262#2, %scan3A_372 = %scan3A_262#3, %scan3A_373 = %scan3A_262#4, %scan3A_374 = %scan3A_262#5, %scan3A_375 = %scan3A_262#6, %scan3A_376 = %scan3A_262#7, %scan3A_377 = %scan3A_262#8, %scan3A_378 = %scan3A_262#9, %scan3A_379 = %scan3A_262#10, %scan3A_380 = %scan3A_262#11, %scan3A_381 = %scan3A_262#12, %scan3A_382 = %scan3A_262#13, %scan3A_383 = %scan3A_262#14, %scan3A_384 = %scan3A_262#15, %scan3A_385 = %scan3A_262#16) -> (vector<16xf32>, vector<16xf32>, vector<16xf32>, vector<16xf32>, vector<16xf32>, vector<16xf32>, vector<16xf32>, vector<16xf32>, vector<16xf32>, vector<16xf32>, vector<16xf32>, vector<16xf32>, vector<16xf32>, vector<16xf32>, vector<16xf32>, vector<16xf32>, vector<16xf32>)  : i32 {
      %mul3A_386 = arith.constant 4 : i32
      %mul3A_387 = arith.muli %scan3A_368, %mul3A_386 : i32
      %add3A_388 = arith.constant 0 : i32
      %add3A_389 = arith.addi %mul3A_387, %add3A_388 : i32
      %get3A_390 = arith.index_cast %add3A_389 : i32 to index
      %get3A_391 = arith.constant 0 : index
      %get3A_392 = tpu.vector_load %arg7[%get3A_390, %get3A_391] {strides = array<i32>} : memref<128x256xf32, #tpu.memory_space<vmem>>, vector<16xf32>,
      %get3A_393 = arith.index_cast %add3A_389 : i32 to index
      %get3A_394 = arith.constant 16 : index
      %get3A_395 = tpu.vector_load %arg7[%get3A_393, %get3A_394] {strides = array<i32>} : memref<128x256xf32, #tpu.memory_space<vmem>>, vector<16xf32>,
      %get3A_396 = arith.index_cast %add3A_389 : i32 to index
      %get3A_397 = arith.constant 32 : index
      %get3A_398 = tpu.vector_load %arg7[%get3A_396, %get3A_397] {strides = array<i32>} : memref<128x256xf32, #tpu.memory_space<vmem>>, vector<16xf32>,
      %get3A_399 = arith.index_cast %add3A_389 : i32 to index
      %get3A_400 = arith.constant 48 : index
      %get3A_401 = tpu.vector_load %arg7[%get3A_399, %get3A_400] {strides = array<i32>} : memref<128x256xf32, #tpu.memory_space<vmem>>, vector<16xf32>,
      %get3A_402 = arith.index_cast %add3A_389 : i32 to index
      %get3A_403 = arith.constant 64 : index
      %get3A_404 = tpu.vector_load %arg7[%get3A_402, %get3A_403] {strides = array<i32>} : memref<128x256xf32, #tpu.memory_space<vmem>>, vector<16xf32>,
      %get3A_405 = arith.index_cast %add3A_389 : i32 to index
      %get3A_406 = arith.constant 80 : index
      %get3A_407 = tpu.vector_load %arg7[%get3A_405, %get3A_406] {strides = array<i32>} : memref<128x256xf32, #tpu.memory_space<vmem>>, vector<16xf32>,
      %get3A_408 = arith.index_cast %add3A_389 : i32 to index
      %get3A_409 = arith.constant 96 : index
      %get3A_410 = tpu.vector_load %arg7[%get3A_408, %get3A_409] {strides = array<i32>} : memref<128x256xf32, #tpu.memory_space<vmem>>, vector<16xf32>,
      %get3A_411 = arith.index_cast %add3A_389 : i32 to index
      %get3A_412 = arith.constant 112 : index
      %get3A_413 = tpu.vector_load %arg7[%get3A_411, %get3A_412] {strides = array<i32>} : memref<128x256xf32, #tpu.memory_space<vmem>>, vector<16xf32>,
      %get3A_414 = arith.index_cast %add3A_389 : i32 to index
      %get3A_415 = arith.constant 128 : index
      %get3A_416 = tpu.vector_load %arg7[%get3A_414, %get3A_415] {strides = array<i32>} : memref<128x256xf32, #tpu.memory_space<vmem>>, vector<16xf32>,
      %get3A_417 = arith.index_cast %add3A_389 : i32 to index
      %get3A_418 = arith.constant 144 : index
      %get3A_419 = tpu.vector_load %arg7[%get3A_417, %get3A_418] {strides = array<i32>} : memref<128x256xf32, #tpu.memory_space<vmem>>, vector<16xf32>,
      %get3A_420 = arith.index_cast %add3A_389 : i32 to index
      %get3A_421 = arith.constant 160 : index
      %get3A_422 = tpu.vector_load %arg7[%get3A_420, %get3A_421] {strides = array<i32>} : memref<128x256xf32, #tpu.memory_space<vmem>>, vector<16xf32>,
      %get3A_423 = arith.index_cast %add3A_389 : i32 to index
      %get3A_424 = arith.constant 176 : index
      %get3A_425 = tpu.vector_load %arg7[%get3A_423, %get3A_424] {strides = array<i32>} : memref<128x256xf32, #tpu.memory_space<vmem>>, vector<16xf32>,
      %get3A_426 = arith.index_cast %add3A_389 : i32 to index
      %get3A_427 = arith.constant 192 : index
      %get3A_428 = tpu.vector_load %arg7[%get3A_426, %get3A_427] {strides = array<i32>} : memref<128x256xf32, #tpu.memory_space<vmem>>, vector<16xf32>,
      %get3A_429 = arith.index_cast %add3A_389 : i32 to index
      %get3A_430 = arith.constant 208 : index
      %get3A_431 = tpu.vector_load %arg7[%get3A_429, %get3A_430] {strides = array<i32>} : memref<128x256xf32, #tpu.memory_space<vmem>>, vector<16xf32>,
      %get3A_432 = arith.index_cast %add3A_389 : i32 to index
      %get3A_433 = arith.constant 224 : index
      %get3A_434 = tpu.vector_load %arg7[%get3A_432, %get3A_433] {strides = array<i32>} : memref<128x256xf32, #tpu.memory_space<vmem>>, vector<16xf32>,
      %get3A_435 = arith.index_cast %add3A_389 : i32 to index
      %get3A_436 = arith.constant 240 : index
      %get3A_437 = tpu.vector_load %arg7[%get3A_435, %get3A_436] {strides = array<i32>} : memref<128x256xf32, #tpu.memory_space<vmem>>, vector<16xf32>,
      %mul3A_438 = arith.mulf %get3A_392, %get3A_274 : vector<16xf32>
      %mul3A_439 = arith.mulf %get3A_395, %get3A_276 : vector<16xf32>
      %mul3A_440 = arith.mulf %get3A_398, %get3A_278 : vector<16xf32>
      %mul3A_441 = arith.mulf %get3A_401, %get3A_280 : vector<16xf32>
      %mul3A_442 = arith.mulf %get3A_404, %get3A_282 : vector<16xf32>
      %mul3A_443 = arith.mulf %get3A_407, %get3A_284 : vector<16xf32>
      %mul3A_444 = arith.mulf %get3A_410, %get3A_286 : vector<16xf32>
      %mul3A_445 = arith.mulf %get3A_413, %get3A_288 : vector<16xf32>
      %mul3A_446 = arith.mulf %get3A_416, %get3A_290 : vector<16xf32>
      %mul3A_447 = arith.mulf %get3A_419, %get3A_292 : vector<16xf32>
      %mul3A_448 = arith.mulf %get3A_422, %get3A_294 : vector<16xf32>
      %mul3A_449 = arith.mulf %get3A_425, %get3A_296 : vector<16xf32>
      %mul3A_450 = arith.mulf %get3A_428, %get3A_298 : vector<16xf32>
      %mul3A_451 = arith.mulf %get3A_431, %get3A_300 : vector<16xf32>
      %mul3A_452 = arith.mulf %get3A_434, %get3A_302 : vector<16xf32>
      %mul3A_453 = arith.mulf %get3A_437, %get3A_304 : vector<16xf32>
      %add3A_454 = arith.addf %mul3A_438, %mul3A_439 : vector<16xf32>
      %add3A_455 = arith.addf %mul3A_440, %mul3A_441 : vector<16xf32>
      %add3A_456 = arith.addf %mul3A_442, %mul3A_443 : vector<16xf32>
      %add3A_457 = arith.addf %mul3A_444, %mul3A_445 : vector<16xf32>
      %add3A_458 = arith.addf %mul3A_446, %mul3A_447 : vector<16xf32>
      %add3A_459 = arith.addf %mul3A_448, %mul3A_449 : vector<16xf32>
      %add3A_460 = arith.addf %mul3A_450, %mul3A_451 : vector<16xf32>
      %add3A_461 = arith.addf %mul3A_452, %mul3A_453 : vector<16xf32>
      %add3A_462 = arith.addf %add3A_454, %add3A_455 : vector<16xf32>
      %add3A_463 = arith.addf %add3A_456, %add3A_457 : vector<16xf32>
      %add3A_464 = arith.addf %add3A_458, %add3A_459 : vector<16xf32>
      %add3A_465 = arith.addf %add3A_460, %add3A_461 : vector<16xf32>
      %add3A_466 = arith.addf %add3A_462, %add3A_463 : vector<16xf32>
      %add3A_467 = arith.addf %add3A_464, %add3A_465 : vector<16xf32>
      %add3A_468 = arith.addf %add3A_466, %add3A_467 : vector<16xf32>
      %broadcast_in_dim3A_469 = vector.shape_cast %and3A_5 : vector<16xi32> to vector<16x1xi32>
      %gather3A = vector.shape_cast %broadcast_in_dim3A_469 : vector<16x1xi32> to vector<16xi32>
      %gather3A_470 = tpu.dynamic_gather %add3A_468[%gather3A] in [0] : vector<16xf32>, vector<16xi32> -> vector<16xf32>
      %add3A_471 = arith.addf %add3A_468, %gather3A_470 : vector<16xf32>
      %broadcast_in_dim3A_472 = vector.shape_cast %and3A_11 : vector<16xi32> to vector<16x1xi32>
      %gather3A_473 = vector.shape_cast %broadcast_in_dim3A_472 : vector<16x1xi32> to vector<16xi32>
      %gather3A_474 = tpu.dynamic_gather %add3A_471[%gather3A_473] in [0] : vector<16xf32>, vector<16xi32> -> vector<16xf32>
      %add3A_475 = arith.addf %add3A_471, %gather3A_474 : vector<16xf32>
      %broadcast_in_dim3A_476 = vector.shape_cast %and3A_17 : vector<16xi32> to vector<16x1xi32>
      %gather3A_477 = vector.shape_cast %broadcast_in_dim3A_476 : vector<16x1xi32> to vector<16xi32>
      %gather3A_478 = tpu.dynamic_gather %add3A_475[%gather3A_477] in [0] : vector<16xf32>, vector<16xi32> -> vector<16xf32>
      %add3A_479 = arith.addf %add3A_475, %gather3A_478 : vector<16xf32>
      %broadcast_in_dim3A_480 = vector.shape_cast %and3A_23 : vector<16xi32> to vector<16x1xi32>
      %gather3A_481 = vector.shape_cast %broadcast_in_dim3A_480 : vector<16x1xi32> to vector<16xi32>
      %gather3A_482 = tpu.dynamic_gather %add3A_479[%gather3A_481] in [0] : vector<16xf32>, vector<16xi32> -> vector<16xf32>
      %add3A_483 = arith.addf %add3A_479, %gather3A_482 : vector<16xf32>
      %add3A_484 = arith.constant 128 : i32
      %add3A_485 = arith.addi %add3A_484, %add3A_389 : i32
      %broadcast_in_dim3A_486 = vector.broadcast %add3A_485 : i32 to vector<16xi32>
      %gather3A_487 = tpu.vector_load_idx %arg9[%broadcast_in_dim3A_486] : memref<256xf32, #tpu.memory_space<vmem>>[vector<16xi32>], vector<16xf32>,
      %add3A_488 = arith.addf %add3A_483, %gather3A_487 : vector<16xf32>
      %exp3A = math.exp %add3A_488 : vector<16xf32>
      %mul3A_489 = arith.constant 4 : i32
      %mul3A_490 = arith.muli %scan3A_368, %mul3A_489 : i32
      %add3A_491 = arith.constant 1 : i32
      %add3A_492 = arith.addi %mul3A_490, %add3A_491 : i32
      %get3A_493 = arith.index_cast %add3A_492 : i32 to index
      %get3A_494 = arith.constant 0 : index
      %get3A_495 = tpu.vector_load %arg7[%get3A_493, %get3A_494] {strides = array<i32>} : memref<128x256xf32, #tpu.memory_space<vmem>>, vector<16xf32>,
      %get3A_496 = arith.index_cast %add3A_492 : i32 to index
      %get3A_497 = arith.constant 16 : index
      %get3A_498 = tpu.vector_load %arg7[%get3A_496, %get3A_497] {strides = array<i32>} : memref<128x256xf32, #tpu.memory_space<vmem>>, vector<16xf32>,
      %get3A_499 = arith.index_cast %add3A_492 : i32 to index
      %get3A_500 = arith.constant 32 : index
      %get3A_501 = tpu.vector_load %arg7[%get3A_499, %get3A_500] {strides = array<i32>} : memref<128x256xf32, #tpu.memory_space<vmem>>, vector<16xf32>,
      %get3A_502 = arith.index_cast %add3A_492 : i32 to index
      %get3A_503 = arith.constant 48 : index
      %get3A_504 = tpu.vector_load %arg7[%get3A_502, %get3A_503] {strides = array<i32>} : memref<128x256xf32, #tpu.memory_space<vmem>>, vector<16xf32>,
      %get3A_505 = arith.index_cast %add3A_492 : i32 to index
      %get3A_506 = arith.constant 64 : index
      %get3A_507 = tpu.vector_load %arg7[%get3A_505, %get3A_506] {strides = array<i32>} : memref<128x256xf32, #tpu.memory_space<vmem>>, vector<16xf32>,
      %get3A_508 = arith.index_cast %add3A_492 : i32 to index
      %get3A_509 = arith.constant 80 : index
      %get3A_510 = tpu.vector_load %arg7[%get3A_508, %get3A_509] {strides = array<i32>} : memref<128x256xf32, #tpu.memory_space<vmem>>, vector<16xf32>,
      %get3A_511 = arith.index_cast %add3A_492 : i32 to index
      %get3A_512 = arith.constant 96 : index
      %get3A_513 = tpu.vector_load %arg7[%get3A_511, %get3A_512] {strides = array<i32>} : memref<128x256xf32, #tpu.memory_space<vmem>>, vector<16xf32>,
      %get3A_514 = arith.index_cast %add3A_492 : i32 to index
      %get3A_515 = arith.constant 112 : index
      %get3A_516 = tpu.vector_load %arg7[%get3A_514, %get3A_515] {strides = array<i32>} : memref<128x256xf32, #tpu.memory_space<vmem>>, vector<16xf32>,
      %get3A_517 = arith.index_cast %add3A_492 : i32 to index
      %get3A_518 = arith.constant 128 : index
      %get3A_519 = tpu.vector_load %arg7[%get3A_517, %get3A_518] {strides = array<i32>} : memref<128x256xf32, #tpu.memory_space<vmem>>, vector<16xf32>,
      %get3A_520 = arith.index_cast %add3A_492 : i32 to index
      %get3A_521 = arith.constant 144 : index
      %get3A_522 = tpu.vector_load %arg7[%get3A_520, %get3A_521] {strides = array<i32>} : memref<128x256xf32, #tpu.memory_space<vmem>>, vector<16xf32>,
      %get3A_523 = arith.index_cast %add3A_492 : i32 to index
      %get3A_524 = arith.constant 160 : index
      %get3A_525 = tpu.vector_load %arg7[%get3A_523, %get3A_524] {strides = array<i32>} : memref<128x256xf32, #tpu.memory_space<vmem>>, vector<16xf32>,
      %get3A_526 = arith.index_cast %add3A_492 : i32 to index
      %get3A_527 = arith.constant 176 : index
      %get3A_528 = tpu.vector_load %arg7[%get3A_526, %get3A_527] {strides = array<i32>} : memref<128x256xf32, #tpu.memory_space<vmem>>, vector<16xf32>,
      %get3A_529 = arith.index_cast %add3A_492 : i32 to index
      %get3A_530 = arith.constant 192 : index
      %get3A_531 = tpu.vector_load %arg7[%get3A_529, %get3A_530] {strides = array<i32>} : memref<128x256xf32, #tpu.memory_space<vmem>>, vector<16xf32>,
      %get3A_532 = arith.index_cast %add3A_492 : i32 to index
      %get3A_533 = arith.constant 208 : index
      %get3A_534 = tpu.vector_load %arg7[%get3A_532, %get3A_533] {strides = array<i32>} : memref<128x256xf32, #tpu.memory_space<vmem>>, vector<16xf32>,
      %get3A_535 = arith.index_cast %add3A_492 : i32 to index
      %get3A_536 = arith.constant 224 : index
      %get3A_537 = tpu.vector_load %arg7[%get3A_535, %get3A_536] {strides = array<i32>} : memref<128x256xf32, #tpu.memory_space<vmem>>, vector<16xf32>,
      %get3A_538 = arith.index_cast %add3A_492 : i32 to index
      %get3A_539 = arith.constant 240 : index
      %get3A_540 = tpu.vector_load %arg7[%get3A_538, %get3A_539] {strides = array<i32>} : memref<128x256xf32, #tpu.memory_space<vmem>>, vector<16xf32>,
      %mul3A_541 = arith.mulf %get3A_495, %get3A_274 : vector<16xf32>
      %mul3A_542 = arith.mulf %get3A_498, %get3A_276 : vector<16xf32>
      %mul3A_543 = arith.mulf %get3A_501, %get3A_278 : vector<16xf32>
      %mul3A_544 = arith.mulf %get3A_504, %get3A_280 : vector<16xf32>
      %mul3A_545 = arith.mulf %get3A_507, %get3A_282 : vector<16xf32>
      %mul3A_546 = arith.mulf %get3A_510, %get3A_284 : vector<16xf32>
      %mul3A_547 = arith.mulf %get3A_513, %get3A_286 : vector<16xf32>
      %mul3A_548 = arith.mulf %get3A_516, %get3A_288 : vector<16xf32>
      %mul3A_549 = arith.mulf %get3A_519, %get3A_290 : vector<16xf32>
      %mul3A_550 = arith.mulf %get3A_522, %get3A_292 : vector<16xf32>
      %mul3A_551 = arith.mulf %get3A_525, %get3A_294 : vector<16xf32>
      %mul3A_552 = arith.mulf %get3A_528, %get3A_296 : vector<16xf32>
      %mul3A_553 = arith.mulf %get3A_531, %get3A_298 : vector<16xf32>
      %mul3A_554 = arith.mulf %get3A_534, %get3A_300 : vector<16xf32>
      %mul3A_555 = arith.mulf %get3A_537, %get3A_302 : vector<16xf32>
      %mul3A_556 = arith.mulf %get3A_540, %get3A_304 : vector<16xf32>
      %add3A_557 = arith.addf %mul3A_541, %mul3A_542 : vector<16xf32>
      %add3A_558 = arith.addf %mul3A_543, %mul3A_544 : vector<16xf32>
      %add3A_559 = arith.addf %mul3A_545, %mul3A_546 : vector<16xf32>
      %add3A_560 = arith.addf %mul3A_547, %mul3A_548 : vector<16xf32>
      %add3A_561 = arith.addf %mul3A_549, %mul3A_550 : vector<16xf32>
      %add3A_562 = arith.addf %mul3A_551, %mul3A_552 : vector<16xf32>
      %add3A_563 = arith.addf %mul3A_553, %mul3A_554 : vector<16xf32>
      %add3A_564 = arith.addf %mul3A_555, %mul3A_556 : vector<16xf32>
      %add3A_565 = arith.addf %add3A_557, %add3A_558 : vector<16xf32>
      %add3A_566 = arith.addf %add3A_559, %add3A_560 : vector<16xf32>
      %add3A_567 = arith.addf %add3A_561, %add3A_562 : vector<16xf32>
      %add3A_568 = arith.addf %add3A_563, %add3A_564 : vector<16xf32>
      %add3A_569 = arith.addf %add3A_565, %add3A_566 : vector<16xf32>
      %add3A_570 = arith.addf %add3A_567, %add3A_568 : vector<16xf32>
      %add3A_571 = arith.addf %add3A_569, %add3A_570 : vector<16xf32>
      %broadcast_in_dim3A_572 = vector.shape_cast %and3A_5 : vector<16xi32> to vector<16x1xi32>
      %gather3A_573 = vector.shape_cast %broadcast_in_dim3A_572 : vector<16x1xi32> to vector<16xi32>
      %gather3A_574 = tpu.dynamic_gather %add3A_571[%gather3A_573] in [0] : vector<16xf32>, vector<16xi32> -> vector<16xf32>
      %add3A_575 = arith.addf %add3A_571, %gather3A_574 : vector<16xf32>
      %broadcast_in_dim3A_576 = vector.shape_cast %and3A_11 : vector<16xi32> to vector<16x1xi32>
      %gather3A_577 = vector.shape_cast %broadcast_in_dim3A_576 : vector<16x1xi32> to vector<16xi32>
      %gather3A_578 = tpu.dynamic_gather %add3A_575[%gather3A_577] in [0] : vector<16xf32>, vector<16xi32> -> vector<16xf32>
      %add3A_579 = arith.addf %add3A_575, %gather3A_578 : vector<16xf32>
      %broadcast_in_dim3A_580 = vector.shape_cast %and3A_17 : vector<16xi32> to vector<16x1xi32>
      %gather3A_581 = vector.shape_cast %broadcast_in_dim3A_580 : vector<16x1xi32> to vector<16xi32>
      %gather3A_582 = tpu.dynamic_gather %add3A_579[%gather3A_581] in [0] : vector<16xf32>, vector<16xi32> -> vector<16xf32>
      %add3A_583 = arith.addf %add3A_579, %gather3A_582 : vector<16xf32>
      %broadcast_in_dim3A_584 = vector.shape_cast %and3A_23 : vector<16xi32> to vector<16x1xi32>
      %gather3A_585 = vector.shape_cast %broadcast_in_dim3A_584 : vector<16x1xi32> to vector<16xi32>
      %gather3A_586 = tpu.dynamic_gather %add3A_583[%gather3A_585] in [0] : vector<16xf32>, vector<16xi32> -> vector<16xf32>
      %add3A_587 = arith.addf %add3A_583, %gather3A_586 : vector<16xf32>
      %add3A_588 = arith.constant 128 : i32
      %add3A_589 = arith.addi %add3A_588, %add3A_492 : i32
      %broadcast_in_dim3A_590 = vector.broadcast %add3A_589 : i32 to vector<16xi32>
      %gather3A_591 = tpu.vector_load_idx %arg9[%broadcast_in_dim3A_590] : memref<256xf32, #tpu.memory_space<vmem>>[vector<16xi32>], vector<16xf32>,
      %add3A_592 = arith.addf %add3A_587, %gather3A_591 : vector<16xf32>
      %exp3A_593 = math.exp %add3A_592 : vector<16xf32>
      %mul3A_594 = arith.constant 4 : i32
      %mul3A_595 = arith.muli %scan3A_368, %mul3A_594 : i32
      %add3A_596 = arith.constant 2 : i32
      %add3A_597 = arith.addi %mul3A_595, %add3A_596 : i32
      %get3A_598 = arith.index_cast %add3A_597 : i32 to index
      %get3A_599 = arith.constant 0 : index
      %get3A_600 = tpu.vector_load %arg7[%get3A_598, %get3A_599] {strides = array<i32>} : memref<128x256xf32, #tpu.memory_space<vmem>>, vector<16xf32>,
      %get3A_601 = arith.index_cast %add3A_597 : i32 to index
      %get3A_602 = arith.constant 16 : index
      %get3A_603 = tpu.vector_load %arg7[%get3A_601, %get3A_602] {strides = array<i32>} : memref<128x256xf32, #tpu.memory_space<vmem>>, vector<16xf32>,
      %get3A_604 = arith.index_cast %add3A_597 : i32 to index
      %get3A_605 = arith.constant 32 : index
      %get3A_606 = tpu.vector_load %arg7[%get3A_604, %get3A_605] {strides = array<i32>} : memref<128x256xf32, #tpu.memory_space<vmem>>, vector<16xf32>,
      %get3A_607 = arith.index_cast %add3A_597 : i32 to index
      %get3A_608 = arith.constant 48 : index
      %get3A_609 = tpu.vector_load %arg7[%get3A_607, %get3A_608] {strides = array<i32>} : memref<128x256xf32, #tpu.memory_space<vmem>>, vector<16xf32>,
      %get3A_610 = arith.index_cast %add3A_597 : i32 to index
      %get3A_611 = arith.constant 64 : index
      %get3A_612 = tpu.vector_load %arg7[%get3A_610, %get3A_611] {strides = array<i32>} : memref<128x256xf32, #tpu.memory_space<vmem>>, vector<16xf32>,
      %get3A_613 = arith.index_cast %add3A_597 : i32 to index
      %get3A_614 = arith.constant 80 : index
      %get3A_615 = tpu.vector_load %arg7[%get3A_613, %get3A_614] {strides = array<i32>} : memref<128x256xf32, #tpu.memory_space<vmem>>, vector<16xf32>,
      %get3A_616 = arith.index_cast %add3A_597 : i32 to index
      %get3A_617 = arith.constant 96 : index
      %get3A_618 = tpu.vector_load %arg7[%get3A_616, %get3A_617] {strides = array<i32>} : memref<128x256xf32, #tpu.memory_space<vmem>>, vector<16xf32>,
      %get3A_619 = arith.index_cast %add3A_597 : i32 to index
      %get3A_620 = arith.constant 112 : index
      %get3A_621 = tpu.vector_load %arg7[%get3A_619, %get3A_620] {strides = array<i32>} : memref<128x256xf32, #tpu.memory_space<vmem>>, vector<16xf32>,
      %get3A_622 = arith.index_cast %add3A_597 : i32 to index
      %get3A_623 = arith.constant 128 : index
      %get3A_624 = tpu.vector_load %arg7[%get3A_622, %get3A_623] {strides = array<i32>} : memref<128x256xf32, #tpu.memory_space<vmem>>, vector<16xf32>,
      %get3A_625 = arith.index_cast %add3A_597 : i32 to index
      %get3A_626 = arith.constant 144 : index
      %get3A_627 = tpu.vector_load %arg7[%get3A_625, %get3A_626] {strides = array<i32>} : memref<128x256xf32, #tpu.memory_space<vmem>>, vector<16xf32>,
      %get3A_628 = arith.index_cast %add3A_597 : i32 to index
      %get3A_629 = arith.constant 160 : index
      %get3A_630 = tpu.vector_load %arg7[%get3A_628, %get3A_629] {strides = array<i32>} : memref<128x256xf32, #tpu.memory_space<vmem>>, vector<16xf32>,
      %get3A_631 = arith.index_cast %add3A_597 : i32 to index
      %get3A_632 = arith.constant 176 : index
      %get3A_633 = tpu.vector_load %arg7[%get3A_631, %get3A_632] {strides = array<i32>} : memref<128x256xf32, #tpu.memory_space<vmem>>, vector<16xf32>,
      %get3A_634 = arith.index_cast %add3A_597 : i32 to index
      %get3A_635 = arith.constant 192 : index
      %get3A_636 = tpu.vector_load %arg7[%get3A_634, %get3A_635] {strides = array<i32>} : memref<128x256xf32, #tpu.memory_space<vmem>>, vector<16xf32>,
      %get3A_637 = arith.index_cast %add3A_597 : i32 to index
      %get3A_638 = arith.constant 208 : index
      %get3A_639 = tpu.vector_load %arg7[%get3A_637, %get3A_638] {strides = array<i32>} : memref<128x256xf32, #tpu.memory_space<vmem>>, vector<16xf32>,
      %get3A_640 = arith.index_cast %add3A_597 : i32 to index
      %get3A_641 = arith.constant 224 : index
      %get3A_642 = tpu.vector_load %arg7[%get3A_640, %get3A_641] {strides = array<i32>} : memref<128x256xf32, #tpu.memory_space<vmem>>, vector<16xf32>,
      %get3A_643 = arith.index_cast %add3A_597 : i32 to index
      %get3A_644 = arith.constant 240 : index
      %get3A_645 = tpu.vector_load %arg7[%get3A_643, %get3A_644] {strides = array<i32>} : memref<128x256xf32, #tpu.memory_space<vmem>>, vector<16xf32>,
      %mul3A_646 = arith.mulf %get3A_600, %get3A_274 : vector<16xf32>
      %mul3A_647 = arith.mulf %get3A_603, %get3A_276 : vector<16xf32>
      %mul3A_648 = arith.mulf %get3A_606, %get3A_278 : vector<16xf32>
      %mul3A_649 = arith.mulf %get3A_609, %get3A_280 : vector<16xf32>
      %mul3A_650 = arith.mulf %get3A_612, %get3A_282 : vector<16xf32>
      %mul3A_651 = arith.mulf %get3A_615, %get3A_284 : vector<16xf32>
      %mul3A_652 = arith.mulf %get3A_618, %get3A_286 : vector<16xf32>
      %mul3A_653 = arith.mulf %get3A_621, %get3A_288 : vector<16xf32>
      %mul3A_654 = arith.mulf %get3A_624, %get3A_290 : vector<16xf32>
      %mul3A_655 = arith.mulf %get3A_627, %get3A_292 : vector<16xf32>
      %mul3A_656 = arith.mulf %get3A_630, %get3A_294 : vector<16xf32>
      %mul3A_657 = arith.mulf %get3A_633, %get3A_296 : vector<16xf32>
      %mul3A_658 = arith.mulf %get3A_636, %get3A_298 : vector<16xf32>
      %mul3A_659 = arith.mulf %get3A_639, %get3A_300 : vector<16xf32>
      %mul3A_660 = arith.mulf %get3A_642, %get3A_302 : vector<16xf32>
      %mul3A_661 = arith.mulf %get3A_645, %get3A_304 : vector<16xf32>
      %add3A_662 = arith.addf %mul3A_646, %mul3A_647 : vector<16xf32>
      %add3A_663 = arith.addf %mul3A_648, %mul3A_649 : vector<16xf32>
      %add3A_664 = arith.addf %mul3A_650, %mul3A_651 : vector<16xf32>
      %add3A_665 = arith.addf %mul3A_652, %mul3A_653 : vector<16xf32>
      %add3A_666 = arith.addf %mul3A_654, %mul3A_655 : vector<16xf32>
      %add3A_667 = arith.addf %mul3A_656, %mul3A_657 : vector<16xf32>
      %add3A_668 = arith.addf %mul3A_658, %mul3A_659 : vector<16xf32>
      %add3A_669 = arith.addf %mul3A_660, %mul3A_661 : vector<16xf32>
      %add3A_670 = arith.addf %add3A_662, %add3A_663 : vector<16xf32>
      %add3A_671 = arith.addf %add3A_664, %add3A_665 : vector<16xf32>
      %add3A_672 = arith.addf %add3A_666, %add3A_667 : vector<16xf32>
      %add3A_673 = arith.addf %add3A_668, %add3A_669 : vector<16xf32>
      %add3A_674 = arith.addf %add3A_670, %add3A_671 : vector<16xf32>
      %add3A_675 = arith.addf %add3A_672, %add3A_673 : vector<16xf32>
      %add3A_676 = arith.addf %add3A_674, %add3A_675 : vector<16xf32>
      %broadcast_in_dim3A_677 = vector.shape_cast %and3A_5 : vector<16xi32> to vector<16x1xi32>
      %gather3A_678 = vector.shape_cast %broadcast_in_dim3A_677 : vector<16x1xi32> to vector<16xi32>
      %gather3A_679 = tpu.dynamic_gather %add3A_676[%gather3A_678] in [0] : vector<16xf32>, vector<16xi32> -> vector<16xf32>
      %add3A_680 = arith.addf %add3A_676, %gather3A_679 : vector<16xf32>
      %broadcast_in_dim3A_681 = vector.shape_cast %and3A_11 : vector<16xi32> to vector<16x1xi32>
      %gather3A_682 = vector.shape_cast %broadcast_in_dim3A_681 : vector<16x1xi32> to vector<16xi32>
      %gather3A_683 = tpu.dynamic_gather %add3A_680[%gather3A_682] in [0] : vector<16xf32>, vector<16xi32> -> vector<16xf32>
      %add3A_684 = arith.addf %add3A_680, %gather3A_683 : vector<16xf32>
      %broadcast_in_dim3A_685 = vector.shape_cast %and3A_17 : vector<16xi32> to vector<16x1xi32>
      %gather3A_686 = vector.shape_cast %broadcast_in_dim3A_685 : vector<16x1xi32> to vector<16xi32>
      %gather3A_687 = tpu.dynamic_gather %add3A_684[%gather3A_686] in [0] : vector<16xf32>, vector<16xi32> -> vector<16xf32>
      %add3A_688 = arith.addf %add3A_684, %gather3A_687 : vector<16xf32>
      %broadcast_in_dim3A_689 = vector.shape_cast %and3A_23 : vector<16xi32> to vector<16x1xi32>
      %gather3A_690 = vector.shape_cast %broadcast_in_dim3A_689 : vector<16x1xi32> to vector<16xi32>
      %gather3A_691 = tpu.dynamic_gather %add3A_688[%gather3A_690] in [0] : vector<16xf32>, vector<16xi32> -> vector<16xf32>
      %add3A_692 = arith.addf %add3A_688, %gather3A_691 : vector<16xf32>
      %add3A_693 = arith.constant 128 : i32
      %add3A_694 = arith.addi %add3A_693, %add3A_597 : i32
      %broadcast_in_dim3A_695 = vector.broadcast %add3A_694 : i32 to vector<16xi32>
      %gather3A_696 = tpu.vector_load_idx %arg9[%broadcast_in_dim3A_695] : memref<256xf32, #tpu.memory_space<vmem>>[vector<16xi32>], vector<16xf32>,
      %add3A_697 = arith.addf %add3A_692, %gather3A_696 : vector<16xf32>
      %exp3A_698 = math.exp %add3A_697 : vector<16xf32>
      %mul3A_699 = arith.constant 4 : i32
      %mul3A_700 = arith.muli %scan3A_368, %mul3A_699 : i32
      %add3A_701 = arith.constant 3 : i32
      %add3A_702 = arith.addi %mul3A_700, %add3A_701 : i32
      %get3A_703 = arith.index_cast %add3A_702 : i32 to index
      %get3A_704 = arith.constant 0 : index
      %get3A_705 = tpu.vector_load %arg7[%get3A_703, %get3A_704] {strides = array<i32>} : memref<128x256xf32, #tpu.memory_space<vmem>>, vector<16xf32>,
      %get3A_706 = arith.index_cast %add3A_702 : i32 to index
      %get3A_707 = arith.constant 16 : index
      %get3A_708 = tpu.vector_load %arg7[%get3A_706, %get3A_707] {strides = array<i32>} : memref<128x256xf32, #tpu.memory_space<vmem>>, vector<16xf32>,
      %get3A_709 = arith.index_cast %add3A_702 : i32 to index
      %get3A_710 = arith.constant 32 : index
      %get3A_711 = tpu.vector_load %arg7[%get3A_709, %get3A_710] {strides = array<i32>} : memref<128x256xf32, #tpu.memory_space<vmem>>, vector<16xf32>,
      %get3A_712 = arith.index_cast %add3A_702 : i32 to index
      %get3A_713 = arith.constant 48 : index
      %get3A_714 = tpu.vector_load %arg7[%get3A_712, %get3A_713] {strides = array<i32>} : memref<128x256xf32, #tpu.memory_space<vmem>>, vector<16xf32>,
      %get3A_715 = arith.index_cast %add3A_702 : i32 to index
      %get3A_716 = arith.constant 64 : index
      %get3A_717 = tpu.vector_load %arg7[%get3A_715, %get3A_716] {strides = array<i32>} : memref<128x256xf32, #tpu.memory_space<vmem>>, vector<16xf32>,
      %get3A_718 = arith.index_cast %add3A_702 : i32 to index
      %get3A_719 = arith.constant 80 : index
      %get3A_720 = tpu.vector_load %arg7[%get3A_718, %get3A_719] {strides = array<i32>} : memref<128x256xf32, #tpu.memory_space<vmem>>, vector<16xf32>,
      %get3A_721 = arith.index_cast %add3A_702 : i32 to index
      %get3A_722 = arith.constant 96 : index
      %get3A_723 = tpu.vector_load %arg7[%get3A_721, %get3A_722] {strides = array<i32>} : memref<128x256xf32, #tpu.memory_space<vmem>>, vector<16xf32>,
      %get3A_724 = arith.index_cast %add3A_702 : i32 to index
      %get3A_725 = arith.constant 112 : index
      %get3A_726 = tpu.vector_load %arg7[%get3A_724, %get3A_725] {strides = array<i32>} : memref<128x256xf32, #tpu.memory_space<vmem>>, vector<16xf32>,
      %get3A_727 = arith.index_cast %add3A_702 : i32 to index
      %get3A_728 = arith.constant 128 : index
      %get3A_729 = tpu.vector_load %arg7[%get3A_727, %get3A_728] {strides = array<i32>} : memref<128x256xf32, #tpu.memory_space<vmem>>, vector<16xf32>,
      %get3A_730 = arith.index_cast %add3A_702 : i32 to index
      %get3A_731 = arith.constant 144 : index
      %get3A_732 = tpu.vector_load %arg7[%get3A_730, %get3A_731] {strides = array<i32>} : memref<128x256xf32, #tpu.memory_space<vmem>>, vector<16xf32>,
      %get3A_733 = arith.index_cast %add3A_702 : i32 to index
      %get3A_734 = arith.constant 160 : index
      %get3A_735 = tpu.vector_load %arg7[%get3A_733, %get3A_734] {strides = array<i32>} : memref<128x256xf32, #tpu.memory_space<vmem>>, vector<16xf32>,
      %get3A_736 = arith.index_cast %add3A_702 : i32 to index
      %get3A_737 = arith.constant 176 : index
      %get3A_738 = tpu.vector_load %arg7[%get3A_736, %get3A_737] {strides = array<i32>} : memref<128x256xf32, #tpu.memory_space<vmem>>, vector<16xf32>,
      %get3A_739 = arith.index_cast %add3A_702 : i32 to index
      %get3A_740 = arith.constant 192 : index
      %get3A_741 = tpu.vector_load %arg7[%get3A_739, %get3A_740] {strides = array<i32>} : memref<128x256xf32, #tpu.memory_space<vmem>>, vector<16xf32>,
      %get3A_742 = arith.index_cast %add3A_702 : i32 to index
      %get3A_743 = arith.constant 208 : index
      %get3A_744 = tpu.vector_load %arg7[%get3A_742, %get3A_743] {strides = array<i32>} : memref<128x256xf32, #tpu.memory_space<vmem>>, vector<16xf32>,
      %get3A_745 = arith.index_cast %add3A_702 : i32 to index
      %get3A_746 = arith.constant 224 : index
      %get3A_747 = tpu.vector_load %arg7[%get3A_745, %get3A_746] {strides = array<i32>} : memref<128x256xf32, #tpu.memory_space<vmem>>, vector<16xf32>,
      %get3A_748 = arith.index_cast %add3A_702 : i32 to index
      %get3A_749 = arith.constant 240 : index
      %get3A_750 = tpu.vector_load %arg7[%get3A_748, %get3A_749] {strides = array<i32>} : memref<128x256xf32, #tpu.memory_space<vmem>>, vector<16xf32>,
      %mul3A_751 = arith.mulf %get3A_705, %get3A_274 : vector<16xf32>
      %mul3A_752 = arith.mulf %get3A_708, %get3A_276 : vector<16xf32>
      %mul3A_753 = arith.mulf %get3A_711, %get3A_278 : vector<16xf32>
      %mul3A_754 = arith.mulf %get3A_714, %get3A_280 : vector<16xf32>
      %mul3A_755 = arith.mulf %get3A_717, %get3A_282 : vector<16xf32>
      %mul3A_756 = arith.mulf %get3A_720, %get3A_284 : vector<16xf32>
      %mul3A_757 = arith.mulf %get3A_723, %get3A_286 : vector<16xf32>
      %mul3A_758 = arith.mulf %get3A_726, %get3A_288 : vector<16xf32>
      %mul3A_759 = arith.mulf %get3A_729, %get3A_290 : vector<16xf32>
      %mul3A_760 = arith.mulf %get3A_732, %get3A_292 : vector<16xf32>
      %mul3A_761 = arith.mulf %get3A_735, %get3A_294 : vector<16xf32>
      %mul3A_762 = arith.mulf %get3A_738, %get3A_296 : vector<16xf32>
      %mul3A_763 = arith.mulf %get3A_741, %get3A_298 : vector<16xf32>
      %mul3A_764 = arith.mulf %get3A_744, %get3A_300 : vector<16xf32>
      %mul3A_765 = arith.mulf %get3A_747, %get3A_302 : vector<16xf32>
      %mul3A_766 = arith.mulf %get3A_750, %get3A_304 : vector<16xf32>
      %add3A_767 = arith.addf %mul3A_751, %mul3A_752 : vector<16xf32>
      %add3A_768 = arith.addf %mul3A_753, %mul3A_754 : vector<16xf32>
      %add3A_769 = arith.addf %mul3A_755, %mul3A_756 : vector<16xf32>
      %add3A_770 = arith.addf %mul3A_757, %mul3A_758 : vector<16xf32>
      %add3A_771 = arith.addf %mul3A_759, %mul3A_760 : vector<16xf32>
      %add3A_772 = arith.addf %mul3A_761, %mul3A_762 : vector<16xf32>
      %add3A_773 = arith.addf %mul3A_763, %mul3A_764 : vector<16xf32>
      %add3A_774 = arith.addf %mul3A_765, %mul3A_766 : vector<16xf32>
      %add3A_775 = arith.addf %add3A_767, %add3A_768 : vector<16xf32>
      %add3A_776 = arith.addf %add3A_769, %add3A_770 : vector<16xf32>
      %add3A_777 = arith.addf %add3A_771, %add3A_772 : vector<16xf32>
      %add3A_778 = arith.addf %add3A_773, %add3A_774 : vector<16xf32>
      %add3A_779 = arith.addf %add3A_775, %add3A_776 : vector<16xf32>
      %add3A_780 = arith.addf %add3A_777, %add3A_778 : vector<16xf32>
      %add3A_781 = arith.addf %add3A_779, %add3A_780 : vector<16xf32>
      %broadcast_in_dim3A_782 = vector.shape_cast %and3A_5 : vector<16xi32> to vector<16x1xi32>
      %gather3A_783 = vector.shape_cast %broadcast_in_dim3A_782 : vector<16x1xi32> to vector<16xi32>
      %gather3A_784 = tpu.dynamic_gather %add3A_781[%gather3A_783] in [0] : vector<16xf32>, vector<16xi32> -> vector<16xf32>
      %add3A_785 = arith.addf %add3A_781, %gather3A_784 : vector<16xf32>
      %broadcast_in_dim3A_786 = vector.shape_cast %and3A_11 : vector<16xi32> to vector<16x1xi32>
      %gather3A_787 = vector.shape_cast %broadcast_in_dim3A_786 : vector<16x1xi32> to vector<16xi32>
      %gather3A_788 = tpu.dynamic_gather %add3A_785[%gather3A_787] in [0] : vector<16xf32>, vector<16xi32> -> vector<16xf32>
      %add3A_789 = arith.addf %add3A_785, %gather3A_788 : vector<16xf32>
      %broadcast_in_dim3A_790 = vector.shape_cast %and3A_17 : vector<16xi32> to vector<16x1xi32>
      %gather3A_791 = vector.shape_cast %broadcast_in_dim3A_790 : vector<16x1xi32> to vector<16xi32>
      %gather3A_792 = tpu.dynamic_gather %add3A_789[%gather3A_791] in [0] : vector<16xf32>, vector<16xi32> -> vector<16xf32>
      %add3A_793 = arith.addf %add3A_789, %gather3A_792 : vector<16xf32>
      %broadcast_in_dim3A_794 = vector.shape_cast %and3A_23 : vector<16xi32> to vector<16x1xi32>
      %gather3A_795 = vector.shape_cast %broadcast_in_dim3A_794 : vector<16x1xi32> to vector<16xi32>
      %gather3A_796 = tpu.dynamic_gather %add3A_793[%gather3A_795] in [0] : vector<16xf32>, vector<16xi32> -> vector<16xf32>
      %add3A_797 = arith.addf %add3A_793, %gather3A_796 : vector<16xf32>
      %add3A_798 = arith.constant 128 : i32
      %add3A_799 = arith.addi %add3A_798, %add3A_702 : i32
      %broadcast_in_dim3A_800 = vector.broadcast %add3A_799 : i32 to vector<16xi32>
      %gather3A_801 = tpu.vector_load_idx %arg9[%broadcast_in_dim3A_800] : memref<256xf32, #tpu.memory_space<vmem>>[vector<16xi32>], vector<16xf32>,
      %add3A_802 = arith.addf %add3A_797, %gather3A_801 : vector<16xf32>
      %exp3A_803 = math.exp %add3A_802 : vector<16xf32>
      %add3A_804 = arith.addf %scan3A_369, %exp3A : vector<16xf32>
      %mul3A_805 = arith.mulf %exp3A, %get3A_392 : vector<16xf32>
      %add3A_806 = arith.addf %scan3A_370, %mul3A_805 : vector<16xf32>
      %mul3A_807 = arith.mulf %exp3A, %get3A_395 : vector<16xf32>
      %add3A_808 = arith.addf %scan3A_371, %mul3A_807 : vector<16xf32>
      %mul3A_809 = arith.mulf %exp3A, %get3A_398 : vector<16xf32>
      %add3A_810 = arith.addf %scan3A_372, %mul3A_809 : vector<16xf32>
      %mul3A_811 = arith.mulf %exp3A, %get3A_401 : vector<16xf32>
      %add3A_812 = arith.addf %scan3A_373, %mul3A_811 : vector<16xf32>
      %mul3A_813 = arith.mulf %exp3A, %get3A_404 : vector<16xf32>
      %add3A_814 = arith.addf %scan3A_374, %mul3A_813 : vector<16xf32>
      %mul3A_815 = arith.mulf %exp3A, %get3A_407 : vector<16xf32>
      %add3A_816 = arith.addf %scan3A_375, %mul3A_815 : vector<16xf32>
      %mul3A_817 = arith.mulf %exp3A, %get3A_410 : vector<16xf32>
      %add3A_818 = arith.addf %scan3A_376, %mul3A_817 : vector<16xf32>
      %mul3A_819 = arith.mulf %exp3A, %get3A_413 : vector<16xf32>
      %add3A_820 = arith.addf %scan3A_377, %mul3A_819 : vector<16xf32>
      %mul3A_821 = arith.mulf %exp3A, %get3A_416 : vector<16xf32>
      %add3A_822 = arith.addf %scan3A_378, %mul3A_821 : vector<16xf32>
      %mul3A_823 = arith.mulf %exp3A, %get3A_419 : vector<16xf32>
      %add3A_824 = arith.addf %scan3A_379, %mul3A_823 : vector<16xf32>
      %mul3A_825 = arith.mulf %exp3A, %get3A_422 : vector<16xf32>
      %add3A_826 = arith.addf %scan3A_380, %mul3A_825 : vector<16xf32>
      %mul3A_827 = arith.mulf %exp3A, %get3A_425 : vector<16xf32>
      %add3A_828 = arith.addf %scan3A_381, %mul3A_827 : vector<16xf32>
      %mul3A_829 = arith.mulf %exp3A, %get3A_428 : vector<16xf32>
      %add3A_830 = arith.addf %scan3A_382, %mul3A_829 : vector<16xf32>
      %mul3A_831 = arith.mulf %exp3A, %get3A_431 : vector<16xf32>
      %add3A_832 = arith.addf %scan3A_383, %mul3A_831 : vector<16xf32>
      %mul3A_833 = arith.mulf %exp3A, %get3A_434 : vector<16xf32>
      %add3A_834 = arith.addf %scan3A_384, %mul3A_833 : vector<16xf32>
      %mul3A_835 = arith.mulf %exp3A, %get3A_437 : vector<16xf32>
      %add3A_836 = arith.addf %scan3A_385, %mul3A_835 : vector<16xf32>
      %add3A_837 = arith.addf %add3A_804, %exp3A_593 : vector<16xf32>
      %mul3A_838 = arith.mulf %exp3A_593, %get3A_495 : vector<16xf32>
      %add3A_839 = arith.addf %add3A_806, %mul3A_838 : vector<16xf32>
      %mul3A_840 = arith.mulf %exp3A_593, %get3A_498 : vector<16xf32>
      %add3A_841 = arith.addf %add3A_808, %mul3A_840 : vector<16xf32>
      %mul3A_842 = arith.mulf %exp3A_593, %get3A_501 : vector<16xf32>
      %add3A_843 = arith.addf %add3A_810, %mul3A_842 : vector<16xf32>
      %mul3A_844 = arith.mulf %exp3A_593, %get3A_504 : vector<16xf32>
      %add3A_845 = arith.addf %add3A_812, %mul3A_844 : vector<16xf32>
      %mul3A_846 = arith.mulf %exp3A_593, %get3A_507 : vector<16xf32>
      %add3A_847 = arith.addf %add3A_814, %mul3A_846 : vector<16xf32>
      %mul3A_848 = arith.mulf %exp3A_593, %get3A_510 : vector<16xf32>
      %add3A_849 = arith.addf %add3A_816, %mul3A_848 : vector<16xf32>
      %mul3A_850 = arith.mulf %exp3A_593, %get3A_513 : vector<16xf32>
      %add3A_851 = arith.addf %add3A_818, %mul3A_850 : vector<16xf32>
      %mul3A_852 = arith.mulf %exp3A_593, %get3A_516 : vector<16xf32>
      %add3A_853 = arith.addf %add3A_820, %mul3A_852 : vector<16xf32>
      %mul3A_854 = arith.mulf %exp3A_593, %get3A_519 : vector<16xf32>
      %add3A_855 = arith.addf %add3A_822, %mul3A_854 : vector<16xf32>
      %mul3A_856 = arith.mulf %exp3A_593, %get3A_522 : vector<16xf32>
      %add3A_857 = arith.addf %add3A_824, %mul3A_856 : vector<16xf32>
      %mul3A_858 = arith.mulf %exp3A_593, %get3A_525 : vector<16xf32>
      %add3A_859 = arith.addf %add3A_826, %mul3A_858 : vector<16xf32>
      %mul3A_860 = arith.mulf %exp3A_593, %get3A_528 : vector<16xf32>
      %add3A_861 = arith.addf %add3A_828, %mul3A_860 : vector<16xf32>
      %mul3A_862 = arith.mulf %exp3A_593, %get3A_531 : vector<16xf32>
      %add3A_863 = arith.addf %add3A_830, %mul3A_862 : vector<16xf32>
      %mul3A_864 = arith.mulf %exp3A_593, %get3A_534 : vector<16xf32>
      %add3A_865 = arith.addf %add3A_832, %mul3A_864 : vector<16xf32>
      %mul3A_866 = arith.mulf %exp3A_593, %get3A_537 : vector<16xf32>
      %add3A_867 = arith.addf %add3A_834, %mul3A_866 : vector<16xf32>
      %mul3A_868 = arith.mulf %exp3A_593, %get3A_540 : vector<16xf32>
      %add3A_869 = arith.addf %add3A_836, %mul3A_868 : vector<16xf32>
      %add3A_870 = arith.addf %add3A_837, %exp3A_698 : vector<16xf32>
      %mul3A_871 = arith.mulf %exp3A_698, %get3A_600 : vector<16xf32>
      %add3A_872 = arith.addf %add3A_839, %mul3A_871 : vector<16xf32>
      %mul3A_873 = arith.mulf %exp3A_698, %get3A_603 : vector<16xf32>
      %add3A_874 = arith.addf %add3A_841, %mul3A_873 : vector<16xf32>
      %mul3A_875 = arith.mulf %exp3A_698, %get3A_606 : vector<16xf32>
      %add3A_876 = arith.addf %add3A_843, %mul3A_875 : vector<16xf32>
      %mul3A_877 = arith.mulf %exp3A_698, %get3A_609 : vector<16xf32>
      %add3A_878 = arith.addf %add3A_845, %mul3A_877 : vector<16xf32>
      %mul3A_879 = arith.mulf %exp3A_698, %get3A_612 : vector<16xf32>
      %add3A_880 = arith.addf %add3A_847, %mul3A_879 : vector<16xf32>
      %mul3A_881 = arith.mulf %exp3A_698, %get3A_615 : vector<16xf32>
      %add3A_882 = arith.addf %add3A_849, %mul3A_881 : vector<16xf32>
      %mul3A_883 = arith.mulf %exp3A_698, %get3A_618 : vector<16xf32>
      %add3A_884 = arith.addf %add3A_851, %mul3A_883 : vector<16xf32>
      %mul3A_885 = arith.mulf %exp3A_698, %get3A_621 : vector<16xf32>
      %add3A_886 = arith.addf %add3A_853, %mul3A_885 : vector<16xf32>
      %mul3A_887 = arith.mulf %exp3A_698, %get3A_624 : vector<16xf32>
      %add3A_888 = arith.addf %add3A_855, %mul3A_887 : vector<16xf32>
      %mul3A_889 = arith.mulf %exp3A_698, %get3A_627 : vector<16xf32>
      %add3A_890 = arith.addf %add3A_857, %mul3A_889 : vector<16xf32>
      %mul3A_891 = arith.mulf %exp3A_698, %get3A_630 : vector<16xf32>
      %add3A_892 = arith.addf %add3A_859, %mul3A_891 : vector<16xf32>
      %mul3A_893 = arith.mulf %exp3A_698, %get3A_633 : vector<16xf32>
      %add3A_894 = arith.addf %add3A_861, %mul3A_893 : vector<16xf32>
      %mul3A_895 = arith.mulf %exp3A_698, %get3A_636 : vector<16xf32>
      %add3A_896 = arith.addf %add3A_863, %mul3A_895 : vector<16xf32>
      %mul3A_897 = arith.mulf %exp3A_698, %get3A_639 : vector<16xf32>
      %add3A_898 = arith.addf %add3A_865, %mul3A_897 : vector<16xf32>
      %mul3A_899 = arith.mulf %exp3A_698, %get3A_642 : vector<16xf32>
      %add3A_900 = arith.addf %add3A_867, %mul3A_899 : vector<16xf32>
      %mul3A_901 = arith.mulf %exp3A_698, %get3A_645 : vector<16xf32>
      %add3A_902 = arith.addf %add3A_869, %mul3A_901 : vector<16xf32>
      %add3A_903 = arith.addf %add3A_870, %exp3A_803 : vector<16xf32>
      %mul3A_904 = arith.mulf %exp3A_803, %get3A_705 : vector<16xf32>
      %add3A_905 = arith.addf %add3A_872, %mul3A_904 : vector<16xf32>
      %mul3A_906 = arith.mulf %exp3A_803, %get3A_708 : vector<16xf32>
      %add3A_907 = arith.addf %add3A_874, %mul3A_906 : vector<16xf32>
      %mul3A_908 = arith.mulf %exp3A_803, %get3A_711 : vector<16xf32>
      %add3A_909 = arith.addf %add3A_876, %mul3A_908 : vector<16xf32>
      %mul3A_910 = arith.mulf %exp3A_803, %get3A_714 : vector<16xf32>
      %add3A_911 = arith.addf %add3A_878, %mul3A_910 : vector<16xf32>
      %mul3A_912 = arith.mulf %exp3A_803, %get3A_717 : vector<16xf32>
      %add3A_913 = arith.addf %add3A_880, %mul3A_912 : vector<16xf32>
      %mul3A_914 = arith.mulf %exp3A_803, %get3A_720 : vector<16xf32>
      %add3A_915 = arith.addf %add3A_882, %mul3A_914 : vector<16xf32>
      %mul3A_916 = arith.mulf %exp3A_803, %get3A_723 : vector<16xf32>
      %add3A_917 = arith.addf %add3A_884, %mul3A_916 : vector<16xf32>
      %mul3A_918 = arith.mulf %exp3A_803, %get3A_726 : vector<16xf32>
      %add3A_919 = arith.addf %add3A_886, %mul3A_918 : vector<16xf32>
      %mul3A_920 = arith.mulf %exp3A_803, %get3A_729 : vector<16xf32>
      %add3A_921 = arith.addf %add3A_888, %mul3A_920 : vector<16xf32>
      %mul3A_922 = arith.mulf %exp3A_803, %get3A_732 : vector<16xf32>
      %add3A_923 = arith.addf %add3A_890, %mul3A_922 : vector<16xf32>
      %mul3A_924 = arith.mulf %exp3A_803, %get3A_735 : vector<16xf32>
      %add3A_925 = arith.addf %add3A_892, %mul3A_924 : vector<16xf32>
      %mul3A_926 = arith.mulf %exp3A_803, %get3A_738 : vector<16xf32>
      %add3A_927 = arith.addf %add3A_894, %mul3A_926 : vector<16xf32>
      %mul3A_928 = arith.mulf %exp3A_803, %get3A_741 : vector<16xf32>
      %add3A_929 = arith.addf %add3A_896, %mul3A_928 : vector<16xf32>
      %mul3A_930 = arith.mulf %exp3A_803, %get3A_744 : vector<16xf32>
      %add3A_931 = arith.addf %add3A_898, %mul3A_930 : vector<16xf32>
      %mul3A_932 = arith.mulf %exp3A_803, %get3A_747 : vector<16xf32>
      %add3A_933 = arith.addf %add3A_900, %mul3A_932 : vector<16xf32>
      %mul3A_934 = arith.mulf %exp3A_803, %get3A_750 : vector<16xf32>
      %add3A_935 = arith.addf %add3A_902, %mul3A_934 : vector<16xf32>
      scf.yield %add3A_903, %add3A_905, %add3A_907, %add3A_909, %add3A_911, %add3A_913, %add3A_915, %add3A_917, %add3A_919, %add3A_921, %add3A_923, %add3A_925, %add3A_927, %add3A_929, %add3A_931, %add3A_933, %add3A_935 : vector<16xf32>, vector<16xf32>, vector<16xf32>, vector<16xf32>, vector<16xf32>, vector<16xf32>, vector<16xf32>, vector<16xf32>, vector<16xf32>, vector<16xf32>, vector<16xf32>, vector<16xf32>, vector<16xf32>, vector<16xf32>, vector<16xf32>, vector<16xf32>, vector<16xf32>
    }
    %scan3A_310 = arith.constant 32 : i32
    %eq3A_311 = arith.constant 0.000000e+00 : f32
    %eq3A_312 = vector.broadcast %eq3A_311 : f32 to vector<16xf32>
    %eq3A_313 = arith.cmpf oeq, %scan3A_309#0, %eq3A_312 : vector<16xf32>
    %jit3A_314 = arith.constant 1.000000e+00 : f32
    %broadcast_in_dim3A_315 = vector.broadcast %jit3A_314 : f32 to vector<16xf32>
    %select_n3A_316 = arith.select %eq3A_313, %broadcast_in_dim3A_315, %scan3A_309#0 : vector<16xi1>, vector<16xf32>
    %div3A_317 = arith.constant 1.000000e+00 : f32
    %div3A_318 = vector.broadcast %div3A_317 : f32 to vector<16xf32>
    %div3A_319 = arith.divf %div3A_318, %select_n3A_316 : vector<16xf32>
    %mul3A_320 = arith.mulf %scan3A_309#1, %div3A_319 : vector<16xf32>
    %swap3A_321 = arith.constant 0 : index
    %swap3A_322 = tpu.vector_load %arg10[%swap3A_321] {strides = array<i32>} : memref<256xf32, #tpu.memory_space<vmem>>, vector<16xf32>,
    tpu.vector_store %arg10[%swap3A_321], %mul3A_320 {strides = array<i32>} : memref<256xf32, #tpu.memory_space<vmem>>, vector<16xf32>,
    %mul3A_323 = arith.mulf %scan3A_309#2, %div3A_319 : vector<16xf32>
    %swap3A_324 = arith.constant 16 : index
    %swap3A_325 = tpu.vector_load %arg10[%swap3A_324] {strides = array<i32>} : memref<256xf32, #tpu.memory_space<vmem>>, vector<16xf32>,
    tpu.vector_store %arg10[%swap3A_324], %mul3A_323 {strides = array<i32>} : memref<256xf32, #tpu.memory_space<vmem>>, vector<16xf32>,
    %mul3A_326 = arith.mulf %scan3A_309#3, %div3A_319 : vector<16xf32>
    %swap3A_327 = arith.constant 32 : index
    %swap3A_328 = tpu.vector_load %arg10[%swap3A_327] {strides = array<i32>} : memref<256xf32, #tpu.memory_space<vmem>>, vector<16xf32>,
    tpu.vector_store %arg10[%swap3A_327], %mul3A_326 {strides = array<i32>} : memref<256xf32, #tpu.memory_space<vmem>>, vector<16xf32>,
    %mul3A_329 = arith.mulf %scan3A_309#4, %div3A_319 : vector<16xf32>
    %swap3A_330 = arith.constant 48 : index
    %swap3A_331 = tpu.vector_load %arg10[%swap3A_330] {strides = array<i32>} : memref<256xf32, #tpu.memory_space<vmem>>, vector<16xf32>,
    tpu.vector_store %arg10[%swap3A_330], %mul3A_329 {strides = array<i32>} : memref<256xf32, #tpu.memory_space<vmem>>, vector<16xf32>,
    %mul3A_332 = arith.mulf %scan3A_309#5, %div3A_319 : vector<16xf32>
    %swap3A_333 = arith.constant 64 : index
    %swap3A_334 = tpu.vector_load %arg10[%swap3A_333] {strides = array<i32>} : memref<256xf32, #tpu.memory_space<vmem>>, vector<16xf32>,
    tpu.vector_store %arg10[%swap3A_333], %mul3A_332 {strides = array<i32>} : memref<256xf32, #tpu.memory_space<vmem>>, vector<16xf32>,
    %mul3A_335 = arith.mulf %scan3A_309#6, %div3A_319 : vector<16xf32>
    %swap3A_336 = arith.constant 80 : index
    %swap3A_337 = tpu.vector_load %arg10[%swap3A_336] {strides = array<i32>} : memref<256xf32, #tpu.memory_space<vmem>>, vector<16xf32>,
    tpu.vector_store %arg10[%swap3A_336], %mul3A_335 {strides = array<i32>} : memref<256xf32, #tpu.memory_space<vmem>>, vector<16xf32>,
    %mul3A_338 = arith.mulf %scan3A_309#7, %div3A_319 : vector<16xf32>
    %swap3A_339 = arith.constant 96 : index
    %swap3A_340 = tpu.vector_load %arg10[%swap3A_339] {strides = array<i32>} : memref<256xf32, #tpu.memory_space<vmem>>, vector<16xf32>,
    tpu.vector_store %arg10[%swap3A_339], %mul3A_338 {strides = array<i32>} : memref<256xf32, #tpu.memory_space<vmem>>, vector<16xf32>,
    %mul3A_341 = arith.mulf %scan3A_309#8, %div3A_319 : vector<16xf32>
    %swap3A_342 = arith.constant 112 : index
    %swap3A_343 = tpu.vector_load %arg10[%swap3A_342] {strides = array<i32>} : memref<256xf32, #tpu.memory_space<vmem>>, vector<16xf32>,
    tpu.vector_store %arg10[%swap3A_342], %mul3A_341 {strides = array<i32>} : memref<256xf32, #tpu.memory_space<vmem>>, vector<16xf32>,
    %mul3A_344 = arith.mulf %scan3A_309#9, %div3A_319 : vector<16xf32>
    %swap3A_345 = arith.constant 128 : index
    %swap3A_346 = tpu.vector_load %arg10[%swap3A_345] {strides = array<i32>} : memref<256xf32, #tpu.memory_space<vmem>>, vector<16xf32>,
    tpu.vector_store %arg10[%swap3A_345], %mul3A_344 {strides = array<i32>} : memref<256xf32, #tpu.memory_space<vmem>>, vector<16xf32>,
    %mul3A_347 = arith.mulf %scan3A_309#10, %div3A_319 : vector<16xf32>
    %swap3A_348 = arith.constant 144 : index
    %swap3A_349 = tpu.vector_load %arg10[%swap3A_348] {strides = array<i32>} : memref<256xf32, #tpu.memory_space<vmem>>, vector<16xf32>,
    tpu.vector_store %arg10[%swap3A_348], %mul3A_347 {strides = array<i32>} : memref<256xf32, #tpu.memory_space<vmem>>, vector<16xf32>,
    %mul3A_350 = arith.mulf %scan3A_309#11, %div3A_319 : vector<16xf32>
    %swap3A_351 = arith.constant 160 : index
    %swap3A_352 = tpu.vector_load %arg10[%swap3A_351] {strides = array<i32>} : memref<256xf32, #tpu.memory_space<vmem>>, vector<16xf32>,
    tpu.vector_store %arg10[%swap3A_351], %mul3A_350 {strides = array<i32>} : memref<256xf32, #tpu.memory_space<vmem>>, vector<16xf32>,
    %mul3A_353 = arith.mulf %scan3A_309#12, %div3A_319 : vector<16xf32>
    %swap3A_354 = arith.constant 176 : index
    %swap3A_355 = tpu.vector_load %arg10[%swap3A_354] {strides = array<i32>} : memref<256xf32, #tpu.memory_space<vmem>>, vector<16xf32>,
    tpu.vector_store %arg10[%swap3A_354], %mul3A_353 {strides = array<i32>} : memref<256xf32, #tpu.memory_space<vmem>>, vector<16xf32>,
    %mul3A_356 = arith.mulf %scan3A_309#13, %div3A_319 : vector<16xf32>
    %swap3A_357 = arith.constant 192 : index
    %swap3A_358 = tpu.vector_load %arg10[%swap3A_357] {strides = array<i32>} : memref<256xf32, #tpu.memory_space<vmem>>, vector<16xf32>,
    tpu.vector_store %arg10[%swap3A_357], %mul3A_356 {strides = array<i32>} : memref<256xf32, #tpu.memory_space<vmem>>, vector<16xf32>,
    %mul3A_359 = arith.mulf %scan3A_309#14, %div3A_319 : vector<16xf32>
    %swap3A_360 = arith.constant 208 : index
    %swap3A_361 = tpu.vector_load %arg10[%swap3A_360] {strides = array<i32>} : memref<256xf32, #tpu.memory_space<vmem>>, vector<16xf32>,
    tpu.vector_store %arg10[%swap3A_360], %mul3A_359 {strides = array<i32>} : memref<256xf32, #tpu.memory_space<vmem>>, vector<16xf32>,
    %mul3A_362 = arith.mulf %scan3A_309#15, %div3A_319 : vector<16xf32>
    %swap3A_363 = arith.constant 224 : index
    %swap3A_364 = tpu.vector_load %arg10[%swap3A_363] {strides = array<i32>} : memref<256xf32, #tpu.memory_space<vmem>>, vector<16xf32>,
    tpu.vector_store %arg10[%swap3A_363], %mul3A_362 {strides = array<i32>} : memref<256xf32, #tpu.memory_space<vmem>>, vector<16xf32>,
    %mul3A_365 = arith.mulf %scan3A_309#16, %div3A_319 : vector<16xf32>
    %swap3A_366 = arith.constant 240 : index
    %swap3A_367 = tpu.vector_load %arg10[%swap3A_366] {strides = array<i32>} : memref<256xf32, #tpu.memory_space<vmem>>, vector<16xf32>,
    tpu.vector_store %arg10[%swap3A_366], %mul3A_365 {strides = array<i32>} : memref<256xf32, #tpu.memory_space<vmem>>, vector<16xf32>,
    "tpu.region"() ({
      %run_scoped3A = tpu.sem_alloc : memref<!tpu.dma_semaphore, #tpu.memory_space<semaphore_mem>>
      %dma_start3A_368 = arith.constant 0 : i32
      %dma_start3A_369 = tpu.memref_slice %arg5[%add3A_194, %dma_start3A_368] : memref<64x256xf32, #tpu.memory_space<hbm>> -> memref<1x256xf32, #tpu.memory_space<hbm>>
      %dma_start3A_370 = tpu.memref_squeeze %dma_start3A_369 : memref<1x256xf32, #tpu.memory_space<hbm>> -> memref<256xf32, #tpu.memory_space<hbm>>
      %dma_start3A_371 = arith.constant 0 : i32
      %dma_start3A_372 = tpu.memref_slice %arg5[%add3A_194, %dma_start3A_371] : memref<64x256xf32, #tpu.memory_space<hbm>> -> memref<1x256xf32, #tpu.memory_space<hbm>>
      %dma_start3A_373 = tpu.memref_squeeze %dma_start3A_372 : memref<1x256xf32, #tpu.memory_space<hbm>> -> memref<256xf32, #tpu.memory_space<hbm>>
      tpu.enqueue_dma source(%arg10 : memref<256xf32, #tpu.memory_space<vmem>>) target(%dma_start3A_373 : memref<256xf32, #tpu.memory_space<hbm>>) target_semaphore(%run_scoped3A : memref<!tpu.dma_semaphore, #tpu.memory_space<semaphore_mem>>)
      %dma_wait3A_374 = arith.constant 0 : i32
      %dma_wait3A_375 = tpu.memref_slice %arg5[%add3A_194, %dma_wait3A_374] : memref<64x256xf32, #tpu.memory_space<hbm>> -> memref<1x256xf32, #tpu.memory_space<hbm>>
      %dma_wait3A_376 = tpu.memref_squeeze %dma_wait3A_375 : memref<1x256xf32, #tpu.memory_space<hbm>> -> memref<256xf32, #tpu.memory_space<hbm>>
      %dma_wait3A_377 = arith.constant 0 : i32
      %dma_wait3A_378 = tpu.memref_slice %arg5[%add3A_194, %dma_wait3A_377] : memref<64x256xf32, #tpu.memory_space<hbm>> -> memref<1x256xf32, #tpu.memory_space<hbm>>
      %dma_wait3A_379 = tpu.memref_squeeze %dma_wait3A_378 : memref<1x256xf32, #tpu.memory_space<hbm>> -> memref<256xf32, #tpu.memory_space<hbm>>
      tpu.wait_dma2 semaphore(%run_scoped3A : memref<!tpu.dma_semaphore, #tpu.memory_space<semaphore_mem>>) src(%arg10 : memref<256xf32, #tpu.memory_space<vmem>>) dst(%dma_wait3A_379 : memref<256xf32, #tpu.memory_space<hbm>>)
      tpu.yield
    }) : () -> ()
    return
  }
}

module attributes {stable_mosaic.version = 14 : i64} {
  func.func @_prep(%arg0: memref<256x256xf32, #tpu.memory_space<vmem>>, %arg1: memref<1x256xf32, #tpu.memory_space<vmem>>, %arg2: memref<1x256xf32, #tpu.memory_space<vmem>>, %arg3: memref<64x256xf32, #tpu.memory_space<vmem>>, %arg4: memref<1x64xf32, #tpu.memory_space<vmem>>, %arg5: memref<64x256xf32, #tpu.memory_space<vmem>>, %arg6: memref<1x64xf32, #tpu.memory_space<vmem>>, %arg7: memref<256x256xf32, #tpu.memory_space<vmem>>, %arg8: memref<256x256xf32, #tpu.memory_space<vmem>>) attributes {dimension_semantics = [], scalar_prefetch = 0 : i64, scratch_operands = 0 : i64, tpu.core_type = #tpu.core_type<tc>} {
    %get3A = arith.constant 0 : index
    %get3A_0 = arith.constant 0 : index
    %get3A_1 = vector.load %arg0[%get3A, %get3A_0] : memref<256x256xf32, #tpu.memory_space<vmem>>, vector<256x256xf32>
    %get3A_2 = arith.constant 0 : index
    %get3A_3 = arith.constant 0 : index
    %get3A_4 = vector.load %arg5[%get3A_2, %get3A_3] : memref<64x256xf32, #tpu.memory_space<vmem>>, vector<64x256xf32>
    %dot_general3A = arith.constant dense<0.000000e+00> : vector<256x64xf32>
    %dot_general3A_5 = tpu.matmul %get3A_1, %get3A_4, %dot_general3A {dimension_numbers = #tpu.dot_dimension_numbers<[1], [1], [0], [0], [0, 0, 1, 0], [], []>, transpose_lhs_hint = false} : vector<256x256xf32>, vector<64x256xf32>, vector<256x64xf32> -> vector<256x64xf32>
    %get3A_6 = arith.constant 0 : index
    %get3A_7 = arith.constant 0 : index
    %get3A_8 = vector.load %arg6[%get3A_6, %get3A_7] : memref<1x64xf32, #tpu.memory_space<vmem>>, vector<1x64xf32>
    %get3A_9 = vector.shape_cast %get3A_8 : vector<1x64xf32> to vector<64xf32>
    %broadcast_in_dim3A = vector.shape_cast %get3A_9 : vector<64xf32> to vector<1x64xf32>
    %add3A = vector.broadcast %broadcast_in_dim3A : vector<1x64xf32> to vector<256x64xf32>
    %add3A_10 = arith.addf %dot_general3A_5, %add3A : vector<256x64xf32>
    %get3A_11 = arith.constant 0 : index
    %get3A_12 = arith.constant 0 : index
    %get3A_13 = vector.load %arg1[%get3A_11, %get3A_12] : memref<1x256xf32, #tpu.memory_space<vmem>>, vector<1x256xf32>
    %get3A_14 = vector.shape_cast %get3A_13 : vector<1x256xf32> to vector<256xf32>
    %eq3A = arith.constant 1.000000e+00 : f32
    %eq3A_15 = vector.broadcast %eq3A : f32 to vector<256xf32>
    %eq3A_16 = arith.cmpf oeq, %get3A_14, %eq3A_15 : vector<256xf32>
    %get3A_17 = arith.constant 0 : index
    %get3A_18 = arith.constant 0 : index
    %get3A_19 = vector.load %arg2[%get3A_17, %get3A_18] : memref<1x256xf32, #tpu.memory_space<vmem>>, vector<1x256xf32>
    %get3A_20 = vector.shape_cast %get3A_19 : vector<1x256xf32> to vector<256xf32>
    %eq3A_21 = arith.constant 0.000000e+00 : f32
    %eq3A_22 = vector.broadcast %eq3A_21 : f32 to vector<256xf32>
    %eq3A_23 = arith.cmpf oeq, %get3A_20, %eq3A_22 : vector<256xf32>
    %and3A = arith.andi %eq3A_16, %eq3A_23 : vector<256xi1>
    %convert_element_type3A = arith.extui %and3A : vector<256xi1> to vector<256xi32>
    %convert_element_type3A_24 = arith.sitofp %convert_element_type3A : vector<256xi32> to vector<256xf32>
    %reduce_sum3A = vector.shape_cast %convert_element_type3A_24 : vector<256xf32> to vector<1x256xf32>
    %reduce_sum3A_25 = arith.constant dense<0.000000e+00> : vector<1xf32>
    %reduce_sum3A_26 = vector.multi_reduction <add>, %reduce_sum3A, %reduce_sum3A_25 [1] : vector<1x256xf32> to vector<1xf32>
    %reduce_sum3A_27 = vector.shape_cast %reduce_sum3A_26 : vector<1xf32> to vector<1x1xf32>
    %reduce_sum3A_28 = vector.extract %reduce_sum3A_27[0, 0] : f32 from vector<1x1xf32>
    %rsqrt3A = arith.constant 6.400000e+01 : f32
    %rsqrt3A_29 = math.rsqrt %rsqrt3A : f32
    %mul3A = arith.mulf %reduce_sum3A_28, %rsqrt3A_29 : f32
    %get3A_30 = arith.constant 0 : index
    %get3A_31 = arith.constant 0 : index
    %get3A_32 = vector.load %arg3[%get3A_30, %get3A_31] : memref<64x256xf32, #tpu.memory_space<vmem>>, vector<64x256xf32>
    %dot_general3A_33 = arith.constant dense<0.000000e+00> : vector<256x256xf32>
    %dot_general3A_34 = tpu.matmul %add3A_10, %get3A_32, %dot_general3A_33 {dimension_numbers = #tpu.dot_dimension_numbers<[1], [0], [0], [1], [0, 0, 1, 1], [], []>, transpose_lhs_hint = false} : vector<256x64xf32>, vector<64x256xf32>, vector<256x256xf32> -> vector<256x256xf32>
    %mul3A_35 = vector.broadcast %mul3A : f32 to vector<256x256xf32>
    %mul3A_36 = arith.mulf %dot_general3A_34, %mul3A_35 : vector<256x256xf32>
    %swap3A = arith.constant 0 : index
    %swap3A_37 = arith.constant 0 : index
    %swap3A_38 = vector.load %arg7[%swap3A, %swap3A_37] : memref<256x256xf32, #tpu.memory_space<vmem>>, vector<256x256xf32>
    tpu.vector_store %arg7[%swap3A, %swap3A_37], %mul3A_36 {strides = array<i32>} : memref<256x256xf32, #tpu.memory_space<vmem>>, vector<256x256xf32>,
    %get3A_39 = arith.constant 0 : index
    %get3A_40 = arith.constant 0 : index
    %get3A_41 = vector.load %arg4[%get3A_39, %get3A_40] : memref<1x64xf32, #tpu.memory_space<vmem>>, vector<1x64xf32>
    %get3A_42 = vector.shape_cast %get3A_41 : vector<1x64xf32> to vector<64xf32>
    %broadcast_in_dim3A_43 = vector.shape_cast %get3A_42 : vector<64xf32> to vector<1x64xf32>
    %mul3A_44 = vector.broadcast %broadcast_in_dim3A_43 : vector<1x64xf32> to vector<256x64xf32>
    %mul3A_45 = arith.mulf %add3A_10, %mul3A_44 : vector<256x64xf32>
    %reduce_sum3A_46 = arith.constant dense<0.000000e+00> : vector<256xf32>
    %reduce_sum3A_47 = vector.multi_reduction <add>, %mul3A_45, %reduce_sum3A_46 [1] : vector<256x64xf32> to vector<256xf32>
    %broadcast_in_dim3A_48 = vector.shape_cast %reduce_sum3A_47 : vector<256xf32> to vector<256x1xf32>
    %mul3A_49 = vector.broadcast %mul3A : f32 to vector<256x1xf32>
    %mul3A_50 = arith.mulf %broadcast_in_dim3A_48, %mul3A_49 : vector<256x1xf32>
    %iota3A = tpu.iota {dimensions = array<i32: 0>} : vector<256x256xi32>
    %iota3A_51 = tpu.iota {dimensions = array<i32: 1>} : vector<256x256xi32>
    %ne3A = arith.cmpi ne, %iota3A, %iota3A_51 : vector<256x256xi32>
    %broadcast_in_dim3A_52 = vector.shape_cast %convert_element_type3A_24 : vector<256xf32> to vector<256x1xf32>
    %gt3A = arith.constant 0.000000e+00 : f32
    %gt3A_53 = vector.broadcast %gt3A : f32 to vector<256x1xf32>
    %gt3A_54 = arith.cmpf ogt, %broadcast_in_dim3A_52, %gt3A_53 : vector<256x1xf32>
    %and3A_55 = vector.broadcast %gt3A_54 : vector<256x1xi1> to vector<256x256xi1>
    %and3A_56 = arith.andi %ne3A, %and3A_55 : vector<256x256xi1>
    %broadcast_in_dim3A_57 = vector.shape_cast %convert_element_type3A_24 : vector<256xf32> to vector<1x256xf32>
    %gt3A_58 = arith.constant 0.000000e+00 : f32
    %gt3A_59 = vector.broadcast %gt3A_58 : f32 to vector<1x256xf32>
    %gt3A_60 = arith.cmpf ogt, %broadcast_in_dim3A_57, %gt3A_59 : vector<1x256xf32>
    %and3A_61 = vector.broadcast %gt3A_60 : vector<1x256xi1> to vector<256x256xi1>
    %and3A_62 = arith.andi %and3A_56, %and3A_61 : vector<256x256xi1>
    %jit3A = arith.constant 0.000000e+00 : f32
    %jit3A_63 = arith.constant -1.000000e+30 : f32
    %broadcast_in_dim3A_64 = vector.broadcast %jit3A : f32 to vector<256x256xf32>
    %broadcast_in_dim3A_65 = vector.broadcast %jit3A_63 : f32 to vector<256x256xf32>
    %select_n3A = arith.select %and3A_62, %broadcast_in_dim3A_64, %broadcast_in_dim3A_65 : vector<256x256xi1>, vector<256x256xf32>
    %add3A_66 = vector.broadcast %mul3A_50 : vector<256x1xf32> to vector<256x256xf32>
    %add3A_67 = arith.addf %add3A_66, %select_n3A : vector<256x256xf32>
    %swap3A_68 = arith.constant 0 : index
    %swap3A_69 = arith.constant 0 : index
    %swap3A_70 = vector.load %arg8[%swap3A_68, %swap3A_69] : memref<256x256xf32, #tpu.memory_space<vmem>>, vector<256x256xf32>
    tpu.vector_store %arg8[%swap3A_68, %swap3A_69], %add3A_67 {strides = array<i32>} : memref<256x256xf32, #tpu.memory_space<vmem>>, vector<256x256xf32>,
    return
  }
}

module attributes {stable_mosaic.version = 14 : i64} {
  func.func @_attn_block(%arg0: i32, %arg1: memref<1x16x256x256xf32, #tpu.memory_space<vmem>>, %arg2: memref<16x256xf32, #tpu.memory_space<vmem>>, %arg3: memref<16x256xf32, #tpu.memory_space<vmem>>, %arg4: memref<16x256xf32, #tpu.memory_space<vmem>>) attributes {dimension_semantics = [#tpu.dimension_semantics<arbitrary>], iteration_bounds = array<i64: 12>, scalar_prefetch = 0 : i64, scratch_operands = 0 : i64, tpu.core_type = #tpu.core_type<tc>, window_params = [{transform_indices = @transform_0, window_bounds = array<i64: 1, 16, 256, 256>}, {transform_indices = @transform_1, window_bounds = array<i64: 16, 256>}, {transform_indices = @transform_2, window_bounds = array<i64: 16, 256>}, {transform_indices = @transform_3, window_bounds = array<i64: 16, 256>}]} {
    %get3A = arith.constant 0 : index
    %get3A_0 = arith.constant 0 : index
    %get3A_1 = arith.constant 0 : index
    %get3A_2 = arith.constant 0 : index
    %get3A_3 = vector.load %arg1[%get3A, %get3A_0, %get3A_1, %get3A_2] : memref<1x16x256x256xf32, #tpu.memory_space<vmem>>, vector<1x16x256x256xf32>
    %get3A_4 = vector.shape_cast %get3A_3 : vector<1x16x256x256xf32> to vector<16x256x256xf32>
    %reshape3A = vector.shape_cast %get3A_4 : vector<16x256x256xf32> to vector<4096x256xf32>
    %get3A_5 = arith.constant 0 : index
    %get3A_6 = arith.constant 0 : index
    %get3A_7 = vector.load %arg2[%get3A_5, %get3A_6] : memref<16x256xf32, #tpu.memory_space<vmem>>, vector<16x256xf32>
    %dot_general3A = arith.constant dense<0.000000e+00> : vector<4096x16xf32>
    %dot_general3A_8 = tpu.matmul %reshape3A, %get3A_7, %dot_general3A {dimension_numbers = #tpu.dot_dimension_numbers<[1], [1], [0], [0], [0, 0, 1, 0], [], []>, transpose_lhs_hint = false} : vector<4096x256xf32>, vector<16x256xf32>, vector<4096x16xf32> -> vector<4096x16xf32>
    %reshape3A_9 = vector.shape_cast %dot_general3A_8 : vector<4096x16xf32> to vector<16x256x16xf32>
    %iota3A = tpu.iota {dimensions = array<i32: 0>} : vector<16x1x16xi32>
    %iota3A_10 = tpu.iota {dimensions = array<i32: 2>} : vector<16x1x16xi32>
    %eq3A = arith.cmpi eq, %iota3A, %iota3A_10 : vector<16x1x16xi32>
    %convert_element_type3A = arith.extui %eq3A : vector<16x1x16xi1> to vector<16x1x16xi32>
    %convert_element_type3A_11 = arith.sitofp %convert_element_type3A : vector<16x1x16xi32> to vector<16x1x16xf32>
    %mul3A = vector.broadcast %convert_element_type3A_11 : vector<16x1x16xf32> to vector<16x256x16xf32>
    %mul3A_12 = arith.mulf %reshape3A_9, %mul3A : vector<16x256x16xf32>
    %reduce_sum3A = arith.constant dense<0.000000e+00> : vector<16x256xf32>
    %reduce_sum3A_13 = vector.multi_reduction <add>, %mul3A_12, %reduce_sum3A [2] : vector<16x256x16xf32> to vector<16x256xf32>
    %get3A_14 = arith.constant 0 : index
    %get3A_15 = arith.constant 0 : index
    %get3A_16 = vector.load %arg3[%get3A_14, %get3A_15] : memref<16x256xf32, #tpu.memory_space<vmem>>, vector<16x256xf32>
    %add3A = arith.addf %reduce_sum3A_13, %get3A_16 : vector<16x256xf32>
    %mul3A_17 = arith.constant 1.44269502 : f32
    %mul3A_18 = vector.broadcast %mul3A_17 : f32 to vector<16x256xf32>
    %mul3A_19 = arith.mulf %add3A, %mul3A_18 : vector<16x256xf32>
    %exp23A = math.exp2 %mul3A_19 : vector<16x256xf32>
    %reduce_sum3A_20 = arith.constant dense<0.000000e+00> : vector<16xf32>
    %reduce_sum3A_21 = vector.multi_reduction <add>, %exp23A, %reduce_sum3A_20 [1] : vector<16x256xf32> to vector<16xf32>
    %broadcast_in_dim3A = vector.shape_cast %reduce_sum3A_21 : vector<16xf32> to vector<16x1xf32>
    %eq3A_22 = arith.constant 0.000000e+00 : f32
    %eq3A_23 = vector.broadcast %eq3A_22 : f32 to vector<16x1xf32>
    %eq3A_24 = arith.cmpf oeq, %broadcast_in_dim3A, %eq3A_23 : vector<16x1xf32>
    %jit3A = arith.constant 1.000000e+00 : f32
    %broadcast_in_dim3A_25 = vector.broadcast %jit3A : f32 to vector<16x1xf32>
    %select_n3A = arith.select %eq3A_24, %broadcast_in_dim3A_25, %broadcast_in_dim3A : vector<16x1xi1>, vector<16x1xf32>
    %div3A = arith.constant 1.000000e+00 : f32
    %div3A_26 = vector.broadcast %div3A : f32 to vector<16x1xf32>
    %div3A_27 = arith.divf %div3A_26, %select_n3A : vector<16x1xf32>
    %mul3A_28 = vector.broadcast %div3A_27 : vector<16x1xf32> to vector<16x256xf32>
    %mul3A_29 = arith.mulf %exp23A, %mul3A_28 : vector<16x256xf32>
    %broadcast_in_dim3A_30 = vector.shape_cast %mul3A_29 : vector<16x256xf32> to vector<16x256x1xf32>
    %mul3A_31 = vector.broadcast %broadcast_in_dim3A_30 : vector<16x256x1xf32> to vector<16x256x256xf32>
    %mul3A_32 = arith.mulf %get3A_4, %mul3A_31 : vector<16x256x256xf32>
    %reduce_sum3A_33 = arith.constant dense<0.000000e+00> : vector<16x256xf32>
    %reduce_sum3A_34 = vector.multi_reduction <add>, %mul3A_32, %reduce_sum3A_33 [1] : vector<16x256x256xf32> to vector<16x256xf32>
    %swap3A = arith.constant 0 : index
    %swap3A_35 = arith.constant 0 : index
    %swap3A_36 = vector.load %arg4[%swap3A, %swap3A_35] : memref<16x256xf32, #tpu.memory_space<vmem>>, vector<16x256xf32>
    tpu.vector_store %arg4[%swap3A, %swap3A_35], %reduce_sum3A_34 {strides = array<i32>} : memref<16x256xf32, #tpu.memory_space<vmem>>, vector<16x256xf32>,
    return
  }
  func.func @transform_0(%arg0: i32) -> (i32, i32, i32, i32) {
    %c0_i32 = arith.constant 0 : i32
    %c0_i32_0 = arith.constant 0 : i32
    %c0_i32_1 = arith.constant 0 : i32
    %c0_i32_2 = arith.constant 0 : i32
    return %c0_i32, %arg0, %c0_i32_0, %c0_i32_1 : i32, i32, i32, i32
  }
  func.func @transform_1(%arg0: i32) -> (i32, i32) {
    %c0_i32 = arith.constant 0 : i32
    %c0_i32_0 = arith.constant 0 : i32
    return %arg0, %c0_i32 : i32, i32
  }
  func.func @transform_2(%arg0: i32) -> (i32, i32) {
    %c0_i32 = arith.constant 0 : i32
    %c0_i32_0 = arith.constant 0 : i32
    return %arg0, %c0_i32 : i32, i32
  }
  func.func @transform_3(%arg0: i32) -> (i32, i32) {
    %c0_i32 = arith.constant 0 : i32
    %c0_i32_0 = arith.constant 0 : i32
    return %arg0, %c0_i32 : i32, i32
  }
}

</mosaic_0001>

<sc_bundles>
// kernel: _edge_to_node_attention.5.cloned.1.call-start
scs
__scs_entry_jumppad:
0x0: {  	(pc) =	sbr.rel $0x88, $3  }
0x1: {  	(tag) =	ssettag $0x0;
	lr =	simm.s32 $0x1  }
0x2: {  	[smem:$0x3F99] =	sst lr;
	_ =	strace $0xD0000000  }
0x3: {  	_ = 	snop  }
0x4: {  	_ = 	snop  }
0x5: {  	_ = 	snop  }
0x6: {  	_ = 	snop  }
0x7: {  	_ = 	snop  }
__scs_overlays_trampoline_lowered:
0x8: {  	[smem:$0x3FA8] =	sst s0  }
0x9: {  	[smem:$0x3FA9] =	sst s1  }
0xa: {  	[smem:$0x3FAA] =	sst s2  }
0xb: {  	[smem:$0x3FAB] =	sst s3  }
0xc: {  	[smem:$0x3FAC] =	sst s4  }
0xd: {  	[smem:$0x3FAD] =	sst s5  }
0xe: {  	[smem:$0x3FAE] =	sst s6  }
0xf: {  	[smem:$0x3FAF] =	sst s7  }
0x10: {  	[smem:$0x3FB0] =	sst s8  }
0x11: {  	[smem:$0x3FB1] =	sst s9;
	s0 =	simm.s32 @!p0 $0x0  }
0x12: {  	s1 =	sld [smem:$0x3F97];
	s0 =	simm.s32 @p0 $0x1  }
0x13: {  	[smem:$0x3FB2] =	sst s0;
	s0 =	simm.s32 @!p1 $0x0  }
0x14: {  	s2 =	sld [smem:$0x3F96];
	s0 =	simm.s32 @p1 $0x1  }
0x15: {  	[smem:$0x3FB3] =	sst s0;
	s0 =	simm.s32 @!p2 $0x0  }
0x16: {  	s3 =	sld [smem:$0x3FDB];
	s0 =	simm.s32 @p2 $0x1  }
0x17: {  	s4 =	simm.s32 $0x1BF5;
	[smem:$0x3FB5] =	sst s0  }
0x18: {  	s0 =	sld [smem:$0x3F98];
	_ =	swait.ge [sflag:s4], $0x0  }
0x19: {  	s7 =	sld [smem:$0x3F99]  }
0x1a: {  	s8 =	sadd.s32 $0xFFFFE003, lr  }
0x1b: {  	s9 =	sadd.s32 $0xFFFFFEF7, lr;
	s5 =	simm.s32 $0xFFFFFFFF;
	p2 =	slt.u32 s8, $0xFFFFF086  }
0x1c: {  	p1 =	slt.u32 s9, $0xF7A;
	s5 =	simm.s32 @!p2 $0x0  }
0x1d: {  	s5 =	simm.s32 @p1 $0x1;
	p0 =	seq.s32 s7, s2  }
0x1e: {  	s7 =	smul.u32 @!p0 $0xF7A, s2;
	p2 =	seq.s32 @!p0 s5, $0x0  }
0x1f: {  	s9 =	smul.u32 $0xF7A, s1;
	s8 =	simm.s32 @!p0 $0x1BF5;
	p2 =	por !p2, p0  }
0x20: {  	[sflag:s8] =	ssyncset.s32 @!p0 $0xFFFFF086;
	s6 =	sadd.s32 @!p0 s3, s7;
	s7 =	simm.s32 @!p0 $0x108  }
0x21: {  	s3 =	sadd.s32 s3, s9;
	s6 =	sadd.s32 @!p0 $0x88, s6;
	s7 =	simm.s32 @p2 $0x1082  }
0x22: {  	[simem:s7], [sflag:s8] =	dma.local @!p0 [hbm:s6], $0xF7A  }
0x23: {  	s9 =	sor.u32 $0xD0000000, s2;
	s6 =	simm.s32 $0x108;
	_ =	swait.ge @!p0 [sflag:s8], $0x0  }
0x24: {  	s3 =	sadd.s32 $0x88, s3;
	s6 =	simm.s32 @!p1 $0x1082;
	[sflag:s4] =	ssyncset.s32 $0xFFFFF086  }
0x25: {  	[simem:s6], [sflag:s4] =	dma.local [hbm:s3], $0xF7A  }
0x26: {  	[smem:$0x3F99] =	sst s1;
	(tag) =	ssettag s2;
	_ =	strace s9  }
0x27: {  	s1 =	sld [smem:$0x3FA9]  }
0x28: {  	s2 =	sld [smem:$0x3FAA]  }
0x29: {  	s4 =	sld [smem:$0x3FAC]  }
0x2a: {  	p0 =	seq.s32 s5, $0x0;
	s5 =	sld [smem:$0x3FAD]  }
0x2b: {  	s6 =	sld [smem:$0x3FAE]  }
0x2c: {  	s7 =	sld [smem:$0x3FAF]  }
0x2d: {  	s3 =	simm.s32 $0x108;
	s8 =	sld [smem:$0x3FB0]  }
0x2e: {  	s3 =	simm.s32 @!p0 $0x1082;
	s9 =	sld [smem:$0x3FB1]  }
0x2f: {  	lr =	sadd.s32 s0, s3;
	s0 =	sld [smem:$0x3FA8]  }
0x30: {  	s3 =	sld [smem:$0x3FAB]  }
0x31: {  	[smem:$0x3FB4] =	sst s10  }
0x32: {  	s10 =	sld [smem:$0x3FB2];
	_ =	sdelay $0x3  }
0x33: {  	p0 =	seq.s32 s10, $0x1;
	s10 =	sld [smem:$0x3FB4];
	_ =	sdelay $0x3  }
0x34: {  	[smem:$0x3FB4] =	sst s10  }
0x35: {  	s10 =	sld [smem:$0x3FB3];
	_ =	sdelay $0x3  }
0x36: {  	p1 =	seq.s32 s10, $0x1;
	s10 =	sld [smem:$0x3FB4];
	_ =	sdelay $0x3  }
0x37: {  	[smem:$0x3FB4] =	sst s10  }
0x38: {  	s10 =	sld [smem:$0x3FB5]  }
0x39: {  	_ = 	snop;
	(pc) =	sbr.ind lr, $3  }
0x3a: {  	_ = 	snop  }
0x3b: {  	_ = 	snop  }
0x3c: {  	p2 =	seq.s32 s10, $0x1;
	s10 =	sld [smem:$0x3FB4]  }
0x3d: {  	_ =	shalt  }
0x3e: {  	_ =	shalt  }
0x3f: {  	_ =	shalt  }
0x40: {  	_ =	shalt  }
0x41: {  	_ =	shalt  }
0x42: {  	_ =	shalt  }
0x43: {  	_ =	shalt  }
0x44: {  	_ =	shalt  }
0x45: {  	_ =	shalt  }
0x46: {  	_ =	shalt  }
0x47: {  	_ =	shalt  }
0x48: {  	_ =	shalt  }
0x49: {  	_ =	shalt  }
0x4a: {  	_ =	shalt  }
0x4b: {  	_ =	shalt  }
0x4c: {  	_ =	shalt  }
0x4d: {  	_ =	shalt  }
0x4e: {  	_ =	shalt  }
0x4f: {  	_ =	shalt  }
0x50: {  	_ =	shalt  }
0x51: {  	_ =	shalt  }
0x52: {  	_ =	shalt  }
0x53: {  	_ =	shalt  }
0x54: {  	_ =	shalt  }
0x55: {  	_ =	shalt  }
0x56: {  	_ =	shalt  }
0x57: {  	_ =	shalt  }
0x58: {  	_ =	shalt  }
0x59: {  	_ =	shalt  }
0x5a: {  	_ =	shalt  }
0x5b: {  	_ =	shalt  }
0x5c: {  	_ =	shalt  }
0x5d: {  	_ =	shalt  }
0x5e: {  	_ =	shalt  }
0x5f: {  	_ =	shalt  }
0x60: {  	_ =	shalt  }
0x61: {  	_ =	shalt  }
0x62: {  	_ =	shalt  }
0x63: {  	_ =	shalt  }
0x64: {  	_ =	shalt  }
0x65: {  	_ =	shalt  }
0x66: {  	_ =	shalt  }
0x67: {  	_ =	shalt  }
0x68: {  	_ =	shalt  }
0x69: {  	_ =	shalt  }
0x6a: {  	_ =	shalt  }
0x6b: {  	_ =	shalt  }
0x6c: {  	_ =	shalt  }
0x6d: {  	_ =	shalt  }
0x6e: {  	_ =	shalt  }
0x6f: {  	_ =	shalt  }
0x70: {  	_ =	shalt  }
0x71: {  	_ =	shalt  }
0x72: {  	_ =	shalt  }
0x73: {  	_ =	shalt  }
0x74: {  	_ =	shalt  }
0x75: {  	_ =	shalt  }
0x76: {  	_ =	shalt  }
0x77: {  	_ =	shalt  }
0x78: {  	_ =	shalt  }
0x79: {  	_ =	shalt  }
0x7a: {  	_ =	shalt  }
0x7b: {  	_ =	shalt  }
0x7c: {  	_ =	shalt  }
0x7d: {  	_ =	shalt  }
0x7e: {  	_ =	shalt  }
0x7f: {  	_ =	shalt  }
0x80: {  	_ =	shalt  }
0x81: {  	_ =	shalt  }
0x82: {  	_ =	shalt  }
0x83: {  	_ =	shalt  }
0x84: {  	_ =	shalt  }
0x85: {  	_ =	shalt  }
0x86: {  	_ =	shalt  }
0x87: {  	_ =	shalt  }
.Lfunc_end0:
.L_simem_size_0:
called_computation_lowered:
.L_overlay_start_0:
0x88: {  	s2 =	sld [smem:$0x3FD9]  }
0x89: {  	s3 =	sld [smem:$0x3FFE];
	_ =	sdelay $0x1  }
0x8a: {  	s1 =	srdreg.scid  }
0x8b: {  	s0 =	sand.u32 $0x1, s1  }
0x8c: {  	s17 =	sshll.u32 s0, $0xA;
	s2 =	sadd.s32 s3, s2  }
0x8d: {  	s2 =	sadd.s32 s2, s17  }
0x8e: {  	[smem:$0x3FC0] =	sst s2  }
0x8f: {  	_ = 	snop  }
0x90: {  	s2 =	sld [smem:$0x3FC9]  }
0x91: {  	s18 =	sld [smem:$0x3FD0];
	(tm) =	ssettm $0x1  }
0x92: {  	s4 =	sld [smem:$0x3FFB];
	_ =	sdelay $0x3  }
0x93: {  	_ =	strace s4  }
0x94: {  	s4 =	sld [smem:$0x3FFC];
	_ =	sdelay $0x3  }
0x95: {  	_ =	strace s4  }
0x96: {  	s4 =	sld [smem:$0x3FFD];
	_ =	sdelay $0x3  }
0x97: {  	_ =	strace s4  }
0x98: {  	_ =	strace $0x8FFFFFFF  }
0x99: {  	s19 =	sld [smem:$0x3FDB];
	_ =	sdelay $0x1  }
0x9a: {  	s5 =	simm.s32 $_scs_section_size  }
0x9b: {  	s6 =	simm.s32 $_size__tile_overlayer_lowered;
	s7 =	simm.s32 $_tile_overlayer_lowered  }
0x9c: {  	s22 =	simm.s32 $0x1BFF;
	s21 =	sshll.u32 s7, $0x1;
	s4 =	sadd.s32 s5, s19  }
0x9d: {  	s8 =	simm.s32 $0x0;
	s20 =	sshll.u32 s6, $0x1;
	s6 =	sadd.s32 s21, s4  }
0x9e: {  	[timem:s8], [sflag:s22] =	dma.local [hbm:s6], s20  }
0x9f: {  	_ =	swait.ge [sflag:s22], s20  }
0xa0: {  	s5 =	ssub.s32 $0x0, s20;
	[sflag:s22] =	ssyncset.done $0x0  }
0xa1: {  	[sflag:s22] =	ssyncadd.s32 s5;
	_ =	sdelay $0x1  }
0xa2: {  	s23 =	simm.s32 $0x1B8B  }
0xa3: {  	_ =	swait.ge [sflag:s23], $0x1  }
0xa4: {  	[sflag:s23] =	ssyncset.done $0x0  }
0xa5: {  	s25 =	simm.s32 $0x1B8E;
	s24 =	sld [smem:$0x3FFE];
	[sflag:s23] =	ssyncadd.s32 $0xFFFFFFFF  }
0xa6: {  	s26 =	simm.s32 $execute0_lowered;
	[smem:$0x3FD2] =	sst s25  }
0xa7: {  	s6 =	sshll.u32 s26, $0x1;
	_ =	strace $0x80000046;
	[dreg:$0x1] =	wrdreg $0xFFFFFFFF  }
0xa8: {  	s28 =	simm.s32 $_size_execute0_lowered;
	s4 =	sadd.s32 s4, s6;
	[dreg:$0x0] =	wrdreg $0x0  }
0xa9: {  	s6 =	sshll.u32 s28, $0x1;
	[dreg:$0x2] =	wrdreg s4  }
0xaa: {  	[dreg:$0x3] =	wrdreg s6  }
0xab: {  	[dreg:$0x4] =	wrdreg $0xC0  }
0xac: {  	_ =	task [dreg:s8], $0x5FFFF  }
0xad: {  	[dreg:$0x1] =	wrdreg $0xFFFFFFFF  }
0xae: {  	[dreg:$0x0] =	wrdreg $0x60  }
0xaf: {  	[dreg:$0x2] =	wrdreg s2  }
0xb0: {  	[dreg:$0x3] =	wrdreg s18  }
0xb1: {  	[dreg:$0x4] =	wrdreg s24  }
0xb2: {  	[dreg:$0x5] =	wrdreg $0x9  }
0xb3: {  	_ =	task.clear_ibuf [dreg:s8], $0x6FFFF;
	_ =	strace $0x90000046  }
0xb4: {  	s29 =	simm.s32 $0x9;
	_ =	strace $0x80000048  }
0xb5: {  	_ =	swait.ge [sflag:s29], $0x1  }
0xb6: {  	[sflag:s29] =	ssyncadd.s32 $0xFFFFFFFF  }
0xb7: {  	_ =	strace $0x90000048  }
0xb8: {  	_ =	sfence  }
0xb9: {  	s30 =	sld [smem:$0x0];
	_ =	sdelay $0x2  }
0xba: {  	s31 =	sshll.u32 s1, $0xD;
	s1 =	sshrl.u32 s1, $0x2  }
0xbb: {  	s3 =	sand.u32 $0x4000, s31;
	s1 =	sadd.s32 s1, s30  }
0xbc: {  	s0 =	sor.u32 s3, s0;
	s1 =	sshll.u32 s1, $0x11  }
0xbd: {  	s0 =	sor.u32 s1, s0  }
0xbe: {  	s0 =	sadd.s32 $0x8F2B, s0  }
0xbf: {  	[sflag:s0] =	ssyncadd.remote.s32 $0x1  }
0xc0: {  	_ =	sfence.sel $0xFFFF  }
0xc1: {  	[dreg:$0x0] =	wrdreg $0xFFFFFFFF;
	(pc) =	sbr.abs _section_cstart, $3  }
0xc2: {  	[dreg:$0x1] =	wrdreg $0xFFFFFFFF  }
0xc3: {  	_ =	task.clear_ibuf [dreg:s8], $0x2FFFF;
	_ =	strace $0x9FFFFFFF  }
0xc4: {  	(tm) =	ssettm $0x7FFFFFFF  }
0xc5: {  	_ =	shalt  }
tec
execute0_lowered:
.L_overlay_start_1:
0x0: {  	(tag) =	ssettag $0x1  }
0x1: {  	s10 =	rddreg [dreg:$0x0];
	s1 =	srdreg.scid  }
0x2: {  	s8 =	rddreg [dreg:$0x1];
	s0 =	stileid.u32  }
0x3: {  	s4 =	rddreg [dreg:$0x2];
	s2 =	simm.s32 $0x0;
	s17 =	simm.s32 $0x10100  }
0x4: {  	s18 =	simm.s32 $0x8000;
	s19 =	simm.s32 $0x1;
	s20 =	simm.s32 $0x2  }
0x5: {  	v0 =	vimm.s32 $0xFEDCBA98;
	s21 =	simm.s32 $0x10200;
	s22 =	simm.s32 $0x3;
	s23 =	simm.s32 $0x0  }
0x6: {  	v1 =	vimm.s32 $0x76543210;
	v2 =	vimm.s32 $0x3210FEDC;
	s3 =	sand.u32 $0x1, s1;
	s5 =	sshll.u32 s0, $0x2;
	[smem:$0x7FF] =	sst s2  }
0x7: {  	v3 =	vimm.s32 $0xBA987654;
	s7 =	sshll.u32 s0, $0xA;
	s9 =	sadd.s32 $0x1C00, s4;
	s14 =	sadd.s32 $0x1000, s10  }
0x8: {  	v4 =	vimm.s32 $0x10FEDCBA;
	v5 =	vimm.s32 $0x98765432;
	s6 =	sshll.u32 s3, $0x1;
	_ =	strace $0x80000047;
	s3 =	ssub.s32 $0x2, s3  }
0x9: {  	v6 =	vimm.s32 $0xFEDCBA9;
	v7 =	vimm.s32 $0x87654321;
	s7 =	sand.u32 $0x3800, s7;
	s5 =	sor.u32 s6, s5;
	s24 =	sshrl.u32 s3, $0x1  }
0xa: {  	v0 =	vunpack.c.l.s4.s8 v0;
	v4 =	vunpack.c.l.s4.s8 v4;
	v5 =	vunpack.c.l.s4.s8 v5;
	s6 =	sshll.u32 s5, $0x7;
	s11 =	sor.u32 $0xC0, s5;
	s28 =	sor.u32 $0xC1, s5  }
0xb: {  	v1 =	vunpack.c.l.s4.s8 v1;
	v2 =	vunpack.c.l.s4.s8 v2;
	v3 =	vunpack.c.l.s4.s8 v3;
	s16 =	ssub.s32 s3, s24;
	s6 =	sand.u32 $0x300, s6;
	s12 =	sshll.u32 s11, $0x8  }
0xc: {  	v6 =	vunpack.c.l.s4.s8 v6;
	v4 =	vunpack.c.0.s8.s32 v4;
	v5 =	vunpack.c.0.s8.s32 v5;
	s26 =	sshll.u32 s11, $0xD;
	s30 =	sshll.u32 s28, $0x5;
	s31 =	sshll.u32 s28, $0x4  }
0xd: {  	v7 =	vunpack.c.l.s4.s8 v7;
	v0 =	vunpack.c.0.s8.s32 v0;
	v2 =	vunpack.c.0.s8.s32 v2;
	s11 =	sshll.u32 s28, $0xD;
	s7 =	sor.u32 s7, s6;
	s25 =	sand.u32 $0xF800, s12  }
0xe: {  	v3 =	vunpack.c.0.s8.s32 v3;
	v1 =	vunpack.c.0.s8.s32 v1;
	v61 =	vcombine.low v5, v4;
	s15 =	sand.u32 $0x1F00, s30;
	s12 =	sand.u32 $0x70, s31;
	s5 =	sadd.s32 s10, s26  }
0xf: {  	v6 =	vunpack.c.0.s8.s32 v6;
	v7 =	vunpack.c.0.s8.s32 v7;
	v0 =	vand.u32 $0xF, v0;
	s10 =	sadd.s32 s10, s11;
	s11 =	sadd.s32 s11, s14;
	s7 =	sshrl.u32 s7, $0x3  }
0x10: {  	v2 =	vcombine.low v3, v2;
	v51 =	vcombine.low v0, v1;
	s6 =	sor.u32 s6, s25;
	s12 =	sor.u32 s12, s15;
	s15 =	simm.s32 $0x400;
	v63 =	vand.u32 $0xF, v61  }
0x11: {  	v62 =	vcombine.low v7, v6;
	s13 =	sadd.s32 s7, s4;
	s29 =	sshrl.u32 s6, $0x3;
	s6 =	sadd.s32 s26, s14;
	[tilespmem:$0x1FFC0] =	vst v63  }
0x12: {  	v52 =	vand.u32 $0xF, v2;
	s14 =	simm.s32 $0x80;
	[tilespmem:$0x1FFD0] =	vst v51;
	s3 =	sadd.s32 s8, s29;
	s4 =	sadd.s32 s9, s29  }
0x13: {  	v35 =	vand.u32 $0xF, v62;
	[tilespmem:$0x1FFE0] =	vst v52;
	s7 =	sadd.s32 $0x3C00, s13;
	s8 =	sadd.s32 s8, s12;
	s9 =	sadd.s32 s9, s12  }
0x14: {  	[tilespmem:$0x1FFF0] =	vst v35;
	s12 =	sadd.s32 $0x3C10, s13;
	s13 =	smax.u32 s16, $0x1;
	s16 =	simm.s32 $0x10000  }
.LBB2_1:
0x15: {  	[tilespmem:s16], [sflag:$0x3] =	stream.strided.gather [hbm4b:s3+s14], $0x100, s15, s14, $0x38;
	[tilespmem:$0x10300] =	vst v63  }
0x16: {  	_ =	swait.ge [sflag:s22], $0x100  }
0x17: {  	[sflag:s22] =	ssyncset.done $0x0  }
0x18: {  	[sflag:s22] =	ssyncadd.s32 $0xFFFFFF00  }
0x19: {  	[tilespmem:s17], [sflag:$0x3] =	stream.strided.gather [hbm4b:s4+s14], $0x100, s15, s14, $0x38;
	[tilespmem:$0x10300] =	vst v63  }
0x1a: {  	_ =	swait.ge [sflag:s22], $0x100  }
0x1b: {  	[sflag:s22] =	ssyncset.done $0x0  }
0x1c: {  	[sflag:s22] =	ssyncadd.s32 $0xFFFFFF00  }
0x1d: {  	[tilespmem:s2], [sflag:$0x1] =	stream.linear.gather [hbm4b:s5+s2], $0x8000, $0x38;
	[tilespmem:$0x10300] =	vst v63  }
0x1e: {  	_ = 	snop  }
0x1f: {  	[tilespmem:s18], [sflag:$0x2] =	stream.linear.gather [hbm4b:s6+s2], $0x8000, $0x38;
	[tilespmem:$0x10300] =	vst v63  }
0x20: {  	_ =	swait.ge [sflag:s19], $0x8000  }
0x21: {  	[sflag:s19] =	ssyncset.done $0x0  }
0x22: {  	[sflag:s19] =	ssyncadd.s32 $0xFFFF8000  }
0x23: {  	v0 =	vld [tilespmem:$0x10000]  }
0x24: {  	v22 =	vld [tilespmem:$0x10010]  }
0x25: {  	v23 =	vld [tilespmem:$0x10020]  }
0x26: {  	v27 =	vld [tilespmem:$0x10030]  }
0x27: {  	v28 =	vld [tilespmem:$0x10040]  }
0x28: {  	v29 =	vld [tilespmem:$0x10050]  }
0x29: {  	v30 =	vld [tilespmem:$0x10060]  }
0x2a: {  	v31 =	vld [tilespmem:$0x10070]  }
0x2b: {  	v32 =	vld [tilespmem:$0x10080]  }
0x2c: {  	v33 =	vld [tilespmem:$0x10090]  }
0x2d: {  	v37 =	vld [tilespmem:$0x100A0]  }
0x2e: {  	v41 =	vld [tilespmem:$0x100B0]  }
0x2f: {  	v44 =	vld [tilespmem:$0x100C0]  }
0x30: {  	v45 =	vld [tilespmem:$0x100D0]  }
0x31: {  	s24 =	sand.u32 $0x7800, s2;
	s25 =	sand.u32 $0x200, s2;
	v46 =	vld [tilespmem:$0x100E0]  }
0x32: {  	s25 =	sor.u32 s25, s24;
	v47 =	vld [tilespmem:$0x100F0]  }
0x33: {  	v58 =	vld [tilespmem:s25+$0x0]  }
0x34: {  	v2 =	vld [tilespmem:s25+$0x10]  }
0x35: {  	v3 =	vld [tilespmem:s25+$0x20]  }
0x36: {  	v4 =	vld [tilespmem:s25+$0x30]  }
0x37: {  	v59 =	vld [tilespmem:s25+$0x40]  }
0x38: {  	s26 =	simm.s32 $0x180;
	v56 =	vld [tilespmem:s25+$0x50]  }
0x39: {  	s26 =	sand.u32 $0x380, s26;
	v62 =	vld [tilespmem:s25+$0x60]  }
0x3a: {  	s0 =	sor.u32 s26, s24;
	v8 =	vld [tilespmem:s25+$0x70]  }
0x3b: {  	v9 =	vld [tilespmem:s0+$0x0]  }
0x3c: {  	v57 =	vld [tilespmem:s0+$0x10]  }
0x3d: {  	v11 =	vld [tilespmem:s0+$0x20]  }
0x3e: {  	v12 =	vld [tilespmem:s0+$0x30]  }
0x3f: {  	v49 =	vld [tilespmem:s0+$0x40]  }
0x40: {  	s1 =	simm.s32 $0x100;
	v15 =	vld [tilespmem:s0+$0x50]  }
0x41: {  	s26 =	sand.u32 $0x300, s1;
	v13 =	vld [tilespmem:s0+$0x60]  }
0x42: {  	s26 =	sor.u32 s26, s24;
	v17 =	vld [tilespmem:s0+$0x70]  }
0x43: {  	v20 =	vld [tilespmem:s26+$0x0]  }
0x44: {  	v36 =	vld [tilespmem:s26+$0x10];
	[tilespmem:$0x1FB60] =	vst v2  }
0x45: {  	v34 =	vld [tilespmem:s26+$0x20];
	[tilespmem:$0x1FB70] =	vst v3  }
0x46: {  	v26 =	vld [tilespmem:s26+$0x30];
	[tilespmem:$0x1FB80] =	vst v4  }
0x47: {  	v25 =	vld [tilespmem:s26+$0x40];
	[tilespmem:$0x1FB90] =	vst v8  }
0x48: {  	s30 =	simm.s32 $0x80;
	v21 =	vld [tilespmem:s26+$0x50];
	[tilespmem:$0x1FBA0] =	vst v9  }
0x49: {  	s25 =	sand.u32 $0x280, s30;
	v24 =	vld [tilespmem:s26+$0x60];
	[tilespmem:$0x1FBB0] =	vst v11  }
0x4a: {  	v18 =	vld [tilespmem:s26+$0x70];
	s24 =	sor.u32 s25, s24;
	[tilespmem:$0x1FBC0] =	vst v12  }
0x4b: {  	v48 =	vld [tilespmem:s24+$0x0];
	[tilespmem:$0x1FBD0] =	vst v15  }
0x4c: {  	v53 =	vld [tilespmem:s24+$0x10];
	[tilespmem:$0x1FBE0] =	vst v13  }
0x4d: {  	v50 =	vld [tilespmem:s24+$0x20];
	[tilespmem:$0x1FBF0] =	vst v17  }
0x4e: {  	p0 =	por $0x0, $0x0;
	s25 =	simm.s32 $0x1;
	v43 =	vld [tilespmem:s24+$0x30];
	[tilespmem:$0x1FC00] =	vst v20  }
0x4f: {  	s25 =	simm.s32 @!p0 $0x0;
	v39 =	vld [tilespmem:s24+$0x40];
	[tilespmem:$0x1FC30] =	vst v26  }
0x50: {  	v38 =	vld [tilespmem:s24+$0x50];
	s25 =	sshll.u32 s25, $0x9;
	[tilespmem:$0x1FC40] =	vst v25  }
0x51: {  	v42 =	vld [tilespmem:s24+$0x60];
	s25 =	sadd.s32 $0x0, s25;
	[tilespmem:$0x1FC50] =	vst v21  }
0x52: {  	v40 =	vld [tilespmem:s24+$0x70];
	v1 =	vmul.f32 v58, v0;
	v2 =	vmul.f32 v2, v22;
	s31 =	sor.u32 $0x400, s25;
	[tilespmem:$0x1FC60] =	vst v24  }
0x53: {  	v3 =	vmul.f32 v3, v23;
	v4 =	vmul.f32 v4, v27;
	s0 =	sor.u32 $0x410, s25;
	[tilespmem:$0x1FC70] =	vst v18;
	v54 =	vld [tilespmem:s31+$0x0]  }
0x54: {  	v5 =	vmul.f32 v59, v28;
	v6 =	vmul.f32 v56, v29;
	s1 =	sor.u32 $0x420, s25;
	[tilespmem:$0x1FC80] =	vst v0;
	v14 =	vld [tilespmem:s0+$0x0]  }
0x55: {  	v7 =	vmul.f32 v62, v30;
	v8 =	vmul.f32 v8, v31;
	s26 =	sor.u32 $0x430, s25;
	[tilespmem:$0x1FCA0] =	vst v22;
	v55 =	vld [tilespmem:s1+$0x0]  }
0x56: {  	s30 =	sand.u32 $0x7, s2;
	v9 =	vmul.f32 v9, v0;
	v10 =	vmul.f32 v57, v22;
	[tilespmem:$0x1FCC0] =	vst v23;
	v60 =	vld [tilespmem:s26+$0x0];
	s31 =	sor.u32 $0x440, s25;
	v1 =	vadd.f32 v2, v1  }
0x57: {  	v11 =	vmul.f32 v11, v23;
	v12 =	vmul.f32 v12, v27;
	s28 =	sor.u32 $0x450, s25;
	[tilespmem:$0x1FCE0] =	vst v27;
	s26 =	sshll.u32 s30, $0x7;
	v19 =	vld [tilespmem:s31+$0x0]  }
0x58: {  	s0 =	sor.u32 $0x460, s25;
	s25 =	sor.u32 $0x470, s25;
	s24 =	sadd.s32 $0x0, s26;
	[tilespmem:$0x1FD90] =	vst v1;
	v1 =	vadd.f32 v4, v3;
	v3 =	vadd.f32 v6, v5;
	v5 =	vmul.f32 v15, v29;
	v15 =	vld [tilespmem:s28+$0x0]  }
0x59: {  	v18 =	vmul.f32 v18, v31;
	[tilespmem:$0x1FD00] =	vst v28;
	v2 =	vmul.f32 v49, v28;
	v16 =	vld [tilespmem:s25+$0x0];
	s28 =	sadd.s32 $0x180, s24  }
0x5a: {  	[tilespmem:$0x1FD20] =	vst v29;
	v61 =	vadd.f32 v10, v9;
	v4 =	vadd.f32 v8, v7;
	v7 =	vmul.f32 v13, v30;
	s1 =	sor.u32 $0x400, s28;
	v6 =	vld [tilespmem:$0x1FD90]  }
0x5b: {  	v8 =	vmul.f32 v17, v31;
	v17 =	vmul.f32 v21, v29;
	s30 =	sor.u32 $0x410, s28;
	[tilespmem:$0x1FDC0] =	vst v3;
	v3 =	vadd.f32 v12, v11;
	v63 =	vld [tilespmem:s1+$0x0]  }
0x5c: {  	[tilespmem:$0x1FCB0] =	vst v53;
	s31 =	sor.u32 $0x420, s28;
	v10 =	vadd.f32 v5, v2;
	v5 =	vmul.f32 v20, v0;
	v11 =	vmul.f32 v36, v22;
	v2 =	vld [tilespmem:s30+$0x0]  }
0x5d: {  	v13 =	vadd.f32 v8, v7;
	v12 =	vmul.f32 v34, v23;
	v9 =	vld [tilespmem:s31+$0x0];
	v20 =	vmovc v15;
	v15 =	vmul.f32 v26, v27  }
0x5e: {  	s29 =	sor.u32 $0x440, s28;
	s1 =	sand.u32 $0x3, s2;
	[tilespmem:$0x1FDD0] =	vst v3;
	v3 =	vld [tilespmem:s0+$0x0];
	v11 =	vadd.f32 v11, v5;
	v5 =	vmul.f32 v25, v28;
	v25 =	vmul.f32 v53, v22  }
0x5f: {  	s26 =	sshll.u32 s1, $0x8;
	v7 =	vmovc v54;
	v54 =	vld [tilespmem:s29+$0x0];
	s29 =	sor.u32 $0x460, s28;
	v53 =	vmul.f32 v16, v47;
	v21 =	vadd.f32 v15, v12;
	v15 =	vmul.f32 v24, v30  }
0x60: {  	[tilespmem:$0x1FCD0] =	vst v50;
	s0 =	sor.u32 $0x430, s28;
	s25 =	sadd.s32 $0x0, s26;
	v22 =	vld [tilespmem:s29+$0x0];
	v24 =	vadd.f32 v17, v5;
	v5 =	vmul.f32 v48, v0;
	v12 =	vadd.f32 v1, v6  }
0x61: {  	[tilespmem:$0x1FCF0] =	vst v43;
	s31 =	sor.u32 $0x470, s28;
	s25 =	sadd.s32 $0x100, s25;
	v17 =	vld [tilespmem:s0+$0x0];
	v1 =	vmul.f32 v19, v44;
	v26 =	vadd.f32 v18, v15;
	v15 =	vmul.f32 v50, v23  }
0x62: {  	[tilespmem:$0x1FD10] =	vst v39;
	v0 =	vld [tilespmem:s31+$0x0];
	s0 =	sor.u32 $0x410, s25;
	v18 =	vmul.f32 v43, v27;
	v25 =	vadd.f32 v25, v5;
	v5 =	vmul.f32 v39, v28  }
0x63: {  	s30 =	sor.u32 $0x450, s28;
	[tilespmem:$0x1FD80] =	vst v60;
	v6 =	vld [tilespmem:s0+$0x0];
	v23 =	vmov v14;
	v27 =	vmul.f32 v38, v29;
	v50 =	vmul.f32 v60, v41  }
0x64: {  	s24 =	sadd.s32 $0x80, s24;
	v14 =	vmovc v55;
	v55 =	vld [tilespmem:s30+$0x0];
	v60 =	vmul.f32 v20, v45;
	v39 =	vmul.f32 v3, v46;
	v43 =	vadd.f32 v21, v11  }
0x65: {  	s0 =	sor.u32 $0x410, s24;
	[tilespmem:$0x1FDA0] =	vst v3;
	v3 =	vld [tilespmem:$0x1FDC0];
	v29 =	vmul.f32 v23, v33;
	v28 =	vadd.f32 v18, v15;
	v15 =	vmul.f32 v42, v30  }
0x66: {  	[tilespmem:$0x1FC10] =	vst v36;
	v36 =	vld [tilespmem:s0+$0x0];
	v18 =	vmul.f32 v40, v31;
	v27 =	vadd.f32 v27, v5;
	v5 =	vmul.f32 v7, v32  }
0x67: {  	[tilespmem:$0x1FD60] =	vst v31;
	s28 =	sor.u32 $0x400, s25;
	v31 =	vmul.f32 v14, v37;
	v60 =	vadd.f32 v60, v1;
	v39 =	vadd.f32 v53, v39;
	v1 =	vld [tilespmem:$0x1FDD0]  }
0x68: {  	[tilespmem:$0x1FC20] =	vst v34;
	s1 =	sor.u32 $0x430, s25;
	v11 =	vmul.f32 v2, v33;
	v34 =	vadd.f32 v18, v15;
	v15 =	vld [tilespmem:s28+$0x0];
	v29 =	vadd.f32 v29, v5  }
0x69: {  	[tilespmem:$0x1FC90] =	vst v48;
	s30 =	sor.u32 $0x450, s25;
	v21 =	vmul.f32 v9, v37;
	v48 =	vadd.f32 v50, v31;
	v18 =	vld [tilespmem:s1+$0x0];
	v25 =	vadd.f32 v28, v25  }
0x6a: {  	[tilespmem:$0x1FD50] =	vst v42;
	v53 =	vmul.f32 v0, v47;
	s28 =	sor.u32 $0x420, s25;
	v5 =	vld [tilespmem:s30+$0x0];
	v39 =	vadd.f32 v39, v60;
	v42 =	vadd.f32 v4, v3  }
0x6b: {  	[tilespmem:$0x1FDB0] =	vst v16;
	v28 =	vmul.f32 v6, v33;
	v16 =	vld [tilespmem:s28+$0x0];
	s28 =	sor.u32 $0x440, s25;
	v27 =	vadd.f32 v34, v27;
	v29 =	vadd.f32 v48, v29  }
0x6c: {  	[tilespmem:$0x1FD40] =	vst v30;
	v8 =	vld [tilespmem:s28+$0x0];
	s28 =	sor.u32 $0x460, s25;
	v30 =	vadd.f32 v1, v61;
	v61 =	vadd.f32 v13, v10;
	v1 =	vmul.f32 v63, v32  }
0x6d: {  	s31 =	sor.u32 $0x400, s24;
	v3 =	vld [tilespmem:s28+$0x0];
	v13 =	vadd.f32 v26, v24;
	v24 =	vmul.f32 v17, v41;
	v26 =	vmul.f32 v55, v45  }
0x6e: {  	[tilespmem:$0x1FD30] =	vst v38;
	v31 =	vld [tilespmem:s31+$0x0];
	s25 =	sor.u32 $0x470, s25;
	v29 =	vadd.f32 v39, v29;
	v11 =	vadd.f32 v11, v1;
	v1 =	vmul.f32 v54, v44  }
0x6f: {  	[tilespmem:$0x1FDE0] =	vst v63;
	s1 =	sor.u32 $0x420, s24;
	v4 =	vld [tilespmem:s25+$0x0];
	v21 =	vadd.f32 v24, v21;
	v24 =	vmul.f32 v22, v46;
	v63 =	vmul.f32 v18, v41  }
0x70: {  	[tilespmem:$0x1FDF0] =	vst v2;
	s30 =	sor.u32 $0x430, s24;
	v38 =	vld [tilespmem:s1+$0x0];
	v25 =	vadd.f32 v27, v25;
	v2 =	vmul.f32 v5, v45;
	v34 =	vmul.f32 v16, v37  }
0x71: {  	[tilespmem:$0x1FE20] =	vst v6;
	v6 =	vld [tilespmem:s30+$0x0];
	s1 =	sor.u32 $0x460, s24;
	v26 =	vadd.f32 v26, v1;
	v24 =	vadd.f32 v53, v24;
	v50 =	vmul.f32 v8, v44  }
0x72: {  	[tilespmem:$0x1FE10] =	vst v0;
	s31 =	sor.u32 $0x440, s24;
	v0 =	vld [tilespmem:s1+$0x0];
	v1 =	vmul.f32 v15, v32;
	v34 =	vadd.f32 v63, v34;
	v63 =	vmul.f32 v3, v46  }
0x73: {  	s0 =	sor.u32 $0x450, s24;
	v53 =	vld [tilespmem:s31+$0x0];
	[tilespmem:$0x1FE70] =	vst v3;
	v3 =	vmul.f32 v31, v32;
	v10 =	vadd.f32 v2, v50;
	v2 =	vmul.f32 v36, v33  }
0x74: {  	s24 =	sor.u32 $0x470, s24;
	[tilespmem:$0x1FE40] =	vst v18;
	v18 =	vmov v9;
	v9 =	vmul.f32 v4, v47;
	v28 =	vadd.f32 v28, v1;
	v1 =	vld [tilespmem:s0+$0x0]  }
0x75: {  	v13 =	vadd.f32 v13, v43;
	v50 =	vld [tilespmem:s24+$0x0];
	v2 =	vadd.f32 v2, v3  }
0x76: {  	[tilespmem:$0x1FE90] =	vst v32;
	v3 =	vadd.f32 v9, v63;
	v9 =	vadd.f32 v42, v12  }
0x77: {  	[tilespmem:$0x1FEF0] =	vst v46;
	v11 =	vadd.f32 v21, v11;
	v32 =	vmul.f32 v6, v41;
	v46 =	vmul.f32 v0, v46  }
0x78: {  	[tilespmem:$0x1FEA0] =	vst v33;
	v24 =	vadd.f32 v24, v26;
	v63 =	vmul.f32 v38, v37;
	v9 =	vadd.f32 v29, v9  }
0x79: {  	[tilespmem:$0x1FEE0] =	vst v45;
	v26 =	vadd.f32 v34, v28;
	v33 =	vmul.f32 v53, v44;
	v45 =	vmul.f32 v1, v45  }
0x7a: {  	[tilespmem:$0x1FF10] =	vst v47;
	v11 =	vadd.f32 v24, v11;
	v47 =	vmul.f32 v50, v47;
	v21 =	vperm.xlane v9, v51  }
0x7b: {  	[tilespmem:$0x1FD70] =	vst v40;
	v40 =	vadd.f32 v32, v63;
	v39 =	vadd.f32 v45, v33  }
0x7c: {  	s26 =	simm.s32 $0x0;
	v29 =	vadd.f32 v47, v46;
	v9 =	vadd.f32 v9, v21  }
0x7d: {  	[tilespmem:$0x1FF00] =	vst v0;
	v0 =	vld [tilespmem:$0x1FFC0];
	v3 =	vadd.f32 v3, v10;
	v2 =	vadd.f32 v40, v2;
	v21 =	vmov s26  }
0x7e: {  	v10 =	vadd.f32 v29, v39;
	v21 =	vand.u32 $0xFFFFFFFC, v21;
	v24 =	vperm.xlane v9, v52  }
0x7f: {  	v48 =	vadd.f32 v61, v30;
	v3 =	vadd.f32 v3, v26;
	v21 =	vbroadcast v21, $0x0  }
0x80: {  	v2 =	vadd.f32 v10, v2;
	v9 =	vadd.f32 v9, v24  }
0x81: {  	v3 =	vadd.f32 v3, v13;
	v10 =	vadd.f32 v11, v48  }
0x82: {  	v2 =	vadd.f32 v2, v25;
	v11 =	vperm.xlane v9, v0  }
0x83: {  	v24 =	vperm.xlane v3, v51;
	v13 =	vperm.xlane v10, v51  }
0x84: {  	v9 =	vadd.f32 v9, v11;
	v11 =	vperm.xlane v2, v51  }
0x85: {  	v3 =	vadd.f32 v3, v24;
	v10 =	vadd.f32 v10, v13;
	v13 =	vld.idx.msk [tilespmem:v21+s17+$0x0], $0xffff  }
0x86: {  	[tilespmem:$0x1FEB0] =	vst v37;
	v2 =	vadd.f32 v2, v11;
	v11 =	vperm.xlane v9, v35  }
0x87: {  	[tilespmem:$0x1FEC0] =	vst v41;
	v24 =	vperm.xlane v3, v52;
	v21 =	vperm.xlane v10, v52  }
0x88: {  	[tilespmem:$0x1FED0] =	vst v44;
	v9 =	vadd.f32 v9, v11;
	v11 =	vperm.xlane v2, v52  }
0x89: {  	[tilespmem:$0x1FE00] =	vst v22;
	v3 =	vadd.f32 v3, v24;
	v10 =	vadd.f32 v10, v21  }
0x8a: {  	[tilespmem:$0x1FE60] =	vst v5;
	v2 =	vadd.f32 v2, v11;
	v9 =	vadd.f32 v9, v13  }
0x8b: {  	[tilespmem:$0x1FE30] =	vst v16;
	v11 =	vperm.xlane v10, v0;
	v13 =	vperm.xlane v3, v0  }
0x8c: {  	[tilespmem:$0x1FE50] =	vst v8;
	s31 =	simm.s32 $0x1;
	v21 =	vmul.f32 $1.442695020e+00, v9;
	v24 =	vperm.xlane v2, v0;
	v0 =	vimm.f32 $0.0e+00  }
0x8d: {  	s30 =	simm.s32 $0x2;
	v9 =	vadd.f32 v3, v13;
	v3 =	vmov s31;
	[tilespmem:$0x1FF20] =	vst v0;
	v0 =	vimm.f32 $0.0e+00  }
0x8e: {  	[tilespmem:$0x1FE80] =	vst v4;
	v26 =	vadd.f32 v2, v24;
	(erf) = vpow2.f32 v21;
	v2 =	vmov s30  }
0x8f: {  	v21 =	vmov s22;
	[tilespmem:$0x1FF30] =	vst v0;
	v0 =	vimm.f32 $0.0e+00;
	v2 =	vand.u32 $0xFFFFFFFE, v2  }
0x90: {  	[tilespmem:$0x1FF40] =	vst v0;
	v0 =	vimm.f32 $0.0e+00;
	v13 =	vbroadcast v2, $0x0;
	v2 =	vand.u32 $0xFFFFFFFD, v3  }
0x91: {  	[tilespmem:$0x1FF50] =	vst v0;
	v0 =	vimm.f32 $0.0e+00;
	v52 =	vbroadcast v2, $0x0  }
0x92: {  	v5 =	vimm.f32 $0.0e+00;
	[tilespmem:$0x1FF60] =	vst v0;
	v0 =	vimm.f32 $0.0e+00  }
0x93: {  	v4 =	vimm.f32 $0.0e+00;
	v10 =	vadd.f32 v10, v11;
	[tilespmem:$0x1FF70] =	vst v0;
	v0 =	vimm.f32 $0.0e+00  }
0x94: {  	v42 =	vimm.f32 $0.0e+00;
	v34 =	vimm.f32 $0.0e+00;
	[tilespmem:$0x1FF80] =	vst v0;
	v0 =	vimm.f32 $0.0e+00  }
0x95: {  	v47 =	vimm.f32 $0.0e+00;
	v11 =	vperm.xlane v10, v35;
	v27 =	vld.idx.msk [tilespmem:v21+s17+$0x0], $0xffff;
	[tilespmem:$0x1FF90] =	vst v0;
	v0 =	vimm.f32 $0.0e+00  }
0x96: {  	s29 =	simm.s32 $0x3;
	s25 =	simm.s32 $0x0;
	v48 =	vimm.f32 $0.0e+00;
	v29 =	vperm.xlane v9, v35;
	[tilespmem:$0x1FFA0] =	vst v0;
	v0 =	vimm.f32 $0.0e+00;
	v60 =	vld.idx.msk [tilespmem:v13+s17+$0x0], $0xffff  }
0x97: {  	s28 =	simm.s32 $0x0;
	s24 =	simm.s32 $0x400;
	s26 =	simm.s32 $0x0;
	v24 =	vimm.f32 $0.0e+00;
	v28 =	vadd.f32 v10, v11;
	v39 =	vperm.xlane v26, v35;
	[tilespmem:$0x1FFB0] =	vst v0;
	v40 =	vld.idx.msk [tilespmem:v52+s17+$0x0], $0xffff  }
.LBB2_2:
0x98: {  	_ =	sdelay $0x1  }
0x99: {  	v27 =	vadd.f32 v28, v27;
	_ =	sdelay $0x1  }
0x9a: {  	v0 =	vld [tilespmem:$0x1FB60];
	v27 =	vmul.f32 $1.442695020e+00, v27;
	_ =	sdelay $0x3  }
0x9b: {  	(erf) = vpow2.f32 v27;
	v27 =	vpop (erf)  }
0x9c: {  	v32 =	vmul.f32 v27, v0;
	v0 =	vld [tilespmem:$0x1FB70];
	_ =	sdelay $0x4  }
0x9d: {  	v35 =	vmul.f32 v27, v0;
	v0 =	vld [tilespmem:$0x1FB80];
	_ =	sdelay $0x4  }
0x9e: {  	v37 =	vmul.f32 v27, v0;
	v0 =	vld [tilespmem:$0x1FB90];
	_ =	sdelay $0x4  }
0x9f: {  	v11 =	vmul.f32 v27, v0;
	v0 =	vld [tilespmem:$0x1FD80];
	_ =	sdelay $0x4  }
0xa0: {  	v10 =	vmul.f32 v27, v62;
	v62 =	vmul.f32 v27, v0;
	v0 =	vld [tilespmem:$0x1FDA0];
	_ =	sdelay $0x4  }
0xa1: {  	v52 =	vmul.f32 v27, v0;
	v0 =	vld [tilespmem:$0x1FDB0];
	_ =	sdelay $0x3  }
0xa2: {  	v26 =	vadd.f32 v26, v39;
	v39 =	vmul.f32 v27, v59  }
0xa3: {  	v59 =	vmul.f32 v27, v20;
	v20 =	vmul.f32 v27, v0;
	v0 =	vld [tilespmem:$0x1FBA0];
	_ =	sdelay $0x1  }
0xa4: {  	v9 =	vadd.f32 v9, v29;
	_ =	sdelay $0x1  }
0xa5: {  	v9 =	vadd.f32 v9, v60;
	v60 =	vmul.f32 v27, v14;
	v14 =	vpop (erf)  }
0xa6: {  	v33 =	vmul.f32 v14, v0;
	v0 =	vld [tilespmem:$0x1FBB0];
	_ =	sdelay $0x1  }
0xa7: {  	v9 =	vmul.f32 $1.442695020e+00, v9;
	_ =	sdelay $0x1  }
0xa8: {  	(erf) = vpow2.f32 v9  }
0xa9: {  	v9 =	vmul.f32 v27, v23;
	v23 =	vmul.f32 v14, v0;
	v0 =	vld [tilespmem:$0x1FBC0];
	_ =	sdelay $0x4  }
0xaa: {  	v30 =	vmul.f32 v14, v0;
	v0 =	vld [tilespmem:$0x1FBD0]  }
0xab: {  	v26 =	vadd.f32 v26, v40;
	_ =	sdelay $0x1  }
0xac: {  	v26 =	vmul.f32 $1.442695020e+00, v26;
	_ =	sdelay $0x1  }
0xad: {  	(erf) = vpow2.f32 v26;
	v41 =	vmul.f32 v14, v0;
	v0 =	vld [tilespmem:$0x1FBE0];
	_ =	sdelay $0x3  }
0xae: {  	v2 =	vld [tilespmem:$0x1FDE0]  }
0xaf: {  	v44 =	vmul.f32 v14, v0;
	v0 =	vld [tilespmem:$0x1FBF0];
	_ =	sdelay $0x2  }
0xb0: {  	v26 =	vadd.f32 v27, v5;
	v16 =	vpop (erf)  }
0xb1: {  	v61 =	vpop (erf)  }
0xb2: {  	v45 =	vmul.f32 v14, v0;
	v0 =	vadd.f32 v61, v26;
	v26 =	vmul.f32 v14, v2;
	v2 =	vld [tilespmem:$0x1FDF0];
	_ =	sdelay $0x2  }
0xb3: {  	v29 =	vmul.f32 v27, v58  }
0xb4: {  	v40 =	vmul.f32 v27, v56;
	v28 =	vmul.f32 v27, v7  }
0xb5: {  	v58 =	vmul.f32 v27, v19;
	v27 =	vmul.f32 v14, v2;
	v2 =	vld [tilespmem:$0x1FC00];
	_ =	sdelay $0x4  }
0xb6: {  	v46 =	vmul.f32 v16, v2;
	v2 =	vld [tilespmem:$0x1FC10];
	_ =	sdelay $0x4  }
0xb7: {  	v21 =	vmul.f32 v16, v2;
	v2 =	vld [tilespmem:$0x1FC90];
	_ =	sdelay $0x4  }
0xb8: {  	v0 =	vadd.f32 v16, v0;
	v51 =	vmul.f32 v61, v2;
	v2 =	vld [tilespmem:$0x1FCB0];
	_ =	sdelay $0x1  }
0xb9: {  	v0 =	vadd.f32 v14, v0;
	_ =	sdelay $0x1  }
0xba: {  	[tilespmem:$0x1FAB0] =	vst v0;
	v0 =	vadd.f32 v29, v4;
	v4 =	vld [tilespmem:$0x1FCF0]  }
0xbb: {  	v63 =	vmul.f32 v61, v2;
	v2 =	vld [tilespmem:$0x1FCD0];
	_ =	sdelay $0x3  }
0xbc: {  	v29 =	vmul.f32 v61, v4;
	v4 =	vld [tilespmem:$0x1FC20]  }
0xbd: {  	v25 =	vmul.f32 v61, v2;
	v2 =	vld [tilespmem:$0x1FF20];
	_ =	sdelay $0x4  }
0xbe: {  	v3 =	vadd.f32 v35, v2;
	v2 =	vadd.f32 v37, v48;
	v37 =	vmul.f32 v16, v4;
	v4 =	vld [tilespmem:$0x1FC30];
	_ =	sdelay $0x4  }
0xbf: {  	v3 =	vadd.f32 v25, v3;
	v2 =	vadd.f32 v29, v2;
	v25 =	vmul.f32 v16, v4;
	_ =	sdelay $0x1  }
0xc0: {  	v2 =	vadd.f32 v25, v2;
	_ =	sdelay $0x1  }
0xc1: {  	v2 =	vadd.f32 v30, v2  }
0xc2: {  	v24 =	vadd.f32 v32, v24;
	v0 =	vadd.f32 v51, v0  }
0xc3: {  	[tilespmem:$0x1FAC0] =	vst v2;
	v2 =	vld [tilespmem:$0x1FF30]  }
0xc4: {  	v0 =	vadd.f32 v46, v0;
	v24 =	vadd.f32 v63, v24;
	_ =	sdelay $0x1  }
0xc5: {  	v22 =	vmul.f32 v14, v57;
	v0 =	vadd.f32 v33, v0;
	v21 =	vadd.f32 v21, v24;
	_ =	sdelay $0x1  }
0xc6: {  	[tilespmem:$0x1FB10] =	vst v0;
	v0 =	vadd.f32 v22, v21;
	v21 =	vadd.f32 v39, v2;
	v2 =	vld [tilespmem:$0x1FD50];
	_ =	sdelay $0x2  }
0xc7: {  	v3 =	vadd.f32 v37, v3  }
0xc8: {  	v4 =	vld [tilespmem:$0x1FC40]  }
0xc9: {  	v3 =	vadd.f32 v23, v3;
	v23 =	vmul.f32 v61, v2;
	v2 =	vld [tilespmem:$0x1FD70];
	_ =	sdelay $0x3  }
0xca: {  	v29 =	vmul.f32 v16, v4;
	v4 =	vld [tilespmem:$0x1FC50]  }
0xcb: {  	v30 =	vmul.f32 v61, v2;
	v2 =	vld [tilespmem:$0x1FC60];
	_ =	sdelay $0x3  }
0xcc: {  	v46 =	vmul.f32 v16, v4;
	v4 =	vld [tilespmem:$0x1FD10]  }
0xcd: {  	v13 =	vmul.f32 v14, v49;
	v49 =	vmul.f32 v16, v2;
	v2 =	vld [tilespmem:$0x1FC70];
	_ =	sdelay $0x3  }
0xce: {  	v43 =	vmul.f32 v61, v4  }
0xcf: {  	v57 =	vmul.f32 v16, v2;
	v2 =	vld [tilespmem:$0x1FE20]  }
0xd0: {  	v10 =	vadd.f32 v10, v47;
	v21 =	vadd.f32 v43, v21  }
0xd1: {  	v11 =	vadd.f32 v11, v34  }
0xd2: {  	v10 =	vadd.f32 v23, v10;
	v21 =	vadd.f32 v29, v21  }
0xd3: {  	v12 =	vmul.f32 v14, v18;
	v11 =	vadd.f32 v30, v11  }
0xd4: {  	v10 =	vadd.f32 v49, v10;
	v18 =	vmul.f32 v16, v2;
	v2 =	vadd.f32 v13, v21;
	_ =	sdelay $0x1  }
0xd5: {  	v11 =	vadd.f32 v57, v11;
	[tilespmem:$0x1FF30] =	vst v2;
	v2 =	vadd.f32 v44, v10;
	_ =	sdelay $0x1  }
0xd6: {  	[tilespmem:$0x1FB30] =	vst v2;
	v2 =	vadd.f32 v45, v11;
	_ =	sdelay $0x1  }
0xd7: {  	[tilespmem:$0x1FAF0] =	vst v2;
	v2 =	vld [tilespmem:$0x1FF40];
	_ =	sdelay $0x4  }
0xd8: {  	v10 =	vadd.f32 v28, v2;
	v2 =	vld [tilespmem:$0x1FF50];
	_ =	sdelay $0x4  }
0xd9: {  	v9 =	vadd.f32 v9, v2;
	v2 =	vld [tilespmem:$0x1FF60];
	_ =	sdelay $0x4  }
0xda: {  	v13 =	vadd.f32 v60, v2;
	v2 =	vld [tilespmem:$0x1FF70];
	_ =	sdelay $0x3  }
0xdb: {  	s25 =	sadd.s32 $0x200, s25  }
0xdc: {  	s30 =	sand.u32 $0x7800, s24;
	s31 =	sand.u32 $0x200, s25;
	v21 =	vadd.f32 v62, v2;
	v2 =	vld [tilespmem:$0x1FE30]  }
0xdd: {  	s1 =	sadd.s32 $0x180, s25;
	s31 =	sor.u32 s31, s30  }
0xde: {  	s1 =	sand.u32 $0x380, s1;
	v56 =	vld [tilespmem:s31+$0x0]  }
0xdf: {  	s1 =	sor.u32 s1, s30;
	[tilespmem:$0x1FB50] =	vst v0;
	v0 =	vld [tilespmem:$0x1FD30]  }
0xe0: {  	v19 =	vld [tilespmem:s1+$0x40]  }
0xe1: {  	v5 =	vmul.f32 v16, v2;
	v2 =	vld [tilespmem:$0x1FE40]  }
0xe2: {  	v47 =	vld [tilespmem:s1+$0x0]  }
0xe3: {  	v32 =	vld [tilespmem:s1+$0x50]  }
0xe4: {  	v7 =	vmul.f32 v14, v54;
	v54 =	vld [tilespmem:s31+$0x40];
	v22 =	vadd.f32 v40, v42;
	v0 =	vmul.f32 v61, v0  }
0xe5: {  	v8 =	vmul.f32 v14, v55;
	v55 =	vld [tilespmem:s31+$0x50]  }
0xe6: {  	v0 =	vadd.f32 v0, v22;
	v28 =	vmul.f32 v61, v6;
	v6 =	vmul.f32 v16, v2;
	v2 =	vld [tilespmem:$0x1FE50]  }
0xe7: {  	v51 =	vld [tilespmem:s31+$0x20]  }
0xe8: {  	v33 =	vld [tilespmem:s1+$0x70];
	v0 =	vadd.f32 v46, v0  }
0xe9: {  	v63 =	vld [tilespmem:s31+$0x60];
	v29 =	vmul.f32 v61, v31  }
0xea: {  	v24 =	vld [tilespmem:s31+$0x30];
	v0 =	vadd.f32 v41, v0  }
0xeb: {  	v15 =	vmul.f32 v16, v15;
	v10 =	vadd.f32 v29, v10;
	v4 =	vmul.f32 v16, v2;
	v2 =	vld [tilespmem:$0x1FE60]  }
0xec: {  	v40 =	vld [tilespmem:s1+$0x20];
	[tilespmem:$0x1FB40] =	vst v0;
	v0 =	vmul.f32 v61, v36;
	v11 =	vmul.f32 v61, v38  }
0xed: {  	s0 =	sadd.s32 $0x100, s25;
	v48 =	vld [tilespmem:s31+$0x10];
	v10 =	vadd.f32 v15, v10  }
0xee: {  	v35 =	vld [tilespmem:s31+$0x70];
	s31 =	sand.u32 $0x300, s0;
	v0 =	vadd.f32 v0, v9;
	v9 =	vadd.f32 v11, v13  }
0xef: {  	v42 =	vld [tilespmem:s1+$0x30];
	s31 =	sor.u32 s31, s30  }
0xf0: {  	v34 =	vld [tilespmem:s31+$0x50];
	v5 =	vadd.f32 v5, v9;
	v9 =	vmul.f32 v16, v2;
	v2 =	vadd.f32 v26, v10  }
0xf1: {  	v37 =	vld [tilespmem:s31+$0x40]  }
0xf2: {  	[tilespmem:$0x1FF40] =	vst v2;
	v2 =	vld [tilespmem:$0x1FF90]  }
0xf3: {  	v22 =	vld [tilespmem:$0x1FD20];
	v0 =	vadd.f32 v18, v0  }
0xf4: {  	v25 =	vld [tilespmem:s31+$0x60]  }
0xf5: {  	[tilespmem:$0x1FF20] =	vst v3;
	v3 =	vld [tilespmem:$0x1FCA0];
	v0 =	vadd.f32 v27, v0  }
0xf6: {  	v39 =	vld [tilespmem:s31+$0x20]  }
0xf7: {  	[tilespmem:$0x1FF50] =	vst v0;
	v0 =	vmul.f32 v61, v1;
	v1 =	vadd.f32 v12, v5;
	v5 =	vadd.f32 v59, v2;
	v2 =	vld [tilespmem:$0x1FF00]  }
0xf8: {  	v41 =	vld [tilespmem:s31+$0x30];
	v11 =	vadd.f32 v28, v21  }
0xf9: {  	v36 =	vld [tilespmem:s31+$0x0]  }
0xfa: {  	v17 =	vmul.f32 v14, v17;
	v43 =	vld [tilespmem:s1+$0x10];
	v6 =	vadd.f32 v6, v11  }
0xfb: {  	s0 =	sadd.s32 $0x80, s25;
	v31 =	vld [tilespmem:s1+$0x60]  }
0xfc: {  	s1 =	sand.u32 $0x280, s0;
	[tilespmem:$0x1FF60] =	vst v1;
	v1 =	vadd.f32 v17, v6;
	v6 =	vmul.f32 v61, v2;
	v2 =	vld [tilespmem:$0x1FFA0]  }
0xfd: {  	v23 =	vld [tilespmem:s31+$0x70];
	s1 =	sor.u32 s1, s30  }
0xfe: {  	v46 =	vld [tilespmem:s1+$0x0]  }
0xff: {  	v30 =	vld [tilespmem:$0x1FD60]  }
0x100: {  	v49 =	vld [tilespmem:s1+$0x40]  }
0x101: {  	v10 =	vadd.f32 v52, v2;
	v2 =	vld [tilespmem:$0x1FFB0]  }
0x102: {  	[tilespmem:$0x1FF70] =	vst v1;
	v1 =	vld [tilespmem:$0x1FF80]  }
0x103: {  	v38 =	vld [tilespmem:s31+$0x10]  }
0x104: {  	v17 =	vld [tilespmem:$0x1FD00]  }
0x105: {  	p0 =	por !p0, !p0;
	s30 =	simm.s32 $0x1;
	v15 =	vld [tilespmem:$0x1FCE0]  }
0x106: {  	s30 =	simm.s32 @!p0 $0x0;
	v12 =	vadd.f32 v20, v2;
	v2 =	vld [tilespmem:$0x1FE70]  }
0x107: {  	s30 =	sshll.u32 s30, $0x9;
	v13 =	vmul.f32 v61, v50;
	v50 =	vld [tilespmem:s1+$0x10];
	v11 =	vmul.f32 v61, v53;
	v1 =	vadd.f32 v58, v1  }
0x108: {  	s31 =	sadd.s32 s30, s24;
	v53 =	vld [tilespmem:s1+$0x20]  }
0x109: {  	[tilespmem:$0x1FB20] =	vst v54;
	s0 =	sor.u32 $0x410, s31;
	v57 =	vmul.f32 v54, v17;
	v54 =	vld [tilespmem:$0x1FEA0];
	v1 =	vadd.f32 v11, v1;
	v0 =	vadd.f32 v0, v5  }
0x10a: {  	[tilespmem:$0x1FAD0] =	vst v55;
	v58 =	vmul.f32 v55, v22;
	v55 =	vld [tilespmem:s0+$0x0]  }
0x10b: {  	v1 =	vadd.f32 v4, v1;
	v0 =	vadd.f32 v9, v0;
	v5 =	vmul.f32 v16, v2;
	v2 =	vld [tilespmem:$0x1FE80]  }
0x10c: {  	[tilespmem:$0x1FB00] =	vst v56;
	v6 =	vadd.f32 v6, v10;
	v10 =	vadd.f32 v13, v12;
	v12 =	vld [tilespmem:$0x1FCC0]  }
0x10d: {  	[tilespmem:$0x1FBA0] =	vst v47;
	s30 =	sor.u32 $0x400, s31;
	v1 =	vadd.f32 v7, v1;
	v7 =	vld [tilespmem:s1+$0x50];
	v0 =	vadd.f32 v8, v0  }
0x10e: {  	[tilespmem:$0x1FB60] =	vst v48;
	v8 =	vld [tilespmem:s30+$0x0]  }
0x10f: {  	[tilespmem:$0x1FF90] =	vst v0;
	v0 =	vmul.f32 v48, v3;
	v48 =	vld [tilespmem:s1+$0x70]  }
0x110: {  	[tilespmem:$0x1FBB0] =	vst v40;
	v11 =	vmul.f32 v16, v2;
	v2 =	vld [tilespmem:$0x1FE00]  }
0x111: {  	[tilespmem:$0x1FC40] =	vst v37;
	v52 =	vld [tilespmem:s1+$0x30];
	v21 =	vmul.f32 v40, v12  }
0x112: {  	[tilespmem:$0x1FC30] =	vst v41;
	v40 =	vmul.f32 v41, v15;
	v41 =	vmul.f32 v37, v17;
	v37 =	vadd.f32 v58, v57;
	v57 =	vld [tilespmem:$0x1FED0]  }
0x113: {  	[tilespmem:$0x1FBD0] =	vst v32;
	s30 =	sor.u32 $0x420, s31;
	v58 =	vld [tilespmem:$0x1FEE0]  }
0x114: {  	[tilespmem:$0x1FB70] =	vst v51;
	v16 =	vld [tilespmem:s30+$0x0]  }
0x115: {  	[tilespmem:$0x1FBF0] =	vst v33;
	s0 =	sor.u32 $0x430, s31;
	v4 =	vmul.f32 v14, v2;
	v2 =	vld [tilespmem:$0x1FE10]  }
0x116: {  	[tilespmem:$0x1FB90] =	vst v35;
	v5 =	vadd.f32 v5, v6;
	v6 =	vadd.f32 v11, v10;
	v11 =	vmul.f32 v35, v30;
	v35 =	vld [tilespmem:s0+$0x0];
	s0 =	sor.u32 $0x440, s31  }
0x117: {  	[tilespmem:$0x1FB80] =	vst v24;
	v18 =	vld [tilespmem:s0+$0x0]  }
0x118: {  	[tilespmem:$0x1FF80] =	vst v1;
	s0 =	sor.u32 $0x450, s31;
	v1 =	vadd.f32 v4, v5;
	v4 =	vmul.f32 v24, v15;
	v24 =	vld [tilespmem:$0x1FD40]  }
0x119: {  	[tilespmem:$0x1FBC0] =	vst v42;
	v20 =	vld [tilespmem:s0+$0x0];
	s0 =	sor.u32 $0x460, s31  }
0x11a: {  	s26 =	sadd.s32 $0x4, s26;
	[tilespmem:$0x1FC20] =	vst v39;
	v45 =	vmul.f32 v23, v30;
	v5 =	vld [tilespmem:s0+$0x0];
	v9 =	vmul.f32 v14, v2  }
0x11b: {  	[tilespmem:$0x1FC60] =	vst v25;
	v28 =	vmul.f32 v32, v22;
	v27 =	vmul.f32 v19, v17;
	s30 =	sand.u32 $0x7, s26;
	s0 =	sor.u32 $0x470, s31;
	v2 =	vld [tilespmem:$0x1FC80]  }
0x11c: {  	v26 =	vmul.f32 v42, v15;
	v39 =	vmul.f32 v39, v12;
	s30 =	sshll.u32 s30, $0x7;
	[tilespmem:$0x1FFA0] =	vst v1;
	v1 =	vadd.f32 v9, v6;
	v6 =	vld [tilespmem:s0+$0x0]  }
0x11d: {  	[tilespmem:$0x1FCD0] =	vst v53;
	v53 =	vmul.f32 v53, v12;
	s30 =	sadd.s32 s24, s30;
	v44 =	vmul.f32 v25, v24;
	v25 =	vld [tilespmem:$0x1FE90]  }
0x11e: {  	s31 =	sadd.s32 $0x180, s30;
	v29 =	vmul.f32 v31, v24;
	[tilespmem:$0x1FFB0] =	vst v1;
	v1 =	vmul.f32 v51, v12;
	v51 =	vld [tilespmem:s1+$0x60]  }
0x11f: {  	[tilespmem:$0x1FBE0] =	vst v31;
	v31 =	vmul.f32 v33, v30;
	s0 =	sor.u32 $0x400, s31;
	v33 =	vmul.f32 v55, v54;
	v12 =	vmov v55;
	v55 =	vld [tilespmem:$0x1FEB0]  }
0x120: {  	[tilespmem:$0x1FC50] =	vst v34;
	v59 =	vmul.f32 v43, v3;
	s1 =	sor.u32 $0x430, s31;
	v13 =	vmul.f32 v47, v2;
	v47 =	vld [tilespmem:s0+$0x0]  }
0x121: {  	[tilespmem:$0x1FAE0] =	vst v43;
	v61 =	vmov v63;
	v9 =	vmul.f32 v63, v24;
	v63 =	vmul.f32 v49, v17;
	v17 =	vld [tilespmem:s1+$0x0]  }
0x122: {  	[tilespmem:$0x1FC70] =	vst v23;
	v27 =	vadd.f32 v28, v27;
	v43 =	vmul.f32 v34, v22;
	v10 =	vmul.f32 v56, v2;
	s0 =	sor.u32 $0x410, s31;
	v56 =	vld [tilespmem:$0x1FEC0]  }
0x123: {  	v23 =	vmul.f32 v7, v22;
	v60 =	vmul.f32 v52, v15;
	v21 =	vadd.f32 v26, v21;
	v14 =	vmovc v19;
	s1 =	sor.u32 $0x440, s31;
	v19 =	vld [tilespmem:s0+$0x0]  }
0x124: {  	[tilespmem:$0x1FD30] =	vst v7;
	v39 =	vadd.f32 v40, v39;
	v34 =	vmul.f32 v18, v57;
	v42 =	vmul.f32 v20, v58;
	v7 =	vld [tilespmem:s1+$0x0]  }
0x125: {  	s28 =	sadd.s32 $0x2, s28;
	[tilespmem:$0x1FC10] =	vst v38;
	v41 =	vadd.f32 v43, v41;
	s0 =	sor.u32 $0x420, s31;
	v1 =	vadd.f32 v4, v1;
	v4 =	vld [tilespmem:$0x1FEF0]  }
0x126: {  	v38 =	vmul.f32 v38, v3;
	[tilespmem:$0x1FCF0] =	vst v52;
	v60 =	vadd.f32 v60, v53;
	v34 =	vadd.f32 v42, v34;
	v52 =	vld [tilespmem:s0+$0x0];
	s0 =	sand.u32 $0x3, s28  }
0x127: {  	[tilespmem:$0x1FCB0] =	vst v50;
	v50 =	vmul.f32 v50, v3;
	v9 =	vadd.f32 v11, v9;
	s1 =	sor.u32 $0x450, s31;
	v13 =	vadd.f32 v59, v13;
	v59 =	vld [tilespmem:$0x1FF10];
	s0 =	sshll.u32 s0, $0x8  }
0x128: {  	[tilespmem:$0x1FC00] =	vst v36;
	v22 =	vmul.f32 v48, v30;
	v28 =	vadd.f32 v31, v29;
	v44 =	vadd.f32 v45, v44;
	v62 =	vld [tilespmem:s1+$0x0];
	s1 =	sor.u32 $0x460, s31;
	s0 =	sadd.s32 s24, s0  }
0x129: {  	v23 =	vadd.f32 v23, v63;
	v0 =	vadd.f32 v0, v10;
	[tilespmem:$0x1FD50] =	vst v51;
	v10 =	vmul.f32 v51, v24;
	v51 =	vld [tilespmem:s1+$0x0];
	s1 =	sor.u32 $0x470, s31;
	s0 =	sadd.s32 $0x100, s0  }
0x12a: {  	[tilespmem:$0x1FC90] =	vst v46;
	v36 =	vmul.f32 v36, v2;
	v46 =	vmul.f32 v46, v2;
	v9 =	vadd.f32 v9, v37;
	v2 =	vld [tilespmem:s1+$0x0];
	s31 =	sor.u32 $0x400, s0  }
0x12b: {  	[tilespmem:$0x1FD10] =	vst v49;
	v27 =	vadd.f32 v28, v27;
	v37 =	vadd.f32 v44, v41;
	v30 =	vmul.f32 v8, v25;
	v15 =	vld [tilespmem:s31+$0x0];
	s31 =	sor.u32 $0x410, s0  }
0x12c: {  	[tilespmem:$0x1FDB0] =	vst v6;
	v29 =	vadd.f32 v38, v36;
	v46 =	vadd.f32 v50, v46;
	v26 =	vmul.f32 v6, v59;
	v6 =	vld [tilespmem:s31+$0x0];
	s31 =	sor.u32 $0x420, s0  }
0x12d: {  	[tilespmem:$0x1FD70] =	vst v48;
	v32 =	vmul.f32 v16, v55;
	v0 =	vadd.f32 v1, v0;
	v30 =	vadd.f32 v33, v30;
	v3 =	vld [tilespmem:s31+$0x0];
	s31 =	sor.u32 $0x430, s0  }
0x12e: {  	[tilespmem:$0x1FD80] =	vst v35;
	v13 =	vadd.f32 v21, v13;
	v35 =	vmul.f32 v35, v56;
	v40 =	vmul.f32 v47, v25;
	v24 =	vld [tilespmem:s31+$0x0];
	s31 =	sor.u32 $0x440, s0  }
0x12f: {  	[tilespmem:$0x1FDA0] =	vst v5;
	v29 =	vadd.f32 v39, v29;
	v45 =	vmul.f32 v17, v56;
	v11 =	vmul.f32 v5, v4;
	v38 =	vld [tilespmem:s31+$0x0];
	s31 =	sor.u32 $0x450, s0  }
0x130: {  	[tilespmem:$0x1FDE0] =	vst v47;
	v48 =	vmul.f32 v19, v54;
	v49 =	vmul.f32 v7, v57;
	v10 =	vadd.f32 v22, v10;
	v43 =	vld [tilespmem:s31+$0x0];
	s31 =	sor.u32 $0x460, s0  }
0x131: {  	s30 =	sadd.s32 $0x80, s30;
	[tilespmem:$0x1FDF0] =	vst v19;
	v0 =	vadd.f32 v9, v0;
	v13 =	vadd.f32 v27, v13;
	v47 =	vmul.f32 v52, v55;
	s0 =	sor.u32 $0x470, s0;
	v63 =	vld [tilespmem:s31+$0x0]  }
0x132: {  	v50 =	vmul.f32 v62, v58;
	v32 =	vadd.f32 v35, v32;
	v39 =	vadd.f32 v48, v40;
	[tilespmem:$0x1FE00] =	vst v51;
	s31 =	sor.u32 $0x400, s30;
	v5 =	vld [tilespmem:s0+$0x0]  }
0x133: {  	v19 =	vmovc v18;
	v18 =	vmov v52;
	v10 =	vadd.f32 v10, v23;
	v11 =	vadd.f32 v26, v11;
	[tilespmem:$0x1FE10] =	vst v2;
	v31 =	vld [tilespmem:s31+$0x0];
	s31 =	sor.u32 $0x410, s30  }
0x134: {  	s1 =	sor.u32 $0x420, s30;
	v51 =	vmul.f32 v51, v4;
	v41 =	vadd.f32 v45, v47;
	v42 =	vadd.f32 v50, v49;
	[tilespmem:$0x1FE20] =	vst v6;
	v36 =	vld [tilespmem:s31+$0x0]  }
0x135: {  	v45 =	vadd.f32 v60, v46;
	v52 =	vmul.f32 v2, v59;
	s31 =	sor.u32 $0x430, s30;
	[tilespmem:$0x1FE50] =	vst v38;
	v33 =	vmul.f32 v38, v57;
	v38 =	vld [tilespmem:s1+$0x0]  }
0x136: {  	v11 =	vadd.f32 v11, v34;
	v27 =	vadd.f32 v41, v39;
	v2 =	vmul.f32 v6, v54;
	[tilespmem:$0x1FE30] =	vst v3;
	v6 =	vld [tilespmem:s31+$0x0];
	s1 =	sor.u32 $0x440, s30  }
0x137: {  	v10 =	vadd.f32 v10, v45;
	v3 =	vmul.f32 v3, v55;
	[tilespmem:$0x1FE40] =	vst v24;
	v24 =	vmul.f32 v24, v56;
	s31 =	sor.u32 $0x450, s30;
	v53 =	vld [tilespmem:s1+$0x0]  }
0x138: {  	v22 =	vmul.f32 v15, v25;
	v60 =	vadd.f32 v52, v51;
	v35 =	vmul.f32 v43, v58;
	v1 =	vld [tilespmem:s31+$0x0];
	s31 =	sor.u32 $0x470, s30  }
0x139: {  	s1 =	sor.u32 $0x460, s30;
	v3 =	vadd.f32 v24, v3;
	v24 =	vadd.f32 v32, v30;
	v26 =	vmul.f32 v63, v4;
	v50 =	vld [tilespmem:s31+$0x0]  }
0x13a: {  	v2 =	vadd.f32 v2, v22;
	v21 =	vmul.f32 v5, v59;
	v28 =	vmul.f32 v31, v25;
	v25 =	vld [tilespmem:s1+$0x0]  }
0x13b: {  	v23 =	vadd.f32 v35, v33;
	v9 =	vadd.f32 v11, v24  }
0x13c: {  	v51 =	vld [tilespmem:$0x1FFD0];
	v2 =	vadd.f32 v3, v2;
	v40 =	vmul.f32 v36, v54;
	v21 =	vadd.f32 v21, v26  }
0x13d: {  	v44 =	vmul.f32 v38, v55;
	v55 =	vmovc v62;
	v62 =	vmov v61;
	v61 =	vmul.f32 v6, v56  }
0x13e: {  	v0 =	vadd.f32 v9, v0;
	v22 =	vmul.f32 v53, v57;
	v30 =	vmul.f32 v1, v58  }
0x13f: {  	[tilespmem:$0x1FE70] =	vst v63;
	v28 =	vadd.f32 v40, v28;
	v11 =	vmul.f32 v50, v59;
	v63 =	vmul.f32 v25, v4  }
0x140: {  	v52 =	vld [tilespmem:$0x1FFE0];
	v3 =	vadd.f32 v21, v23;
	v24 =	vadd.f32 v61, v44  }
0x141: {  	v26 =	vperm.xlane v0, v51;
	v22 =	vadd.f32 v30, v22;
	v9 =	vadd.f32 v11, v63  }
0x142: {  	s29 =	sadd.s32 $0x4, s29;
	v11 =	vadd.f32 v37, v29;
	v29 =	vadd.f32 v60, v42  }
0x143: {  	s1 =	sadd.s32 $0xFFFFFFFD, s29;
	v0 =	vadd.f32 v0, v26;
	v23 =	vadd.f32 v24, v28  }
0x144: {  	v30 =	vmov s1;
	v9 =	vadd.f32 v9, v22;
	v22 =	vadd.f32 v29, v27;
	v27 =	vld [tilespmem:$0x1FFC0]  }
0x145: {  	v2 =	vadd.f32 v3, v2;
	v21 =	vand.u32 $0xFFFFFFFC, v30;
	v24 =	vperm.xlane v0, v52  }
0x146: {  	v21 =	vbroadcast v21, $0x0;
	v3 =	vadd.f32 v9, v23;
	v9 =	vadd.f32 v22, v13  }
0x147: {  	v48 =	vld [tilespmem:$0x1FAC0];
	v2 =	vadd.f32 v2, v11;
	v0 =	vadd.f32 v0, v24  }
0x148: {  	v28 =	vld [tilespmem:$0x1FFF0];
	v3 =	vadd.f32 v3, v10;
	v10 =	vperm.xlane v9, v51  }
0x149: {  	v47 =	vld [tilespmem:$0x1FB30];
	s31 =	sadd.s32 $0xFFFFFFFE, s29;
	v22 =	vperm.xlane v2, v51;
	v13 =	vperm.xlane v0, v27  }
0x14a: {  	v34 =	vld [tilespmem:$0x1FAF0];
	v26 =	vmov s31;
	v24 =	vperm.xlane v3, v51;
	v9 =	vadd.f32 v9, v10  }
0x14b: {  	s30 =	sadd.s32 $0xFFFFFFFF, s29;
	[tilespmem:$0x1FE80] =	vst v5;
	v5 =	vld [tilespmem:$0x1FAB0];
	v11 =	vmov s29;
	v2 =	vadd.f32 v2, v22;
	v0 =	vadd.f32 v0, v13  }
0x14c: {  	v23 =	vmov s30;
	v10 =	vld.idx.msk [tilespmem:v21+s17+$0x0], $0xffff;
	v3 =	vadd.f32 v3, v24;
	v21 =	vperm.xlane v9, v52  }
0x14d: {  	v56 =	vld [tilespmem:$0x1FAD0];
	v13 =	vand.u32 $0xFFFFFFFE, v23;
	v24 =	vperm.xlane v2, v52;
	v22 =	vperm.xlane v0, v28  }
0x14e: {  	v57 =	vld [tilespmem:$0x1FAE0];
	v23 =	vand.u32 $0xFFFFFFFD, v26;
	v26 =	vperm.xlane v3, v52;
	v9 =	vadd.f32 v9, v21  }
0x14f: {  	v58 =	vld [tilespmem:$0x1FB00];
	v13 =	vbroadcast v13, $0x0;
	v2 =	vadd.f32 v2, v24;
	v0 =	vadd.f32 v0, v22  }
0x150: {  	v59 =	vld [tilespmem:$0x1FB20];
	v23 =	vbroadcast v23, $0x0;
	v3 =	vadd.f32 v3, v26;
	v21 =	vperm.xlane v9, v27  }
0x151: {  	p1 =	sne.s32 s24, $0x7C00;
	v4 =	vld [tilespmem:$0x1FB10];
	v0 =	vadd.f32 v0, v10;
	v10 =	vperm.xlane v2, v27  }
.Ltmp0:
0x152: {  	v42 =	vld [tilespmem:$0x1FB40];
	v22 =	vperm.xlane v3, v27;
	v21 =	vadd.f32 v9, v21;
	(pc) =	sbr.rel @p1 .LBB2_2-.Ltmp0, $4  }
0x153: {  	v49 =	vmov v14;
	v24 =	vld [tilespmem:$0x1FB50];
	v9 =	vadd.f32 v2, v10  }
0x154: {  	[tilespmem:$0x1FE60] =	vst v43;
	v27 =	vld.idx.msk [tilespmem:v11+s17+$0x0], $0xffff;
	v0 =	vmul.f32 $1.442695020e+00, v0;
	v26 =	vadd.f32 v3, v22;
	v2 =	vperm.xlane v21, v28  }
0x155: {  	v14 =	vmovc v16;
	v54 =	vmov v7;
	v7 =	vmov v8;
	[tilespmem:$0x1FF00] =	vst v25;
	v60 =	vld.idx.msk [tilespmem:v13+s17+$0x0], $0xffff;
	v29 =	vperm.xlane v9, v28  }
0x156: {  	s24 =	sadd.s32 $0x400, s24;
	v40 =	vld.idx.msk [tilespmem:v23+s17+$0x0], $0xffff;
	v23 =	vmovc v12;
	(erf) = vpow2.f32 v0;
	v39 =	vperm.xlane v26, v28;
	v28 =	vadd.f32 v21, v2  }
0x157: {  	_ = 	snop  }
0x158: {  	v0 =	vadd.f32 v9, v29  }
0x159: {  	v2 =	vadd.f32 v26, v39;
	v3 =	vadd.f32 v28, v27  }
0x15a: {  	v0 =	vadd.f32 v0, v60  }
0x15b: {  	v2 =	vadd.f32 v2, v40;
	v3 =	vmul.f32 $1.442695020e+00, v3  }
0x15c: {  	v0 =	vmul.f32 $1.442695020e+00, v0  }
0x15d: {  	(erf) = vpow2.f32 v3;
	v2 =	vmul.f32 $1.442695020e+00, v2  }
0x15e: {  	(erf) = vpow2.f32 v0  }
0x15f: {  	(erf) = vpow2.f32 v2;
	_ =	sdelay $0x1  }
0x160: {  	v41 =	vld [tilespmem:$0x1FB60]  }
0x161: {  	v43 =	vld [tilespmem:$0x1FB70]  }
0x162: {  	v44 =	vld [tilespmem:$0x1FB80]  }
0x163: {  	v45 =	vld [tilespmem:$0x1FC90]  }
0x164: {  	v46 =	vld [tilespmem:$0x1FF20];
	v0 =	vpop (erf)  }
0x165: {  	v63 =	vld [tilespmem:$0x1FCF0];
	v61 =	vpop (erf)  }
0x166: {  	v32 =	vld [tilespmem:$0x1FC00];
	v39 =	vpop (erf)  }
0x167: {  	v60 =	vld [tilespmem:$0x1FCD0];
	v25 =	vpop (erf)  }
0x168: {  	v35 =	vmul.f32 v0, v58;
	v58 =	vld [tilespmem:$0x1FCB0];
	_ =	swait.ge [sflag:s20], $0x8000  }
0x169: {  	v33 =	vld [tilespmem:$0x1FC10]  }
0x16a: {  	v2 =	vadd.f32 v35, v4;
	v35 =	vld [tilespmem:$0x1FC20]  }
0x16b: {  	v37 =	vld [tilespmem:$0x1FBA0]  }
0x16c: {  	v40 =	vld [tilespmem:$0x1FC30]  }
0x16d: {  	v3 =	vmul.f32 v0, v41;
	v9 =	vmul.f32 v0, v43;
	v41 =	vld [tilespmem:$0x1FBB0]  }
0x16e: {  	v10 =	vmul.f32 v0, v44;
	v44 =	vld [tilespmem:$0x1FBC0]  }
0x16f: {  	v9 =	vadd.f32 v9, v46;
	v46 =	vld [tilespmem:$0x1FF30]  }
0x170: {  	v10 =	vadd.f32 v10, v48;
	v11 =	vmul.f32 v25, v45;
	v48 =	vld [tilespmem:$0x1FB90]  }
0x171: {  	s0 =	simm.s32 $0x0;
	v3 =	vadd.f32 v3, v24;
	v13 =	vmul.f32 v25, v58;
	v45 =	vmul.f32 v0, v56;
	v56 =	vld [tilespmem:$0x1FD10]  }
0x172: {  	s1 =	sand.u32 $0x7800, s0;
	s0 =	sand.u32 $0x200, s0;
	v16 =	vmul.f32 v0, v20;
	v20 =	vmul.f32 v25, v38;
	[sflag:s20] =	ssyncset.done $0x0;
	v38 =	vld [tilespmem:$0x1FE20]  }
0x173: {  	s24 =	sor.u32 s0, s1;
	v3 =	vadd.f32 v13, v3;
	v13 =	vmul.f32 v39, v32;
	[sflag:s20] =	ssyncadd.s32 $0xFFFF8000;
	v32 =	vld [tilespmem:$0x1FD50]  }
0x174: {  	v58 =	vld [tilespmem:s24+$0x8190]  }
0x175: {  	v21 =	vmul.f32 v25, v60;
	v60 =	vld [tilespmem:s24+$0x81B0]  }
0x176: {  	v43 =	vmul.f32 v0, v59;
	v59 =	vld [tilespmem:s24+$0x81C0]  }
0x177: {  	v2 =	vadd.f32 v11, v2;
	v11 =	vmul.f32 v25, v63;
	v63 =	vld [tilespmem:s24+$0x81D0]  }
0x178: {  	v26 =	vld [tilespmem:s24+$0x81E0]  }
0x179: {  	v29 =	vld [tilespmem:s24+$0x81F0]  }
0x17a: {  	v30 =	vld [tilespmem:s24+$0x8120]  }
0x17b: {  	v27 =	vld [tilespmem:s24+$0x8140]  }
0x17c: {  	v28 =	vld [tilespmem:s24+$0x8150]  }
0x17d: {  	v12 =	vmov v18;
	v18 =	vld [tilespmem:s24+$0x80D0]  }
0x17e: {  	v2 =	vadd.f32 v13, v2;
	v13 =	vmul.f32 v61, v37;
	v37 =	vld [tilespmem:s24+$0x81A0]  }
0x17f: {  	v10 =	vadd.f32 v11, v10;
	v11 =	vmul.f32 v39, v33;
	v33 =	vld [tilespmem:$0x1FC40]  }
0x180: {  	v9 =	vadd.f32 v21, v9;
	v21 =	vmul.f32 v39, v35;
	v35 =	vld [tilespmem:$0x1FC50]  }
0x181: {  	v22 =	vmul.f32 v39, v40;
	v40 =	vld [tilespmem:$0x1FC60]  }
0x182: {  	v3 =	vadd.f32 v11, v3;
	v11 =	vmul.f32 v61, v57;
	v57 =	vld [tilespmem:s24+$0x8180];
	v2 =	vadd.f32 v13, v2  }
0x183: {  	v9 =	vadd.f32 v21, v9;
	v21 =	vmul.f32 v25, v32;
	v32 =	vld [tilespmem:s24+$0x8130]  }
0x184: {  	[tilespmem:$0x1F6C0] =	vst v2;
	v2 =	vmul.f32 v61, v41;
	v41 =	vld [tilespmem:$0x1FC70]  }
0x185: {  	v3 =	vadd.f32 v11, v3;
	v11 =	vmul.f32 v61, v44;
	v44 =	vld [tilespmem:$0x1FBE0]  }
0x186: {  	v2 =	vadd.f32 v2, v9;
	v9 =	vmul.f32 v0, v62;
	v62 =	vld [tilespmem:$0x1FD30]  }
0x187: {  	v10 =	vadd.f32 v22, v10;
	[tilespmem:$0x1F6D0] =	vst v3;
	v3 =	vadd.f32 v43, v46;
	v43 =	vld [tilespmem:$0x1FD80]  }
0x188: {  	v46 =	vld [tilespmem:$0x1FDA0]  }
0x189: {  	v4 =	vadd.f32 v11, v10;
	v10 =	vmul.f32 v0, v48;
	v48 =	vld [tilespmem:$0x1FDB0]  }
0x18a: {  	v11 =	vmul.f32 v25, v56;
	v56 =	vld [tilespmem:$0x1FF40]  }
0x18b: {  	v10 =	vadd.f32 v10, v34;
	v34 =	vld [tilespmem:$0x1FD70]  }
0x18c: {  	v3 =	vadd.f32 v11, v3;
	v11 =	vmul.f32 v39, v33;
	v33 =	vld [tilespmem:s24+$0x8100]  }
0x18d: {  	[tilespmem:$0x1F6E0] =	vst v2;
	v2 =	vadd.f32 v45, v42;
	v9 =	vadd.f32 v9, v47;
	v42 =	vld [tilespmem:$0x1FBD0]  }
0x18e: {  	v45 =	vld [tilespmem:$0x1FBF0]  }
0x18f: {  	v47 =	vld [tilespmem:s24+$0x8160];
	v9 =	vadd.f32 v21, v9  }
0x190: {  	v3 =	vadd.f32 v11, v3;
	v11 =	vmul.f32 v39, v40;
	v40 =	vld [tilespmem:s24+$0x8080];
	v13 =	vmul.f32 v25, v62  }
0x191: {  	v21 =	vmul.f32 v39, v41;
	v41 =	vld [tilespmem:s24+$0x8090];
	v22 =	vmul.f32 v25, v34  }
0x192: {  	v62 =	vld [tilespmem:$0x1FF50];
	v9 =	vadd.f32 v11, v9;
	v2 =	vadd.f32 v13, v2;
	v13 =	vmul.f32 v39, v35  }
0x193: {  	v11 =	vmul.f32 v0, v23;
	v23 =	vmul.f32 v61, v42;
	v42 =	vld [tilespmem:$0x1FE30];
	v10 =	vadd.f32 v22, v10  }
0x194: {  	v35 =	vld [tilespmem:s24+$0x8110];
	v2 =	vadd.f32 v13, v2  }
0x195: {  	v34 =	vld [tilespmem:$0x1FF60];
	v22 =	vmul.f32 v61, v49;
	v10 =	vadd.f32 v21, v10;
	v21 =	vmul.f32 v0, v14  }
0x196: {  	v14 =	vmul.f32 v0, v19;
	v2 =	vadd.f32 v23, v2;
	v19 =	vmul.f32 v0, v46;
	v46 =	vld [tilespmem:s24+$0x8170]  }
0x197: {  	v3 =	vadd.f32 v22, v3;
	v22 =	vmul.f32 v61, v45;
	v23 =	vadd.f32 v0, v5;
	v5 =	vld [tilespmem:$0x1FCA0]  }
0x198: {  	v45 =	vmul.f32 v39, v42;
	v42 =	vld [tilespmem:s24+$0x8000];
	[tilespmem:$0x1F710] =	vst v2;
	v2 =	vmul.f32 v61, v44  }
0x199: {  	v44 =	vld [tilespmem:s24+$0x80A0]  }
0x19a: {  	p0 =	por $0x0, $0x0;
	s0 =	simm.s32 $0x1;
	v13 =	vmul.f32 v0, v7;
	[tilespmem:$0x1F700] =	vst v3;
	v3 =	vmul.f32 v0, v43;
	v43 =	vld [tilespmem:s24+$0x80B0];
	v2 =	vadd.f32 v2, v9  }
0x19b: {  	s0 =	simm.s32 @!p0 $0x0;
	v0 =	vmul.f32 v0, v48;
	v48 =	vld [tilespmem:$0x1FDE0]  }
0x19c: {  	s0 =	sshll.u32 s0, $0x9;
	[tilespmem:$0x1F720] =	vst v2;
	v2 =	vadd.f32 v13, v56;
	v13 =	vmul.f32 v25, v36;
	v36 =	vld [tilespmem:$0x1FF70]  }
0x19d: {  	s25 =	sadd.s32 $0x0, s0;
	v49 =	vadd.f32 v22, v10;
	v10 =	vmul.f32 v25, v31;
	v31 =	vld [tilespmem:s24+$0x80C0];
	v9 =	vadd.f32 v11, v62  }
0x19e: {  	s28 =	sor.u32 $0x430, s25;
	v11 =	vadd.f32 v21, v34;
	v62 =	vld [tilespmem:$0x1FE40];
	v21 =	vmul.f32 v35, v5  }
0x19f: {  	[tilespmem:$0x1F7B0] =	vst v35;
	v35 =	vld [tilespmem:s28+$0x8000];
	v2 =	vadd.f32 v10, v2;
	v9 =	vadd.f32 v13, v9;
	v13 =	vmul.f32 v39, v15  }
0x1a0: {  	[tilespmem:$0x1F730] =	vst v49;
	v49 =	vmul.f32 v61, v48;
	v10 =	vmul.f32 v25, v6;
	v6 =	vld [tilespmem:$0x1FF80]  }
0x1a1: {  	v2 =	vadd.f32 v13, v2;
	v13 =	vmul.f32 v25, v50;
	v50 =	vld [tilespmem:s24+$0x8050];
	v3 =	vadd.f32 v3, v36  }
0x1a2: {  	v36 =	vld [tilespmem:$0x1FF90]  }
0x1a3: {  	v2 =	vadd.f32 v49, v2;
	v49 =	vld [tilespmem:$0x1FE50];
	v3 =	vadd.f32 v10, v3;
	v10 =	vmul.f32 v39, v38  }
0x1a4: {  	v11 =	vadd.f32 v20, v11;
	v34 =	vmul.f32 v39, v62;
	v38 =	vld [tilespmem:s24+$0x80E0]  }
0x1a5: {  	v56 =	vmov v39;
	v39 =	vld [tilespmem:$0x1FDF0];
	v9 =	vadd.f32 v10, v9  }
0x1a6: {  	v10 =	vadd.f32 v45, v11;
	v11 =	vadd.f32 v34, v3;
	v34 =	vld [tilespmem:s24+$0x8010]  }
0x1a7: {  	v45 =	vmul.f32 v61, v17;
	v17 =	vmov v42;
	v42 =	vld [tilespmem:s24+$0x8020]  }
0x1a8: {  	v3 =	vld [tilespmem:$0x1FC80]  }
0x1a9: {  	v12 =	vmul.f32 v61, v12;
	[tilespmem:$0x1F740] =	vst v2;
	v2 =	vadd.f32 v45, v11;
	v45 =	vld [tilespmem:s24+$0x8030]  }
0x1aa: {  	[tilespmem:$0x1F6F0] =	vst v4;
	v4 =	vmul.f32 v56, v49;
	v49 =	vld [tilespmem:$0x1FFA0];
	v8 =	vmul.f32 v61, v39  }
0x1ab: {  	v7 =	vmul.f32 v25, v53;
	v53 =	vadd.f32 v12, v10;
	v12 =	vld [tilespmem:s24+$0x8040]  }
0x1ac: {  	v10 =	vld [tilespmem:$0x1FD60];
	v48 =	vadd.f32 v8, v9  }
0x1ad: {  	v39 =	vld [tilespmem:s24+$0x80F0]  }
0x1ae: {  	[tilespmem:$0x1F750] =	vst v48;
	v48 =	vld [tilespmem:$0x1FF00]  }
0x1af: {  	[tilespmem:$0x1F770] =	vst v2;
	v2 =	vadd.f32 v14, v6;
	v9 =	vadd.f32 v16, v36;
	v36 =	vld [tilespmem:$0x1FFB0]  }
0x1b0: {  	v1 =	vmul.f32 v25, v1;
	[tilespmem:$0x1F780] =	vst v26;
	v8 =	vld [tilespmem:$0x1FD00]  }
0x1b1: {  	[tilespmem:$0x1F7A0] =	vst v29;
	v2 =	vadd.f32 v7, v2;
	v7 =	vld [tilespmem:$0x1FCE0]  }
0x1b2: {  	[tilespmem:$0x1F7C0] =	vst v30;
	v1 =	vadd.f32 v1, v9;
	v9 =	vld [tilespmem:$0x1FD20]  }
0x1b3: {  	[tilespmem:$0x1F760] =	vst v53;
	v16 =	vld [tilespmem:s24+$0x8070];
	v53 =	vadd.f32 v19, v49;
	v11 =	vmul.f32 v25, v48  }
0x1b4: {  	s26 =	sor.u32 $0x420, s25;
	[tilespmem:$0x1F7E0] =	vst v27;
	v15 =	vmul.f32 v58, v5;
	v20 =	vmul.f32 v33, v3;
	v2 =	vadd.f32 v4, v2;
	v4 =	vld [tilespmem:$0x1FD40]  }
0x1b5: {  	s0 =	sor.u32 $0x400, s25;
	[tilespmem:$0x1F790] =	vst v33;
	v33 =	vld [tilespmem:s26+$0x8000];
	v24 =	vmul.f32 v40, v3;
	v0 =	vadd.f32 v0, v36;
	v6 =	vadd.f32 v11, v53  }
0x1b6: {  	[tilespmem:$0x1F7F0] =	vst v28;
	v19 =	vld [tilespmem:s0+$0x8000];
	v49 =	vmul.f32 v59, v8;
	v22 =	vmul.f32 v60, v7  }
0x1b7: {  	v48 =	vmul.f32 v57, v3;
	v0 =	vadd.f32 v13, v0;
	v13 =	vmul.f32 v63, v9;
	[tilespmem:$0x1FA40] =	vst v6;
	v6 =	vld [tilespmem:$0x1FCC0]  }
0x1b8: {  	[tilespmem:$0x1F7D0] =	vst v32;
	v62 =	vadd.f32 v25, v23;
	v36 =	vld [tilespmem:s24+$0x8060];
	s24 =	sor.u32 $0x410, s25;
	v23 =	vmul.f32 v28, v9;
	v25 =	vmul.f32 v41, v5  }
0x1b9: {  	s29 =	sor.u32 $0x440, s25;
	[tilespmem:$0x1FA30] =	vst v1;
	v14 =	vld [tilespmem:s24+$0x8000];
	v53 =	vmul.f32 v26, v4;
	v1 =	vadd.f32 v15, v48;
	v15 =	vmul.f32 v29, v10  }
0x1ba: {  	s31 =	sor.u32 $0x460, s25;
	[tilespmem:$0x1FA50] =	vst v0;
	v13 =	vadd.f32 v13, v49;
	v0 =	vmul.f32 v27, v8;
	v27 =	vld [tilespmem:s29+$0x8000];
	v29 =	vmul.f32 v17, v3  }
0x1bb: {  	[tilespmem:$0x1F800] =	vst v47;
	s26 =	sor.u32 $0x470, s25;
	s24 =	sadd.s32 $0x180, s25;
	v49 =	vld [tilespmem:s31+$0x8000];
	v24 =	vadd.f32 v25, v24;
	v25 =	vmul.f32 v39, v10;
	v3 =	vmul.f32 v45, v7  }
0x1bc: {  	[tilespmem:$0x1FA60] =	vst v2;
	s31 =	sor.u32 $0x430, s24;
	v2 =	vadd.f32 v15, v53;
	v15 =	vmul.f32 v46, v10;
	v53 =	vld [tilespmem:s26+$0x8000];
	v11 =	vmul.f32 v37, v6  }
0x1bd: {  	[tilespmem:$0x1F820] =	vst v46;
	v46 =	vld [tilespmem:s31+$0x8000];
	v26 =	vmul.f32 v30, v6;
	v30 =	vmul.f32 v34, v5  }
0x1be: {  	s30 =	sor.u32 $0x450, s25;
	[tilespmem:$0x1F810] =	vst v40;
	v5 =	vadd.f32 v2, v13;
	v2 =	vld [tilespmem:$0x1FF10];
	v11 =	vadd.f32 v22, v11;
	v22 =	vmul.f32 v32, v7  }
0x1bf: {  	[tilespmem:$0x1F860] =	vst v31;
	v32 =	vmovc v14;
	v14 =	vadd.f32 v21, v20;
	v20 =	vmov v16;
	v21 =	vmul.f32 v47, v4;
	v16 =	vld [tilespmem:s30+$0x8000]  }
0x1c0: {  	v23 =	vadd.f32 v23, v0;
	v0 =	vmul.f32 v31, v8;
	v31 =	vmul.f32 v42, v6;
	s30 =	sor.u32 $0x420, s24;
	[tilespmem:$0x1F9C0] =	vst v5;
	v5 =	vld [tilespmem:$0x1FEA0]  }
0x1c1: {  	[tilespmem:$0x1F850] =	vst v43;
	s28 =	sor.u32 $0x400, s24;
	v29 =	vadd.f32 v30, v29;
	v48 =	vld [tilespmem:s30+$0x8000];
	v15 =	vadd.f32 v15, v21;
	v21 =	vmul.f32 v38, v4  }
0x1c2: {  	[tilespmem:$0x1F890] =	vst v39;
	v28 =	vmul.f32 v18, v9;
	s29 =	sor.u32 $0x410, s24;
	v30 =	vadd.f32 v3, v31;
	v47 =	vadd.f32 v22, v26;
	v22 =	vld [tilespmem:s28+$0x8000]  }
0x1c3: {  	v39 =	vmovc v27;
	v26 =	vmul.f32 v43, v7;
	v43 =	vld [tilespmem:s29+$0x8000];
	s28 =	sor.u32 $0x450, s24;
	v25 =	vadd.f32 v25, v21;
	v21 =	vmul.f32 v36, v4  }
0x1c4: {  	s26 =	sor.u32 $0x440, s24;
	s29 =	sor.u32 $0x460, s24;
	s24 =	sor.u32 $0x470, s24;
	v27 =	vld [tilespmem:s28+$0x8000];
	v40 =	vmovc v16;
	v16 =	vmul.f32 v44, v6;
	v6 =	vadd.f32 v28, v0;
	v0 =	vmul.f32 v20, v10  }
0x1c5: {  	[tilespmem:$0x1F830] =	vst v41;
	v3 =	vld [tilespmem:s24+$0x8000]  }
0x1c6: {  	[tilespmem:$0x1F880] =	vst v38;
	v41 =	vmul.f32 v12, v8;
	v8 =	vadd.f32 v30, v29;
	v38 =	vadd.f32 v0, v21;
	v0 =	vld [tilespmem:$0x1FE90]  }
0x1c7: {  	[tilespmem:$0x1F840] =	vst v44;
	v4 =	vld [tilespmem:s29+$0x8000]  }
0x1c8: {  	[tilespmem:$0x1F970] =	vst v8;
	v8 =	vld [tilespmem:$0x1FEC0];
	v6 =	vadd.f32 v25, v6  }
0x1c9: {  	v44 =	vmul.f32 v50, v9;
	v10 =	vld [tilespmem:$0x1FED0];
	v26 =	vadd.f32 v26, v16;
	v16 =	vmovc v45;
	v45 =	vadd.f32 v11, v1  }
0x1ca: {  	s1 =	sadd.s32 $0x100, s25;
	[tilespmem:$0x1FA20] =	vst v6;
	v6 =	vld [tilespmem:$0x1FEB0]  }
0x1cb: {  	s28 =	sor.u32 $0x430, s1;
	v31 =	vadd.f32 v44, v41;
	v11 =	vld [tilespmem:$0x1FEE0];
	[tilespmem:$0x1F9B0] =	vst v45;
	v45 =	vmul.f32 v32, v5;
	v44 =	vmul.f32 v19, v0  }
0x1cc: {  	v47 =	vadd.f32 v47, v14;
	v13 =	vld [tilespmem:s28+$0x8000]  }
0x1cd: {  	s29 =	sor.u32 $0x440, s1;
	v28 =	vld [tilespmem:s26+$0x8000];
	v1 =	vadd.f32 v45, v44  }
0x1ce: {  	v14 =	vld [tilespmem:s29+$0x8000];
	[tilespmem:$0x1F990] =	vst v47  }
0x1cf: {  	s30 =	sor.u32 $0x400, s1;
	v41 =	vadd.f32 v15, v23;
	v47 =	vmul.f32 v33, v6;
	v44 =	vmul.f32 v35, v8;
	[tilespmem:$0x1F960] =	vst v1;
	v1 =	vld [tilespmem:$0x1FEF0]  }
0x1d0: {  	[tilespmem:$0x1F870] =	vst v18;
	v21 =	vld [tilespmem:s30+$0x8000];
	s30 =	sor.u32 $0x450, s1;
	v7 =	vadd.f32 v26, v24;
	v24 =	vmul.f32 v39, v10;
	v25 =	vmul.f32 v40, v11  }
0x1d1: {  	[tilespmem:$0x1F8B0] =	vst v46;
	s26 =	sor.u32 $0x420, s1;
	v18 =	vld [tilespmem:s30+$0x8000];
	v9 =	vadd.f32 v38, v31;
	v38 =	vmov v49;
	v49 =	vadd.f32 v44, v47  }
0x1d2: {  	s31 =	sor.u32 $0x410, s1;
	s24 =	sadd.s32 $0x80, s25;
	[tilespmem:$0x1F9A0] =	vst v41;
	v41 =	vld [tilespmem:s26+$0x8000];
	v47 =	vadd.f32 v25, v24;
	v24 =	vmul.f32 v22, v0;
	v25 =	vmul.f32 v43, v5  }
0x1d3: {  	s28 =	sor.u32 $0x410, s24;
	[tilespmem:$0x1FA10] =	vst v7;
	v7 =	vld [tilespmem:s31+$0x8000]  }
0x1d4: {  	[tilespmem:$0x1F8A0] =	vst v48;
	v31 =	vmul.f32 v53, v2;
	s31 =	sor.u32 $0x460, s1;
	v15 =	vadd.f32 v25, v24;
	v25 =	vld [tilespmem:s28+$0x8000];
	v26 =	vmul.f32 v38, v1  }
0x1d5: {  	[tilespmem:$0x1F980] =	vst v9;
	s1 =	sor.u32 $0x470, s1;
	v9 =	vld [tilespmem:s31+$0x8000];
	v45 =	vmul.f32 v27, v11;
	v44 =	vmul.f32 v28, v10  }
0x1d6: {  	s29 =	sor.u32 $0x420, s24;
	[tilespmem:$0x1F900] =	vst v3;
	v23 =	vld [tilespmem:s1+$0x8000];
	v30 =	vadd.f32 v31, v26;
	v26 =	vmul.f32 v48, v6;
	v31 =	vmul.f32 v46, v8  }
0x1d7: {  	s26 =	sor.u32 $0x400, s24;
	[tilespmem:$0x1F8F0] =	vst v4;
	v24 =	vld [tilespmem:s29+$0x8000];
	v45 =	vadd.f32 v45, v44  }
0x1d8: {  	[tilespmem:$0x1F9D0] =	vst v15;
	v48 =	vld [tilespmem:s26+$0x8000];
	v46 =	vmul.f32 v7, v5;
	v15 =	vadd.f32 v31, v26;
	v31 =	vmul.f32 v21, v0  }
0x1d9: {  	s30 =	sor.u32 $0x430, s24;
	[tilespmem:$0x1F9F0] =	vst v45;
	v45 =	vmul.f32 v3, v2;
	v3 =	vmul.f32 v25, v5;
	v5 =	vld [tilespmem:$0x1F960]  }
0x1da: {  	[tilespmem:$0x1F8E0] =	vst v7;
	v26 =	vld [tilespmem:s30+$0x8000];
	v7 =	vadd.f32 v46, v31  }
0x1db: {  	s31 =	sor.u32 $0x440, s24;
	v44 =	vmul.f32 v4, v1;
	v30 =	vadd.f32 v30, v47;
	v47 =	vld [tilespmem:$0x1F980];
	[tilespmem:$0x1F9E0] =	vst v15  }
0x1dc: {  	s25 =	sor.u32 $0x450, s24;
	v46 =	vld [tilespmem:s31+$0x8000];
	[tilespmem:$0x1FA00] =	vst v7;
	v15 =	vmov v41;
	v7 =	vmul.f32 v41, v6;
	v41 =	vmul.f32 v13, v8  }
0x1dd: {  	[tilespmem:$0x1F910] =	vst v13;
	v4 =	vmul.f32 v18, v11;
	s26 =	sor.u32 $0x460, s24;
	v31 =	vld [tilespmem:s25+$0x8000];
	v13 =	vadd.f32 v45, v44;
	v44 =	vmul.f32 v14, v10  }
0x1de: {  	[tilespmem:$0x1F940] =	vst v9;
	s28 =	sor.u32 $0x470, s24;
	v9 =	vmul.f32 v9, v1;
	v45 =	vld [tilespmem:s26+$0x8000];
	v41 =	vadd.f32 v41, v7;
	v7 =	vmul.f32 v23, v2  }
0x1df: {  	v49 =	vadd.f32 v49, v5;
	v29 =	vadd.f32 v4, v44;
	v44 =	vld [tilespmem:s28+$0x8000]  }
0x1e0: {  	[tilespmem:$0x1F8D0] =	vst v27;
	v4 =	vmul.f32 v48, v0;
	v27 =	vadd.f32 v7, v9;
	v7 =	vld [tilespmem:$0x1F970]  }
0x1e1: {  	v30 =	vadd.f32 v30, v49;
	v0 =	vmul.f32 v26, v8;
	v49 =	vmul.f32 v46, v10  }
0x1e2: {  	[tilespmem:$0x1F8C0] =	vst v28;
	v28 =	vadd.f32 v3, v4;
	v9 =	vmul.f32 v24, v6;
	v4 =	vmul.f32 v31, v11;
	_ =	sdelay $0x1  }
0x1e3: {  	[tilespmem:$0x1F950] =	vst v23;
	v5 =	vld [tilespmem:$0x1F9A0];
	v23 =	vadd.f32 v0, v9;
	v9 =	vadd.f32 v4, v49  }
0x1e4: {  	v11 =	vmovc v48;
	v49 =	vld [tilespmem:$0x1F990];
	v48 =	vmul.f32 v44, v2;
	v7 =	vadd.f32 v47, v7;
	v47 =	vmul.f32 v45, v1  }
0x1e5: {  	v6 =	vld [tilespmem:$0x1F9B0]  }
0x1e6: {  	v4 =	vadd.f32 v48, v47;
	v47 =	vld [tilespmem:$0x1F9C0];
	_ =	sdelay $0x1  }
0x1e7: {  	v48 =	vld [tilespmem:$0x1F9D0]  }
0x1e8: {  	v7 =	vadd.f32 v30, v7;
	v30 =	vadd.f32 v5, v49;
	v49 =	vld [tilespmem:$0x1F9E0]  }
0x1e9: {  	v5 =	vld [tilespmem:$0x1F9F0]  }
0x1ea: {  	v47 =	vadd.f32 v47, v6;
	v6 =	vld [tilespmem:$0x1FA00];
	_ =	sdelay $0x2  }
0x1eb: {  	v3 =	vperm.xlane v7, v51;
	v4 =	vadd.f32 v4, v9  }
0x1ec: {  	v49 =	vadd.f32 v49, v48;
	v48 =	vadd.f32 v13, v5;
	v5 =	vld [tilespmem:$0x1FA10]  }
0x1ed: {  	v3 =	vadd.f32 v7, v3;
	v41 =	vadd.f32 v41, v6;
	v6 =	vld [tilespmem:$0x1FA20]  }
0x1ee: {  	v7 =	vadd.f32 v23, v28;
	v23 =	vadd.f32 v48, v49  }
0x1ef: {  	v27 =	vadd.f32 v27, v29;
	v1 =	vld [tilespmem:$0x1FFC0];
	v28 =	vperm.xlane v3, v52  }
0x1f0: {  	s29 =	simm.s32 $0x80;
	v4 =	vadd.f32 v4, v7;
	v23 =	vadd.f32 v23, v47  }
0x1f1: {  	v3 =	vadd.f32 v3, v28;
	v47 =	vmov s29;
	v27 =	vadd.f32 v27, v41  }
0x1f2: {  	v0 =	vld [tilespmem:$0x1FFF0];
	v7 =	vand.u32 $0xFFFFFFFC, v47;
	v28 =	vperm.xlane v23, v51;
	v9 =	vadd.f32 v6, v5  }
0x1f3: {  	v49 =	vld [tilespmem:$0x1FE70];
	v7 =	vbroadcast v7, $0x0;
	v27 =	vadd.f32 v27, v30  }
0x1f4: {  	v48 =	vld [tilespmem:$0x1FE60];
	v23 =	vadd.f32 v23, v28;
	v28 =	vperm.xlane v3, v1;
	v4 =	vadd.f32 v4, v9  }
0x1f5: {  	v29 =	vperm.xlane v27, v51  }
0x1f6: {  	v3 =	vadd.f32 v3, v28;
	v47 =	vperm.xlane v4, v51;
	v51 =	vld [tilespmem:$0x1FE80]  }
0x1f7: {  	v10 =	vadd.f32 v56, v62;
	v28 =	vperm.xlane v23, v52;
	v27 =	vadd.f32 v27, v29  }
0x1f8: {  	v41 =	vmul.f32 v56, v49;
	v6 =	vld [tilespmem:$0x1FA30];
	v29 =	vperm.xlane v3, v0;
	v4 =	vadd.f32 v4, v47  }
0x1f9: {  	s30 =	simm.s32 $0x82;
	v9 =	vmul.f32 v56, v48;
	v23 =	vadd.f32 v23, v28;
	v49 =	vperm.xlane v27, v52;
	v47 =	vld [tilespmem:$0x1FA40]  }
0x1fa: {  	v30 =	vadd.f32 v3, v29;
	v29 =	vmov s30;
	v28 =	vperm.xlane v4, v52;
	v52 =	vld.idx.msk [tilespmem:v7+s17+$0x0], $0xffff  }
0x1fb: {  	s31 =	simm.s32 $0x81;
	v29 =	vand.u32 $0xFFFFFFFE, v29;
	v27 =	vadd.f32 v27, v49;
	v62 =	vmul.f32 v56, v51;
	v51 =	vld [tilespmem:$0x1FA50]  }
0x1fc: {  	[tilespmem:$0x1F920] =	vst v14;
	v49 =	vmul.f32 v61, v54;
	v54 =	vmov s31;
	v14 =	vbroadcast v29, $0x0;
	v56 =	vld [tilespmem:$0x1FE10]  }
0x1fd: {  	v29 =	vand.u32 $0xFFFFFFFD, v54;
	v28 =	vadd.f32 v4, v28;
	v4 =	vmul.f32 v61, v55;
	v55 =	vld [tilespmem:$0x1FE00]  }
0x1fe: {  	v13 =	vadd.f32 v61, v10;
	v10 =	vbroadcast v29, $0x0;
	v29 =	vperm.xlane v23, v1  }
0x1ff: {  	s24 =	simm.s32 $0x83;
	v8 =	vadd.f32 v9, v6;
	v5 =	vadd.f32 v41, v47  }
0x200: {  	v47 =	vmov s24;
	v23 =	vadd.f32 v23, v29;
	v30 =	vadd.f32 v30, v52;
	v52 =	vld [tilespmem:$0x1FA60]  }
0x201: {  	v6 =	vadd.f32 v62, v51;
	v41 =	vmul.f32 v61, v56;
	v62 =	vperm.xlane v28, v1  }
0x202: {  	v29 =	vperm.xlane v27, v1;
	v54 =	vadd.f32 v4, v8;
	v9 =	vmul.f32 v61, v55  }
0x203: {  	[tilespmem:$0x1F930] =	vst v18;
	v55 =	vmul.f32 $1.442695020e+00, v30;
	v30 =	vadd.f32 v28, v62;
	v62 =	vadd.f32 v41, v6  }
0x204: {  	v29 =	vadd.f32 v27, v29;
	[tilespmem:$0x1FA80] =	vst v54;
	v61 =	vadd.f32 v9, v5  }
0x205: {  	v56 =	vperm.xlane v23, v0;
	v27 =	vld.idx.msk [tilespmem:v47+s17+$0x0], $0xffff;
	v1 =	vadd.f32 v49, v52;
	[tilespmem:$0x1FAA0] =	vst v62  }
0x206: {  	v28 =	vld.idx.msk [tilespmem:v14+s17+$0x0], $0xffff;
	v41 =	vperm.xlane v29, v0;
	[tilespmem:$0x1FA90] =	vst v61  }
0x207: {  	s25 =	simm.s32 $0x200;
	s26 =	simm.s32 $0x400;
	v23 =	vadd.f32 v23, v56;
	v47 =	vld.idx.msk [tilespmem:v10+s17+$0x0], $0xffff;
	(erf) = vpow2.f32 v55;
	v49 =	vperm.xlane v30, v0;
	[tilespmem:$0x1FA70] =	vst v1  }
.LBB2_4:
0x208: {  	_ = 	snop  }
0x209: {  	s0 =	sand.u32 $0x7800, s26;
	s1 =	sand.u32 $0x200, s25  }
0x20a: {  	v48 =	vld [tilespmem:$0x1FC80];
	v29 =	vadd.f32 v29, v41;
	s28 =	sor.u32 s1, s0;
	v23 =	vadd.f32 v23, v27  }
0x20b: {  	v30 =	vadd.f32 v30, v49;
	v62 =	vld [tilespmem:s28+$0x8180]  }
0x20c: {  	v27 =	vadd.f32 v29, v28;
	v23 =	vmul.f32 $1.442695020e+00, v23  }
0x20d: {  	v28 =	vadd.f32 v30, v47  }
0x20e: {  	v27 =	vmul.f32 $1.442695020e+00, v27;
	(erf) = vpow2.f32 v23  }
0x20f: {  	v28 =	vmul.f32 $1.442695020e+00, v28  }
0x210: {  	v0 =	vmul.f32 v62, v48;
	(erf) = vpow2.f32 v27;
	v23 =	vpop (erf)  }
0x211: {  	(erf) = vpow2.f32 v28;
	v28 =	vmul.f32 v23, v17  }
0x212: {  	v61 =	vld [tilespmem:$0x1F8D0];
	v29 =	vmul.f32 v23, v34;
	v30 =	vmul.f32 v23, v42  }
0x213: {  	v4 =	vld [tilespmem:$0x1F810];
	v47 =	vmul.f32 v23, v16;
	v49 =	vmul.f32 v23, v12  }
0x214: {  	v7 =	vld [tilespmem:$0x1F830];
	v51 =	vmul.f32 v23, v50;
	v52 =	vmul.f32 v23, v36  }
0x215: {  	v54 =	vmul.f32 v23, v20;
	v6 =	vmul.f32 v23, v38;
	v38 =	vld [tilespmem:$0x1F780]  }
0x216: {  	v55 =	vmul.f32 v23, v19;
	v14 =	vmul.f32 v23, v40;
	v40 =	vld [tilespmem:$0x1F7A0]  }
0x217: {  	v34 =	vmul.f32 v23, v32;
	v50 =	vmul.f32 v23, v35;
	v35 =	vmov v62;
	v62 =	vld [tilespmem:$0x1F790];
	v16 =	vpop (erf)  }
0x218: {  	v42 =	vmul.f32 v23, v33;
	[tilespmem:$0x1F610] =	vst v35;
	v35 =	vmul.f32 v16, v43;
	v43 =	vld [tilespmem:$0x1F8A0]  }
0x219: {  	v5 =	vmul.f32 v23, v39;
	v56 =	vmul.f32 v16, v60;
	v60 =	vld [tilespmem:$0x1F8C0]  }
0x21a: {  	v36 =	vmul.f32 v16, v57;
	v57 =	vmul.f32 v16, v63;
	v63 =	vld [tilespmem:$0x1F7B0]  }
0x21b: {  	v8 =	vmul.f32 v23, v53;
	v17 =	vadd.f32 v23, v13;
	v23 =	vmul.f32 v16, v59;
	v59 =	vld [tilespmem:$0x1F8B0]  }
0x21c: {  	v18 =	vmul.f32 v16, v61;
	v61 =	vld [tilespmem:$0x1F6D0];
	v10 =	vpop (erf)  }
0x21d: {  	v53 =	vmul.f32 v16, v22;
	v22 =	vmul.f32 v10, v62;
	v62 =	vld [tilespmem:$0x1F840]  }
0x21e: {  	v27 =	vmul.f32 v16, v60;
	v60 =	vld [tilespmem:$0x1F6C0]  }
0x21f: {  	v3 =	vmul.f32 v16, v40;
	v19 =	vpop (erf);
	v40 =	vmul.f32 v10, v63;
	v63 =	vld [tilespmem:$0x1F6E0]  }
0x220: {  	v17 =	vadd.f32 v19, v17;
	v32 =	vmul.f32 v16, v43;
	v43 =	vmul.f32 v19, v4;
	v4 =	vld [tilespmem:$0x1F6F0]  }
0x221: {  	v33 =	vmul.f32 v16, v59;
	v59 =	vmul.f32 v19, v7;
	v7 =	vld [tilespmem:$0x1F850]  }
0x222: {  	v41 =	vmul.f32 v16, v37;
	v37 =	vadd.f32 v10, v17;
	v29 =	vadd.f32 v29, v61;
	v61 =	vld [tilespmem:s28+$0x81D0]  }
0x223: {  	v39 =	vmul.f32 v16, v58;
	v17 =	vld [tilespmem:s28+$0x8010]  }
0x224: {  	v58 =	vmul.f32 v16, v38;
	v38 =	vadd.f32 v16, v37;
	v37 =	vmul.f32 v19, v62;
	v62 =	vld [tilespmem:$0x1F7C0]  }
0x225: {  	v29 =	vadd.f32 v59, v29;
	v59 =	vld [tilespmem:s28+$0x81A0]  }
0x226: {  	[tilespmem:$0x1F600] =	vst v38;
	v30 =	vadd.f32 v30, v63;
	v47 =	vadd.f32 v47, v4;
	v38 =	vmul.f32 v19, v7;
	v63 =	vld [tilespmem:s28+$0x8190]  }
0x227: {  	v28 =	vadd.f32 v28, v60;
	v4 =	vld [tilespmem:$0x1F7D0]  }
0x228: {  	v30 =	vadd.f32 v37, v30;
	v37 =	vadd.f32 v38, v47;
	v38 =	vld [tilespmem:$0x1F7E0]  }
0x229: {  	v60 =	vld [tilespmem:s28+$0x81B0];
	v28 =	vadd.f32 v43, v28  }
0x22a: {  	v43 =	vmul.f32 v10, v62;
	v62 =	vld [tilespmem:s28+$0x81C0]  }
0x22b: {  	v22 =	vadd.f32 v22, v28;
	v28 =	vadd.f32 v40, v29;
	v40 =	vld [tilespmem:$0x1F7F0]  }
0x22c: {  	v30 =	vadd.f32 v43, v30;
	v43 =	vld [tilespmem:$0x1F860]  }
0x22d: {  	v29 =	vmul.f32 v10, v38;
	v38 =	vld [tilespmem:$0x1F700]  }
0x22e: {  	v7 =	vmul.f32 v10, v4;
	v4 =	vadd.f32 v39, v28;
	v39 =	vld [tilespmem:$0x1F710]  }
0x22f: {  	v47 =	vadd.f32 v36, v22;
	v36 =	vadd.f32 v41, v30;
	v41 =	vld [tilespmem:$0x1F880]  }
0x230: {  	v37 =	vadd.f32 v7, v37;
	v7 =	vld [tilespmem:$0x1F870]  }
0x231: {  	[tilespmem:$0x1F6C0] =	vst v47;
	v47 =	vld [tilespmem:s28+$0x81E0]  }
0x232: {  	v28 =	vadd.f32 v49, v38;
	v49 =	vld [tilespmem:$0x1F720]  }
0x233: {  	[tilespmem:$0x1F6D0] =	vst v4;
	v4 =	vld [tilespmem:$0x1F890]  }
0x234: {  	v37 =	vadd.f32 v56, v37;
	v56 =	vld [tilespmem:s28+$0x81F0]  }
0x235: {  	v30 =	vadd.f32 v51, v39;
	v51 =	vld [tilespmem:s28+$0x8100]  }
0x236: {  	[tilespmem:$0x1F6E0] =	vst v36;
	v36 =	vmul.f32 v19, v41;
	v41 =	vld [tilespmem:s28+$0x8150]  }
0x237: {  	[tilespmem:$0x1F6F0] =	vst v37;
	v37 =	vadd.f32 v52, v49;
	v52 =	vld [tilespmem:$0x1F730]  }
0x238: {  	v22 =	vmul.f32 v19, v7;
	v49 =	vld [tilespmem:$0x1F800]  }
0x239: {  	v43 =	vmul.f32 v19, v43;
	v7 =	vmul.f32 v19, v4;
	v4 =	vld [tilespmem:$0x1F820]  }
0x23a: {  	v40 =	vmul.f32 v10, v40;
	v22 =	vadd.f32 v22, v30;
	v36 =	vadd.f32 v36, v37;
	v37 =	vld [tilespmem:s28+$0x8160]  }
0x23b: {  	v28 =	vadd.f32 v43, v28;
	v43 =	vld [tilespmem:s28+$0x8120]  }
0x23c: {  	v22 =	vadd.f32 v40, v22;
	v40 =	vld [tilespmem:s28+$0x8140];
	v39 =	vadd.f32 v54, v52  }
0x23d: {  	v52 =	vld [tilespmem:s28+$0x8110];
	v30 =	vmul.f32 v10, v49  }
0x23e: {  	v28 =	vadd.f32 v29, v28;
	v49 =	vld [tilespmem:s28+$0x8130];
	v54 =	vadd.f32 v7, v39;
	v7 =	vmul.f32 v10, v4  }
0x23f: {  	v1 =	vmov v44;
	v29 =	vadd.f32 v30, v36;
	[tilespmem:$0x1F800] =	vst v37;
	v44 =	vmov v37;
	v37 =	vld [tilespmem:$0x1F920]  }
0x240: {  	v4 =	vadd.f32 v23, v28;
	v30 =	vadd.f32 v7, v54;
	v54 =	vld [tilespmem:$0x1F8E0]  }
0x241: {  	v38 =	vadd.f32 v58, v29;
	v58 =	vld [tilespmem:s28+$0x8170]  }
0x242: {  	[tilespmem:$0x1F700] =	vst v4;
	v7 =	vadd.f32 v57, v22;
	v4 =	vld [tilespmem:$0x1F750]  }
0x243: {  	v29 =	vld [tilespmem:s28+$0x8080]  }
0x244: {  	[tilespmem:$0x1F710] =	vst v7;
	v7 =	vld [tilespmem:$0x1F760]  }
0x245: {  	v39 =	vadd.f32 v3, v30;
	v30 =	vld [tilespmem:s28+$0x8090]  }
0x246: {  	[tilespmem:$0x1F720] =	vst v38;
	v38 =	vld [tilespmem:s28+$0x80A0]  }
0x247: {  	[tilespmem:$0x1F730] =	vst v39;
	v39 =	vld [tilespmem:$0x1F930]  }
0x248: {  	v20 =	vmul.f32 v10, v21;
	v21 =	vmul.f32 v10, v54;
	v54 =	vld [tilespmem:$0x1F740]  }
0x249: {  	v23 =	vadd.f32 v34, v4;
	v34 =	vld [tilespmem:$0x1F770]  }
0x24a: {  	v4 =	vld [tilespmem:$0x1FA70]  }
0x24b: {  	v36 =	vmul.f32 v19, v11;
	v22 =	vmul.f32 v19, v25;
	v25 =	vadd.f32 v42, v7;
	v7 =	vld [tilespmem:$0x1FA90]  }
0x24c: {  	v11 =	vmul.f32 v10, v15;
	v15 =	vmul.f32 v10, v39;
	v39 =	vld [tilespmem:$0x1F950]  }
0x24d: {  	v57 =	vadd.f32 v55, v54;
	v54 =	vld [tilespmem:s28+$0x80D0]  }
0x24e: {  	p0 =	por !p0, !p0;
	s0 =	simm.s32 $0x1;
	v28 =	vadd.f32 v50, v34;
	v34 =	vld [tilespmem:$0x1F940]  }
0x24f: {  	s0 =	simm.s32 @!p0 $0x0;
	v24 =	vmul.f32 v19, v24;
	v3 =	vadd.f32 v36, v57;
	v36 =	vld [tilespmem:$0x1F910]  }
0x250: {  	s0 =	sshll.u32 s0, $0x9;
	v22 =	vadd.f32 v22, v23;
	v57 =	vld [tilespmem:s28+$0x80B0]  }
0x251: {  	s29 =	sadd.s32 s0, s26;
	v23 =	vadd.f32 v24, v25;
	v9 =	vadd.f32 v6, v7;
	v6 =	vld [tilespmem:$0x1FCE0]  }
0x252: {  	s31 =	sor.u32 $0x440, s29;
	v3 =	vadd.f32 v20, v3;
	v20 =	vadd.f32 v21, v22;
	v22 =	vld [tilespmem:s28+$0x80C0]  }
0x253: {  	v11 =	vadd.f32 v11, v23;
	v2 =	vmul.f32 v10, v39;
	v39 =	vld [tilespmem:s31+$0x8000]  }
0x254: {  	v21 =	vmul.f32 v19, v46;
	v42 =	vadd.f32 v53, v3;
	v46 =	vadd.f32 v35, v20;
	v35 =	vld [tilespmem:s28+$0x80E0]  }
0x255: {  	v26 =	vmul.f32 v19, v26;
	v53 =	vadd.f32 v32, v11;
	v11 =	vadd.f32 v5, v4;
	v5 =	vld [tilespmem:$0x1FA80]  }
0x256: {  	v13 =	vmul.f32 v10, v37;
	v32 =	vld [tilespmem:$0x1FAA0]  }
0x257: {  	s30 =	sor.u32 $0x430, s29;
	v24 =	vadd.f32 v26, v28;
	v12 =	vmul.f32 v10, v36;
	v36 =	vmul.f32 v10, v34;
	v10 =	vld [tilespmem:$0x1FD60]  }
0x258: {  	[tilespmem:$0x1F5E0] =	vst v0;
	v34 =	vld [tilespmem:s30+$0x8000]  }
0x259: {  	[tilespmem:$0x1F5F0] =	vst v61;
	v11 =	vadd.f32 v21, v11;
	v21 =	vld [tilespmem:s28+$0x8020];
	v12 =	vadd.f32 v12, v24  }
0x25a: {  	[tilespmem:$0x1F740] =	vst v42;
	v42 =	vld [tilespmem:$0x1F8F0]  }
0x25b: {  	[tilespmem:$0x1F680] =	vst v17;
	v55 =	vadd.f32 v33, v12;
	v33 =	vld [tilespmem:s28+$0x8000]  }
0x25c: {  	[tilespmem:$0x1F6A0] =	vst v59;
	v12 =	vmul.f32 v19, v45;
	v45 =	vld [tilespmem:$0x1F900]  }
0x25d: {  	[tilespmem:$0x1F6B0] =	vst v63;
	v4 =	vadd.f32 v14, v5;
	v5 =	vld [tilespmem:$0x1FCC0]  }
0x25e: {  	[tilespmem:$0x1F620] =	vst v60;
	v7 =	vadd.f32 v8, v32;
	v8 =	vld [tilespmem:$0x1FD20]  }
0x25f: {  	[tilespmem:$0x1F770] =	vst v55;
	v55 =	vld [tilespmem:s28+$0x80F0]  }
0x260: {  	[tilespmem:$0x1F690] =	vst v62;
	v14 =	vmul.f32 v19, v1;
	v37 =	vadd.f32 v12, v9;
	v12 =	vld [tilespmem:s28+$0x8030]  }
0x261: {  	[tilespmem:$0x1F780] =	vst v47;
	v50 =	vmul.f32 v19, v31;
	v9 =	vadd.f32 v13, v11;
	v11 =	vld [tilespmem:s28+$0x8040]  }
0x262: {  	[tilespmem:$0x1F790] =	vst v51;
	v7 =	vadd.f32 v14, v7;
	v14 =	vld [tilespmem:s28+$0x8050]  }
0x263: {  	[tilespmem:$0x1F7F0] =	vst v41;
	v3 =	vadd.f32 v50, v4;
	v4 =	vld [tilespmem:$0x1FCA0]  }
0x264: {  	[tilespmem:$0x1F7C0] =	vst v43;
	v50 =	vld [tilespmem:s28+$0x8060]  }
0x265: {  	[tilespmem:$0x1F7E0] =	vst v40;
	v0 =	vmul.f32 v16, v42;
	v42 =	vld [tilespmem:s28+$0x8070];
	s28 =	sor.u32 $0x420, s29  }
0x266: {  	[tilespmem:$0x1F7B0] =	vst v52;
	v19 =	vld [tilespmem:s28+$0x8000]  }
0x267: {  	s0 =	sor.u32 $0x400, s29;
	[tilespmem:$0x1F7D0] =	vst v49;
	v2 =	vadd.f32 v2, v7;
	v7 =	vld [tilespmem:$0x1FD00]  }
0x268: {  	[tilespmem:$0x1F810] =	vst v29;
	v1 =	vadd.f32 v36, v37;
	v37 =	vld [tilespmem:s0+$0x8000]  }
0x269: {  	s1 =	sor.u32 $0x410, s29;
	[tilespmem:$0x1F760] =	vst v53;
	v53 =	vadd.f32 v27, v9;
	v9 =	vld [tilespmem:$0x1FD40]  }
0x26a: {  	[tilespmem:$0x1F840] =	vst v38;
	v28 =	vmul.f32 v29, v48;
	s28 =	sor.u32 $0x460, s29;
	v36 =	vld [tilespmem:s1+$0x8000]  }
0x26b: {  	v23 =	vmul.f32 v49, v6;
	s30 =	sor.u32 $0x470, s29;
	[tilespmem:$0x1F750] =	vst v46;
	v29 =	vmul.f32 v58, v10;
	v32 =	vld [tilespmem:s28+$0x8000]  }
0x26c: {  	v46 =	vmul.f32 v16, v45;
	v16 =	vmul.f32 v43, v5;
	[tilespmem:$0x1FA70] =	vst v53;
	v53 =	vld [tilespmem:s30+$0x8000]  }
0x26d: {  	[tilespmem:$0x1F630] =	vst v12;
	v20 =	vmul.f32 v52, v4;
	v52 =	vmul.f32 v12, v6;
	v12 =	vld [tilespmem:$0x1FEA0]  }
0x26e: {  	[tilespmem:$0x1F870] =	vst v54;
	v13 =	vmul.f32 v51, v48;
	v0 =	vadd.f32 v0, v1;
	v23 =	vadd.f32 v23, v16;
	v16 =	vld [tilespmem:$0x1FEE0]  }
0x26f: {  	[tilespmem:$0x1F850] =	vst v57;
	s1 =	sor.u32 $0x450, s29;
	v31 =	vmul.f32 v38, v5;
	v49 =	vmul.f32 v17, v4;
	v17 =	vld [tilespmem:$0x1FEF0]  }
0x270: {  	v3 =	vadd.f32 v15, v3;
	v38 =	vmul.f32 v57, v6;
	[tilespmem:$0x1FA90] =	vst v0;
	v0 =	vld [tilespmem:s1+$0x8000];
	v26 =	vmul.f32 v44, v9  }
0x271: {  	[tilespmem:$0x1F640] =	vst v11;
	v44 =	vmul.f32 v54, v8;
	v54 =	vmul.f32 v11, v7;
	v11 =	vld [tilespmem:$0x1FE90]  }
0x272: {  	v3 =	vadd.f32 v18, v3;
	[tilespmem:$0x1F660] =	vst v14;
	s1 =	sadd.s32 $0x180, s29;
	v18 =	vmul.f32 v47, v9;
	v57 =	vadd.f32 v20, v13;
	v13 =	vld [tilespmem:$0x1FEB0]  }
0x273: {  	[tilespmem:$0x1F890] =	vst v55;
	s31 =	sor.u32 $0x400, s1;
	v47 =	vmul.f32 v55, v10;
	v55 =	vmul.f32 v14, v8;
	v14 =	vld [tilespmem:$0x1FEC0]  }
0x274: {  	[tilespmem:$0x1F830] =	vst v30;
	v15 =	vmul.f32 v56, v10;
	v24 =	vmul.f32 v40, v7;
	s28 =	sor.u32 $0x410, s1;
	v40 =	vld [tilespmem:s31+$0x8000]  }
0x275: {  	v25 =	vmul.f32 v41, v8;
	[tilespmem:$0x1FA80] =	vst v3;
	v3 =	vmul.f32 v59, v5;
	v59 =	vadd.f32 v46, v2;
	s30 =	sor.u32 $0x420, s1;
	v43 =	vld [tilespmem:s28+$0x8000]  }
0x276: {  	[tilespmem:$0x1F650] =	vst v33;
	v30 =	vmul.f32 v30, v4;
	v46 =	vmul.f32 v33, v48;
	v33 =	vld [tilespmem:s30+$0x8000]  }
0x277: {  	[tilespmem:$0x1FAA0] =	vst v59;
	v59 =	vmul.f32 v60, v6;
	v60 =	vmul.f32 v61, v8;
	s31 =	sor.u32 $0x430, s1;
	v61 =	vld [tilespmem:$0x1F5E0]  }
0x278: {  	[tilespmem:$0x1F820] =	vst v58;
	v51 =	vmul.f32 v21, v5;
	v63 =	vmul.f32 v63, v4;
	v31 =	vadd.f32 v38, v31;
	s28 =	sor.u32 $0x440, s1;
	v48 =	vld [tilespmem:s31+$0x8000]  }
0x279: {  	[tilespmem:$0x1F670] =	vst v21;
	v62 =	vmul.f32 v62, v7;
	v41 =	vmul.f32 v22, v7;
	v28 =	vadd.f32 v30, v28;
	s30 =	sor.u32 $0x450, s1;
	v21 =	vld [tilespmem:s28+$0x8000]  }
0x27a: {  	[tilespmem:$0x1F860] =	vst v22;
	v45 =	vmul.f32 v35, v9;
	v22 =	vld [tilespmem:s30+$0x8000];
	v58 =	vadd.f32 v15, v18;
	v7 =	vadd.f32 v25, v24  }
0x27b: {  	v4 =	vmul.f32 v42, v10;
	v26 =	vadd.f32 v29, v26;
	v15 =	vld [tilespmem:$0x1FED0];
	v41 =	vadd.f32 v44, v41  }
0x27c: {  	v2 =	vmul.f32 v50, v9;
	s31 =	sor.u32 $0x460, s1;
	v18 =	vld [tilespmem:$0x1FF10];
	v44 =	vadd.f32 v47, v45;
	v45 =	vadd.f32 v49, v46  }
0x27d: {  	s28 =	sadd.s32 $0x100, s29;
	s1 =	sor.u32 $0x470, s1;
	v46 =	vadd.f32 v52, v51;
	v54 =	vadd.f32 v55, v54;
	v5 =	vld [tilespmem:s31+$0x8000]  }
0x27e: {  	v4 =	vadd.f32 v4, v2;
	v23 =	vadd.f32 v23, v57;
	s30 =	sor.u32 $0x400, s28;
	v1 =	vld [tilespmem:s1+$0x8000]  }
0x27f: {  	[tilespmem:$0x1F880] =	vst v35;
	v28 =	vadd.f32 v31, v28;
	v3 =	vadd.f32 v59, v3;
	s31 =	sor.u32 $0x410, s28;
	v35 =	vld [tilespmem:s30+$0x8000]  }
0x280: {  	[tilespmem:$0x1F7A0] =	vst v56;
	v56 =	vadd.f32 v60, v62;
	v59 =	vmul.f32 v36, v12;
	s1 =	sor.u32 $0x420, s28;
	v62 =	vmul.f32 v32, v17;
	v6 =	vld [tilespmem:s31+$0x8000]  }
0x281: {  	v20 =	vld [tilespmem:s1+$0x8000];
	s30 =	sor.u32 $0x430, s28;
	v7 =	vadd.f32 v26, v7;
	v41 =	vadd.f32 v44, v41;
	v9 =	vmul.f32 v37, v11  }
0x282: {  	s31 =	sor.u32 $0x440, s28;
	v4 =	vadd.f32 v4, v54;
	v29 =	vmul.f32 v19, v13;
	v60 =	vmul.f32 v34, v14;
	v8 =	vld [tilespmem:s30+$0x8000]  }
0x283: {  	s1 =	sor.u32 $0x450, s28;
	v24 =	vld [tilespmem:s31+$0x8000];
	v27 =	vadd.f32 v63, v61;
	v61 =	vmul.f32 v0, v16;
	v47 =	vmul.f32 v40, v11  }
0x284: {  	s30 =	sor.u32 $0x460, s28;
	v56 =	vadd.f32 v58, v56;
	v38 =	vmul.f32 v43, v12;
	[tilespmem:$0x1F8A0] =	vst v33;
	v49 =	vmul.f32 v33, v13;
	v33 =	vld [tilespmem:s1+$0x8000]  }
0x285: {  	s31 =	sor.u32 $0x470, s28;
	v58 =	vadd.f32 v46, v45;
	s1 =	sadd.s32 $0x80, s29;
	v10 =	vld [tilespmem:s30+$0x8000];
	v30 =	vmul.f32 v39, v15;
	v63 =	vmul.f32 v53, v18;
	[tilespmem:$0x1F8B0] =	vst v48  }
0x286: {  	v7 =	vadd.f32 v7, v23;
	v48 =	vmul.f32 v48, v14;
	[tilespmem:$0x1F8C0] =	vst v21;
	v51 =	vmul.f32 v21, v15;
	s29 =	sor.u32 $0x400, s1;
	v21 =	vld [tilespmem:s31+$0x8000]  }
0x287: {  	[tilespmem:$0x1F8D0] =	vst v22;
	v52 =	vmul.f32 v22, v16;
	v22 =	vmovc v40;
	v40 =	vmov v0;
	s30 =	sor.u32 $0x410, s1;
	v9 =	vadd.f32 v59, v9;
	v0 =	vld [tilespmem:s29+$0x8000]  }
0x288: {  	s28 =	sor.u32 $0x430, s1;
	v29 =	vadd.f32 v60, v29;
	v4 =	vadd.f32 v4, v58;
	[tilespmem:$0x1F8F0] =	vst v5;
	v55 =	vmul.f32 v5, v17;
	v25 =	vld [tilespmem:s30+$0x8000]  }
0x289: {  	[tilespmem:$0x1F900] =	vst v1;
	v1 =	vmul.f32 v1, v18;
	v3 =	vadd.f32 v3, v27;
	v26 =	vld [tilespmem:s28+$0x8000];
	s29 =	sor.u32 $0x440, s1;
	v2 =	vmul.f32 v35, v11  }
0x28a: {  	s30 =	sor.u32 $0x450, s1;
	[tilespmem:$0x1F8E0] =	vst v6;
	v5 =	vmul.f32 v6, v12;
	v46 =	vld [tilespmem:s29+$0x8000];
	v30 =	vadd.f32 v61, v30;
	v60 =	vadd.f32 v63, v62  }
0x28b: {  	s31 =	sor.u32 $0x420, s1;
	v6 =	vmul.f32 v20, v13;
	v31 =	vld [tilespmem:s30+$0x8000];
	v48 =	vadd.f32 v48, v49;
	v49 =	vadd.f32 v52, v51;
	[tilespmem:$0x1F910] =	vst v8  }
0x28c: {  	s28 =	sor.u32 $0x470, s1;
	v9 =	vadd.f32 v29, v9;
	v8 =	vmul.f32 v8, v14;
	[tilespmem:$0x1F920] =	vst v24;
	v27 =	vmul.f32 v24, v15;
	v24 =	vld [tilespmem:s31+$0x8000]  }
0x28d: {  	v44 =	vld [tilespmem:s28+$0x8000];
	s31 =	sor.u32 $0x460, s1;
	v1 =	vadd.f32 v1, v55;
	v3 =	vadd.f32 v56, v3;
	v57 =	vmul.f32 v33, v16  }
0x28e: {  	[tilespmem:$0x1F940] =	vst v10;
	v10 =	vmul.f32 v10, v17;
	v45 =	vld [tilespmem:s31+$0x8000];
	v2 =	vadd.f32 v5, v2;
	v54 =	vmul.f32 v21, v18  }
0x28f: {  	v6 =	vadd.f32 v8, v6;
	v59 =	vmul.f32 v0, v11;
	v61 =	vmul.f32 v25, v12  }
0x290: {  	v51 =	vmul.f32 v26, v14;
	v8 =	vadd.f32 v57, v27;
	v27 =	vadd.f32 v60, v30  }
0x291: {  	v11 =	vmovc v0;
	v0 =	vadd.f32 v38, v47;
	v5 =	vmul.f32 v46, v15;
	v47 =	vmul.f32 v24, v13  }
0x292: {  	v29 =	vmul.f32 v31, v16;
	v10 =	vadd.f32 v54, v10;
	v9 =	vadd.f32 v27, v9  }
0x293: {  	v27 =	vmul.f32 v44, v18;
	v30 =	vmul.f32 v45, v17;
	v47 =	vadd.f32 v51, v47;
	v51 =	vld [tilespmem:$0x1FFD0]  }
0x294: {  	v62 =	vadd.f32 v61, v59;
	v5 =	vadd.f32 v29, v5  }
0x295: {  	v4 =	vadd.f32 v9, v4;
	v9 =	vadd.f32 v27, v30  }
0x296: {  	v1 =	vadd.f32 v1, v49;
	v49 =	vadd.f32 v10, v8  }
0x297: {  	v52 =	vld [tilespmem:$0x1FFE0];
	v10 =	vadd.f32 v47, v62;
	v5 =	vadd.f32 v9, v5  }
0x298: {  	s24 =	sadd.s32 $0x4, s24;
	v2 =	vadd.f32 v6, v2;
	v0 =	vadd.f32 v48, v0;
	v23 =	vperm.xlane v4, v51  }
0x299: {  	s29 =	sadd.s32 $0xFFFFFFFD, s24;
	v9 =	vadd.f32 v41, v28;
	v5 =	vadd.f32 v5, v10  }
0x29a: {  	v58 =	vld [tilespmem:$0x1F6B0];
	v0 =	vadd.f32 v1, v0;
	v27 =	vmov s29;
	v4 =	vadd.f32 v4, v23  }
0x29b: {  	v2 =	vadd.f32 v49, v2;
	v8 =	vand.u32 $0xFFFFFFFC, v27;
	v27 =	vld [tilespmem:$0x1FFC0];
	v56 =	vadd.f32 v5, v9  }
0x29c: {  	v63 =	vld [tilespmem:$0x1F5F0];
	[tilespmem:$0x1F930] =	vst v33;
	v0 =	vadd.f32 v0, v3;
	v55 =	vperm.xlane v4, v52  }
0x29d: {  	v33 =	vmovc v19;
	v19 =	vmovc v37;
	v37 =	vld [tilespmem:$0x1F6A0];
	v8 =	vbroadcast v8, $0x0;
	v2 =	vadd.f32 v2, v7;
	v10 =	vperm.xlane v56, v51  }
0x29e: {  	[tilespmem:$0x1F950] =	vst v21;
	v21 =	vmovc v35;
	v35 =	vmov v34;
	v34 =	vld [tilespmem:$0x1F680];
	v61 =	vperm.xlane v0, v51;
	v1 =	vadd.f32 v4, v55  }
0x29f: {  	v7 =	vperm.xlane v2, v51;
	v3 =	vadd.f32 v56, v10;
	v56 =	vld [tilespmem:$0x1FFF0]  }
0x2a0: {  	s30 =	sadd.s32 $0xFFFFFFFF, s24;
	v57 =	vld [tilespmem:$0x1F610];
	v0 =	vadd.f32 v0, v61;
	v41 =	vperm.xlane v1, v27  }
0x2a1: {  	s31 =	sadd.s32 $0xFFFFFFFE, s24;
	v60 =	vld [tilespmem:$0x1F620];
	v62 =	vmov s24;
	v9 =	vmov s30;
	v2 =	vadd.f32 v2, v7  }
0x2a2: {  	v12 =	vld [tilespmem:$0x1F640];
	v23 =	vmov s31;
	v55 =	vperm.xlane v0, v52;
	v1 =	vadd.f32 v1, v41  }
0x2a3: {  	v38 =	vmovc v32;
	v32 =	vmovc v36;
	v54 =	vand.u32 $0xFFFFFFFE, v9;
	v9 =	vand.u32 $0xFFFFFFFD, v23;
	v47 =	vld.idx.msk [tilespmem:v8+s17+$0x0], $0xffff;
	v10 =	vperm.xlane v2, v52  }
0x2a4: {  	v36 =	vmovc v50;
	v50 =	vld [tilespmem:$0x1F660];
	v23 =	vperm.xlane v3, v52;
	v0 =	vadd.f32 v0, v55;
	v8 =	vperm.xlane v1, v56  }
0x2a5: {  	v15 =	vmovc v20;
	v16 =	vld [tilespmem:$0x1F630];
	v6 =	vbroadcast v54, $0x0;
	v9 =	vbroadcast v9, $0x0;
	v2 =	vadd.f32 v2, v10  }
0x2a6: {  	v20 =	vmovc v42;
	v42 =	vld [tilespmem:$0x1F670];
	v3 =	vadd.f32 v3, v23;
	v7 =	vperm.xlane v0, v27;
	v1 =	vadd.f32 v1, v8  }
0x2a7: {  	p1 =	sne.s32 s26, $0x7C00;
	v13 =	vld [tilespmem:$0x1F600];
	v61 =	vperm.xlane v2, v27  }
.Ltmp1:
0x2a8: {  	v59 =	vld [tilespmem:$0x1F690];
	v0 =	vadd.f32 v0, v7;
	v8 =	vperm.xlane v3, v27;
	v1 =	vadd.f32 v1, v47;
	(pc) =	sbr.rel @p1 .LBB2_4-.Ltmp1, $4  }
0x2a9: {  	v17 =	vld [tilespmem:$0x1F650];
	v29 =	vadd.f32 v2, v61  }
0x2aa: {  	v27 =	vld.idx.msk [tilespmem:v62+s17+$0x0], $0xffff;
	v62 =	vperm.xlane v0, v56;
	v30 =	vadd.f32 v3, v8;
	v1 =	vmul.f32 $1.442695020e+00, v1  }
0x2ab: {  	v28 =	vld.idx.msk [tilespmem:v6+s17+$0x0], $0xffff;
	v41 =	vperm.xlane v29, v56  }
0x2ac: {  	s25 =	sadd.s32 $0x200, s25;
	s26 =	sadd.s32 $0x400, s26;
	v47 =	vld.idx.msk [tilespmem:v9+s17+$0x0], $0xffff;
	v23 =	vadd.f32 v0, v62;
	v49 =	vperm.xlane v30, v56;
	(erf) = vpow2.f32 v1  }
0x2ad: {  	_ = 	snop  }
0x2ae: {  	v0 =	vadd.f32 v29, v41  }
0x2af: {  	v2 =	vadd.f32 v23, v27  }
0x2b0: {  	v0 =	vadd.f32 v0, v28  }
0x2b1: {  	v2 =	vmul.f32 $1.442695020e+00, v2  }
0x2b2: {  	v0 =	vmul.f32 $1.442695020e+00, v0  }
0x2b3: {  	(erf) = vpow2.f32 v2  }
0x2b4: {  	(erf) = vpow2.f32 v0;
	_ =	sdelay $0x2  }
0x2b5: {  	v1 =	vadd.f32 v30, v49  }
0x2b6: {  	v0 =	vpop (erf)  }
0x2b7: {  	v1 =	vadd.f32 v1, v47;
	v7 =	vmul.f32 v0, v12;
	v12 =	vld [tilespmem:$0x1F7B0]  }
0x2b8: {  	v3 =	vld [tilespmem:$0x1F6C0]  }
0x2b9: {  	v1 =	vmul.f32 $1.442695020e+00, v1  }
0x2ba: {  	v9 =	vld [tilespmem:$0x1F6E0];
	v5 =	vpop (erf)  }
0x2bb: {  	(erf) = vpow2.f32 v1;
	v1 =	vmul.f32 v0, v17;
	v6 =	vpop (erf)  }
0x2bc: {  	v23 =	vmul.f32 v6, v12;
	v12 =	vld [tilespmem:$0x1F7C0]  }
0x2bd: {  	v4 =	vld [tilespmem:$0x1F6D0];
	v1 =	vadd.f32 v1, v3;
	v3 =	vmul.f32 v0, v42;
	_ =	sdelay $0x1  }
0x2be: {  	v3 =	vadd.f32 v3, v9;
	v9 =	vmul.f32 v0, v50;
	v50 =	vmov v11;
	v11 =	vld [tilespmem:$0x1F6F0]  }
0x2bf: {  	v2 =	vmul.f32 v0, v34  }
0x2c0: {  	v27 =	vmul.f32 v6, v12;
	v12 =	vld [tilespmem:$0x1F7D0]  }
0x2c1: {  	v2 =	vadd.f32 v2, v4;
	v4 =	vmul.f32 v0, v16;
	_ =	sdelay $0x1  }
0x2c2: {  	v4 =	vadd.f32 v4, v11;
	v11 =	vld [tilespmem:$0x1F830];
	_ =	sdelay $0x1  }
0x2c3: {  	v28 =	vmul.f32 v6, v12;
	v12 =	vld [tilespmem:$0x1F700];
	_ =	sdelay $0x1  }
0x2c4: {  	v8 =	vpop (erf)  }
0x2c5: {  	v16 =	vmul.f32 v8, v11;
	v11 =	vld [tilespmem:$0x1F840];
	_ =	sdelay $0x1  }
0x2c6: {  	v7 =	vadd.f32 v7, v12;
	v12 =	vld [tilespmem:$0x1F780];
	_ =	sdelay $0x2  }
0x2c7: {  	v17 =	vmul.f32 v8, v11;
	_ =	sdelay $0x1  }
0x2c8: {  	v3 =	vadd.f32 v17, v3;
	v17 =	vmul.f32 v0, v32;
	v32 =	vmul.f32 v5, v12;
	v12 =	vld [tilespmem:$0x1F710];
	_ =	sdelay $0x2  }
0x2c9: {  	v11 =	vld [tilespmem:$0x1F850];
	_ =	sdelay $0x1  }
0x2ca: {  	v9 =	vadd.f32 v9, v12;
	v12 =	vld [tilespmem:$0x1F7A0];
	_ =	sdelay $0x2  }
0x2cb: {  	v18 =	vmul.f32 v8, v11;
	_ =	sdelay $0x1  }
0x2cc: {  	v4 =	vadd.f32 v18, v4;
	v18 =	vmul.f32 v0, v33;
	v33 =	vmul.f32 v5, v12;
	v12 =	vld [tilespmem:$0x1F8A0];
	_ =	sdelay $0x4  }
0x2cd: {  	v55 =	vmul.f32 v5, v12;
	v12 =	vld [tilespmem:$0x1F720];
	_ =	sdelay $0x2  }
0x2ce: {  	v14 =	vmul.f32 v0, v36;
	_ =	sdelay $0x1  }
0x2cf: {  	v14 =	vadd.f32 v14, v12;
	v12 =	vld [tilespmem:$0x1F8B0];
	_ =	sdelay $0x4  }
0x2d0: {  	v56 =	vmul.f32 v5, v12;
	v12 =	vld [tilespmem:$0x1F8C0];
	_ =	sdelay $0x3  }
0x2d1: {  	v10 =	vld [tilespmem:$0x1F810]  }
0x2d2: {  	v4 =	vadd.f32 v28, v4;
	v28 =	vmul.f32 v5, v57;
	v57 =	vmul.f32 v5, v12;
	v12 =	vld [tilespmem:$0x1F7E0]  }
0x2d3: {  	v11 =	vld [tilespmem:$0x1F790];
	_ =	sdelay $0x2  }
0x2d4: {  	v10 =	vmul.f32 v8, v10  }
0x2d5: {  	v30 =	vmul.f32 v5, v58;
	v58 =	vmul.f32 v6, v12;
	v12 =	vld [tilespmem:$0x1F7F0]  }
0x2d6: {  	v1 =	vadd.f32 v10, v1;
	v11 =	vmul.f32 v6, v11;
	_ =	sdelay $0x1  }
0x2d7: {  	v1 =	vadd.f32 v11, v1;
	_ =	sdelay $0x1  }
0x2d8: {  	v1 =	vadd.f32 v28, v1;
	v28 =	vmul.f32 v5, v59;
	v59 =	vmul.f32 v6, v12;
	v12 =	vld [tilespmem:$0x1F730];
	_ =	sdelay $0x2  }
0x2d9: {  	v10 =	vmul.f32 v0, v20;
	_ =	sdelay $0x1  }
0x2da: {  	v10 =	vadd.f32 v10, v12;
	v12 =	vld [tilespmem:$0x1F860];
	_ =	sdelay $0x4  }
0x2db: {  	v48 =	vmul.f32 v5, v60;
	v60 =	vmul.f32 v8, v12;
	v12 =	vld [tilespmem:$0x1F870];
	_ =	sdelay $0x4  }
0x2dc: {  	v61 =	vmul.f32 v8, v12;
	v12 =	vld [tilespmem:$0x1F880];
	_ =	sdelay $0x4  }
0x2dd: {  	v4 =	vadd.f32 v48, v4;
	v48 =	vmul.f32 v8, v12;
	v12 =	vld [tilespmem:$0x1F890];
	_ =	sdelay $0x4  }
0x2de: {  	v62 =	vmul.f32 v8, v12;
	v12 =	vld [tilespmem:$0x1F800]  }
0x2df: {  	v2 =	vadd.f32 v16, v2;
	_ =	sdelay $0x1  }
0x2e0: {  	v2 =	vadd.f32 v23, v2;
	_ =	sdelay $0x1  }
0x2e1: {  	v2 =	vadd.f32 v30, v2;
	v30 =	vmul.f32 v5, v63;
	v63 =	vmul.f32 v6, v12;
	v12 =	vld [tilespmem:$0x1F820];
	_ =	sdelay $0x4  }
0x2e2: {  	v29 =	vmul.f32 v0, v38;
	v38 =	vmul.f32 v6, v12;
	v12 =	vld [tilespmem:$0x1F8E0];
	_ =	sdelay $0x4  }
0x2e3: {  	v49 =	vadd.f32 v0, v13;
	v13 =	vmul.f32 v6, v21;
	v21 =	vmul.f32 v6, v12;
	v12 =	vld [tilespmem:$0x1F740];
	_ =	sdelay $0x2  }
0x2e4: {  	v16 =	vmul.f32 v0, v19;
	_ =	sdelay $0x1  }
0x2e5: {  	v16 =	vadd.f32 v16, v12;
	v12 =	vld [tilespmem:$0x1F750];
	_ =	sdelay $0x4  }
0x2e6: {  	v34 =	vadd.f32 v8, v49;
	v17 =	vadd.f32 v17, v12;
	v12 =	vld [tilespmem:$0x1F760];
	_ =	sdelay $0x1  }
0x2e7: {  	v34 =	vadd.f32 v6, v34;
	_ =	sdelay $0x1  }
0x2e8: {  	v34 =	vadd.f32 v5, v34  }
0x2e9: {  	v18 =	vadd.f32 v18, v12;
	v12 =	vld [tilespmem:$0x1F770]  }
0x2ea: {  	vm0 =	veq.f32 v34, $0.0e+00  }
0x2eb: {  	v34 =	vsel vm0, $0x3F800000, v34  }
0x2ec: {  	(erf) = vrcp.f32 v34;
	v11 =	vmul.f32 v0, v35;
	_ =	sdelay $0x1  }
0x2ed: {  	v19 =	vadd.f32 v11, v12;
	v12 =	vld [tilespmem:$0x1F910]  }
0x2ee: {  	v26 =	vmul.f32 v8, v26;
	_ =	sdelay $0x1  }
0x2ef: {  	v19 =	vadd.f32 v26, v19  }
0x2f0: {  	v47 =	vmul.f32 v5, v37;
	v25 =	vmul.f32 v8, v25  }
0x2f1: {  	v54 =	vmul.f32 v5, v43;
	v7 =	vadd.f32 v60, v7;
	v12 =	vmul.f32 v6, v12  }
0x2f2: {  	v43 =	vmul.f32 v8, v50;
	v3 =	vadd.f32 v27, v3;
	v17 =	vadd.f32 v25, v17  }
0x2f3: {  	v24 =	vmul.f32 v8, v24;
	v7 =	vadd.f32 v58, v7;
	v12 =	vadd.f32 v12, v19;
	v19 =	vpop (erf)  }
0x2f4: {  	v9 =	vadd.f32 v61, v9;
	v17 =	vadd.f32 v21, v17;
	v21 =	vld [tilespmem:$0x1FA70];
	v2 =	vmul.f32 v19, v2  }
0x2f5: {  	v3 =	vadd.f32 v47, v3;
	v14 =	vadd.f32 v48, v14;
	v11 =	vmul.f32 v6, v15;
	v15 =	vld [tilespmem:$0x1F8D0]  }
0x2f6: {  	v7 =	vadd.f32 v28, v7;
	v9 =	vadd.f32 v59, v9;
	[tilespmem:$0x10210] =	vst v2;
	v2 =	vmul.f32 v4, v19;
	v4 =	vld [tilespmem:$0x1FAA0]  }
0x2f7: {  	v23 =	vmul.f32 v0, v39;
	v14 =	vadd.f32 v63, v14;
	v16 =	vadd.f32 v43, v16  }
0x2f8: {  	v27 =	vmul.f32 v0, v40;
	v9 =	vadd.f32 v30, v9;
	v10 =	vadd.f32 v62, v10  }
0x2f9: {  	v0 =	vmul.f32 v0, v53;
	v14 =	vadd.f32 v32, v14;
	v16 =	vadd.f32 v13, v16;
	v13 =	vld [tilespmem:$0x1F920]  }
0x2fa: {  	v53 =	vmul.f32 v5, v22;
	v10 =	vadd.f32 v38, v10;
	v21 =	vadd.f32 v23, v21;
	v23 =	vld [tilespmem:$0x1FA80]  }
0x2fb: {  	v22 =	vmul.f32 v5, v15;
	v15 =	vld [tilespmem:$0x1F930];
	v0 =	vadd.f32 v0, v4;
	v4 =	vmul.f32 v8, v44  }
0x2fc: {  	v18 =	vadd.f32 v24, v18;
	v1 =	vmul.f32 v19, v1;
	[tilespmem:$0x10230] =	vst v2;
	v2 =	vmul.f32 v9, v19;
	v9 =	vld [tilespmem:$0x1F940]  }
0x2fd: {  	v10 =	vadd.f32 v33, v10;
	v0 =	vadd.f32 v4, v0;
	v4 =	vld [tilespmem:$0x1F950]  }
0x2fe: {  	v24 =	vld [tilespmem:$0x1FA90];
	v11 =	vadd.f32 v11, v18;
	v18 =	vmul.f32 v8, v46;
	[tilespmem:$0x10200] =	vst v1;
	v1 =	vmul.f32 v19, v3  }
0x2ff: {  	v20 =	vmul.f32 v8, v31;
	v16 =	vadd.f32 v53, v16;
	v23 =	vadd.f32 v27, v23  }
0x300: {  	v13 =	vmul.f32 v6, v13;
	[tilespmem:$0x10220] =	vst v1;
	v1 =	vmul.f32 v7, v19;
	v7 =	vadd.f32 v18, v21  }
0x301: {  	v15 =	vmul.f32 v6, v15;
	v3 =	vmul.f32 v8, v45;
	v8 =	vadd.f32 v20, v23  }
0x302: {  	v9 =	vmul.f32 v6, v9;
	v4 =	vmul.f32 v6, v4;
	v6 =	vadd.f32 v13, v7  }
0x303: {  	v24 =	vadd.f32 v29, v24;
	v7 =	vadd.f32 v15, v8;
	v8 =	vld [tilespmem:$0x1F8F0]  }
0x304: {  	[tilespmem:$0x10240] =	vst v1;
	v1 =	vmul.f32 v14, v19;
	v0 =	vadd.f32 v4, v0;
	v4 =	vadd.f32 v57, v6;
	v6 =	vld [tilespmem:$0x1F900]  }
0x305: {  	v17 =	vadd.f32 v54, v17;
	[tilespmem:$0x10250] =	vst v2;
	v2 =	vmul.f32 v10, v19  }
0x306: {  	v11 =	vadd.f32 v55, v11;
	v3 =	vadd.f32 v3, v24;
	[tilespmem:$0x10260] =	vst v1;
	v1 =	vmul.f32 v16, v19  }
0x307: {  	v12 =	vadd.f32 v56, v12;
	[tilespmem:$0x10270] =	vst v2;
	v2 =	vmul.f32 v17, v19  }
0x308: {  	[tilespmem:$0x10280] =	vst v1;
	v1 =	vmul.f32 v11, v19;
	v3 =	vadd.f32 v9, v3;
	v8 =	vmul.f32 v5, v8  }
0x309: {  	[tilespmem:$0x10290] =	vst v2;
	v2 =	vmul.f32 v12, v19;
	v5 =	vmul.f32 v5, v6;
	v6 =	vadd.f32 v22, v7  }
0x30a: {  	[tilespmem:$0x102A0] =	vst v1;
	v1 =	vmul.f32 v4, v19;
	v3 =	vadd.f32 v8, v3  }
0x30b: {  	[tilespmem:$0x102B0] =	vst v2;
	v0 =	vadd.f32 v5, v0;
	v2 =	vmul.f32 v6, v19  }
0x30c: {  	[tilespmem:$0x102C0] =	vst v1;
	v1 =	vmul.f32 v3, v19  }
0x30d: {  	[tilespmem:$0x102D0] =	vst v2;
	v0 =	vmul.f32 v0, v19  }
0x30e: {  	[tilespmem:$0x102E0] =	vst v1  }
0x30f: {  	s24 =	simm.s32 $0x3;
	[tilespmem:$0x102F0] =	vst v0  }
0x310: {  	[hbm4b:s7+s14] =	stream.strided.scatter [tilespmem:s21], [sflag:$0x3], $0x100, s15, s14, $0x38;
	[tilespmem:$0x10300] =	vst v63  }
0x311: {  	_ =	swait.ge [sflag:s24], $0x100  }
0x312: {  	[sflag:s24] =	ssyncset.done $0x0  }
0x313: {  	[sflag:s24] =	ssyncadd.s32 $0xFFFFFF00  }
0x314: {  	[tilespmem:s16], [sflag:$0x3] =	stream.strided.gather [hbm4b:s8+s14], $0x100, s15, s14, $0x38;
	[tilespmem:$0x10300] =	vst v63  }
0x315: {  	_ =	swait.ge [sflag:s24], $0x100  }
0x316: {  	[sflag:s24] =	ssyncset.done $0x0  }
0x317: {  	[sflag:s24] =	ssyncadd.s32 $0xFFFFFF00  }
0x318: {  	[tilespmem:s17], [sflag:$0x3] =	stream.strided.gather [hbm4b:s9+s14], $0x100, s15, s14, $0x38;
	[tilespmem:$0x10300] =	vst v63  }
0x319: {  	_ =	swait.ge [sflag:s24], $0x100  }
0x31a: {  	[sflag:s24] =	ssyncset.done $0x0  }
0x31b: {  	s25 =	simm.s32 $0x0;
	[sflag:s24] =	ssyncadd.s32 $0xFFFFFF00  }
0x31c: {  	[tilespmem:s25], [sflag:$0x1] =	stream.linear.gather [hbm4b:s10+s25], $0x8000, $0x38;
	[tilespmem:$0x10300] =	vst v63  }
0x31d: {  	_ = 	snop  }
0x31e: {  	[tilespmem:s18], [sflag:$0x2] =	stream.linear.gather [hbm4b:s11+s25], $0x8000, $0x38;
	[tilespmem:$0x10300] =	vst v63  }
0x31f: {  	_ =	swait.ge [sflag:s19], $0x8000  }
0x320: {  	[sflag:s19] =	ssyncset.done $0x0  }
0x321: {  	[sflag:s19] =	ssyncadd.s32 $0xFFFF8000  }
0x322: {  	v0 =	vld [tilespmem:$0x10000]  }
0x323: {  	v22 =	vld [tilespmem:$0x10010]  }
0x324: {  	v26 =	vld [tilespmem:$0x10020]  }
0x325: {  	v27 =	vld [tilespmem:$0x10030]  }
0x326: {  	v28 =	vld [tilespmem:$0x10040]  }
0x327: {  	v29 =	vld [tilespmem:$0x10050]  }
0x328: {  	v30 =	vld [tilespmem:$0x10060]  }
0x329: {  	v31 =	vld [tilespmem:$0x10070]  }
0x32a: {  	v32 =	vld [tilespmem:$0x10080]  }
0x32b: {  	v33 =	vld [tilespmem:$0x10090]  }
0x32c: {  	v34 =	vld [tilespmem:$0x100A0]  }
0x32d: {  	v36 =	vld [tilespmem:$0x100B0]  }
0x32e: {  	s0 =	sand.u32 $0x7800, s25;
	s1 =	sand.u32 $0x200, s25;
	v46 =	vld [tilespmem:$0x100C0]  }
0x32f: {  	s1 =	sor.u32 s1, s0;
	v47 =	vld [tilespmem:$0x100D0]  }
0x330: {  	v59 =	vld [tilespmem:s1+$0x0]  }
0x331: {  	v2 =	vld [tilespmem:s1+$0x10]  }
0x332: {  	v3 =	vld [tilespmem:s1+$0x20]  }
0x333: {  	v4 =	vld [tilespmem:s1+$0x30]  }
0x334: {  	v58 =	vld [tilespmem:s1+$0x40]  }
0x335: {  	s26 =	simm.s32 $0x180;
	v62 =	vld [tilespmem:s1+$0x50]  }
0x336: {  	s26 =	sand.u32 $0x380, s26;
	v7 =	vld [tilespmem:s1+$0x60]  }
0x337: {  	s30 =	sor.u32 s26, s0;
	v8 =	vld [tilespmem:s1+$0x70]  }
0x338: {  	v60 =	vld [tilespmem:s30+$0x0]  }
0x339: {  	v57 =	vld [tilespmem:s30+$0x10]  }
0x33a: {  	v12 =	vld [tilespmem:s30+$0x20]  }
0x33b: {  	v14 =	vld [tilespmem:s30+$0x30]  }
0x33c: {  	v49 =	vld [tilespmem:s30+$0x40]  }
0x33d: {  	s31 =	simm.s32 $0x100;
	v16 =	vld [tilespmem:s30+$0x50]  }
0x33e: {  	s26 =	sand.u32 $0x300, s31;
	v15 =	vld [tilespmem:s30+$0x60]  }
0x33f: {  	s26 =	sor.u32 s26, s0;
	v18 =	vld [tilespmem:s30+$0x70]  }
0x340: {  	v37 =	vld [tilespmem:s26+$0x0]  }
0x341: {  	v38 =	vld [tilespmem:s26+$0x10]  }
0x342: {  	v35 =	vld [tilespmem:s26+$0x20]  }
0x343: {  	v23 =	vld [tilespmem:s26+$0x30]  }
0x344: {  	v19 =	vld [tilespmem:s26+$0x40]  }
0x345: {  	s30 =	simm.s32 $0x80;
	v21 =	vld [tilespmem:s26+$0x50]  }
0x346: {  	v25 =	vld [tilespmem:s26+$0x60];
	s1 =	sand.u32 $0x280, s30  }
0x347: {  	v24 =	vld [tilespmem:s26+$0x70];
	s0 =	sor.u32 s1, s0;
	[tilespmem:$0x1F1B0] =	vst v2  }
0x348: {  	v44 =	vld [tilespmem:s0+$0x0];
	[tilespmem:$0x1F1C0] =	vst v3  }
0x349: {  	v50 =	vld [tilespmem:s0+$0x10];
	[tilespmem:$0x1F1D0] =	vst v4  }
0x34a: {  	v45 =	vld [tilespmem:s0+$0x20];
	[tilespmem:$0x1F1E0] =	vst v7  }
0x34b: {  	p0 =	por $0x0, $0x0;
	s1 =	simm.s32 $0x1;
	v43 =	vld [tilespmem:s0+$0x30];
	v1 =	vmul.f32 v59, v0;
	[tilespmem:$0x1F1F0] =	vst v8  }
0x34c: {  	s1 =	simm.s32 @!p0 $0x0;
	v42 =	vld [tilespmem:s0+$0x40];
	v2 =	vmul.f32 v2, v22;
	v3 =	vmul.f32 v3, v26;
	[tilespmem:$0x1F200] =	vst v12  }
0x34d: {  	v40 =	vld [tilespmem:s0+$0x50];
	s1 =	sshll.u32 s1, $0x9;
	v4 =	vmul.f32 v4, v27;
	v5 =	vmul.f32 v58, v28;
	[tilespmem:$0x1F210] =	vst v14  }
0x34e: {  	v41 =	vld [tilespmem:s0+$0x60];
	s1 =	sadd.s32 $0x0, s1;
	v6 =	vmul.f32 v62, v29;
	v7 =	vmul.f32 v7, v30;
	[tilespmem:$0x1F220] =	vst v16  }
0x34f: {  	v39 =	vld [tilespmem:s0+$0x70];
	v8 =	vmul.f32 v8, v31;
	v9 =	vmul.f32 v60, v0;
	[tilespmem:$0x1F230] =	vst v15;
	s31 =	sor.u32 $0x400, s1  }
0x350: {  	v11 =	vmul.f32 v57, v22;
	v13 =	vmul.f32 v12, v26;
	[tilespmem:$0x1F240] =	vst v18;
	s30 =	sor.u32 $0x410, s1;
	v10 =	vld [tilespmem:s31+$0x0]  }
0x351: {  	v14 =	vmul.f32 v14, v27;
	[tilespmem:$0x1F290] =	vst v19;
	v19 =	vmul.f32 v19, v28;
	s26 =	sor.u32 $0x430, s1;
	v48 =	vld [tilespmem:s30+$0x0]  }
0x352: {  	[tilespmem:$0x1F2A0] =	vst v21;
	v21 =	vmul.f32 v21, v29;
	s31 =	sor.u32 $0x420, s1;
	v20 =	vld [tilespmem:s26+$0x0];
	v56 =	vadd.f32 v2, v1;
	v1 =	vadd.f32 v4, v3  }
0x353: {  	[tilespmem:$0x1F250] =	vst v37;
	v4 =	vadd.f32 v6, v5;
	v6 =	vmul.f32 v16, v29;
	v13 =	vadd.f32 v14, v13;
	v17 =	vld [tilespmem:s31+$0x0]  }
0x354: {  	[tilespmem:$0x1F2D0] =	vst v0;
	v14 =	vmul.f32 v37, v0;
	v21 =	vadd.f32 v21, v19;
	s31 =	sor.u32 $0x440, s1;
	v19 =	vmul.f32 v44, v0;
	v0 =	vld [tilespmem:$0x100F0]  }
0x355: {  	[tilespmem:$0x1F260] =	vst v38;
	s30 =	sand.u32 $0x7, s25;
	v2 =	vmul.f32 v49, v28;
	v55 =	vld [tilespmem:s31+$0x0];
	s31 =	sor.u32 $0x460, s1  }
0x356: {  	[tilespmem:$0x1F270] =	vst v35;
	v8 =	vadd.f32 v8, v7;
	v5 =	vadd.f32 v11, v9;
	v7 =	vmul.f32 v15, v30;
	s26 =	sshll.u32 s30, $0x7;
	v61 =	vld [tilespmem:s31+$0x0]  }
0x357: {  	[tilespmem:$0x1F280] =	vst v23;
	v9 =	vmul.f32 v18, v31;
	s30 =	sor.u32 $0x450, s1;
	s26 =	sadd.s32 $0x0, s26;
	v2 =	vadd.f32 v6, v2;
	v6 =	vmovc v10;
	v10 =	vmov v48;
	v48 =	vld [tilespmem:$0x100E0]  }
0x358: {  	[tilespmem:$0x1F2B0] =	vst v25;
	v12 =	vmov v17;
	v17 =	vld [tilespmem:s30+$0x0];
	s30 =	sor.u32 $0x470, s1;
	s1 =	sadd.s32 $0x180, s26  }
0x359: {  	[tilespmem:$0x1F2C0] =	vst v24;
	v18 =	vmul.f32 v23, v27;
	v16 =	vadd.f32 v9, v7;
	v7 =	vmul.f32 v35, v26;
	v3 =	vld [tilespmem:s30+$0x0];
	s31 =	sor.u32 $0x400, s1  }
0x35a: {  	[tilespmem:$0x1F2F0] =	vst v22;
	v15 =	vmul.f32 v38, v22;
	s28 =	sor.u32 $0x410, s1;
	v53 =	vld [tilespmem:s31+$0x0]  }
0x35b: {  	[tilespmem:$0x1F330] =	vst v27;
	v23 =	vadd.f32 v18, v7;
	v7 =	vmul.f32 v25, v30;
	v18 =	vmul.f32 v24, v31;
	s30 =	sor.u32 $0x420, s1;
	v63 =	vld [tilespmem:s28+$0x0]  }
0x35c: {  	[tilespmem:$0x1F350] =	vst v28;
	v15 =	vadd.f32 v15, v14;
	v24 =	vmul.f32 v50, v22;
	s28 =	sor.u32 $0x430, s1;
	v11 =	vld [tilespmem:s30+$0x0]  }
0x35d: {  	[tilespmem:$0x1F370] =	vst v29;
	v9 =	vadd.f32 v1, v56;
	v25 =	vadd.f32 v18, v7;
	v7 =	vmul.f32 v45, v26;
	s31 =	sor.u32 $0x440, s1;
	s30 =	sand.u32 $0x3, s25;
	v14 =	vld [tilespmem:s28+$0x0]  }
0x35e: {  	[tilespmem:$0x1F390] =	vst v30;
	v18 =	vmul.f32 v43, v27;
	v24 =	vadd.f32 v24, v19;
	v19 =	vmul.f32 v42, v28;
	v54 =	vld [tilespmem:s31+$0x0];
	s28 =	sor.u32 $0x450, s1;
	s0 =	sshll.u32 s30, $0x8  }
0x35f: {  	[tilespmem:$0x1F320] =	vst v45;
	v27 =	vmovc v20;
	v28 =	vmul.f32 v40, v29;
	v45 =	vmul.f32 v10, v33;
	v20 =	vmov v55;
	v55 =	vld [tilespmem:s28+$0x0];
	s0 =	sadd.s32 $0x0, s0;
	s28 =	sor.u32 $0x460, s1  }
0x360: {  	[tilespmem:$0x1F3B0] =	vst v31;
	v29 =	vadd.f32 v18, v7;
	v7 =	vmul.f32 v41, v30;
	v18 =	vmul.f32 v39, v31;
	s1 =	sor.u32 $0x470, s1;
	s0 =	sadd.s32 $0x100, s0;
	v30 =	vld [tilespmem:s28+$0x0]  }
0x361: {  	[tilespmem:$0x1F360] =	vst v42;
	v42 =	vadd.f32 v8, v4;
	v38 =	vmul.f32 v12, v34;
	v28 =	vadd.f32 v28, v19;
	v22 =	vld [tilespmem:s1+$0x0];
	s28 =	sor.u32 $0x400, s0  }
0x362: {  	[tilespmem:$0x1F3C0] =	vst v39;
	v31 =	vmul.f32 v6, v32;
	v39 =	vmul.f32 v27, v36;
	v37 =	vadd.f32 v18, v7;
	s31 =	sor.u32 $0x410, s0;
	v18 =	vld [tilespmem:s28+$0x0]  }
0x363: {  	[tilespmem:$0x1F300] =	vst v50;
	v1 =	vmul.f32 v20, v46;
	v19 =	vadd.f32 v13, v5;
	v50 =	vmul.f32 v17, v47;
	s1 =	sadd.s32 $0x80, s26;
	s30 =	sor.u32 $0x430, s0;
	v7 =	vld [tilespmem:s31+$0x0]  }
0x364: {  	[tilespmem:$0x1F3E0] =	vst v61;
	v31 =	vadd.f32 v45, v31;
	v56 =	vmul.f32 v61, v48;
	v61 =	vadd.f32 v39, v38;
	s26 =	sor.u32 $0x400, s1;
	v8 =	vld [tilespmem:s30+$0x0]  }
0x365: {  	[tilespmem:$0x1F380] =	vst v40;
	v24 =	vadd.f32 v29, v24;
	v45 =	vmul.f32 v3, v0;
	s28 =	sor.u32 $0x420, s0;
	v40 =	vadd.f32 v50, v1;
	v38 =	vld [tilespmem:s26+$0x0]  }
0x366: {  	[tilespmem:$0x1F310] =	vst v26;
	s31 =	sor.u32 $0x450, s0;
	v1 =	vadd.f32 v16, v2;
	v16 =	vadd.f32 v25, v21;
	v21 =	vmul.f32 v11, v34;
	v26 =	vld [tilespmem:s28+$0x0]  }
0x367: {  	[tilespmem:$0x1F3D0] =	vst v17;
	s28 =	sor.u32 $0x440, s0;
	v35 =	vadd.f32 v45, v56;
	v56 =	vadd.f32 v23, v15;
	v5 =	vld [tilespmem:s31+$0x0];
	v23 =	vmul.f32 v14, v36  }
0x368: {  	[tilespmem:$0x1F3F0] =	vst v3;
	v28 =	vadd.f32 v37, v28;
	v31 =	vadd.f32 v61, v31;
	v15 =	vmul.f32 v63, v33;
	v17 =	vld [tilespmem:s28+$0x0];
	s28 =	sor.u32 $0x460, s0  }
0x369: {  	s30 =	sor.u32 $0x410, s1;
	[tilespmem:$0x1F540] =	vst v1;
	v1 =	vmul.f32 v53, v32;
	v25 =	vmul.f32 v55, v47;
	v3 =	vld [tilespmem:s28+$0x0];
	v21 =	vadd.f32 v23, v21  }
0x36a: {  	[tilespmem:$0x1F340] =	vst v43;
	v43 =	vld [tilespmem:s30+$0x0];
	s0 =	sor.u32 $0x470, s0;
	v23 =	vmul.f32 v30, v48;
	v50 =	vmul.f32 v22, v0;
	v35 =	vadd.f32 v35, v40  }
0x36b: {  	[tilespmem:$0x1F2E0] =	vst v44;
	s31 =	sor.u32 $0x420, s1;
	v4 =	vld [tilespmem:s0+$0x0];
	v15 =	vadd.f32 v15, v1;
	v1 =	vmul.f32 v54, v46;
	v29 =	vmul.f32 v7, v33  }
0x36c: {  	[tilespmem:$0x1F400] =	vst v53;
	s30 =	sor.u32 $0x430, s1;
	v39 =	vld [tilespmem:s31+$0x0];
	v23 =	vadd.f32 v50, v23;
	v53 =	vmul.f32 v8, v36;
	v37 =	vmul.f32 v26, v34  }
0x36d: {  	[tilespmem:$0x1F410] =	vst v63;
	s31 =	sor.u32 $0x440, s1;
	v44 =	vld [tilespmem:s30+$0x0];
	v25 =	vadd.f32 v25, v1;
	v2 =	vmul.f32 v5, v47;
	v63 =	vmul.f32 v17, v46  }
0x36e: {  	s30 =	sor.u32 $0x450, s1;
	v50 =	vld [tilespmem:s31+$0x0];
	s31 =	sor.u32 $0x460, s1;
	s1 =	sor.u32 $0x470, s1;
	v1 =	vmul.f32 v18, v32;
	v37 =	vadd.f32 v53, v37;
	v53 =	vmul.f32 v3, v48  }
0x36f: {  	v45 =	vld [tilespmem:s1+$0x0];
	[tilespmem:$0x1F490] =	vst v3;
	v3 =	vmul.f32 v38, v32;
	v13 =	vadd.f32 v2, v63;
	v2 =	vmul.f32 v43, v33  }
0x370: {  	[tilespmem:$0x1F420] =	vst v11;
	v24 =	vadd.f32 v28, v24;
	v29 =	vadd.f32 v29, v1;
	v1 =	vld [tilespmem:s30+$0x0];
	v11 =	vmul.f32 v4, v0  }
0x371: {  	v31 =	vadd.f32 v35, v31;
	[tilespmem:$0x1F4A0] =	vst v4;
	v4 =	vld [tilespmem:s31+$0x0];
	v2 =	vadd.f32 v2, v3  }
0x372: {  	[tilespmem:$0x1F4E0] =	vst v36;
	v3 =	vadd.f32 v11, v53;
	v11 =	vadd.f32 v42, v9  }
0x373: {  	[tilespmem:$0x1F4F0] =	vst v46;
	v16 =	vadd.f32 v16, v56;
	v15 =	vadd.f32 v21, v15;
	v36 =	vmul.f32 v44, v36  }
0x374: {  	[tilespmem:$0x1F500] =	vst v47;
	v63 =	vmul.f32 v39, v34;
	v46 =	vmul.f32 v50, v46;
	v11 =	vadd.f32 v31, v11  }
0x375: {  	[tilespmem:$0x1F530] =	vst v0;
	v23 =	vadd.f32 v23, v25;
	v53 =	vmul.f32 v45, v0;
	v47 =	vmul.f32 v1, v47  }
0x376: {  	[tilespmem:$0x1F510] =	vst v48;
	v25 =	vadd.f32 v37, v29;
	v0 =	vld [tilespmem:$0x1F540];
	v48 =	vmul.f32 v4, v48;
	v21 =	vperm.xlane v11, v51  }
0x377: {  	v40 =	vadd.f32 v36, v63;
	v35 =	vadd.f32 v47, v46  }
0x378: {  	v31 =	vadd.f32 v53, v48;
	v11 =	vadd.f32 v11, v21  }
0x379: {  	[tilespmem:$0x1F440] =	vst v22;
	v22 =	vld [tilespmem:$0x1FFC0];
	v15 =	vadd.f32 v23, v15;
	v3 =	vadd.f32 v3, v13  }
0x37a: {  	s26 =	simm.s32 $0x0;
	v2 =	vadd.f32 v40, v2;
	v13 =	vadd.f32 v31, v35;
	v23 =	vperm.xlane v11, v52  }
0x37b: {  	v3 =	vadd.f32 v3, v25;
	v61 =	vadd.f32 v0, v19;
	v21 =	vmov s26  }
0x37c: {  	v21 =	vand.u32 $0xFFFFFFFC, v21;
	v2 =	vadd.f32 v13, v2;
	v11 =	vadd.f32 v11, v23  }
0x37d: {  	v0 =	vld [tilespmem:$0x1FFF0];
	v21 =	vbroadcast v21, $0x0;
	v13 =	vadd.f32 v15, v61  }
0x37e: {  	v3 =	vadd.f32 v3, v16;
	v2 =	vadd.f32 v2, v24;
	v15 =	vperm.xlane v11, v22  }
0x37f: {  	v16 =	vperm.xlane v13, v51  }
0x380: {  	v23 =	vperm.xlane v3, v51;
	v11 =	vadd.f32 v11, v15;
	v15 =	vperm.xlane v2, v51  }
0x381: {  	v13 =	vadd.f32 v13, v16  }
0x382: {  	v3 =	vadd.f32 v3, v23;
	v2 =	vadd.f32 v2, v15;
	v15 =	vperm.xlane v11, v0  }
0x383: {  	[tilespmem:$0x1F4B0] =	vst v32;
	v16 =	vld.idx.msk [tilespmem:v21+s17+$0x0], $0xffff;
	v21 =	vperm.xlane v13, v52  }
0x384: {  	[tilespmem:$0x1F4C0] =	vst v33;
	v23 =	vperm.xlane v3, v52;
	v11 =	vadd.f32 v11, v15;
	v15 =	vperm.xlane v2, v52  }
0x385: {  	[tilespmem:$0x1F4D0] =	vst v34;
	v13 =	vadd.f32 v13, v21  }
0x386: {  	[tilespmem:$0x1F3A0] =	vst v41;
	v3 =	vadd.f32 v3, v23;
	v2 =	vadd.f32 v2, v15  }
0x387: {  	[tilespmem:$0x1F430] =	vst v30;
	v15 =	vperm.xlane v13, v22  }
0x388: {  	[tilespmem:$0x1F450] =	vst v7;
	v11 =	vadd.f32 v11, v16;
	v16 =	vperm.xlane v3, v22;
	v23 =	vperm.xlane v2, v22  }
0x389: {  	[tilespmem:$0x1F460] =	vst v26;
	v13 =	vadd.f32 v13, v15  }
0x38a: {  	[tilespmem:$0x1F480] =	vst v5;
	s30 =	simm.s32 $0x2;
	s31 =	simm.s32 $0x1;
	v21 =	vmul.f32 $1.442695020e+00, v11;
	v11 =	vadd.f32 v3, v16;
	v23 =	vadd.f32 v2, v23  }
0x38b: {  	[tilespmem:$0x1F470] =	vst v17;
	v3 =	vmov s31;
	v2 =	vmov s30;
	v15 =	vperm.xlane v13, v0  }
0x38c: {  	[tilespmem:$0x1F520] =	vst v4;
	v28 =	vperm.xlane v11, v0;
	v40 =	vperm.xlane v23, v0;
	v0 =	vimm.f32 $0.0e+00  }
0x38d: {  	v16 =	vmov s24;
	v2 =	vand.u32 $0xFFFFFFFE, v2;
	[tilespmem:$0x1F550] =	vst v0;
	v0 =	vimm.f32 $0.0e+00  }
0x38e: {  	v63 =	vbroadcast v2, $0x0;
	v2 =	vand.u32 $0xFFFFFFFD, v3;
	[tilespmem:$0x1F560] =	vst v0;
	v0 =	vimm.f32 $0.0e+00  }
0x38f: {  	v2 =	vbroadcast v2, $0x0;
	[tilespmem:$0x1F570] =	vst v0;
	v0 =	vimm.f32 $0.0e+00  }
0x390: {  	[tilespmem:$0x1F580] =	vst v0;
	v0 =	vimm.f32 $0.0e+00  }
0x391: {  	v41 =	vimm.f32 $0.0e+00;
	[tilespmem:$0x1F590] =	vst v0;
	v0 =	vimm.f32 $0.0e+00  }
0x392: {  	v7 =	vimm.f32 $0.0e+00;
	v29 =	vimm.f32 $0.0e+00;
	[tilespmem:$0x1F5A0] =	vst v0;
	v0 =	vimm.f32 $0.0e+00  }
0x393: {  	v37 =	vimm.f32 $0.0e+00;
	v4 =	vimm.f32 $0.0e+00;
	v24 =	vld.idx.msk [tilespmem:v16+s17+$0x0], $0xffff;
	[tilespmem:$0x1F5B0] =	vst v0;
	v0 =	vimm.f32 $0.0e+00  }
0x394: {  	v35 =	vimm.f32 $0.0e+00;
	v31 =	vimm.f32 $0.0e+00;
	v61 =	vld.idx.msk [tilespmem:v63+s17+$0x0], $0xffff;
	[tilespmem:$0x1F5C0] =	vst v0;
	v0 =	vimm.f32 $0.0e+00  }
0x395: {  	s29 =	simm.s32 $0x0;
	s28 =	simm.s32 $0x0;
	s26 =	simm.s32 $0x400;
	(erf) = vpow2.f32 v21;
	v21 =	vimm.f32 $0.0e+00;
	v25 =	vadd.f32 v13, v15;
	v42 =	vld.idx.msk [tilespmem:v2+s17+$0x0], $0xffff;
	[tilespmem:$0x1F5D0] =	vst v0  }
.LBB2_6:
0x396: {  	_ =	sdelay $0x1  }
0x397: {  	v24 =	vadd.f32 v25, v24;
	_ =	sdelay $0x1  }
0x398: {  	v0 =	vld [tilespmem:$0x1F1B0];
	v24 =	vmul.f32 $1.442695020e+00, v24;
	_ =	sdelay $0x3  }
0x399: {  	(erf) = vpow2.f32 v24;
	v24 =	vpop (erf)  }
0x39a: {  	v30 =	vmul.f32 v24, v0;
	v0 =	vld [tilespmem:$0x1F1C0];
	_ =	sdelay $0x4  }
0x39b: {  	v33 =	vmul.f32 v24, v0;
	v0 =	vld [tilespmem:$0x1F1D0];
	_ =	sdelay $0x4  }
0x39c: {  	v34 =	vmul.f32 v24, v0;
	v0 =	vld [tilespmem:$0x1F1E0];
	_ =	sdelay $0x4  }
0x39d: {  	v13 =	vmul.f32 v24, v0;
	v0 =	vld [tilespmem:$0x1F1F0];
	_ =	sdelay $0x4  }
0x39e: {  	v15 =	vmul.f32 v24, v0;
	v0 =	vld [tilespmem:$0x1F3D0];
	_ =	sdelay $0x4  }
0x39f: {  	v11 =	vadd.f32 v11, v28;
	v28 =	vmul.f32 v24, v59;
	v59 =	vmul.f32 v24, v0;
	v0 =	vld [tilespmem:$0x1F3E0];
	_ =	sdelay $0x4  }
0x3a0: {  	v25 =	vmul.f32 v24, v6;
	v6 =	vmul.f32 v24, v0;
	v0 =	vld [tilespmem:$0x1F3F0];
	_ =	sdelay $0x4  }
0x3a1: {  	v0 =	vmul.f32 v24, v0;
	_ =	sdelay $0x1  }
0x3a2: {  	v11 =	vadd.f32 v11, v61;
	[tilespmem:$0x1F0A0] =	vst v0;
	v0 =	vld [tilespmem:$0x1F200];
	_ =	sdelay $0x1  }
0x3a3: {  	v11 =	vmul.f32 $1.442695020e+00, v11;
	_ =	sdelay $0x1  }
0x3a4: {  	(erf) = vpow2.f32 v11;
	v11 =	vmul.f32 v24, v10;
	v10 =	vpop (erf)  }
0x3a5: {  	v26 =	vmul.f32 v10, v0;
	v0 =	vld [tilespmem:$0x1F210];
	_ =	sdelay $0x1  }
0x3a6: {  	v23 =	vadd.f32 v23, v40;
	_ =	sdelay $0x1  }
0x3a7: {  	v23 =	vadd.f32 v23, v42;
	v42 =	vmul.f32 v24, v62  }
0x3a8: {  	v62 =	vmul.f32 v24, v27;
	v27 =	vmul.f32 v10, v0;
	v0 =	vld [tilespmem:$0x1F220];
	_ =	sdelay $0x2  }
0x3a9: {  	v23 =	vmul.f32 $1.442695020e+00, v23;
	_ =	sdelay $0x1  }
0x3aa: {  	(erf) = vpow2.f32 v23;
	v36 =	vmul.f32 v10, v0;
	v0 =	vld [tilespmem:$0x1F230];
	_ =	sdelay $0x3  }
0x3ab: {  	v2 =	vld [tilespmem:$0x1F400]  }
0x3ac: {  	v46 =	vmul.f32 v10, v0;
	v0 =	vld [tilespmem:$0x1F240];
	_ =	sdelay $0x2  }
0x3ad: {  	v61 =	vmul.f32 v24, v12;
	v23 =	vadd.f32 v24, v35;
	v12 =	vpop (erf)  }
0x3ae: {  	v32 =	vmul.f32 v10, v60;
	v60 =	vpop (erf)  }
0x3af: {  	v47 =	vmul.f32 v10, v0;
	v0 =	vadd.f32 v60, v23;
	v23 =	vmul.f32 v10, v2;
	v2 =	vld [tilespmem:$0x1F410];
	_ =	sdelay $0x3  }
0x3b0: {  	v40 =	vmul.f32 v24, v58  }
0x3b1: {  	v58 =	vmul.f32 v24, v20;
	v24 =	vmul.f32 v10, v2;
	v2 =	vld [tilespmem:$0x1F420];
	_ =	sdelay $0x4  }
0x3b2: {  	v9 =	vmul.f32 v10, v2;
	v2 =	vmul.f32 v10, v54;
	_ =	sdelay $0x1  }
0x3b3: {  	[tilespmem:$0x1F0B0] =	vst v2;
	v2 =	vmul.f32 v10, v55;
	_ =	sdelay $0x1  }
0x3b4: {  	[tilespmem:$0x1F0C0] =	vst v2;
	v2 =	vld [tilespmem:$0x1F250];
	_ =	sdelay $0x4  }
0x3b5: {  	v48 =	vmul.f32 v12, v2;
	v2 =	vld [tilespmem:$0x1F260];
	_ =	sdelay $0x4  }
0x3b6: {  	v16 =	vmul.f32 v10, v49;
	v49 =	vmul.f32 v12, v2;
	v2 =	vld [tilespmem:$0x1F2E0];
	_ =	sdelay $0x4  }
0x3b7: {  	v0 =	vadd.f32 v12, v0;
	v51 =	vmul.f32 v60, v2;
	v2 =	vld [tilespmem:$0x1F300];
	_ =	sdelay $0x1  }
0x3b8: {  	v0 =	vadd.f32 v10, v0;
	_ =	sdelay $0x1  }
0x3b9: {  	[tilespmem:$0x1F160] =	vst v0;
	v0 =	vadd.f32 v28, v4;
	v4 =	vld [tilespmem:$0x1F340]  }
0x3ba: {  	v63 =	vmul.f32 v60, v2;
	v2 =	vld [tilespmem:$0x1F320];
	_ =	sdelay $0x3  }
0x3bb: {  	v28 =	vadd.f32 v30, v29  }
0x3bc: {  	v29 =	vmul.f32 v60, v2;
	v2 =	vadd.f32 v34, v31;
	v31 =	vmul.f32 v60, v4;
	v4 =	vld [tilespmem:$0x1F270];
	_ =	sdelay $0x4  }
0x3bd: {  	v35 =	vmul.f32 v12, v4;
	v4 =	vld [tilespmem:$0x1F280];
	_ =	sdelay $0x2  }
0x3be: {  	v3 =	vadd.f32 v33, v21;
	_ =	sdelay $0x1  }
0x3bf: {  	v3 =	vadd.f32 v29, v3;
	v2 =	vadd.f32 v31, v2;
	v29 =	vmul.f32 v12, v4;
	_ =	sdelay $0x1  }
0x3c0: {  	v2 =	vadd.f32 v29, v2;
	_ =	sdelay $0x1  }
0x3c1: {  	v2 =	vadd.f32 v27, v2;
	_ =	sdelay $0x1  }
0x3c2: {  	[tilespmem:$0x1F0F0] =	vst v2;
	v2 =	vld [tilespmem:$0x1F550];
	_ =	sdelay $0x2  }
0x3c3: {  	v3 =	vadd.f32 v35, v3;
	_ =	sdelay $0x1  }
0x3c4: {  	v3 =	vadd.f32 v26, v3;
	v26 =	vadd.f32 v42, v2;
	v2 =	vld [tilespmem:$0x1F3A0];
	_ =	sdelay $0x4  }
0x3c5: {  	v27 =	vmul.f32 v60, v2;
	v2 =	vld [tilespmem:$0x1F560];
	_ =	sdelay $0x3  }
0x3c6: {  	v4 =	vld [tilespmem:$0x1F290]  }
0x3c7: {  	v13 =	vadd.f32 v13, v2;
	v2 =	vld [tilespmem:$0x1F3C0];
	_ =	sdelay $0x1  }
0x3c8: {  	v0 =	vadd.f32 v51, v0;
	_ =	sdelay $0x1  }
0x3c9: {  	v0 =	vadd.f32 v48, v0;
	v48 =	vmul.f32 v12, v4;
	v4 =	vld [tilespmem:$0x1F2A0]  }
0x3ca: {  	v21 =	vmul.f32 v60, v2;
	v2 =	vld [tilespmem:$0x1F2B0];
	_ =	sdelay $0x1  }
0x3cb: {  	v28 =	vadd.f32 v63, v28;
	_ =	sdelay $0x1  }
0x3cc: {  	v28 =	vadd.f32 v49, v28;
	v49 =	vmul.f32 v12, v4;
	v4 =	vld [tilespmem:$0x1F360]  }
0x3cd: {  	v22 =	vmul.f32 v10, v57;
	v57 =	vmul.f32 v12, v2;
	v2 =	vld [tilespmem:$0x1F2C0];
	_ =	sdelay $0x1  }
0x3ce: {  	v0 =	vadd.f32 v32, v0  }
0x3cf: {  	v15 =	vadd.f32 v15, v7  }
0x3d0: {  	[tilespmem:$0x1F100] =	vst v0;
	v0 =	vadd.f32 v22, v28;
	v22 =	vadd.f32 v40, v41;
	v53 =	vmul.f32 v60, v4  }
0x3d1: {  	v15 =	vadd.f32 v21, v15;
	v21 =	vmul.f32 v12, v2;
	v2 =	vld [tilespmem:$0x1F450]  }
0x3d2: {  	v28 =	vadd.f32 v53, v22;
	_ =	sdelay $0x1  }
0x3d3: {  	v28 =	vadd.f32 v48, v28;
	v13 =	vadd.f32 v27, v13;
	_ =	sdelay $0x1  }
0x3d4: {  	v13 =	vadd.f32 v57, v13;
	v19 =	vmul.f32 v12, v2;
	v2 =	vadd.f32 v16, v28;
	_ =	sdelay $0x1  }
0x3d5: {  	v15 =	vadd.f32 v21, v15;
	[tilespmem:$0x1F170] =	vst v2;
	v2 =	vadd.f32 v46, v13;
	_ =	sdelay $0x1  }
0x3d6: {  	[tilespmem:$0x1F560] =	vst v2;
	v2 =	vadd.f32 v47, v15;
	_ =	sdelay $0x1  }
0x3d7: {  	[tilespmem:$0x1F0D0] =	vst v2;
	v2 =	vld [tilespmem:$0x1F570];
	_ =	sdelay $0x4  }
0x3d8: {  	v11 =	vadd.f32 v11, v2;
	v2 =	vld [tilespmem:$0x1F580];
	_ =	sdelay $0x4  }
0x3d9: {  	v16 =	vadd.f32 v61, v2;
	v2 =	vld [tilespmem:$0x1F590];
	_ =	sdelay $0x2  }
0x3da: {  	s25 =	sadd.s32 $0x200, s25;
	[tilespmem:$0x1F180] =	vst v0;
	v0 =	vld [tilespmem:$0x1F380]  }
0x3db: {  	s30 =	sand.u32 $0x7800, s26;
	s0 =	sand.u32 $0x200, s25  }
0x3dc: {  	s0 =	sor.u32 s0, s30;
	v13 =	vadd.f32 v25, v37;
	v25 =	vadd.f32 v62, v2;
	v2 =	vld [tilespmem:$0x1F460]  }
0x3dd: {  	v56 =	vld [tilespmem:s0+$0x0]  }
0x3de: {  	v52 =	vld [tilespmem:s0+$0x20]  }
0x3df: {  	v5 =	vld [tilespmem:s0+$0x50];
	v0 =	vmul.f32 v60, v0  }
0x3e0: {  	v33 =	vld [tilespmem:s0+$0x60]  }
0x3e1: {  	v0 =	vadd.f32 v0, v26;
	v7 =	vmul.f32 v12, v2;
	v2 =	vld [tilespmem:$0x1F470]  }
0x3e2: {  	v54 =	vmov v45;
	v45 =	vld [tilespmem:s0+$0x40]  }
0x3e3: {  	v55 =	vld [tilespmem:s0+$0x30];
	v0 =	vadd.f32 v49, v0  }
0x3e4: {  	s1 =	sadd.s32 $0x180, s25;
	v38 =	vmul.f32 v60, v38;
	v51 =	vld [tilespmem:s0+$0x10]  }
0x3e5: {  	s1 =	sand.u32 $0x380, s1;
	v34 =	vld [tilespmem:s0+$0x70];
	v0 =	vadd.f32 v36, v0  }
0x3e6: {  	v18 =	vmul.f32 v12, v18;
	s0 =	sor.u32 s1, s30;
	v13 =	vadd.f32 v38, v13;
	v4 =	vmul.f32 v12, v2;
	v2 =	vld [tilespmem:$0x1F480]  }
0x3e7: {  	v63 =	vld [tilespmem:s0+$0x0];
	[tilespmem:$0x1F550] =	vst v0;
	v0 =	vmul.f32 v60, v43;
	v15 =	vmul.f32 v60, v39  }
0x3e8: {  	v20 =	vld [tilespmem:s0+$0x10];
	v13 =	vadd.f32 v18, v13  }
0x3e9: {  	v40 =	vld [tilespmem:s0+$0x20];
	v0 =	vadd.f32 v0, v11;
	v11 =	vadd.f32 v15, v16  }
0x3ea: {  	v41 =	vld [tilespmem:s0+$0x30]  }
0x3eb: {  	v17 =	vld [tilespmem:s0+$0x40];
	v7 =	vadd.f32 v7, v11;
	v11 =	vmul.f32 v12, v2;
	v2 =	vadd.f32 v23, v13  }
0x3ec: {  	v30 =	vld [tilespmem:s0+$0x60]  }
0x3ed: {  	s31 =	sadd.s32 $0x100, s25;
	[tilespmem:$0x1F140] =	vst v2;
	v2 =	vld [tilespmem:$0x1F5B0]  }
0x3ee: {  	s1 =	sand.u32 $0x300, s31;
	v32 =	vld [tilespmem:s0+$0x70];
	v0 =	vadd.f32 v19, v0  }
0x3ef: {  	s1 =	sor.u32 s1, s30;
	v31 =	vld [tilespmem:s0+$0x50]  }
0x3f0: {  	v35 =	vld [tilespmem:s1+$0x50];
	v0 =	vadd.f32 v24, v0  }
0x3f1: {  	[tilespmem:$0x1F1A0] =	vst v3;
	v3 =	vld [tilespmem:$0x1F0A0];
	v28 =	vmul.f32 v60, v44  }
0x3f2: {  	[tilespmem:$0x1F570] =	vst v0;
	v0 =	vmul.f32 v60, v1;
	v1 =	vadd.f32 v9, v7;
	v7 =	vadd.f32 v59, v2;
	v2 =	vld [tilespmem:$0x1F520]  }
0x3f3: {  	v8 =	vmul.f32 v12, v8;
	s31 =	sadd.s32 $0x80, s25;
	v29 =	vld [tilespmem:s1+$0x60];
	v15 =	vadd.f32 v28, v25  }
0x3f4: {  	s0 =	sand.u32 $0x280, s31;
	v42 =	vld [tilespmem:s1+$0x20]  }
0x3f5: {  	v14 =	vmul.f32 v10, v14;
	s0 =	sor.u32 s0, s30;
	v26 =	vld [tilespmem:s1+$0x70];
	v8 =	vadd.f32 v8, v15  }
0x3f6: {  	v53 =	vld [tilespmem:s0+$0x40]  }
0x3f7: {  	[tilespmem:$0x1F580] =	vst v1;
	v1 =	vadd.f32 v14, v8;
	v8 =	vmul.f32 v60, v2;
	v2 =	vld [tilespmem:$0x1F5C0]  }
0x3f8: {  	v22 =	vld [tilespmem:$0x1F390]  }
0x3f9: {  	v48 =	vld [tilespmem:s0+$0x0]  }
0x3fa: {  	v27 =	vld [tilespmem:$0x1F3B0]  }
0x3fb: {  	v21 =	vld [tilespmem:$0x1F370]  }
0x3fc: {  	v9 =	vadd.f32 v6, v2;
	v2 =	vld [tilespmem:$0x1F5D0]  }
0x3fd: {  	v44 =	vld [tilespmem:s1+$0x10]  }
0x3fe: {  	v46 =	vld [tilespmem:s1+$0x30]  }
0x3ff: {  	v39 =	vld [tilespmem:s1+$0x0]  }
0x400: {  	[tilespmem:$0x1F590] =	vst v1;
	v1 =	vld [tilespmem:$0x1F5A0]  }
0x401: {  	v13 =	vadd.f32 v3, v2;
	v2 =	vld [tilespmem:$0x1F490]  }
0x402: {  	v47 =	vld [tilespmem:s1+$0x40]  }
0x403: {  	v18 =	vld [tilespmem:$0x1F350]  }
0x404: {  	v61 =	vld [tilespmem:s0+$0x20]  }
0x405: {  	v15 =	vmul.f32 v60, v50;
	v1 =	vadd.f32 v58, v1;
	v3 =	vld [tilespmem:$0x1F0B0]  }
0x406: {  	v0 =	vadd.f32 v0, v7;
	v7 =	vmul.f32 v12, v2;
	v2 =	vld [tilespmem:$0x1F4A0]  }
0x407: {  	v62 =	vld [tilespmem:s0+$0x30];
	v1 =	vadd.f32 v15, v1  }
0x408: {  	[tilespmem:$0x1F220] =	vst v31;
	v28 =	vmul.f32 v31, v21;
	v31 =	vld [tilespmem:$0x1F4C0]  }
0x409: {  	v14 =	vmul.f32 v60, v54;
	v54 =	vld [tilespmem:$0x1F4B0];
	v1 =	vadd.f32 v4, v1  }
0x40a: {  	v60 =	vld [tilespmem:s0+$0x10]  }
0x40b: {  	v1 =	vadd.f32 v3, v1;
	v12 =	vmul.f32 v12, v2;
	v2 =	vld [tilespmem:$0x1F430]  }
0x40c: {  	[tilespmem:$0x1F130] =	vst v56;
	v3 =	vld [tilespmem:$0x1F2F0]  }
0x40d: {  	[tilespmem:$0x1F5A0] =	vst v1;
	v1 =	vld [tilespmem:$0x1F0C0]  }
0x40e: {  	p0 =	por !p0, !p0;
	[tilespmem:$0x1F0E0] =	vst v5;
	s1 =	simm.s32 $0x1;
	v59 =	vld [tilespmem:$0x1F510]  }
0x40f: {  	[tilespmem:$0x1F1C0] =	vst v52;
	s1 =	simm.s32 @!p0 $0x0;
	v8 =	vadd.f32 v8, v9;
	v9 =	vadd.f32 v14, v13;
	v14 =	vld [tilespmem:$0x1F330]  }
0x410: {  	[tilespmem:$0x1F120] =	vst v45;
	s1 =	sshll.u32 s1, $0x9;
	v0 =	vadd.f32 v11, v0;
	v4 =	vmul.f32 v10, v2;
	v2 =	vld [tilespmem:$0x1F440]  }
0x411: {  	[tilespmem:$0x1F1D0] =	vst v55;
	s1 =	sadd.s32 s1, s26;
	v6 =	vld [tilespmem:s0+$0x50]  }
0x412: {  	s30 =	sor.u32 $0x420, s1;
	[tilespmem:$0x1F300] =	vst v60;
	v49 =	vmul.f32 v60, v3;
	v60 =	vld [tilespmem:$0x1F530];
	v0 =	vadd.f32 v1, v0  }
0x413: {  	[tilespmem:$0x1F1B0] =	vst v51;
	v7 =	vadd.f32 v7, v8;
	v8 =	vadd.f32 v12, v9;
	v12 =	vld [tilespmem:s30+$0x0]  }
0x414: {  	s31 =	sor.u32 $0x400, s1;
	[tilespmem:$0x1F5B0] =	vst v0;
	v0 =	vmul.f32 v51, v3;
	v51 =	vld [tilespmem:s0+$0x60]  }
0x415: {  	[tilespmem:$0x1F1F0] =	vst v34;
	v1 =	vadd.f32 v4, v7;
	v4 =	vmul.f32 v55, v14;
	v55 =	vld [tilespmem:s31+$0x0];
	v9 =	vmul.f32 v10, v2  }
0x416: {  	[tilespmem:$0x1F110] =	vst v20;
	v36 =	vmul.f32 v30, v22;
	v38 =	vmul.f32 v32, v27;
	v2 =	vld [tilespmem:$0x1F2D0]  }
0x417: {  	v57 =	vmul.f32 v45, v18;
	v25 =	vmul.f32 v17, v18;
	s31 =	sor.u32 $0x410, s1;
	[tilespmem:$0x1F5C0] =	vst v1;
	v1 =	vadd.f32 v9, v8;
	v9 =	vld [tilespmem:$0x1F310]  }
0x418: {  	[tilespmem:$0x1F200] =	vst v40;
	v15 =	vmul.f32 v34, v27;
	v13 =	vmul.f32 v33, v22;
	v10 =	vld [tilespmem:s31+$0x0];
	s31 =	sor.u32 $0x430, s1  }
0x419: {  	[tilespmem:$0x1F210] =	vst v41;
	v24 =	vmul.f32 v41, v14;
	v19 =	vmul.f32 v20, v3;
	v20 =	vld [tilespmem:s31+$0x0]  }
0x41a: {  	[tilespmem:$0x1F270] =	vst v42;
	v43 =	vmul.f32 v46, v14;
	s31 =	sor.u32 $0x440, s1;
	v8 =	vmul.f32 v5, v21;
	v5 =	vld [tilespmem:s0+$0x70]  }
0x41b: {  	[tilespmem:$0x1F280] =	vst v46;
	v46 =	vmul.f32 v29, v22;
	v58 =	vld [tilespmem:s31+$0x0];
	s31 =	sor.u32 $0x450, s1;
	v11 =	vmul.f32 v56, v2  }
0x41c: {  	s28 =	sadd.s32 $0x4, s28;
	v41 =	vld [tilespmem:s31+$0x0];
	[tilespmem:$0x1F5D0] =	vst v1;
	v1 =	vmul.f32 v52, v9;
	v23 =	vmul.f32 v40, v9  }
0x41d: {  	[tilespmem:$0x1F260] =	vst v44;
	s30 =	sand.u32 $0x7, s28;
	v34 =	vadd.f32 v8, v57;
	v57 =	vld [tilespmem:$0x1F4F0];
	v40 =	vmul.f32 v44, v3;
	v42 =	vmul.f32 v42, v9  }
0x41e: {  	[tilespmem:$0x1F290] =	vst v47;
	s30 =	sshll.u32 s30, $0x7;
	s31 =	sor.u32 $0x460, s1;
	v56 =	vld [tilespmem:$0x1F4E0];
	v44 =	vmul.f32 v47, v18;
	v47 =	vmul.f32 v26, v27  }
0x41f: {  	[tilespmem:$0x1F150] =	vst v63;
	s30 =	sadd.s32 s26, s30;
	v52 =	vld [tilespmem:s31+$0x0];
	v50 =	vmul.f32 v61, v9;
	v0 =	vadd.f32 v0, v11;
	v11 =	vmul.f32 v51, v22  }
0x420: {  	[tilespmem:$0x1F360] =	vst v53;
	s31 =	sor.u32 $0x470, s1;
	s1 =	sadd.s32 $0x180, s30;
	v22 =	vmul.f32 v5, v27;
	v27 =	vmul.f32 v55, v54;
	v9 =	vmov v55;
	v55 =	vld [tilespmem:$0x1F4D0]  }
0x421: {  	[tilespmem:$0x1F2E0] =	vst v48;
	v7 =	vld [tilespmem:s31+$0x0];
	s31 =	sor.u32 $0x400, s1  }
0x422: {  	[tilespmem:$0x1F2B0] =	vst v29;
	v45 =	vmul.f32 v35, v21;
	v25 =	vadd.f32 v28, v25;
	s0 =	sor.u32 $0x430, s1;
	v29 =	vld [tilespmem:s31+$0x0]  }
0x423: {  	[tilespmem:$0x1F2C0] =	vst v26;
	v28 =	vadd.f32 v38, v36;
	v16 =	vmul.f32 v63, v2;
	v63 =	vmul.f32 v53, v18;
	v53 =	vld [tilespmem:s0+$0x0]  }
0x424: {  	v13 =	vadd.f32 v15, v13;
	[tilespmem:$0x1F190] =	vst v58;
	v26 =	vmul.f32 v6, v21;
	s31 =	sor.u32 $0x410, s1;
	v21 =	vmul.f32 v58, v57;
	v58 =	vld [tilespmem:$0x1F500]  }
0x425: {  	s29 =	sadd.s32 $0x2, s29;
	[tilespmem:$0x1F250] =	vst v39;
	v25 =	vadd.f32 v28, v25;
	v39 =	vmul.f32 v39, v2;
	v48 =	vmul.f32 v48, v2;
	v3 =	vld [tilespmem:s31+$0x0];
	s31 =	sor.u32 $0x420, s1  }
0x426: {  	[tilespmem:$0x1F320] =	vst v61;
	v13 =	vadd.f32 v13, v34;
	v61 =	vmul.f32 v62, v14;
	v16 =	vadd.f32 v19, v16;
	s0 =	sor.u32 $0x440, s1;
	v14 =	vld [tilespmem:s31+$0x0];
	s31 =	sand.u32 $0x3, s29  }
0x427: {  	[tilespmem:$0x1F340] =	vst v62;
	v48 =	vadd.f32 v49, v48;
	v1 =	vadd.f32 v4, v1;
	v62 =	vld [tilespmem:s0+$0x0];
	s0 =	sor.u32 $0x450, s1;
	s31 =	sshll.u32 s31, $0x8  }
0x428: {  	[tilespmem:$0x1F380] =	vst v6;
	v23 =	vadd.f32 v24, v23;
	v36 =	vadd.f32 v40, v39;
	v6 =	vld [tilespmem:s0+$0x0];
	s0 =	sor.u32 $0x460, s1;
	s31 =	sadd.s32 s26, s31  }
0x429: {  	[tilespmem:$0x1F1E0] =	vst v33;
	v40 =	vadd.f32 v43, v42;
	v45 =	vadd.f32 v45, v44;
	v4 =	vld [tilespmem:s0+$0x0];
	s0 =	sor.u32 $0x470, s1;
	s31 =	sadd.s32 $0x100, s31  }
0x42a: {  	[tilespmem:$0x1F240] =	vst v32;
	v32 =	vmul.f32 v10, v31;
	v46 =	vadd.f32 v47, v46;
	v61 =	vadd.f32 v61, v50;
	v2 =	vld [tilespmem:s0+$0x0];
	s1 =	sor.u32 $0x400, s31  }
0x42b: {  	[tilespmem:$0x1F230] =	vst v30;
	v26 =	vadd.f32 v26, v63;
	v11 =	vadd.f32 v22, v11;
	s0 =	sor.u32 $0x460, s31;
	v18 =	vld [tilespmem:s1+$0x0]  }
0x42c: {  	[tilespmem:$0x1F2A0] =	vst v35;
	v27 =	vadd.f32 v32, v27;
	v33 =	vmul.f32 v20, v56;
	v0 =	vadd.f32 v1, v0;
	s1 =	sor.u32 $0x410, s31;
	v63 =	vld [tilespmem:s0+$0x0]  }
0x42d: {  	[tilespmem:$0x1F3A0] =	vst v51;
	v16 =	vadd.f32 v23, v16;
	v34 =	vadd.f32 v40, v36;
	v30 =	vmul.f32 v12, v55;
	v19 =	vld [tilespmem:s1+$0x0];
	s1 =	sor.u32 $0x420, s31  }
0x42e: {  	[tilespmem:$0x1F3C0] =	vst v5;
	v11 =	vadd.f32 v11, v26;
	v15 =	vmul.f32 v52, v59;
	v24 =	vmul.f32 v7, v60;
	v8 =	vld [tilespmem:s1+$0x0];
	s1 =	sor.u32 $0x430, s31  }
0x42f: {  	v0 =	vadd.f32 v13, v0;
	v16 =	vadd.f32 v25, v16;
	[tilespmem:$0x1F400] =	vst v29;
	v42 =	vmul.f32 v29, v54;
	v29 =	vld [tilespmem:s1+$0x0];
	s1 =	sor.u32 $0x440, s31  }
0x430: {  	[tilespmem:$0x1F3D0] =	vst v41;
	v35 =	vmul.f32 v41, v58;
	v47 =	vmul.f32 v53, v56;
	v30 =	vadd.f32 v33, v30;
	v39 =	vld [tilespmem:s1+$0x0];
	s1 =	sor.u32 $0x450, s31  }
0x431: {  	[tilespmem:$0x1F3E0] =	vst v52;
	v37 =	vmul.f32 v3, v31;
	v52 =	vmul.f32 v62, v57;
	v15 =	vadd.f32 v24, v15;
	s31 =	sor.u32 $0x470, s31;
	v44 =	vld [tilespmem:s1+$0x0];
	s1 =	sadd.s32 $0x80, s30  }
0x432: {  	[tilespmem:$0x1F420] =	vst v14;
	v51 =	vmul.f32 v14, v55;
	v49 =	vmul.f32 v6, v58;
	v21 =	vadd.f32 v35, v21;
	v5 =	vld [tilespmem:s31+$0x0];
	s30 =	sor.u32 $0x400, s1  }
0x433: {  	v14 =	vmovc v53;
	v35 =	vadd.f32 v46, v45;
	v27 =	vadd.f32 v30, v27;
	v53 =	vmul.f32 v4, v59;
	s31 =	sor.u32 $0x410, s1;
	v38 =	vld [tilespmem:s30+$0x0]  }
0x434: {  	[tilespmem:$0x1F410] =	vst v3;
	v36 =	vadd.f32 v37, v42;
	v41 =	vmul.f32 v2, v60;
	v40 =	vadd.f32 v47, v51;
	v43 =	vld [tilespmem:s31+$0x0];
	s30 =	sor.u32 $0x420, s1  }
0x435: {  	v42 =	vadd.f32 v49, v52;
	v15 =	vadd.f32 v15, v21;
	s31 =	sor.u32 $0x430, s1;
	[tilespmem:$0x1F470] =	vst v39;
	v32 =	vmul.f32 v39, v57;
	v39 =	vld [tilespmem:s30+$0x0]  }
0x436: {  	v47 =	vadd.f32 v61, v48;
	v41 =	vadd.f32 v41, v53;
	s30 =	sor.u32 $0x440, s1;
	[tilespmem:$0x1F480] =	vst v44;
	v33 =	vmul.f32 v44, v58;
	v44 =	vld [tilespmem:s31+$0x0]  }
0x437: {  	[tilespmem:$0x1F440] =	vst v2;
	v13 =	vadd.f32 v15, v27;
	v25 =	vadd.f32 v40, v36;
	v22 =	vmul.f32 v18, v54;
	v50 =	vld [tilespmem:s30+$0x0];
	s31 =	sor.u32 $0x450, s1  }
0x438: {  	v11 =	vadd.f32 v11, v47;
	v2 =	vmul.f32 v19, v31;
	[tilespmem:$0x1F460] =	vst v8;
	v3 =	vmul.f32 v8, v55;
	s30 =	sor.u32 $0x460, s1;
	v1 =	vld [tilespmem:s31+$0x0]  }
0x439: {  	v8 =	vmov v29;
	v29 =	vmul.f32 v29, v56;
	[tilespmem:$0x1F4A0] =	vst v5;
	v23 =	vmul.f32 v5, v60;
	v5 =	vld [tilespmem:s30+$0x0];
	s31 =	sor.u32 $0x470, s1  }
0x43a: {  	v24 =	vmul.f32 v63, v59;
	v0 =	vadd.f32 v13, v0;
	v27 =	vadd.f32 v41, v42;
	v45 =	vld [tilespmem:s31+$0x0]  }
0x43b: {  	v30 =	vld [tilespmem:$0x1FFD0];
	v2 =	vadd.f32 v2, v22;
	v3 =	vadd.f32 v29, v3;
	v28 =	vmul.f32 v38, v54  }
0x43c: {  	[tilespmem:$0x1F490] =	vst v63;
	v63 =	vmul.f32 v43, v31;
	v26 =	vadd.f32 v33, v32;
	v23 =	vadd.f32 v23, v24  }
0x43d: {  	v2 =	vadd.f32 v3, v2;
	v46 =	vmul.f32 v39, v55;
	v48 =	vmul.f32 v44, v56  }
0x43e: {  	v3 =	vadd.f32 v23, v26;
	v22 =	vmul.f32 v50, v57;
	v21 =	vmul.f32 v1, v58  }
0x43f: {  	v52 =	vld [tilespmem:$0x1FFE0];
	v28 =	vadd.f32 v63, v28;
	v29 =	vmul.f32 v5, v59;
	v15 =	vmul.f32 v45, v60  }
0x440: {  	v2 =	vadd.f32 v3, v2;
	v21 =	vadd.f32 v21, v22;
	v22 =	vperm.xlane v0, v30  }
0x441: {  	v24 =	vadd.f32 v48, v46;
	v13 =	vadd.f32 v15, v29  }
0x442: {  	s24 =	sadd.s32 $0x4, s24;
	v15 =	vadd.f32 v35, v34;
	v0 =	vadd.f32 v0, v22  }
0x443: {  	v53 =	vld [tilespmem:$0x1FFC0];
	s1 =	sadd.s32 $0xFFFFFFFD, s24;
	v23 =	vadd.f32 v24, v28;
	v13 =	vadd.f32 v13, v21  }
0x444: {  	[tilespmem:$0x1F3F0] =	vst v7;
	v7 =	vld [tilespmem:$0x1F0D0];
	v29 =	vmov s1;
	v21 =	vadd.f32 v27, v25;
	v24 =	vperm.xlane v0, v52  }
0x445: {  	[tilespmem:$0x1F430] =	vst v4;
	v4 =	vld [tilespmem:$0x1F100];
	v22 =	vand.u32 $0xFFFFFFFC, v29;
	v2 =	vadd.f32 v2, v15;
	v3 =	vadd.f32 v13, v23  }
0x446: {  	v37 =	vld [tilespmem:$0x1F140];
	v22 =	vbroadcast v22, $0x0;
	v13 =	vadd.f32 v21, v16;
	v0 =	vadd.f32 v0, v24  }
0x447: {  	v41 =	vld [tilespmem:$0x1F170];
	v21 =	vperm.xlane v2, v30;
	v3 =	vadd.f32 v3, v11  }
0x448: {  	s30 =	sadd.s32 $0xFFFFFFFF, s24;
	v27 =	vld [tilespmem:$0x1FFF0];
	v11 =	vperm.xlane v13, v30;
	v16 =	vperm.xlane v0, v53  }
0x449: {  	v54 =	vmovc v62;
	v62 =	vld [tilespmem:$0x1F0E0];
	v23 =	vmov s30;
	v2 =	vadd.f32 v2, v21;
	v24 =	vperm.xlane v3, v30  }
0x44a: {  	v31 =	vld [tilespmem:$0x1F0F0];
	v11 =	vadd.f32 v13, v11;
	v0 =	vadd.f32 v0, v16;
	v16 =	vand.u32 $0xFFFFFFFE, v23  }
0x44b: {  	s31 =	sadd.s32 $0xFFFFFFFE, s24;
	v57 =	vld [tilespmem:$0x1F110];
	v15 =	vmov s24;
	v3 =	vadd.f32 v3, v24;
	v16 =	vbroadcast v16, $0x0  }
0x44c: {  	v25 =	vmov s31;
	v13 =	vld.idx.msk [tilespmem:v22+s17+$0x0], $0xffff;
	v21 =	vperm.xlane v11, v52;
	v24 =	vperm.xlane v2, v52  }
0x44d: {  	v58 =	vld [tilespmem:$0x1F120];
	v23 =	vand.u32 $0xFFFFFFFD, v25;
	v22 =	vperm.xlane v0, v27;
	v25 =	vperm.xlane v3, v52  }
0x44e: {  	v59 =	vld [tilespmem:$0x1F130];
	v26 =	vbroadcast v23, $0x0;
	v11 =	vadd.f32 v11, v21;
	v2 =	vadd.f32 v2, v24  }
0x44f: {  	v60 =	vld [tilespmem:$0x1F150];
	v0 =	vadd.f32 v0, v22;
	v3 =	vadd.f32 v3, v25  }
0x450: {  	v35 =	vld [tilespmem:$0x1F160];
	v21 =	vperm.xlane v11, v53  }
0x451: {  	p1 =	sne.s32 s26, $0x7C00;
	v29 =	vld [tilespmem:$0x1F180];
	v0 =	vadd.f32 v0, v13;
	v13 =	vperm.xlane v2, v53;
	v22 =	vperm.xlane v3, v53  }
.Ltmp2:
0x452: {  	v24 =	vld.idx.msk [tilespmem:v15+s17+$0x0], $0xffff;
	v21 =	vadd.f32 v11, v21;
	(pc) =	sbr.rel @p1 .LBB2_6-.Ltmp2, $4  }
0x453: {  	v61 =	vld.idx.msk [tilespmem:v16+s17+$0x0], $0xffff;
	v11 =	vadd.f32 v2, v13;
	v23 =	vadd.f32 v3, v22  }
0x454: {  	v42 =	vld.idx.msk [tilespmem:v26+s17+$0x0], $0xffff;
	v0 =	vmul.f32 $1.442695020e+00, v0;
	v2 =	vperm.xlane v21, v27  }
0x455: {  	[tilespmem:$0x1F450] =	vst v19;
	v28 =	vperm.xlane v11, v27;
	v40 =	vperm.xlane v23, v27;
	v27 =	vmov v20;
	v20 =	vld [tilespmem:$0x1F190]  }
0x456: {  	s26 =	sadd.s32 $0x400, s26;
	v49 =	vmovc v17;
	v55 =	vmovc v6;
	v6 =	vmov v9;
	[tilespmem:$0x1F520] =	vst v5;
	(erf) = vpow2.f32 v0;
	v25 =	vadd.f32 v21, v2;
	v21 =	vld [tilespmem:$0x1F1A0]  }
0x457: {  	v0 =	vadd.f32 v11, v28  }
0x458: {  	v2 =	vadd.f32 v23, v40;
	v3 =	vadd.f32 v25, v24  }
0x459: {  	v0 =	vadd.f32 v0, v61  }
0x45a: {  	v2 =	vadd.f32 v2, v42;
	v3 =	vmul.f32 $1.442695020e+00, v3  }
0x45b: {  	v0 =	vmul.f32 $1.442695020e+00, v0  }
0x45c: {  	v2 =	vmul.f32 $1.442695020e+00, v2;
	(erf) = vpow2.f32 v3  }
0x45d: {  	(erf) = vpow2.f32 v0  }
0x45e: {  	(erf) = vpow2.f32 v2;
	_ =	sdelay $0x2  }
0x45f: {  	v46 =	vld [tilespmem:$0x1F1C0]  }
0x460: {  	v47 =	vld [tilespmem:$0x1F1D0]  }
0x461: {  	v48 =	vld [tilespmem:$0x1F2E0]  }
0x462: {  	v51 =	vld [tilespmem:$0x1F300];
	v0 =	vpop (erf)  }
0x463: {  	v63 =	vld [tilespmem:$0x1F250];
	v17 =	vpop (erf)  }
0x464: {  	v42 =	vld [tilespmem:$0x1F1B0];
	v56 =	vpop (erf)  }
0x465: {  	v61 =	vld [tilespmem:$0x1F340];
	v30 =	vpop (erf)  }
0x466: {  	v40 =	vmul.f32 v0, v59;
	v59 =	vld [tilespmem:$0x1F320];
	_ =	swait.ge [sflag:s20], $0x8000  }
0x467: {  	v32 =	vld [tilespmem:$0x1F260]  }
0x468: {  	v33 =	vld [tilespmem:$0x1F270]  }
0x469: {  	v34 =	vld [tilespmem:$0x1F280]  }
0x46a: {  	v36 =	vld [tilespmem:$0x1F200]  }
0x46b: {  	v3 =	vmul.f32 v0, v42;
	v42 =	vld [tilespmem:$0x1F210]  }
0x46c: {  	v13 =	vmul.f32 v0, v47;
	v47 =	vld [tilespmem:$0x1F1E0]  }
0x46d: {  	v16 =	vmul.f32 v30, v51;
	v51 =	vld [tilespmem:$0x1F1F0]  }
0x46e: {  	v11 =	vmul.f32 v0, v46;
	v2 =	vadd.f32 v40, v4;
	v40 =	vmul.f32 v0, v58;
	v58 =	vld [tilespmem:$0x1F550]  }
0x46f: {  	v46 =	vmul.f32 v0, v62;
	v15 =	vmul.f32 v30, v48;
	v62 =	vld [tilespmem:$0x1F360]  }
0x470: {  	s0 =	simm.s32 $0x0;
	v3 =	vadd.f32 v3, v29;
	v5 =	vld [tilespmem:$0x1F2B0]  }
0x471: {  	s1 =	sand.u32 $0x7800, s0;
	s0 =	sand.u32 $0x200, s0;
	[sflag:s20] =	ssyncset.done $0x0;
	v2 =	vadd.f32 v15, v2;
	v15 =	vmul.f32 v30, v61;
	v61 =	vld [tilespmem:$0x1F560]  }
0x472: {  	s24 =	sor.u32 s0, s1;
	v3 =	vadd.f32 v16, v3;
	v16 =	vmul.f32 v56, v63;
	[sflag:s20] =	ssyncadd.s32 $0xFFFF8000;
	v63 =	vld [tilespmem:$0x1F380]  }
0x473: {  	v11 =	vadd.f32 v11, v21;
	v21 =	vmul.f32 v30, v59;
	v59 =	vld [tilespmem:s24+$0x8190]  }
0x474: {  	v29 =	vld [tilespmem:s24+$0x8120]  }
0x475: {  	v13 =	vadd.f32 v13, v31;
	v31 =	vld [tilespmem:s24+$0x8130]  }
0x476: {  	v26 =	vld [tilespmem:s24+$0x8140]  }
0x477: {  	v28 =	vld [tilespmem:s24+$0x8150]  }
0x478: {  	v19 =	vld [tilespmem:s24+$0x8050]  }
0x479: {  	v25 =	vld [tilespmem:s24+$0x8070]  }
0x47a: {  	v2 =	vadd.f32 v16, v2;
	v16 =	vmul.f32 v17, v60;
	v60 =	vld [tilespmem:s24+$0x81A0]  }
0x47b: {  	v13 =	vadd.f32 v15, v13;
	v15 =	vmul.f32 v56, v32;
	v32 =	vld [tilespmem:$0x1F3A0]  }
0x47c: {  	v11 =	vadd.f32 v21, v11;
	v21 =	vmul.f32 v56, v33;
	v33 =	vld [tilespmem:$0x1F290]  }
0x47d: {  	v22 =	vmul.f32 v56, v34;
	v34 =	vld [tilespmem:$0x1F3C0]  }
0x47e: {  	v2 =	vadd.f32 v16, v2;
	v16 =	vmul.f32 v30, v63;
	v63 =	vld [tilespmem:$0x1F3F0]  }
0x47f: {  	v3 =	vadd.f32 v15, v3;
	v15 =	vmul.f32 v17, v57;
	v57 =	vld [tilespmem:s24+$0x8180]  }
0x480: {  	v11 =	vadd.f32 v21, v11;
	[tilespmem:$0x1EC90] =	vst v2;
	v2 =	vmul.f32 v17, v36;
	v36 =	vld [tilespmem:s24+$0x81B0]  }
0x481: {  	v3 =	vadd.f32 v15, v3;
	v15 =	vmul.f32 v17, v42;
	v42 =	vld [tilespmem:$0x1F2C0]  }
0x482: {  	v2 =	vadd.f32 v2, v11;
	v11 =	vmul.f32 v0, v47;
	v47 =	vld [tilespmem:$0x1F230]  }
0x483: {  	v21 =	vmul.f32 v30, v32;
	v32 =	vld [tilespmem:s24+$0x8110]  }
0x484: {  	[tilespmem:$0x1ECA0] =	vst v3;
	v3 =	vadd.f32 v40, v41;
	v41 =	vld [tilespmem:s24+$0x81C0]  }
0x485: {  	[tilespmem:$0x1ECB0] =	vst v2;
	v2 =	vadd.f32 v46, v58;
	v58 =	vld [tilespmem:s24+$0x81D0]  }
0x486: {  	v11 =	vadd.f32 v11, v61;
	v61 =	vld [tilespmem:s24+$0x81F0]  }
0x487: {  	v13 =	vadd.f32 v22, v13;
	v40 =	vld [tilespmem:$0x1F2A0]  }
0x488: {  	v46 =	vld [tilespmem:$0x1F220]  }
0x489: {  	v48 =	vadd.f32 v15, v13;
	v13 =	vmul.f32 v0, v51;
	v51 =	vld [tilespmem:$0x1F3D0]  }
0x48a: {  	v15 =	vmul.f32 v30, v62;
	v62 =	vld [tilespmem:$0x1F3E0]  }
0x48b: {  	v22 =	vmul.f32 v30, v34;
	[tilespmem:$0x1ECC0] =	vst v48;
	v48 =	vld [tilespmem:s24+$0x81E0]  }
0x48c: {  	v13 =	vadd.f32 v13, v7;
	v3 =	vadd.f32 v15, v3;
	v15 =	vmul.f32 v56, v33;
	v33 =	vld [tilespmem:s24+$0x8100]  }
0x48d: {  	v11 =	vadd.f32 v21, v11;
	v21 =	vmul.f32 v56, v42;
	v42 =	vld [tilespmem:s24+$0x8160]  }
0x48e: {  	v13 =	vadd.f32 v22, v13;
	v22 =	vmul.f32 v17, v49;
	v49 =	vld [tilespmem:$0x1F240]  }
0x48f: {  	v3 =	vadd.f32 v15, v3;
	v15 =	vmul.f32 v56, v5;
	v5 =	vld [tilespmem:$0x1F310]  }
0x490: {  	v2 =	vadd.f32 v16, v2;
	v16 =	vmul.f32 v56, v40;
	v23 =	vmul.f32 v17, v46;
	v40 =	vld [tilespmem:$0x1F580]  }
0x491: {  	v46 =	vld [tilespmem:$0x1F460];
	v11 =	vadd.f32 v15, v11;
	v15 =	vmul.f32 v0, v10;
	v13 =	vadd.f32 v21, v13  }
0x492: {  	v21 =	vmul.f32 v0, v12;
	v3 =	vadd.f32 v22, v3;
	v12 =	vadd.f32 v0, v35;
	v35 =	vld [tilespmem:s24+$0x8170]  }
0x493: {  	v10 =	vmul.f32 v0, v20;
	v20 =	vld [tilespmem:$0x1F370];
	v2 =	vadd.f32 v16, v2;
	v16 =	vmul.f32 v0, v6  }
0x494: {  	[tilespmem:$0x1ECD0] =	vst v3;
	v3 =	vmul.f32 v0, v27;
	v27 =	vld [tilespmem:$0x1F3B0]  }
0x495: {  	v34 =	vadd.f32 v16, v37;
	v37 =	vld [tilespmem:$0x1F570]  }
0x496: {  	v16 =	vmul.f32 v30, v43;
	v43 =	vld [tilespmem:$0x1F590]  }
0x497: {  	v2 =	vadd.f32 v23, v2;
	v23 =	vmul.f32 v0, v51;
	v51 =	vld [tilespmem:$0x1F400]  }
0x498: {  	v24 =	vmul.f32 v0, v62;
	v0 =	vmul.f32 v0, v63;
	v63 =	vld [tilespmem:$0x1F410]  }
0x499: {  	v22 =	vmul.f32 v17, v49;
	v49 =	vmul.f32 v56, v46;
	v46 =	vadd.f32 v30, v12;
	v12 =	vld [tilespmem:s24+$0x8010]  }
0x49a: {  	[tilespmem:$0x1ECE0] =	vst v2;
	v2 =	vmul.f32 v17, v47;
	v47 =	vld [tilespmem:s24+$0x8080]  }
0x49b: {  	v7 =	vadd.f32 v22, v13;
	v13 =	vmul.f32 v30, v38;
	v38 =	vld [tilespmem:s24+$0x80A0]  }
0x49c: {  	v6 =	vmov v17;
	v17 =	vmul.f32 v30, v39;
	v39 =	vld [tilespmem:s24+$0x80B0]  }
0x49d: {  	v22 =	vld [tilespmem:s24+$0x8000];
	v2 =	vadd.f32 v2, v11  }
0x49e: {  	[tilespmem:$0x1F010] =	vst v46;
	v46 =	vld [tilespmem:s24+$0x8020]  }
0x49f: {  	[tilespmem:$0x1ECF0] =	vst v2;
	v2 =	vadd.f32 v13, v34;
	v13 =	vmul.f32 v30, v44;
	v44 =	vld [tilespmem:$0x1F450]  }
0x4a0: {  	v11 =	vadd.f32 v15, v37;
	v37 =	vld [tilespmem:s24+$0x8090]  }
0x4a1: {  	v15 =	vadd.f32 v21, v40;
	v40 =	vld [tilespmem:s24+$0x80C0]  }
0x4a2: {  	v3 =	vadd.f32 v3, v43;
	v43 =	vld [tilespmem:s24+$0x80D0]  }
0x4a3: {  	v62 =	vmul.f32 v6, v51;
	v51 =	vld [tilespmem:$0x1F470];
	v11 =	vadd.f32 v16, v11;
	v16 =	vmul.f32 v56, v18  }
0x4a4: {  	[tilespmem:$0x1ED60] =	vst v29;
	v3 =	vadd.f32 v13, v3;
	v13 =	vmul.f32 v56, v44;
	v44 =	vld [tilespmem:$0x1F420]  }
0x4a5: {  	[tilespmem:$0x1ED70] =	vst v31;
	v21 =	vld [tilespmem:$0x1F390];
	v2 =	vadd.f32 v16, v2  }
0x4a6: {  	v9 =	vmovc v6;
	v6 =	vmul.f32 v6, v63;
	v34 =	vld [tilespmem:s24+$0x80E0];
	v15 =	vadd.f32 v17, v15;
	v11 =	vadd.f32 v13, v11  }
0x4a7: {  	v8 =	vmul.f32 v56, v8;
	[tilespmem:$0x1ED80] =	vst v26;
	v17 =	vld [tilespmem:$0x1F350];
	v2 =	vadd.f32 v62, v2  }
0x4a8: {  	[tilespmem:$0x1ED00] =	vst v7;
	v7 =	vadd.f32 v49, v15;
	v49 =	vadd.f32 v6, v11;
	v6 =	vld [tilespmem:$0x1F5C0]  }
0x4a9: {  	v3 =	vadd.f32 v8, v3;
	[tilespmem:$0x1ED10] =	vst v2;
	v8 =	vmul.f32 v9, v44;
	v44 =	vld [tilespmem:$0x1F5A0]  }
0x4aa: {  	v2 =	vmul.f32 v9, v14;
	[tilespmem:$0x1ED20] =	vst v49;
	v49 =	vld [tilespmem:$0x1F5B0]  }
0x4ab: {  	[tilespmem:$0x1ED90] =	vst v28;
	v13 =	vmul.f32 v30, v45;
	v45 =	vld [tilespmem:s24+$0x8060];
	v62 =	vadd.f32 v8, v7  }
0x4ac: {  	[tilespmem:$0x1ED50] =	vst v32;
	v2 =	vadd.f32 v2, v3;
	v3 =	vld [tilespmem:$0x1F2D0]  }
0x4ad: {  	[tilespmem:$0x1ED30] =	vst v62;
	v62 =	vld [tilespmem:$0x1F520]  }
0x4ae: {  	v4 =	vmul.f32 v30, v50;
	[tilespmem:$0x1ED40] =	vst v2;
	v2 =	vadd.f32 v10, v44;
	v44 =	vld [tilespmem:$0x1F5D0]  }
0x4af: {  	p0 =	por $0x0, $0x0;
	s0 =	simm.s32 $0x1;
	v1 =	vmul.f32 v30, v1;
	[tilespmem:$0x1EDB0] =	vst v35;
	v10 =	vadd.f32 v24, v6;
	v6 =	vld [tilespmem:$0x1F330];
	v50 =	vadd.f32 v23, v49  }
0x4b0: {  	s0 =	simm.s32 @!p0 $0x0;
	v63 =	vmov v9;
	[tilespmem:$0x1EDA0] =	vst v47;
	v11 =	vmul.f32 v56, v51;
	v9 =	vld [tilespmem:s24+$0x8040]  }
0x4b1: {  	s0 =	sshll.u32 s0, $0x9;
	v16 =	vmul.f32 v58, v20;
	[tilespmem:$0x1EDF0] =	vst v40;
	v2 =	vadd.f32 v4, v2;
	v4 =	vld [tilespmem:$0x1F2F0];
	v1 =	vadd.f32 v1, v50  }
0x4b2: {  	s25 =	sadd.s32 $0x0, s0;
	v15 =	vld [tilespmem:s24+$0x80F0];
	[tilespmem:$0x1EE40] =	vst v45;
	v50 =	vmul.f32 v41, v17;
	v8 =	vmul.f32 v30, v62  }
0x4b3: {  	s0 =	sor.u32 $0x400, s25;
	v51 =	vld [tilespmem:s24+$0x8030];
	v2 =	vadd.f32 v11, v2;
	v0 =	vadd.f32 v0, v44;
	[tilespmem:$0x1F020] =	vst v1;
	v1 =	vmul.f32 v57, v3  }
0x4b4: {  	s24 =	sor.u32 $0x410, s25;
	v30 =	vld [tilespmem:s0+$0x8000];
	v11 =	vmovc v48;
	v23 =	vmul.f32 v36, v6;
	v24 =	vmul.f32 v31, v6;
	v16 =	vadd.f32 v16, v50  }
0x4b5: {  	s29 =	sor.u32 $0x440, s25;
	v62 =	vld [tilespmem:s24+$0x8000];
	v49 =	vadd.f32 v8, v10;
	v8 =	vmul.f32 v60, v5;
	[tilespmem:$0x1F050] =	vst v2;
	v2 =	vmul.f32 v48, v21  }
0x4b6: {  	s31 =	sor.u32 $0x460, s25;
	v44 =	vld [tilespmem:s29+$0x8000];
	v14 =	vmul.f32 v59, v4;
	v0 =	vadd.f32 v13, v0;
	v13 =	vmovc v9;
	v9 =	vmul.f32 v33, v3  }
0x4b7: {  	s26 =	sor.u32 $0x420, s25;
	v50 =	vld [tilespmem:s31+$0x8000];
	v10 =	vmovc v41;
	v18 =	vmul.f32 v32, v4;
	v32 =	vadd.f32 v23, v8;
	v23 =	vmul.f32 v29, v5  }
0x4b8: {  	s28 =	sor.u32 $0x430, s25;
	v41 =	vld [tilespmem:s26+$0x8000];
	[tilespmem:$0x1F040] =	vst v0;
	v1 =	vadd.f32 v14, v1;
	v0 =	vmul.f32 v26, v17;
	v26 =	vmul.f32 v28, v20  }
0x4b9: {  	s30 =	sor.u32 $0x450, s25;
	v8 =	vld [tilespmem:s28+$0x8000];
	v48 =	vadd.f32 v18, v9;
	v28 =	vmul.f32 v42, v21;
	[tilespmem:$0x1EE70] =	vst v32;
	v32 =	vmul.f32 v46, v5  }
0x4ba: {  	[tilespmem:$0x1F030] =	vst v49;
	v49 =	vld [tilespmem:s30+$0x8000];
	v26 =	vadd.f32 v26, v0;
	v0 =	vmul.f32 v40, v17;
	v40 =	vmul.f32 v51, v6  }
0x4bb: {  	s24 =	sadd.s32 $0x180, s25;
	[tilespmem:$0x1EE60] =	vst v1;
	v18 =	vmovc v62;
	v62 =	vmov v42;
	v42 =	vmul.f32 v39, v6;
	v6 =	vmul.f32 v45, v21;
	v45 =	vld [tilespmem:$0x1EE70]  }
0x4bc: {  	[tilespmem:$0x1EDD0] =	vst v38;
	s29 =	sor.u32 $0x410, s24;
	v29 =	vmul.f32 v47, v3;
	v14 =	vmul.f32 v61, v27;
	v32 =	vadd.f32 v40, v32;
	v40 =	vld [tilespmem:$0x1EE60]  }
0x4bd: {  	[tilespmem:$0x1EDE0] =	vst v39;
	s31 =	sor.u32 $0x430, s24;
	v1 =	vadd.f32 v24, v23;
	v24 =	vmul.f32 v38, v5;
	v38 =	vmul.f32 v22, v3;
	v3 =	vld [tilespmem:s29+$0x8000]  }
0x4be: {  	[tilespmem:$0x1EE00] =	vst v43;
	s26 =	sor.u32 $0x470, s25;
	v47 =	vmul.f32 v43, v20;
	v43 =	vld [tilespmem:s31+$0x8000]  }
0x4bf: {  	[tilespmem:$0x1EDC0] =	vst v37;
	s28 =	sor.u32 $0x400, s24;
	v2 =	vadd.f32 v14, v2;
	v14 =	vmul.f32 v35, v27;
	v35 =	vld [tilespmem:s26+$0x8000]  }
0x4c0: {  	[tilespmem:$0x1EE10] =	vst v34;
	v31 =	vmul.f32 v37, v4;
	v37 =	vmul.f32 v34, v21;
	s30 =	sor.u32 $0x420, s24;
	v23 =	vld [tilespmem:s28+$0x8000]  }
0x4c1: {  	v34 =	vmovc v41;
	v39 =	vmul.f32 v12, v4;
	v4 =	vld [tilespmem:s30+$0x8000];
	v41 =	vadd.f32 v47, v0;
	v0 =	vadd.f32 v45, v40  }
0x4c2: {  	v24 =	vadd.f32 v42, v24;
	v42 =	vmov v3;
	v3 =	vld [tilespmem:$0x1F4C0]  }
0x4c3: {  	s28 =	sor.u32 $0x450, s24;
	[tilespmem:$0x1EFB0] =	vst v0;
	v0 =	vld [tilespmem:$0x1F4B0]  }
0x4c4: {  	[tilespmem:$0x1EE30] =	vst v51;
	v29 =	vadd.f32 v31, v29;
	v31 =	vmul.f32 v15, v27;
	v51 =	vmul.f32 v13, v17;
	s29 =	sor.u32 $0x460, s24;
	v17 =	vld [tilespmem:s28+$0x8000]  }
0x4c5: {  	s26 =	sor.u32 $0x440, s24;
	v5 =	vmul.f32 v19, v20;
	s24 =	sor.u32 $0x470, s24;
	v9 =	vld [tilespmem:s29+$0x8000]  }
0x4c6: {  	s1 =	sadd.s32 $0x100, s25;
	[tilespmem:$0x1EE20] =	vst v15;
	v31 =	vadd.f32 v31, v37;
	v15 =	vld [tilespmem:s24+$0x8000];
	v38 =	vadd.f32 v39, v38  }
0x4c7: {  	v7 =	vmul.f32 v25, v27;
	s30 =	sor.u32 $0x400, s1;
	v47 =	vld [tilespmem:s26+$0x8000];
	v39 =	vadd.f32 v5, v51;
	v5 =	vadd.f32 v2, v16  }
0x4c8: {  	v51 =	vadd.f32 v1, v48;
	v48 =	vmovc v49;
	v49 =	vld [tilespmem:s30+$0x8000];
	v2 =	vmul.f32 v18, v3;
	v1 =	vmul.f32 v30, v0  }
0x4c9: {  	v28 =	vadd.f32 v14, v28;
	v37 =	vadd.f32 v7, v6;
	[tilespmem:$0x1EFC0] =	vst v5;
	v5 =	vld [tilespmem:$0x1F4E0]  }
0x4ca: {  	[tilespmem:$0x1EE50] =	vst v25;
	v6 =	vadd.f32 v24, v29;
	v29 =	vadd.f32 v2, v1;
	v1 =	vld [tilespmem:$0x1F510]  }
0x4cb: {  	[tilespmem:$0x1EE90] =	vst v50;
	v2 =	vld [tilespmem:$0x1F530]  }
0x4cc: {  	[tilespmem:$0x1EE80] =	vst v8;
	v7 =	vadd.f32 v28, v26;
	v16 =	vmov v4;
	v4 =	vld [tilespmem:$0x1F4D0]  }
0x4cd: {  	[tilespmem:$0x1EFF0] =	vst v6;
	v6 =	vld [tilespmem:$0x1F4F0]  }
0x4ce: {  	s29 =	sor.u32 $0x440, s1;
	[tilespmem:$0x1EFA0] =	vst v7;
	v7 =	vld [tilespmem:$0x1F500];
	v45 =	vadd.f32 v32, v38  }
0x4cf: {  	s26 =	sor.u32 $0x420, s1;
	v14 =	vld [tilespmem:s29+$0x8000];
	[tilespmem:$0x1EF90] =	vst v51  }
0x4d0: {  	s30 =	sor.u32 $0x450, s1;
	v20 =	vld [tilespmem:s26+$0x8000];
	v51 =	vadd.f32 v31, v41;
	[tilespmem:$0x1EF70] =	vst v45;
	v26 =	vmul.f32 v50, v1;
	v45 =	vmul.f32 v35, v2  }
0x4d1: {  	s31 =	sor.u32 $0x410, s1;
	[tilespmem:$0x1EEC0] =	vst v43;
	v21 =	vld [tilespmem:s30+$0x8000];
	v41 =	vadd.f32 v37, v39;
	v38 =	vmul.f32 v8, v5;
	v32 =	vmul.f32 v34, v4  }
0x4d2: {  	s28 =	sor.u32 $0x430, s1;
	[tilespmem:$0x1EEA0] =	vst v35;
	v40 =	vld [tilespmem:s31+$0x8000];
	v50 =	vmul.f32 v43, v5;
	v31 =	vadd.f32 v45, v26;
	v26 =	vmul.f32 v16, v4  }
0x4d3: {  	s24 =	sadd.s32 $0x80, s25;
	v28 =	vld [tilespmem:s28+$0x8000];
	[tilespmem:$0x1EF80] =	vst v41;
	s31 =	sor.u32 $0x460, s1;
	v24 =	vmul.f32 v44, v6;
	v25 =	vmul.f32 v48, v7  }
0x4d4: {  	s26 =	sor.u32 $0x400, s24;
	[tilespmem:$0x1EED0] =	vst v17;
	v8 =	vld [tilespmem:s31+$0x8000];
	v41 =	vmul.f32 v47, v6;
	v45 =	vmul.f32 v17, v7;
	v17 =	vadd.f32 v50, v26  }
0x4d5: {  	v39 =	vld [tilespmem:s26+$0x8000];
	[tilespmem:$0x1F000] =	vst v51;
	s1 =	sor.u32 $0x470, s1;
	v37 =	vadd.f32 v25, v24;
	v25 =	vmul.f32 v42, v3;
	v24 =	vmul.f32 v23, v0  }
0x4d6: {  	s28 =	sor.u32 $0x410, s24;
	v27 =	vld [tilespmem:s1+$0x8000];
	v51 =	vadd.f32 v38, v32;
	[tilespmem:$0x1EFD0] =	vst v17;
	v17 =	vadd.f32 v45, v41  }
0x4d7: {  	s29 =	sor.u32 $0x420, s24;
	[tilespmem:$0x1EEB0] =	vst v23;
	v32 =	vmul.f32 v49, v0;
	v43 =	vadd.f32 v25, v24;
	v24 =	vld [tilespmem:s28+$0x8000];
	v35 =	vmul.f32 v40, v3  }
0x4d8: {  	s31 =	sor.u32 $0x440, s24;
	v25 =	vld [tilespmem:s29+$0x8000];
	v45 =	vmul.f32 v9, v1;
	[tilespmem:$0x1EFE0] =	vst v17;
	v17 =	vmul.f32 v15, v2  }
0x4d9: {  	s25 =	sor.u32 $0x450, s24;
	[tilespmem:$0x1EEF0] =	vst v9;
	v23 =	vmul.f32 v8, v1;
	v9 =	vadd.f32 v35, v32;
	v41 =	vld [tilespmem:s31+$0x8000]  }
0x4da: {  	[tilespmem:$0x1EEE0] =	vst v49;
	v32 =	vmul.f32 v20, v4;
	v35 =	vmul.f32 v28, v5;
	v49 =	vadd.f32 v17, v45;
	v45 =	vld [tilespmem:s25+$0x8000]  }
0x4db: {  	[tilespmem:$0x1EF10] =	vst v20;
	v20 =	vmul.f32 v14, v6;
	v17 =	vmul.f32 v21, v7  }
0x4dc: {  	[tilespmem:$0x1EF40] =	vst v21;
	v31 =	vadd.f32 v31, v37;
	v37 =	vld [tilespmem:$0x1EF80];
	v35 =	vadd.f32 v35, v32;
	v21 =	vmul.f32 v27, v2  }
0x4dd: {  	v32 =	vadd.f32 v17, v20;
	v20 =	vmul.f32 v39, v0;
	v17 =	vmul.f32 v24, v3;
	v0 =	vld [tilespmem:$0x1EF70]  }
0x4de: {  	[tilespmem:$0x1EF20] =	vst v28;
	v28 =	vadd.f32 v21, v23;
	v23 =	vmul.f32 v25, v4;
	v4 =	vmul.f32 v41, v6;
	v6 =	vld [tilespmem:$0x1EF90]  }
0x4df: {  	v51 =	vadd.f32 v51, v29;
	v29 =	vadd.f32 v17, v20;
	v20 =	vmul.f32 v45, v7;
	v7 =	vld [tilespmem:$0x1EFA0]  }
0x4e0: {  	s28 =	sor.u32 $0x470, s24  }
0x4e1: {  	s30 =	sor.u32 $0x430, s24;
	v38 =	vld [tilespmem:s28+$0x8000]  }
0x4e2: {  	s26 =	sor.u32 $0x460, s24;
	v26 =	vld [tilespmem:s30+$0x8000];
	v31 =	vadd.f32 v31, v51;
	v21 =	vadd.f32 v37, v0  }
0x4e3: {  	v50 =	vld [tilespmem:s26+$0x8000]  }
0x4e4: {  	v21 =	vadd.f32 v31, v21;
	v31 =	vadd.f32 v7, v6;
	v6 =	vld [tilespmem:$0x1EFD0];
	_ =	sdelay $0x2  }
0x4e5: {  	v3 =	vmul.f32 v26, v5  }
0x4e6: {  	v5 =	vmul.f32 v50, v1;
	v17 =	vmul.f32 v38, v2  }
0x4e7: {  	[tilespmem:$0x1EF60] =	vst v27;
	v27 =	vadd.f32 v3, v23;
	v7 =	vadd.f32 v6, v43;
	v43 =	vld [tilespmem:$0x1FFD0]  }
0x4e8: {  	v23 =	vadd.f32 v20, v4;
	v20 =	vadd.f32 v17, v5;
	v5 =	vld [tilespmem:$0x1EFE0];
	_ =	sdelay $0x1  }
0x4e9: {  	v51 =	vld [tilespmem:$0x1EFC0]  }
0x4ea: {  	v35 =	vadd.f32 v35, v9;
	v28 =	vadd.f32 v28, v32;
	v37 =	vld [tilespmem:$0x1EFB0]  }
0x4eb: {  	v17 =	vperm.xlane v21, v43  }
0x4ec: {  	v28 =	vadd.f32 v28, v35;
	v35 =	vld [tilespmem:$0x1F010];
	v49 =	vadd.f32 v49, v5  }
0x4ed: {  	v6 =	vld [tilespmem:$0x1EFF0];
	v17 =	vadd.f32 v21, v17  }
0x4ee: {  	v21 =	vadd.f32 v27, v29;
	v27 =	vadd.f32 v49, v7;
	v7 =	vld [tilespmem:$0x1F000]  }
0x4ef: {  	v4 =	vadd.f32 v51, v37;
	v37 =	vld [tilespmem:$0x1F490];
	_ =	sdelay $0x1  }
0x4f0: {  	v20 =	vadd.f32 v20, v23  }
0x4f1: {  	v28 =	vadd.f32 v28, v31;
	v27 =	vadd.f32 v27, v4  }
0x4f2: {  	s29 =	simm.s32 $0x80;
	v32 =	vld [tilespmem:$0x1F480];
	v29 =	vperm.xlane v17, v52;
	v20 =	vadd.f32 v20, v21;
	v23 =	vadd.f32 v7, v6  }
0x4f3: {  	v5 =	vadd.f32 v56, v35;
	v35 =	vmul.f32 v56, v37;
	v21 =	vmov s29  }
0x4f4: {  	v37 =	vld [tilespmem:$0x1F030];
	v17 =	vadd.f32 v17, v29;
	v29 =	vperm.xlane v27, v43;
	v20 =	vadd.f32 v20, v23  }
0x4f5: {  	v0 =	vld [tilespmem:$0x1FFF0];
	v31 =	vperm.xlane v28, v43;
	v21 =	vand.u32 $0xFFFFFFFC, v21  }
0x4f6: {  	v51 =	vld [tilespmem:$0x1F4A0];
	v27 =	vadd.f32 v27, v29;
	v29 =	vperm.xlane v17, v53;
	v43 =	vperm.xlane v20, v43  }
0x4f7: {  	[tilespmem:$0x1EF30] =	vst v14;
	v14 =	vadd.f32 v63, v5;
	v21 =	vbroadcast v21, $0x0;
	v23 =	vmul.f32 v56, v32  }
0x4f8: {  	v32 =	vld [tilespmem:$0x1F020];
	v17 =	vadd.f32 v17, v29;
	v29 =	vperm.xlane v27, v52;
	v20 =	vadd.f32 v20, v43  }
0x4f9: {  	v28 =	vadd.f32 v28, v31;
	v2 =	vadd.f32 v35, v37  }
0x4fa: {  	s31 =	simm.s32 $0x81;
	v31 =	vperm.xlane v17, v0;
	v27 =	vadd.f32 v27, v29;
	v29 =	vperm.xlane v20, v52  }
0x4fb: {  	s30 =	simm.s32 $0x82;
	v37 =	vld [tilespmem:$0x1F440];
	v7 =	vmul.f32 v63, v54;
	v54 =	vmov s31;
	v56 =	vmul.f32 v56, v51  }
0x4fc: {  	v51 =	vld [tilespmem:$0x1F040];
	v35 =	vadd.f32 v17, v31;
	v31 =	vadd.f32 v20, v29;
	v29 =	vmov s30  }
0x4fd: {  	v43 =	vperm.xlane v28, v52;
	v4 =	vadd.f32 v23, v32;
	v17 =	vld.idx.msk [tilespmem:v21+s17+$0x0], $0xffff;
	v29 =	vand.u32 $0xFFFFFFFE, v29  }
0x4fe: {  	v20 =	vmul.f32 v63, v55;
	v55 =	vld [tilespmem:$0x1F430];
	v6 =	vbroadcast v29, $0x0;
	v29 =	vand.u32 $0xFFFFFFFD, v54  }
0x4ff: {  	s24 =	simm.s32 $0x83;
	v32 =	vadd.f32 v28, v43;
	v5 =	vbroadcast v29, $0x0;
	v29 =	vperm.xlane v27, v53  }
0x500: {  	[tilespmem:$0x1EF50] =	vst v8;
	v8 =	vmov s24  }
0x501: {  	v21 =	vperm.xlane v31, v53;
	v23 =	vadd.f32 v27, v29;
	v27 =	vperm.xlane v32, v53;
	v53 =	vld [tilespmem:$0x1F050]  }
0x502: {  	v3 =	vadd.f32 v56, v51;
	v43 =	vmul.f32 v63, v37  }
0x503: {  	v35 =	vadd.f32 v35, v17;
	v54 =	vadd.f32 v20, v4;
	v56 =	vmul.f32 v63, v55  }
0x504: {  	[tilespmem:$0x1EF00] =	vst v15;
	v31 =	vadd.f32 v31, v21;
	v63 =	vadd.f32 v43, v3  }
0x505: {  	[tilespmem:$0x1F070] =	vst v54;
	v28 =	vmul.f32 $1.442695020e+00, v35;
	v29 =	vadd.f32 v32, v27;
	v56 =	vadd.f32 v56, v2  }
0x506: {  	v27 =	vld.idx.msk [tilespmem:v8+s17+$0x0], $0xffff;
	v55 =	vperm.xlane v23, v0;
	[tilespmem:$0x1F090] =	vst v63;
	v1 =	vadd.f32 v7, v53  }
0x507: {  	(erf) = vpow2.f32 v28;
	v51 =	vperm.xlane v31, v0;
	v28 =	vld.idx.msk [tilespmem:v6+s17+$0x0], $0xffff;
	[tilespmem:$0x1F080] =	vst v56  }
0x508: {  	s26 =	simm.s32 $0x400;
	s25 =	simm.s32 $0x200;
	v35 =	vmov v0;
	v49 =	vadd.f32 v23, v55;
	v32 =	vld.idx.msk [tilespmem:v5+s17+$0x0], $0xffff;
	v23 =	vperm.xlane v29, v0;
	[tilespmem:$0x1F060] =	vst v1  }
.LBB2_8:
0x509: {  	_ =	sdelay $0x1  }
0x50a: {  	s0 =	sand.u32 $0x7800, s26;
	s1 =	sand.u32 $0x200, s25;
	v23 =	vadd.f32 v29, v23  }
0x50b: {  	v21 =	vld [tilespmem:$0x1F2D0];
	s28 =	sor.u32 s1, s0;
	v29 =	vadd.f32 v31, v51;
	v27 =	vadd.f32 v49, v27  }
0x50c: {  	v31 =	vld [tilespmem:s28+$0x8180];
	v23 =	vadd.f32 v23, v28  }
0x50d: {  	v28 =	vadd.f32 v29, v32;
	v27 =	vmul.f32 $1.442695020e+00, v27  }
0x50e: {  	v37 =	vld [tilespmem:$0x1EE40];
	v0 =	vmul.f32 $1.442695020e+00, v23  }
0x50f: {  	v43 =	vld [tilespmem:$0x1EE50];
	v28 =	vmul.f32 $1.442695020e+00, v28;
	(erf) = vpow2.f32 v27  }
0x510: {  	(erf) = vpow2.f32 v0  }
0x511: {  	v7 =	vld [tilespmem:$0x1EE30];
	v27 =	vmul.f32 v31, v21;
	v23 =	vpop (erf);
	(erf) = vpow2.f32 v28  }
0x512: {  	v63 =	vld [tilespmem:$0x1EEA0];
	v29 =	vmul.f32 v23, v12;
	v32 =	vmul.f32 v23, v46  }
0x513: {  	v49 =	vmul.f32 v23, v13;
	v51 =	vmul.f32 v23, v19;
	v46 =	vld [tilespmem:$0x1EE80]  }
0x514: {  	v56 =	vld [tilespmem:$0x1EE90];
	v52 =	vmul.f32 v23, v37;
	v19 =	vmul.f32 v23, v43  }
0x515: {  	v53 =	vmul.f32 v23, v30;
	v54 =	vmul.f32 v23, v18;
	v37 =	vld [tilespmem:$0x1EEC0]  }
0x516: {  	v55 =	vmul.f32 v23, v34;
	v5 =	vmul.f32 v23, v44;
	v44 =	vld [tilespmem:$0x1ED50]  }
0x517: {  	v9 =	vmul.f32 v23, v63;
	v63 =	vld [tilespmem:$0x1EDD0];
	v28 =	vmul.f32 v23, v22  }
0x518: {  	v22 =	vmul.f32 v23, v7;
	v7 =	vmov v31;
	v30 =	vmul.f32 v23, v46;
	v46 =	vld [tilespmem:$0x1EDA0];
	v4 =	vpop (erf)  }
0x519: {  	v6 =	vmul.f32 v23, v56;
	[tilespmem:$0x1EC10] =	vst v7;
	v7 =	vadd.f32 v23, v14;
	v3 =	vpop (erf);
	v43 =	vmul.f32 v4, v42;
	v42 =	vld [tilespmem:$0x1EED0]  }
0x51a: {  	v34 =	vmul.f32 v4, v59;
	v31 =	vmul.f32 v4, v60;
	v60 =	vld [tilespmem:$0x1EC90];
	v13 =	vpop (erf)  }
0x51b: {  	v56 =	vmul.f32 v4, v36;
	v20 =	vmul.f32 v4, v61;
	v36 =	vld [tilespmem:$0x1EEB0];
	v7 =	vadd.f32 v13, v7  }
0x51c: {  	v15 =	vmul.f32 v4, v16;
	v16 =	vmul.f32 v4, v37;
	v61 =	vld [tilespmem:$0x1ECA0]  }
0x51d: {  	v14 =	vmul.f32 v3, v33;
	v37 =	vadd.f32 v3, v7;
	v7 =	vmul.f32 v4, v47;
	v47 =	vld [tilespmem:$0x1EDC0]  }
0x51e: {  	v1 =	vmov v41;
	v33 =	vmul.f32 v3, v44;
	v41 =	vmul.f32 v4, v42;
	v42 =	vld [tilespmem:$0x1ECC0]  }
0x51f: {  	v44 =	vmul.f32 v13, v46;
	v28 =	vadd.f32 v28, v60;
	v59 =	vadd.f32 v4, v37;
	v37 =	vld [tilespmem:$0x1ECB0]  }
0x520: {  	v12 =	vmul.f32 v23, v48;
	v23 =	vmul.f32 v4, v10;
	v10 =	vld [tilespmem:s28+$0x8000]  }
0x521: {  	v29 =	vadd.f32 v29, v61;
	v61 =	vld [tilespmem:$0x1ED70];
	v28 =	vadd.f32 v44, v28  }
0x522: {  	v48 =	vmul.f32 v13, v47;
	v47 =	vld [tilespmem:$0x1EDE0]  }
0x523: {  	v18 =	vmul.f32 v4, v57;
	v14 =	vadd.f32 v14, v28;
	v22 =	vadd.f32 v22, v42;
	v42 =	vld [tilespmem:$0x1ED90]  }
0x524: {  	[tilespmem:$0x1EC60] =	vst v59;
	v59 =	vmul.f32 v13, v63;
	v32 =	vadd.f32 v32, v37;
	v29 =	vadd.f32 v48, v29;
	v48 =	vld [tilespmem:$0x1ED60]  }
0x525: {  	v37 =	vld [tilespmem:s28+$0x81A0]  }
0x526: {  	v46 =	vadd.f32 v18, v14;
	v32 =	vadd.f32 v59, v32;
	v59 =	vld [tilespmem:s28+$0x81B0]  }
0x527: {  	v28 =	vadd.f32 v33, v29;
	v33 =	vld [tilespmem:$0x1ED80]  }
0x528: {  	[tilespmem:$0x1EC90] =	vst v46;
	v46 =	vld [tilespmem:$0x1ECD0]  }
0x529: {  	v60 =	vmul.f32 v13, v47;
	v47 =	vld [tilespmem:s28+$0x8190]  }
0x52a: {  	v63 =	vmul.f32 v3, v61;
	v61 =	vadd.f32 v34, v28;
	v44 =	vmul.f32 v3, v48;
	v48 =	vld [tilespmem:s28+$0x81C0]  }
0x52b: {  	v22 =	vadd.f32 v60, v22;
	v60 =	vld [tilespmem:s28+$0x81D0]  }
0x52c: {  	[tilespmem:$0x1ECA0] =	vst v61;
	v61 =	vld [tilespmem:s28+$0x81E0]  }
0x52d: {  	v32 =	vadd.f32 v44, v32;
	v44 =	vld [tilespmem:$0x1EDF0]  }
0x52e: {  	v22 =	vadd.f32 v63, v22;
	v63 =	vld [tilespmem:$0x1EE00]  }
0x52f: {  	v29 =	vmul.f32 v3, v33;
	v18 =	vadd.f32 v49, v46;
	v49 =	vld [tilespmem:$0x1ECE0]  }
0x530: {  	v33 =	vmul.f32 v3, v42;
	v34 =	vadd.f32 v31, v32;
	v42 =	vadd.f32 v56, v22;
	v56 =	vld [tilespmem:$0x1ECF0]  }
0x531: {  	v32 =	vld [tilespmem:$0x1ED00]  }
0x532: {  	[tilespmem:$0x1ECB0] =	vst v34;
	v34 =	vld [tilespmem:s28+$0x81F0]  }
0x533: {  	[tilespmem:$0x1ECC0] =	vst v42;
	v42 =	vld [tilespmem:$0x1EE20]  }
0x534: {  	v22 =	vadd.f32 v51, v49;
	v51 =	vld [tilespmem:$0x1EE10]  }
0x535: {  	v14 =	vmul.f32 v13, v63;
	v63 =	vld [tilespmem:s28+$0x8100]  }
0x536: {  	v49 =	vld [tilespmem:s28+$0x8120]  }
0x537: {  	v44 =	vmul.f32 v13, v44;
	v31 =	vadd.f32 v52, v56;
	v52 =	vld [tilespmem:s28+$0x8110]  }
0x538: {  	v14 =	vadd.f32 v14, v22;
	v56 =	vld [tilespmem:$0x1EEE0]  }
0x539: {  	v18 =	vadd.f32 v44, v18;
	v44 =	vld [tilespmem:$0x1ED10]  }
0x53a: {  	v57 =	vmul.f32 v4, v58;
	v19 =	vadd.f32 v19, v32;
	v32 =	vld [tilespmem:s28+$0x8140];
	v14 =	vadd.f32 v33, v14  }
0x53b: {  	v46 =	vmul.f32 v13, v42;
	v28 =	vmul.f32 v13, v51;
	v51 =	vld [tilespmem:$0x1EDB0]  }
0x53c: {  	v18 =	vadd.f32 v29, v18;
	v33 =	vadd.f32 v57, v14;
	v57 =	vld [tilespmem:s28+$0x8160]  }
0x53d: {  	v19 =	vadd.f32 v46, v19;
	v46 =	vld [tilespmem:$0x1ED20]  }
0x53e: {  	v22 =	vmul.f32 v3, v62;
	v62 =	vadd.f32 v23, v18;
	v18 =	vadd.f32 v53, v44;
	v53 =	vld [tilespmem:$0x1ED30]  }
0x53f: {  	v29 =	vmul.f32 v3, v56;
	v56 =	vld [tilespmem:$0x1EF20]  }
0x540: {  	v28 =	vadd.f32 v28, v31;
	[tilespmem:$0x1ECD0] =	vst v62;
	v62 =	vld [tilespmem:$0x1EF30]  }
0x541: {  	v58 =	vmul.f32 v4, v11;
	[tilespmem:$0x1ECE0] =	vst v33;
	v33 =	vld [tilespmem:$0x1EF40]  }
0x542: {  	v22 =	vadd.f32 v22, v28;
	v28 =	vmul.f32 v3, v40;
	v40 =	vld [tilespmem:s28+$0x8150];
	v31 =	vmul.f32 v3, v51  }
0x543: {  	v51 =	vld [tilespmem:s28+$0x8130]  }
0x544: {  	v19 =	vadd.f32 v31, v19;
	v31 =	vmul.f32 v13, v39;
	v39 =	vadd.f32 v58, v22;
	v58 =	vld [tilespmem:s28+$0x8170]  }
0x545: {  	v22 =	vadd.f32 v55, v53;
	v55 =	vld [tilespmem:$0x1EF10]  }
0x546: {  	v53 =	vld [tilespmem:s28+$0x80D0]  }
0x547: {  	p0 =	por !p0, !p0;
	s0 =	simm.s32 $0x1;
	v11 =	vmul.f32 v3, v33;
	v33 =	vld [tilespmem:$0x1F060];
	v42 =	vadd.f32 v20, v19  }
0x548: {  	s0 =	simm.s32 @!p0 $0x0;
	v19 =	vadd.f32 v54, v46;
	v54 =	vld [tilespmem:$0x1ED40];
	v18 =	vadd.f32 v31, v18  }
0x549: {  	s0 =	sshll.u32 s0, $0x9;
	v14 =	vmul.f32 v13, v24;
	[tilespmem:$0x1ECF0] =	vst v39;
	v39 =	vld [tilespmem:s28+$0x8080]  }
0x54a: {  	s29 =	sadd.s32 s0, s26;
	v36 =	vmul.f32 v4, v36;
	[tilespmem:$0x1ED00] =	vst v42;
	v18 =	vadd.f32 v29, v18;
	v42 =	vld [tilespmem:s28+$0x80C0]  }
0x54b: {  	s1 =	sor.u32 $0x410, s29;
	v14 =	vadd.f32 v14, v19;
	v19 =	vmul.f32 v3, v55;
	v55 =	vld [tilespmem:s28+$0x80A0]  }
0x54c: {  	v36 =	vadd.f32 v36, v18;
	v18 =	vld [tilespmem:s1+$0x8000]  }
0x54d: {  	s0 =	sor.u32 $0x400, s29;
	v20 =	vmul.f32 v13, v25;
	v23 =	vadd.f32 v30, v54;
	v54 =	vld [tilespmem:s28+$0x8090]  }
0x54e: {  	v14 =	vadd.f32 v28, v14;
	v30 =	vld [tilespmem:s0+$0x8000]  }
0x54f: {  	v20 =	vadd.f32 v20, v22;
	[tilespmem:$0x1ED10] =	vst v36;
	v36 =	vld [tilespmem:s28+$0x80E0]  }
0x550: {  	v24 =	vmul.f32 v13, v26;
	v44 =	vadd.f32 v43, v14;
	v43 =	vld [tilespmem:s28+$0x80F0]  }
0x551: {  	v19 =	vadd.f32 v19, v20;
	v14 =	vmul.f32 v13, v45;
	v45 =	vld [tilespmem:$0x1F080]  }
0x552: {  	v22 =	vadd.f32 v24, v23;
	v23 =	vmul.f32 v3, v56;
	v56 =	vld [tilespmem:s28+$0x80B0]  }
0x553: {  	v46 =	vadd.f32 v15, v19;
	v15 =	vadd.f32 v5, v33;
	v33 =	vld [tilespmem:$0x1EF60]  }
0x554: {  	v19 =	vld [tilespmem:s28+$0x8050]  }
0x555: {  	[tilespmem:$0x1ED20] =	vst v44;
	v44 =	vld [tilespmem:$0x1F070];
	v20 =	vadd.f32 v23, v22  }
0x556: {  	[tilespmem:$0x1ED30] =	vst v46;
	v46 =	vld [tilespmem:$0x1F090]  }
0x557: {  	v8 =	vmul.f32 v3, v62;
	v62 =	vadd.f32 v16, v20;
	v16 =	vmul.f32 v13, v50;
	v50 =	vld [tilespmem:$0x1EF50]  }
0x558: {  	v22 =	vmul.f32 v13, v1;
	v13 =	vmul.f32 v13, v38;
	v38 =	vld [tilespmem:$0x1EEF0]  }
0x559: {  	v2 =	vmul.f32 v3, v33;
	v33 =	vld [tilespmem:$0x1F390]  }
0x55a: {  	v17 =	vadd.f32 v6, v45;
	[tilespmem:$0x1ED40] =	vst v62;
	v62 =	vld [tilespmem:s28+$0x8010]  }
0x55b: {  	[tilespmem:$0x1EC80] =	vst v37;
	v15 =	vadd.f32 v22, v15;
	v12 =	vadd.f32 v12, v44;
	v44 =	vld [tilespmem:$0x1EF00]  }
0x55c: {  	[tilespmem:$0x1EBD0] =	vst v59;
	v16 =	vadd.f32 v16, v17;
	v17 =	vld [tilespmem:$0x1F370]  }
0x55d: {  	[tilespmem:$0x1EC50] =	vst v47;
	v8 =	vadd.f32 v8, v15;
	v9 =	vadd.f32 v9, v46;
	v46 =	vmov v35;
	v35 =	vld [tilespmem:s28+$0x8020]  }
0x55e: {  	[tilespmem:$0x1EBE0] =	vst v48;
	v14 =	vadd.f32 v14, v12;
	v12 =	vld [tilespmem:s28+$0x8030]  }
0x55f: {  	[tilespmem:$0x1EC00] =	vst v60;
	v45 =	vadd.f32 v7, v8;
	v7 =	vld [tilespmem:s28+$0x8060]  }
0x560: {  	[tilespmem:$0x1EC70] =	vst v34;
	v5 =	vmul.f32 v3, v50;
	v3 =	vld [tilespmem:$0x1F2F0]  }
0x561: {  	[tilespmem:$0x1EBC0] =	vst v63;
	v9 =	vadd.f32 v13, v9;
	v11 =	vadd.f32 v11, v14;
	v14 =	vld [tilespmem:s28+$0x8040]  }
0x562: {  	[tilespmem:$0x1ED60] =	vst v49;
	v13 =	vmul.f32 v4, v38;
	v0 =	vmul.f32 v4, v44;
	v4 =	vld [tilespmem:$0x1F310]  }
0x563: {  	[tilespmem:$0x1ED80] =	vst v32;
	v2 =	vadd.f32 v2, v9;
	v9 =	vld [tilespmem:s28+$0x8070]  }
0x564: {  	s31 =	sor.u32 $0x440, s29;
	[tilespmem:$0x1EBB0] =	vst v57;
	v1 =	vadd.f32 v5, v16;
	v5 =	vld [tilespmem:$0x1F330]  }
0x565: {  	s30 =	sor.u32 $0x430, s29;
	[tilespmem:$0x1ED90] =	vst v40;
	v44 =	vld [tilespmem:s31+$0x8000];
	v50 =	vadd.f32 v41, v11  }
0x566: {  	[tilespmem:$0x1EDA0] =	vst v39;
	v1 =	vadd.f32 v13, v1;
	v13 =	vld [tilespmem:s30+$0x8000]  }
0x567: {  	v15 =	vmov v10;
	v0 =	vadd.f32 v0, v2;
	[tilespmem:$0x1F070] =	vst v50;
	v50 =	vmul.f32 v10, v21;
	v10 =	vld [tilespmem:$0x1F4E0]  }
0x568: {  	[tilespmem:$0x1EDD0] =	vst v55;
	v20 =	vmul.f32 v63, v21;
	v8 =	vmul.f32 v37, v4;
	v37 =	vld [tilespmem:$0x1F3B0]  }
0x569: {  	v31 =	vmul.f32 v57, v33;
	s30 =	sor.u32 $0x470, s29;
	[tilespmem:$0x1F090] =	vst v0;
	v0 =	vmul.f32 v59, v5;
	v59 =	vld [tilespmem:$0x1F350]  }
0x56a: {  	[tilespmem:$0x1EDE0] =	vst v56;
	v29 =	vmul.f32 v40, v17;
	v2 =	vmul.f32 v60, v17;
	v60 =	vld [tilespmem:s30+$0x8000]  }
0x56b: {  	[tilespmem:$0x1F060] =	vst v45;
	v45 =	vmul.f32 v53, v17;
	v63 =	vmul.f32 v56, v5;
	v57 =	vadd.f32 v0, v8;
	v8 =	vld [tilespmem:$0x1F4C0]  }
0x56c: {  	s28 =	sor.u32 $0x420, s29;
	v56 =	vmul.f32 v19, v17;
	[tilespmem:$0x1EE80] =	vst v13;
	v17 =	vmul.f32 v13, v10;
	v13 =	vld [tilespmem:$0x1F510]  }
0x56d: {  	s1 =	sor.u32 $0x450, s29;
	[tilespmem:$0x1EDC0] =	vst v54;
	v24 =	vmul.f32 v52, v3;
	v23 =	vmul.f32 v34, v37;
	v34 =	vld [tilespmem:s28+$0x8000]  }
0x56e: {  	[tilespmem:$0x1F080] =	vst v1;
	v1 =	vmul.f32 v48, v59;
	v28 =	vmul.f32 v32, v59;
	v48 =	vld [tilespmem:s1+$0x8000]  }
0x56f: {  	v20 =	vadd.f32 v24, v20;
	[tilespmem:$0x1EE50] =	vst v9;
	v32 =	vmul.f32 v39, v21;
	v24 =	vmul.f32 v9, v37;
	v9 =	vld [tilespmem:$0x1F4D0]  }
0x570: {  	[tilespmem:$0x1EE30] =	vst v12;
	v39 =	vmul.f32 v54, v3;
	v54 =	vmul.f32 v12, v5;
	v12 =	vld [tilespmem:$0x1F500]  }
0x571: {  	[tilespmem:$0x1EC40] =	vst v14;
	v40 =	vmul.f32 v55, v4;
	s28 =	sor.u32 $0x460, s29;
	s1 =	sadd.s32 $0x180, s29;
	v55 =	vmul.f32 v14, v59;
	v14 =	vld [tilespmem:$0x1F530]  }
0x572: {  	[tilespmem:$0x1ED70] =	vst v51;
	v22 =	vld [tilespmem:s28+$0x8000];
	s31 =	sor.u32 $0x400, s1  }
0x573: {  	[tilespmem:$0x1EE10] =	vst v36;
	v25 =	vmul.f32 v49, v4;
	v49 =	vmul.f32 v36, v33;
	s28 =	sor.u32 $0x410, s1;
	v36 =	vld [tilespmem:s31+$0x8000]  }
0x574: {  	[tilespmem:$0x1EE20] =	vst v43;
	v26 =	vmul.f32 v51, v5;
	v51 =	vmul.f32 v43, v37;
	s30 =	sor.u32 $0x420, s1;
	v43 =	vld [tilespmem:s28+$0x8000]  }
0x575: {  	[tilespmem:$0x1EDB0] =	vst v58;
	v11 =	vmul.f32 v61, v33;
	v47 =	vmul.f32 v47, v3;
	v16 =	vld [tilespmem:s30+$0x8000]  }
0x576: {  	[tilespmem:$0x1EE40] =	vst v7;
	v38 =	vmul.f32 v58, v37;
	v58 =	vadd.f32 v2, v1;
	v2 =	vmul.f32 v7, v33;
	v7 =	vld [tilespmem:$0x1F4B0]  }
0x577: {  	[tilespmem:$0x1ED50] =	vst v52;
	v52 =	vmul.f32 v62, v3;
	s31 =	sor.u32 $0x430, s1;
	v23 =	vadd.f32 v23, v11;
	v11 =	vld [tilespmem:$0x1F4F0]  }
0x578: {  	[tilespmem:$0x1EE00] =	vst v53;
	v53 =	vmul.f32 v35, v4;
	v27 =	vadd.f32 v47, v27;
	v25 =	vadd.f32 v26, v25;
	s28 =	sor.u32 $0x440, s1;
	v4 =	vld [tilespmem:s31+$0x8000]  }
0x579: {  	v50 =	vadd.f32 v52, v50;
	v41 =	vadd.f32 v63, v40;
	s30 =	sor.u32 $0x450, s1;
	v47 =	vld [tilespmem:s28+$0x8000]  }
0x57a: {  	[tilespmem:$0x1EDF0] =	vst v42;
	v27 =	vadd.f32 v57, v27;
	v20 =	vadd.f32 v25, v20;
	v42 =	vmul.f32 v42, v59;
	v3 =	vld [tilespmem:s30+$0x8000];
	s31 =	sor.u32 $0x460, s1  }
0x57b: {  	v26 =	vadd.f32 v29, v28;
	v31 =	vadd.f32 v38, v31;
	s28 =	sadd.s32 $0x100, s29;
	s1 =	sor.u32 $0x470, s1;
	v0 =	vld [tilespmem:s31+$0x8000]  }
0x57c: {  	v32 =	vadd.f32 v39, v32;
	v45 =	vadd.f32 v45, v42;
	s30 =	sor.u32 $0x400, s28;
	v1 =	vld [tilespmem:s1+$0x8000]  }
0x57d: {  	v49 =	vadd.f32 v51, v49;
	v53 =	vadd.f32 v54, v53;
	s31 =	sor.u32 $0x410, s28;
	v39 =	vld [tilespmem:s30+$0x8000]  }
0x57e: {  	[tilespmem:$0x1EBF0] =	vst v61;
	v55 =	vadd.f32 v56, v55;
	s1 =	sor.u32 $0x420, s28;
	v37 =	vadd.f32 v24, v2;
	v40 =	vld [tilespmem:s31+$0x8000]  }
0x57f: {  	v6 =	vmovc v46;
	v29 =	vmul.f32 v18, v8;
	v23 =	vadd.f32 v23, v58;
	v32 =	vadd.f32 v41, v32;
	v5 =	vld [tilespmem:s1+$0x8000];
	s30 =	sor.u32 $0x430, s28  }
0x580: {  	[tilespmem:$0x1EC30] =	vst v35;
	v31 =	vadd.f32 v31, v26;
	v38 =	vmul.f32 v34, v9;
	v35 =	vmul.f32 v48, v12;
	s31 =	sor.u32 $0x440, s28;
	v42 =	vld [tilespmem:s30+$0x8000]  }
0x581: {  	[tilespmem:$0x1EEA0] =	vst v60;
	v53 =	vadd.f32 v53, v50;
	v60 =	vmul.f32 v60, v14;
	s1 =	sor.u32 $0x450, s28;
	v59 =	vmul.f32 v22, v13;
	v33 =	vld [tilespmem:s31+$0x8000]  }
0x582: {  	v49 =	vadd.f32 v49, v45;
	s30 =	sor.u32 $0x460, s28;
	v28 =	vmul.f32 v30, v7;
	[tilespmem:$0x1EEB0] =	vst v36;
	v51 =	vmul.f32 v36, v7;
	v36 =	vld [tilespmem:s1+$0x8000]  }
0x583: {  	[tilespmem:$0x1EC20] =	vst v62;
	s31 =	sor.u32 $0x470, s28;
	v20 =	vadd.f32 v31, v20;
	v21 =	vmul.f32 v44, v11;
	v61 =	vmul.f32 v43, v8;
	s1 =	sadd.s32 $0x80, s29;
	v46 =	vld [tilespmem:s30+$0x8000]  }
0x584: {  	[tilespmem:$0x1EE90] =	vst v22;
	v23 =	vadd.f32 v23, v27;
	v52 =	vmul.f32 v16, v9;
	v22 =	vld [tilespmem:s31+$0x8000];
	v62 =	vmul.f32 v4, v10;
	s30 =	sor.u32 $0x410, s1  }
0x585: {  	v17 =	vadd.f32 v17, v38;
	v54 =	vmul.f32 v47, v11;
	v63 =	vmul.f32 v3, v12;
	s31 =	sor.u32 $0x420, s1;
	[tilespmem:$0x1EEF0] =	vst v0;
	v24 =	vld [tilespmem:s30+$0x8000]  }
0x586: {  	s28 =	sor.u32 $0x430, s1;
	v56 =	vmul.f32 v0, v13;
	[tilespmem:$0x1EF00] =	vst v1;
	v0 =	vmul.f32 v1, v14;
	v25 =	vld [tilespmem:s31+$0x8000];
	v28 =	vadd.f32 v29, v28  }
0x587: {  	s29 =	sor.u32 $0x400, s1;
	v26 =	vld [tilespmem:s28+$0x8000];
	v29 =	vadd.f32 v37, v55;
	v21 =	vadd.f32 v35, v21;
	[tilespmem:$0x1EEE0] =	vst v39;
	v1 =	vmul.f32 v39, v7  }
0x588: {  	s30 =	sor.u32 $0x450, s1;
	v51 =	vadd.f32 v61, v51;
	v2 =	vmul.f32 v40, v8;
	v39 =	vld [tilespmem:s29+$0x8000];
	[tilespmem:$0x1EF10] =	vst v5;
	v5 =	vmul.f32 v5, v9  }
0x589: {  	[tilespmem:$0x1EED0] =	vst v3;
	s31 =	sor.u32 $0x460, s1;
	v45 =	vld [tilespmem:s30+$0x8000];
	v52 =	vadd.f32 v62, v52;
	v54 =	vadd.f32 v63, v54;
	v3 =	vmul.f32 v42, v10  }
0x58a: {  	s29 =	sor.u32 $0x440, s1;
	v50 =	vld [tilespmem:s31+$0x8000];
	v57 =	vmul.f32 v33, v11;
	v0 =	vadd.f32 v0, v56;
	v17 =	vadd.f32 v17, v28  }
0x58b: {  	[tilespmem:$0x1EEC0] =	vst v4;
	s28 =	sor.u32 $0x470, s1;
	v41 =	vld [tilespmem:s29+$0x8000];
	v29 =	vadd.f32 v29, v53;
	v58 =	vmul.f32 v36, v12;
	v4 =	vmul.f32 v46, v13  }
0x58c: {  	v38 =	vld [tilespmem:s28+$0x8000];
	[tilespmem:$0x1EF50] =	vst v46;
	v37 =	vmul.f32 v22, v14;
	v46 =	vadd.f32 v60, v59;
	v1 =	vadd.f32 v2, v1  }
0x58d: {  	v3 =	vadd.f32 v3, v5;
	v0 =	vadd.f32 v0, v54;
	v60 =	vmul.f32 v25, v9  }
0x58e: {  	v61 =	vmul.f32 v26, v10;
	v5 =	vadd.f32 v58, v57;
	v21 =	vadd.f32 v46, v21  }
0x58f: {  	[tilespmem:$0x1EF20] =	vst v42;
	v4 =	vadd.f32 v37, v4;
	v35 =	vmul.f32 v39, v7;
	v28 =	vmul.f32 v45, v12;
	v7 =	vld [tilespmem:$0x1FFD0]  }
0x590: {  	v42 =	vmovc v43;
	v43 =	vmul.f32 v50, v13;
	v2 =	vmul.f32 v41, v11;
	v17 =	vadd.f32 v21, v17  }
0x591: {  	v1 =	vadd.f32 v3, v1;
	v21 =	vmul.f32 v38, v14;
	v37 =	vadd.f32 v61, v60  }
0x592: {  	v59 =	vmul.f32 v24, v8;
	v2 =	vadd.f32 v28, v2;
	v17 =	vadd.f32 v17, v29  }
0x593: {  	v21 =	vadd.f32 v21, v43;
	v28 =	vadd.f32 v52, v51;
	v52 =	vld [tilespmem:$0x1FFE0]  }
0x594: {  	s24 =	sadd.s32 $0x4, s24;
	v56 =	vadd.f32 v4, v5;
	v35 =	vadd.f32 v59, v35;
	v27 =	vperm.xlane v17, v7  }
0x595: {  	s29 =	sadd.s32 $0xFFFFFFFD, s24;
	v2 =	vadd.f32 v21, v2;
	v0 =	vadd.f32 v0, v28  }
0x596: {  	v62 =	vld [tilespmem:$0x1EBB0];
	v29 =	vmov s29;
	v63 =	vadd.f32 v17, v27;
	v17 =	vadd.f32 v37, v35  }
0x597: {  	v53 =	vld [tilespmem:$0x1FFC0];
	v1 =	vadd.f32 v56, v1;
	v43 =	vand.u32 $0xFFFFFFFC, v29;
	v27 =	vadd.f32 v49, v32  }
0x598: {  	[tilespmem:$0x1EF30] =	vst v33;
	v33 =	vld [tilespmem:$0x1EBC0];
	v0 =	vadd.f32 v0, v23;
	v21 =	vperm.xlane v63, v52;
	v2 =	vadd.f32 v2, v17  }
0x599: {  	[tilespmem:$0x1EF40] =	vst v36;
	v36 =	vld [tilespmem:$0x1EBD0];
	v5 =	vbroadcast v43, $0x0;
	v1 =	vadd.f32 v1, v20  }
0x59a: {  	s30 =	sadd.s32 $0xFFFFFFFF, s24;
	s31 =	sadd.s32 $0xFFFFFFFE, s24;
	v10 =	vld [tilespmem:$0x1EBE0];
	v51 =	vperm.xlane v0, v7;
	v49 =	vadd.f32 v63, v21;
	v2 =	vadd.f32 v2, v27  }
0x59b: {  	v58 =	vld [tilespmem:$0x1EC00];
	v28 =	vmov s31;
	v23 =	vmov s30;
	v21 =	vperm.xlane v1, v7  }
0x59c: {  	v57 =	vld [tilespmem:$0x1EC10];
	v0 =	vadd.f32 v0, v51;
	v20 =	vperm.xlane v49, v53;
	v27 =	vperm.xlane v2, v7  }
0x59d: {  	v46 =	vld [tilespmem:$0x1EC30];
	v55 =	vand.u32 $0xFFFFFFFE, v23;
	v23 =	vand.u32 $0xFFFFFFFD, v28;
	v1 =	vadd.f32 v1, v21  }
0x59e: {  	v12 =	vld [tilespmem:$0x1EC20];
	v3 =	vadd.f32 v49, v20;
	v2 =	vadd.f32 v2, v27;
	v20 =	vperm.xlane v0, v52  }
0x59f: {  	v35 =	vmov v6;
	v23 =	vbroadcast v23, $0x0;
	v54 =	vld.idx.msk [tilespmem:v5+s17+$0x0], $0xffff;
	v27 =	vperm.xlane v1, v52  }
0x5a0: {  	v13 =	vld [tilespmem:$0x1EC40];
	v21 =	vperm.xlane v3, v35;
	v28 =	vperm.xlane v2, v52;
	v0 =	vadd.f32 v0, v20  }
0x5a1: {  	v11 =	vld [tilespmem:$0x1EBF0];
	v17 =	vmov s24;
	v5 =	vbroadcast v55, $0x0;
	v1 =	vadd.f32 v1, v27  }
0x5a2: {  	v14 =	vld [tilespmem:$0x1EC60];
	v3 =	vadd.f32 v3, v21;
	v2 =	vadd.f32 v2, v28;
	v20 =	vperm.xlane v0, v53  }
0x5a3: {  	p1 =	sne.s32 s26, $0x7C00;
	v61 =	vld [tilespmem:$0x1EC70];
	v56 =	vperm.xlane v1, v53  }
.Ltmp3:
0x5a4: {  	v60 =	vld [tilespmem:$0x1EC80];
	v3 =	vadd.f32 v3, v54;
	v21 =	vperm.xlane v2, v53;
	v0 =	vadd.f32 v0, v20;
	(pc) =	sbr.rel @p1 .LBB2_8-.Ltmp3, $4  }
0x5a5: {  	v59 =	vld [tilespmem:$0x1EC50];
	v29 =	vadd.f32 v1, v56  }
0x5a6: {  	v32 =	vld.idx.msk [tilespmem:v23+s17+$0x0], $0xffff;
	v3 =	vmul.f32 $1.442695020e+00, v3;
	v31 =	vadd.f32 v2, v21;
	v63 =	vperm.xlane v0, v35  }
0x5a7: {  	[tilespmem:$0x1EF60] =	vst v22;
	v27 =	vld.idx.msk [tilespmem:v17+s17+$0x0], $0xffff;
	v23 =	vperm.xlane v29, v35  }
0x5a8: {  	s25 =	sadd.s32 $0x200, s25;
	s26 =	sadd.s32 $0x400, s26;
	v22 =	vmovc v15;
	v28 =	vld.idx.msk [tilespmem:v5+s17+$0x0], $0xffff;
	(erf) = vpow2.f32 v3;
	v51 =	vperm.xlane v31, v35;
	v49 =	vadd.f32 v0, v63  }
0x5a9: {  	_ =	sdelay $0x2  }
0x5aa: {  	v2 =	vadd.f32 v49, v27  }
0x5ab: {  	v0 =	vadd.f32 v29, v23  }
0x5ac: {  	v1 =	vadd.f32 v31, v51;
	v2 =	vmul.f32 $1.442695020e+00, v2  }
0x5ad: {  	v0 =	vadd.f32 v0, v28  }
0x5ae: {  	v4 =	vld [tilespmem:$0x1EE30];
	v1 =	vadd.f32 v1, v32;
	(erf) = vpow2.f32 v2  }
0x5af: {  	v7 =	vld [tilespmem:$0x1EC90];
	v0 =	vmul.f32 $1.442695020e+00, v0  }
0x5b0: {  	v23 =	vld [tilespmem:$0x1EDA0];
	v1 =	vmul.f32 $1.442695020e+00, v1  }
0x5b1: {  	v29 =	vld [tilespmem:$0x1ECB0];
	(erf) = vpow2.f32 v0  }
0x5b2: {  	v37 =	vld [tilespmem:$0x1EDD0];
	(erf) = vpow2.f32 v1  }
0x5b3: {  	v53 =	vld [tilespmem:$0x1ED60]  }
0x5b4: {  	v31 =	vld [tilespmem:$0x1ECC0]  }
0x5b5: {  	v51 =	vld [tilespmem:$0x1ED50];
	v0 =	vpop (erf)  }
0x5b6: {  	v20 =	vmul.f32 v0, v22;
	v22 =	vld [tilespmem:$0x1ECA0]  }
0x5b7: {  	v55 =	vld [tilespmem:$0x1ED70];
	v21 =	vmul.f32 v0, v12;
	v3 =	vmul.f32 v0, v46;
	v27 =	vpop (erf)  }
0x5b8: {  	v32 =	vld [tilespmem:$0x1EDC0];
	v4 =	vmul.f32 v0, v4;
	v57 =	vmul.f32 v27, v57  }
0x5b9: {  	v46 =	vld [tilespmem:$0x1EDE0];
	v63 =	vmul.f32 v27, v59;
	v8 =	vmul.f32 v27, v60  }
0x5ba: {  	v4 =	vadd.f32 v4, v31;
	v31 =	vld [tilespmem:$0x1EDF0];
	v5 =	vpop (erf);
	v9 =	vmul.f32 v27, v36;
	v15 =	vmul.f32 v27, v11  }
0x5bb: {  	v2 =	vadd.f32 v21, v22;
	v22 =	vld [tilespmem:$0x1ECD0];
	v6 =	vpop (erf);
	v49 =	vmul.f32 v5, v33;
	v21 =	vmul.f32 v5, v51  }
0x5bc: {  	v1 =	vadd.f32 v20, v7;
	v54 =	vmul.f32 v5, v53;
	v33 =	vld [tilespmem:$0x1EE00];
	v28 =	vmul.f32 v6, v23  }
0x5bd: {  	v3 =	vadd.f32 v3, v29;
	v51 =	vld [tilespmem:$0x1EE20];
	v17 =	vmul.f32 v6, v32;
	v43 =	vmul.f32 v6, v37  }
0x5be: {  	v56 =	vmul.f32 v5, v55;
	v55 =	vld [tilespmem:$0x1ED80];
	v20 =	vmul.f32 v6, v46;
	v1 =	vadd.f32 v28, v1  }
0x5bf: {  	v60 =	vmul.f32 v5, v62;
	v23 =	vld [tilespmem:$0x1EE40];
	v2 =	vadd.f32 v17, v2;
	v3 =	vadd.f32 v43, v3  }
0x5c0: {  	v32 =	vmul.f32 v6, v31;
	v46 =	vld [tilespmem:$0x1EE10];
	v4 =	vadd.f32 v20, v4;
	v1 =	vadd.f32 v49, v1  }
0x5c1: {  	v29 =	vld [tilespmem:$0x1ECE0];
	v20 =	vmul.f32 v0, v13;
	v2 =	vadd.f32 v21, v2;
	v3 =	vadd.f32 v54, v3  }
0x5c2: {  	v62 =	vld [tilespmem:$0x1EDB0];
	v4 =	vadd.f32 v56, v4;
	v36 =	vmul.f32 v6, v33;
	v53 =	vmul.f32 v6, v51  }
0x5c3: {  	v37 =	vld [tilespmem:$0x1ECF0];
	v12 =	vadd.f32 v20, v22;
	v56 =	vmul.f32 v5, v55;
	v33 =	vmul.f32 v0, v34  }
0x5c4: {  	v54 =	vadd.f32 v0, v14;
	v51 =	vmul.f32 v6, v24;
	v7 =	vmul.f32 v0, v23  }
0x5c5: {  	v31 =	vld [tilespmem:$0x1ED10];
	v49 =	vmul.f32 v6, v46;
	v1 =	vadd.f32 v57, v1;
	v2 =	vadd.f32 v63, v2  }
0x5c6: {  	v23 =	vld [tilespmem:$0x1EEB0];
	v3 =	vadd.f32 v8, v3;
	v4 =	vadd.f32 v9, v4;
	v9 =	vmul.f32 v0, v19  }
0x5c7: {  	v46 =	vmul.f32 v6, v39;
	v8 =	vld [tilespmem:$0x1EE50];
	v12 =	vadd.f32 v32, v12;
	v20 =	vadd.f32 v6, v54  }
0x5c8: {  	v57 =	vld [tilespmem:$0x1ED90];
	v63 =	vmul.f32 v5, v62;
	v7 =	vadd.f32 v7, v37;
	v9 =	vadd.f32 v9, v29  }
0x5c9: {  	v12 =	vadd.f32 v56, v12;
	v29 =	vmul.f32 v0, v30;
	v30 =	vmul.f32 v0, v18  }
0x5ca: {  	v54 =	vld [tilespmem:$0x1EEE0];
	v20 =	vadd.f32 v5, v20;
	v56 =	vmul.f32 v6, v26;
	v26 =	vmul.f32 v27, v16  }
0x5cb: {  	v43 =	vld [tilespmem:$0x1ED00];
	v7 =	vadd.f32 v49, v7;
	v9 =	vadd.f32 v36, v9;
	v24 =	vmul.f32 v27, v23  }
0x5cc: {  	v32 =	vadd.f32 v29, v31;
	v31 =	vmul.f32 v6, v41;
	v41 =	vmul.f32 v6, v50  }
0x5cd: {  	v34 =	vld [tilespmem:$0x1ED20];
	v20 =	vadd.f32 v27, v20;
	v28 =	vmul.f32 v0, v8;
	v59 =	vmul.f32 v5, v57  }
0x5ce: {  	v49 =	vld [tilespmem:$0x1ED40];
	v7 =	vadd.f32 v60, v7;
	v8 =	vmul.f32 v27, v10;
	v10 =	vmul.f32 v27, v58  }
0x5cf: {  	v36 =	vld [tilespmem:$0x1EE80];
	v55 =	vmul.f32 v5, v54;
	v57 =	vmul.f32 v5, v40;
	v19 =	vadd.f32 v46, v32  }
0x5d0: {  	v58 =	vld [tilespmem:$0x1EF10];
	vm0 =	veq.f32 v20, $0.0e+00;
	v17 =	vadd.f32 v28, v43;
	v9 =	vadd.f32 v59, v9  }
0x5d1: {  	v12 =	vadd.f32 v8, v12;
	v28 =	vmul.f32 v27, v61;
	v20 =	vsel vm0, $0x3F800000, v20;
	v61 =	vld [tilespmem:$0x1EF20]  }
0x5d2: {  	v32 =	vld [tilespmem:$0x1F060];
	v14 =	vadd.f32 v15, v7;
	v7 =	vadd.f32 v30, v34;
	(erf) = vrcp.f32 v20  }
0x5d3: {  	v60 =	vmul.f32 v0, v44;
	v43 =	vld [tilespmem:$0x1ED30];
	v19 =	vadd.f32 v55, v19;
	v17 =	vadd.f32 v53, v17  }
0x5d4: {  	v15 =	vld [tilespmem:$0x1EEC0];
	v55 =	vmul.f32 v27, v47;
	v9 =	vadd.f32 v10, v9;
	v37 =	vmul.f32 v0, v36  }
0x5d5: {  	v34 =	vld [tilespmem:$0x1F070];
	v53 =	vmul.f32 v6, v25;
	v7 =	vadd.f32 v51, v7;
	v17 =	vadd.f32 v63, v17  }
0x5d6: {  	v25 =	vmul.f32 v27, v42;
	v19 =	vadd.f32 v24, v19;
	v62 =	vmul.f32 v5, v61;
	v61 =	vld [tilespmem:$0x1EF00]  }
0x5d7: {  	v59 =	vmul.f32 v5, v58;
	v21 =	vadd.f32 v37, v49;
	v17 =	vadd.f32 v28, v17;
	v28 =	vld [tilespmem:$0x1EE90]  }
0x5d8: {  	v30 =	vld [tilespmem:$0x1EEA0];
	v7 =	vadd.f32 v57, v7;
	v63 =	vmul.f32 v0, v48;
	v10 =	vadd.f32 v60, v32  }
0x5d9: {  	v37 =	vmul.f32 v6, v45;
	v6 =	vmul.f32 v6, v38;
	v13 =	vadd.f32 v33, v43  }
0x5da: {  	v39 =	vld [tilespmem:$0x1F080];
	v29 =	vmul.f32 v27, v15;
	v21 =	vadd.f32 v56, v21;
	v7 =	vadd.f32 v25, v7  }
0x5db: {  	v42 =	vld [tilespmem:$0x1F090];
	v36 =	vadd.f32 v63, v34;
	v44 =	vadd.f32 v31, v10;
	v33 =	vpop (erf);
	v8 =	vmul.f32 v27, v61  }
0x5dc: {  	v57 =	vld [tilespmem:$0x1EED0];
	v13 =	vadd.f32 v53, v13;
	v11 =	vmul.f32 v0, v28;
	v1 =	vmul.f32 v33, v1  }
0x5dd: {  	v45 =	vld [tilespmem:$0x1EF30];
	v21 =	vadd.f32 v62, v21;
	v0 =	vmul.f32 v0, v30;
	v2 =	vmul.f32 v33, v2  }
0x5de: {  	v48 =	vld [tilespmem:$0x1EF40];
	v46 =	vadd.f32 v37, v36;
	v43 =	vmul.f32 v33, v3;
	v4 =	vmul.f32 v4, v33;
	[tilespmem:$0x10200] =	vst v1  }
0x5df: {  	v50 =	vld [tilespmem:$0x1EF50];
	v13 =	vadd.f32 v59, v13;
	v49 =	vmul.f32 v12, v33;
	v9 =	vmul.f32 v9, v33;
	[tilespmem:$0x10210] =	vst v2  }
0x5e0: {  	v51 =	vld [tilespmem:$0x1EF60];
	v20 =	vadd.f32 v29, v21;
	v53 =	vmul.f32 v14, v33;
	v54 =	vmul.f32 v17, v33;
	[tilespmem:$0x10220] =	vst v43  }
0x5e1: {  	v59 =	vld [tilespmem:$0x1EEF0];
	v13 =	vadd.f32 v26, v13;
	v56 =	vmul.f32 v19, v33;
	v3 =	vmul.f32 v27, v57;
	[tilespmem:$0x10230] =	vst v4  }
0x5e2: {  	v58 =	vmul.f32 v7, v33;
	v40 =	vadd.f32 v11, v39;
	v2 =	vmul.f32 v5, v45;
	[tilespmem:$0x10240] =	vst v49  }
0x5e3: {  	v62 =	vmul.f32 v20, v33;
	v0 =	vadd.f32 v0, v42;
	v1 =	vmul.f32 v5, v48;
	[tilespmem:$0x10250] =	vst v9  }
0x5e4: {  	v4 =	vmul.f32 v5, v50;
	[tilespmem:$0x10260] =	vst v53;
	v11 =	vadd.f32 v41, v40;
	v2 =	vadd.f32 v2, v44  }
0x5e5: {  	v5 =	vmul.f32 v5, v51;
	[tilespmem:$0x10270] =	vst v54;
	v0 =	vadd.f32 v6, v0;
	v1 =	vadd.f32 v1, v46  }
0x5e6: {  	[tilespmem:$0x10280] =	vst v56;
	v6 =	vmul.f32 v27, v59;
	v4 =	vadd.f32 v4, v11;
	v2 =	vadd.f32 v55, v2  }
0x5e7: {  	v60 =	vmul.f32 v13, v33;
	[tilespmem:$0x10290] =	vst v58;
	v0 =	vadd.f32 v5, v0;
	v1 =	vadd.f32 v3, v1  }
0x5e8: {  	[tilespmem:$0x102B0] =	vst v62;
	v4 =	vadd.f32 v6, v4;
	v2 =	vmul.f32 v2, v33  }
0x5e9: {  	[tilespmem:$0x102A0] =	vst v60;
	v0 =	vadd.f32 v8, v0;
	v1 =	vmul.f32 v1, v33  }
0x5ea: {  	[tilespmem:$0x102C0] =	vst v2;
	v63 =	vmul.f32 v4, v33  }
0x5eb: {  	s23 =	sadd.s32 $0x1, s23;
	[tilespmem:$0x102D0] =	vst v1;
	v0 =	vmul.f32 v0, v33  }
0x5ec: {  	p0 =	sne.s32 s23, s13;
	[tilespmem:$0x102E0] =	vst v63  }
.Ltmp4:
0x5ed: {  	[tilespmem:$0x102F0] =	vst v0;
	(pc) =	sbr.rel @p0 .LBB2_1-.Ltmp4, $4  }
0x5ee: {  	[hbm4b:s12+s14] =	stream.strided.scatter [tilespmem:s21], [sflag:$0x3], $0x100, s15, s14, $0x38;
	[tilespmem:$0x10300] =	vst v63  }
0x5ef: {  	_ =	swait.ge [sflag:s22], $0x100  }
0x5f0: {  	[sflag:s22] =	ssyncset.done $0x0  }
0x5f1: {  	v51 =	vld [tilespmem:$0x1FFD0];
	[sflag:s22] =	ssyncadd.s32 $0xFFFFFF00  }
0x5f2: {  	_ =	sfence.sel $0x180000  }
0x5f3: {  	[bflag:$0x0] =	sbarrier.arrive $0xFFFF  }
0x5f4: {  	_ =	strace $0x90000047  }
0x5f5: {  	s0 =	stileid.u32;
	[bflag:$0x2] =	sbarrier.arrive $0xFFFF  }
0x5f6: {  	p0 =	sne.s32 s0, $0x0;
	s0 =	rddreg [dreg:$0x3]  }
0x5f7: {  	s0 =	sadd.s32 @!p0 $0x100000, s0  }
0x5f8: {  	[sflag:s0] =	ssyncadd.tile.s32 @!p0 $0x1;
	_ =	shalt  }
.Lfunc_end2:
_tile_overlayer_lowered:
.L_overlay_start_2:
0x5f9: {  	(tag) =	ssettag $0x2  }
0x5fa: {  	s0 =	rddreg [dreg:$0x0];
	s2 =	stileid.u32  }
0x5fb: {  	s1 =	rddreg [dreg:$0x1];
	p0 =	sne.s32 s2, $0x0  }
0x5fc: {  	s3 =	rddreg [dreg:$0x2];
	[bflag:$0x3] =	sbarrier.arrive $0xFFFF;
	s2 =	simm.s32 @!p0 $0x1C03  }
0x5fd: {  	[timem:s3], [sflag:s2] =	dma.local @!p0 [hbm:s0], s1  }
0x5fe: {  	s0 =	simm.s32 @!p0 $0x3  }
0x5ff: {  	_ =	swait.ge @!p0 [sflag:s0], s1  }
0x600: {  	s1 =	ssub.s32 @!p0 $0x0, s1;
	[sflag:s0] =	ssyncset.done @!p0 $0x0  }
0x601: {  	[sflag:s0] =	ssyncadd.s32 @!p0 s1  }
0x602: {  	[bflag:$0x3] =	sbarrier.arrive $0xFFFF  }
0x603: {  	_ =	shalt  }

</sc_bundles>
